<compile_context>
chip_gen: v7x
topology: tpu7x:2x2x1
jax: 0.10.2.dev20260603
libtpu: 0.0.44.dev20260713+nightly
codegen_flags: <defaults>
</compile_context>

<pallas_src>
import functools

import jax
import jax.numpy as jnp
from jax import lax
from jax.experimental import pallas as pl
from jax.experimental.pallas import tpu as pltpu
import jax.experimental.pallas.tpu_sc as plsc

N_CORES = 2
N_SUB = 16
NW = N_CORES * N_SUB
CHUNK = 128
D = 128
CNT_W = 16
BLK = 1024


N_COL = 4
CW = D // N_COL


def _sc_scatter_body(with_cnt, *args):
    h_hbms = args[:N_COL]
    src_hbm = args[N_COL]
    dst_hbm = args[N_COL + 1]
    rest = args[N_COL + 2:]
    parts = rest[:N_COL]
    rest = rest[N_COL:]
    if with_cnt:
        cnt_hbm = rest[0]
        rest = rest[1:]
    accs = rest[:N_COL]
    rest = rest[N_COL:]
    if with_cnt:
        cnt_sh = rest[0]
        rest = rest[1:]
    rows2 = (rest[:N_COL], rest[N_COL:2 * N_COL])
    rest = rest[2 * N_COL:]
    src4 = rest[0:4]
    dst4 = rest[4:8]
    rest = rest[8:]
    if with_cnt:
        ones_v = rest[0]
        rest = rest[1:]
    isem, gsem0, gsem1, ssem0, ssem1 = rest
    gsem = (gsem0, gsem1)
    ssem = (ssem0, ssem1)
    rows_qs = rows2[0]

    c = lax.axis_index("c")
    s = lax.axis_index("s")
    wid = c * N_SUB + s
    n_chunks = src_hbm.shape[0] // (NW * CHUNK)
    rows = accs[0].shape[0]
    rows_per_tile = rows // N_SUB
    base = s * rows_per_tile
    edge_base = wid * n_chunks * CHUNK

    def fill_zero(i, _):
        for q in range(N_COL):
            for j in range(CW // 16):
                rows_qs[q][i, pl.ds(j * 16, 16)] = jnp.zeros((16,), jnp.float32)
        if with_cnt:
            ones_v[i, pl.ds(0, 16)] = jnp.zeros((16,), jnp.float32)
        return 0
    lax.fori_loop(0, CHUNK, fill_zero, 0)

    @pl.loop(0, rows_per_tile // CHUNK)
    def zero_slice(k):
        off = base + k * CHUNK
        for q in range(N_COL):
            pltpu.sync_copy(rows_qs[q], accs[q].at[pl.ds(off, CHUNK)])
        if with_cnt:
            pltpu.sync_copy(ones_v, cnt_sh.at[pl.ds(off, CHUNK)])
    if with_cnt:
        def fill_ones(i, _):
            ones_v[i, pl.ds(0, 16)] = jnp.ones((16,), jnp.float32)
            return 0
        lax.fori_loop(0, CHUNK, fill_ones, 0)
    plsc.subcore_barrier()

    def drain_idx():
        pltpu.make_async_copy(src_hbm.at[pl.ds(0, CHUNK)], src4[0], isem).wait()
        pltpu.make_async_copy(src_hbm.at[pl.ds(0, CHUNK)], dst4[0], isem).wait()

    def drain_scat(b):
        for q in range(N_COL):
            pltpu.make_async_copy(h_hbms[q].at[pl.ds(0, CHUNK)],
                                  rows2[b][q], ssem[b]).wait()
        if with_cnt:
            pltpu.make_async_copy(cnt_hbm.at[pl.ds(0, CHUNK)],
                                  ones_v, ssem[b]).wait()

    pltpu.async_copy(src_hbm.at[pl.ds(edge_base, CHUNK)], src4[0], isem)
    pltpu.async_copy(dst_hbm.at[pl.ds(edge_base, CHUNK)], dst4[0], isem)

    @pl.loop(0, n_chunks // 4)
    def quad_step(p):
        for u in range(4):
            j = p * 4 + u
            rb = u % 2
            drain_idx()
            @pl.when(j >= 2)
            def _():
                drain_scat(rb)
            off_n = edge_base + lax.rem(j + 1, n_chunks) * CHUNK
            nu = (u + 1) % 4
            pltpu.async_copy(src_hbm.at[pl.ds(off_n, CHUNK)], src4[nu], isem)
            pltpu.async_copy(dst_hbm.at[pl.ds(off_n, CHUNK)], dst4[nu], isem)
            gathers = [pltpu.async_copy(h_hbms[q].at[src4[u]], rows2[rb][q],
                                        gsem[rb])
                       for q in range(N_COL)]
            for g in gathers:
                g.wait()
            for q in range(N_COL):
                pltpu.async_copy(rows2[rb][q], accs[q].at[dst4[u]], ssem[rb],
                                 add=True)
            if with_cnt:
                pltpu.async_copy(ones_v, cnt_sh.at[dst4[u]], ssem[rb],
                                 add=True)

    drain_scat(0)
    drain_scat(1)
    drain_idx()
    plsc.subcore_barrier()

    @pl.loop(0, rows_per_tile // CHUNK)
    def flush(k):
        off = base + k * CHUNK
        for q in range(N_COL):
            pltpu.sync_copy(accs[q].at[pl.ds(off, CHUNK)], rows_qs[q])
            pltpu.sync_copy(rows_qs[q], parts[q].at[pl.ds(c * rows + off, CHUNK)])
        if with_cnt:
            pltpu.sync_copy(cnt_sh.at[pl.ds(off, CHUNK)], ones_v)
            pltpu.sync_copy(ones_v, cnt_hbm.at[pl.ds(c * rows + off, CHUNK)])


def _make_sc_scatter(rows, n_chunks, with_cnt):
    mesh = plsc.VectorSubcoreMesh(core_axis_name="c", subcore_axis_name="s")
    out_type = [jax.ShapeDtypeStruct((N_CORES * rows, CW), jnp.float32)
                for _ in range(N_COL)]
    if with_cnt:
        out_type.append(jax.ShapeDtypeStruct((N_CORES * rows, CNT_W), jnp.float32))
    scratch = [pltpu.VMEM_SHARED((rows, CW), jnp.float32) for _ in range(N_COL)]
    if with_cnt:
        scratch.append(pltpu.VMEM_SHARED((rows, CNT_W), jnp.float32))
    scratch += [pltpu.VMEM((CHUNK, CW), jnp.float32)
                for _ in range(2 * N_COL)]
    scratch += [pltpu.VMEM((CHUNK,), jnp.int32)
                for _ in range(8)]
    if with_cnt:
        scratch.append(pltpu.VMEM((CHUNK, CNT_W), jnp.float32))
    scratch += [pltpu.SemaphoreType.DMA] * 5
    return pl.kernel(
        functools.partial(_sc_scatter_body, with_cnt),
        out_type=tuple(out_type),
        mesh=mesh,
        scratch_types=tuple(scratch),
        compiler_params=pltpu.CompilerParams(use_tc_tiling_on_sc=False),
    )



def _split_store(o_refs, val):
    for q in range(N_COL):
        o_refs[q][...] = val[:, q * CW:(q + 1) * CW]


def _enc_body(x_ref, w_ref, b_ref, *o_refs):
    _split_store(o_refs, jnp.dot(x_ref[...], w_ref[...],
                                 preferred_element_type=jnp.float32) + b_ref[...])


def _mean_h(p_refs, cnt_ref, h_refs):
    agg = jnp.concatenate([r[...][0] + r[...][1] for r in p_refs], axis=1)
    deg = cnt_ref[0, :, :1] + cnt_ref[1, :, :1]
    mean = agg * (1.0 / jnp.maximum(deg, 1.0))
    h = jnp.concatenate([r[...] for r in h_refs], axis=1)
    return mean, h


def _combine_body(*refs):
    p_refs, cnt_ref, h_refs = refs[:N_COL], refs[N_COL], refs[N_COL + 1:2 * N_COL + 1]
    wl_ref, wr_ref, b_ref = refs[2 * N_COL + 1:2 * N_COL + 4]
    o_refs = refs[2 * N_COL + 4:]
    mean, h = _mean_h(p_refs, cnt_ref, h_refs)
    o = (jnp.dot(mean, wl_ref[...], preferred_element_type=jnp.float32)
         + jnp.dot(h, wr_ref[...], preferred_element_type=jnp.float32)
         + b_ref[...])
    _split_store(o_refs, jnp.maximum(o, 0.0))


def _combine_head_body(*refs):
    p_refs, cnt_ref, h_refs = refs[:N_COL], refs[N_COL], refs[N_COL + 1:2 * N_COL + 1]
    (wl_ref, wr_ref, b_ref, wm1_ref, bm1_ref, wm2_ref, bm2_ref,
     o_ref) = refs[2 * N_COL + 1:]
    mean, h = _mean_h(p_refs, cnt_ref, h_refs)
    h2 = (jnp.dot(mean, wl_ref[...], preferred_element_type=jnp.float32)
          + jnp.dot(h, wr_ref[...], preferred_element_type=jnp.float32)
          + b_ref[...])
    h2 = jnp.maximum(h2, 0.0)
    r = jnp.maximum(jnp.dot(h2, wm1_ref[...],
                            preferred_element_type=jnp.float32) + bm1_ref[...],
                    0.0)
    logit = jnp.sum(r * wm2_ref[...], axis=1) + bm2_ref[0, 0]
    o_ref[...] = (1.0 / (1.0 + jnp.exp(-logit)))[None, :]


def _full_spec(shape):
    return pl.BlockSpec(shape, lambda i: tuple(0 for _ in shape))


def kernel(x, edge_index, edge_attr, batch, W_enc, b_enc, W1_l, b1_l, W1_r,
           W2_l, b2_l, W2_r, W_m1, b_m1, W_m2, b_m2):
    n = x.shape[0]
    e = edge_index.shape[1]
    rows = pl.cdiv(n + 1, BLK) * BLK
    n_chunks = pl.cdiv(pl.cdiv(e, NW * CHUNK), 4) * 4
    e_pad = NW * CHUNK * n_chunks

    src = edge_index[0].astype(jnp.int32)
    dst = edge_index[1].astype(jnp.int32)
    src = jnp.concatenate([src, jnp.zeros((e_pad - e,), jnp.int32)])
    dst = jnp.concatenate([dst, jnp.full((e_pad - e,), n, jnp.int32)])

    x_p = jnp.pad(x, ((0, rows - n), (0, 0)))
    b_enc2 = b_enc.reshape(1, D)
    b1 = b1_l.reshape(1, D)
    b2 = b2_l.reshape(1, D)
    bm1 = b_m1.reshape(1, D)
    wm2 = W_m2.reshape(1, D)
    bm2 = b_m2.reshape(1, 1)

    grid = rows // BLK
    row_spec = pl.BlockSpec((BLK, CW), lambda i: (i, 0))
    part_spec = pl.BlockSpec((N_CORES, BLK, CW), lambda i: (0, i, 0))
    cnt_spec = pl.BlockSpec((N_CORES, BLK, CNT_W), lambda i: (0, i, 0))
    nq_shape = [jax.ShapeDtypeStruct((rows, CW), jnp.float32)] * N_COL
    nq_spec = [row_spec] * N_COL

    h0s = pl.pallas_call(
        _enc_body,
        grid=(grid,),
        in_specs=[pl.BlockSpec((BLK, D), lambda i: (i, 0)),
                  _full_spec((D, D)), _full_spec((1, D))],
        out_specs=nq_spec,
        out_shape=nq_shape,
    )(x_p, W_enc, b_enc2)

    sc1 = _make_sc_scatter(rows, n_chunks, with_cnt=True)
    out1 = sc1(*h0s, src, dst)
    part1 = [p.reshape(N_CORES, rows, CW) for p in out1[:N_COL]]
    cnt = out1[N_COL].reshape(N_CORES, rows, CNT_W)

    h1s = pl.pallas_call(
        _combine_body,
        grid=(grid,),
        in_specs=[part_spec] * N_COL + [cnt_spec] + nq_spec
                 + [_full_spec((D, D)), _full_spec((D, D)), _full_spec((1, D))],
        out_specs=nq_spec,
        out_shape=nq_shape,
    )(*part1, cnt, *h0s, W1_l, W1_r, b1)

    sc2 = _make_sc_scatter(rows, n_chunks, with_cnt=False)
    out2 = sc2(*h1s, src, dst)
    part2 = [p.reshape(N_CORES, rows, CW) for p in out2]

    out2d = pl.pallas_call(
        _combine_head_body,
        grid=(grid,),
        in_specs=[part_spec] * N_COL + [cnt_spec] + nq_spec
                 + [_full_spec((D, D)), _full_spec((D, D)), _full_spec((1, D)),
                    _full_spec((D, D)), _full_spec((1, D)), _full_spec((1, D)),
                    _full_spec((1, 1))],
        out_specs=pl.BlockSpec((1, BLK), lambda i: (0, i)),
        out_shape=jax.ShapeDtypeStruct((1, rows), jnp.float32),
    )(*part2, cnt, *h1s, W2_l, W2_r, b2, W_m1, bm1, wm2, bm2)

    return out2d[0, :n]

# --- scband reference (transcript-rebuilt; emitter-appended) ---
"""Pipeline reference for scband-reception-prediction-gnn-41558103556527 (READ-ONLY COPY).

The authoritative reference and input builder live on the scoring server;
editing this copy changes nothing except your own understanding.
"""

import jax, jax.numpy as jnp
import numpy as np

N_NODES = 10000
N_EDGES = 320000
D_FEAT = 128
D_EDGE = 16
HIDDEN = 128


def setup_inputs(seed: int = 0) -> dict:
    key = jax.random.key(seed)
    ks = jax.random.split(key, 16)
    x = jax.random.normal(ks[0], (N_NODES, D_FEAT), dtype=jnp.float32)
    edge_index = jax.random.randint(ks[1], (2, N_EDGES), 0, N_NODES, dtype=jnp.int64)
    edge_attr = jax.random.normal(ks[2], (N_EDGES, D_EDGE), dtype=jnp.float32)
    batch = jnp.sort(jax.random.randint(ks[3], (N_NODES,), 0, 64, dtype=jnp.int64))
    s = 1.0 / np.sqrt(HIDDEN)
    W_enc = jax.random.normal(ks[4], (D_FEAT, HIDDEN), dtype=jnp.float32) * s
    b_enc = jnp.zeros((HIDDEN,), dtype=jnp.float32)
    W1_l = jax.random.normal(ks[5], (HIDDEN, HIDDEN), dtype=jnp.float32) * s
    b1_l = jnp.zeros((HIDDEN,), dtype=jnp.float32)
    W1_r = jax.random.normal(ks[6], (HIDDEN, HIDDEN), dtype=jnp.float32) * s
    W2_l = jax.random.normal(ks[7], (HIDDEN, HIDDEN), dtype=jnp.float32) * s
    b2_l = jnp.zeros((HIDDEN,), dtype=jnp.float32)
    W2_r = jax.random.normal(ks[8], (HIDDEN, HIDDEN), dtype=jnp.float32) * s
    W_m1 = jax.random.normal(ks[9], (HIDDEN, HIDDEN), dtype=jnp.float32) * s
    b_m1 = jnp.zeros((HIDDEN,), dtype=jnp.float32)
    W_m2 = jax.random.normal(ks[10], (HIDDEN, 1), dtype=jnp.float32) * s
    b_m2 = jnp.zeros((1,), dtype=jnp.float32)
    return {
        'x': x, 'edge_index': edge_index, 'edge_attr': edge_attr, 'batch': batch,
        'W_enc': W_enc, 'b_enc': b_enc,
        'W1_l': W1_l, 'b1_l': b1_l, 'W1_r': W1_r,
        'W2_l': W2_l, 'b2_l': b2_l, 'W2_r': W2_r,
        'W_m1': W_m1, 'b_m1': b_m1, 'W_m2': W_m2, 'b_m2': b_m2,
    }


def _sage_conv(h, src, dst, W_l, b_l, W_r, num_nodes):
    # PyG SAGEConv with mean aggregation:
    #   out = lin_l(mean_{j in N(i)} h_j) + lin_r(h_i)
    msg = jnp.take(h, src, axis=0)
    agg = jax.ops.segment_sum(msg, dst, num_segments=num_nodes)
    cnt = jax.ops.segment_sum(jnp.ones((src.shape[0],), dtype=h.dtype), dst, num_segments=num_nodes)
    mean = agg / jnp.clip(cnt, 1.0, None)[:, None]
    return mean @ W_l + b_l + h @ W_r


def reference(x, edge_index, edge_attr, batch,
              W_enc, b_enc,
              W1_l, b1_l, W1_r,
              W2_l, b2_l, W2_r,
              W_m1, b_m1, W_m2, b_m2):
    # edge_attr and batch are accepted by the original forward but unused
    num_nodes = x.shape[0]
    src = edge_index[0]
    dst = edge_index[1]
    h = x @ W_enc + b_enc
    h = _sage_conv(h, src, dst, W1_l, b1_l, W1_r, num_nodes)
    h = jax.nn.relu(h)
    # dropout p=0.1 is identity in eval mode
    h = _sage_conv(h, src, dst, W2_l, b2_l, W2_r, num_nodes)
    h = jax.nn.relu(h)
    logits = jax.nn.relu(h @ W_m1 + b_m1) @ W_m2 + b_m2
    return jax.nn.sigmoid(logits).squeeze(-1)

if __name__ == "__main__":
    import jax
    _d = setup_inputs()
    print(jax.jit(kernel)(*tuple(_d.values())))

</pallas_src>

<mosaic_0001>
#map = affine_map<(d0, d1) -> (0, 0)>
#map1 = affine_map<(d0, d1) -> (0)>
module attributes {stable_mosaic.version = 14 : i64} {
  func.func @_sc_scatter_body(%arg0: i32, %arg1: i32, %arg2: memref<10240x32xf32, #tpu.memory_space<hbm>>, %arg3: memref<10240x32xf32, #tpu.memory_space<hbm>>, %arg4: memref<10240x32xf32, #tpu.memory_space<hbm>>, %arg5: memref<10240x32xf32, #tpu.memory_space<hbm>>, %arg6: memref<327680xi32, #tpu.memory_space<hbm>>, %arg7: memref<327680xi32, #tpu.memory_space<hbm>>, %arg8: memref<20480x32xf32, #tpu.memory_space<hbm>>, %arg9: memref<20480x32xf32, #tpu.memory_space<hbm>>, %arg10: memref<20480x32xf32, #tpu.memory_space<hbm>>, %arg11: memref<20480x32xf32, #tpu.memory_space<hbm>>, %arg12: memref<20480x16xf32, #tpu.memory_space<hbm>>, %arg13: memref<10240x32xf32, #tpu.memory_space<vmem_shared>>, %arg14: memref<10240x32xf32, #tpu.memory_space<vmem_shared>>, %arg15: memref<10240x32xf32, #tpu.memory_space<vmem_shared>>, %arg16: memref<10240x32xf32, #tpu.memory_space<vmem_shared>>, %arg17: memref<10240x16xf32, #tpu.memory_space<vmem_shared>>, %arg18: memref<128x32xf32, #tpu.memory_space<vmem>>, %arg19: memref<128x32xf32, #tpu.memory_space<vmem>>, %arg20: memref<128x32xf32, #tpu.memory_space<vmem>>, %arg21: memref<128x32xf32, #tpu.memory_space<vmem>>, %arg22: memref<128x32xf32, #tpu.memory_space<vmem>>, %arg23: memref<128x32xf32, #tpu.memory_space<vmem>>, %arg24: memref<128x32xf32, #tpu.memory_space<vmem>>, %arg25: memref<128x32xf32, #tpu.memory_space<vmem>>, %arg26: memref<128xi32, #tpu.memory_space<vmem>>, %arg27: memref<128xi32, #tpu.memory_space<vmem>>, %arg28: memref<128xi32, #tpu.memory_space<vmem>>, %arg29: memref<128xi32, #tpu.memory_space<vmem>>, %arg30: memref<128xi32, #tpu.memory_space<vmem>>, %arg31: memref<128xi32, #tpu.memory_space<vmem>>, %arg32: memref<128xi32, #tpu.memory_space<vmem>>, %arg33: memref<128xi32, #tpu.memory_space<vmem>>, %arg34: memref<128x16xf32, #tpu.memory_space<vmem>>, %arg35: memref<!tpu.dma_semaphore, #tpu.memory_space<semaphore_mem>>, %arg36: memref<!tpu.dma_semaphore, #tpu.memory_space<semaphore_mem>>, %arg37: memref<!tpu.dma_semaphore, #tpu.memory_space<semaphore_mem>>, %arg38: memref<!tpu.dma_semaphore, #tpu.memory_space<semaphore_mem>>, %arg39: memref<!tpu.dma_semaphore, #tpu.memory_space<semaphore_mem>>) attributes {dimension_semantics = [#tpu.dimension_semantics<core_parallel>, #tpu.dimension_semantics<subcore_parallel>], iteration_bounds = array<i64: 2, 16>, scalar_prefetch = 0 : i64, scratch_operands = 27 : i64, tpu.core_type = #tpu.core_type<sc_vector_subcore>, window_params = [{transform_indices = #map}, {transform_indices = #map}, {transform_indices = #map}, {transform_indices = #map}, {transform_indices = #map1}, {transform_indices = #map1}, {transform_indices = #map}, {transform_indices = #map}, {transform_indices = #map}, {transform_indices = #map}, {transform_indices = #map}]} {
    %mul3A = arith.constant 16 : i32
    %mul3A_0 = arith.muli %arg0, %mul3A : i32
    %add3A = arith.addi %mul3A_0, %arg1 : i32
    %mul3A_1 = arith.constant 640 : i32
    %mul3A_2 = arith.muli %arg1, %mul3A_1 : i32
    %mul3A_3 = arith.constant 80 : i32
    %mul3A_4 = arith.muli %add3A, %mul3A_3 : i32
    %mul3A_5 = arith.constant 128 : i32
    %mul3A_6 = arith.muli %mul3A_4, %mul3A_5 : i32
    %scan3A = arith.constant 0 : i32
    %scan3A_7 = arith.constant 0 : i32
    %scan3A_8 = arith.constant 128 : i32
    %scan3A_9 = arith.addi %scan3A_7, %scan3A_8 : i32
    %scan3A_10 = arith.constant 1 : i32
    %scan3A_11 = scf.for %scan3A_106 = %scan3A_7 to %scan3A_9 step %scan3A_10 iter_args(%scan3A_107 = %scan3A) -> (i32)  : i32 {
      %broadcast_in_dim3A = arith.constant 0.000000e+00 : f32
      %broadcast_in_dim3A_108 = vector.broadcast %broadcast_in_dim3A : f32 to vector<16xf32>
      %swap3A = arith.index_cast %scan3A_106 : i32 to index
      %swap3A_109 = arith.constant 0 : index
      %swap3A_110 = tpu.vector_load %arg18[%swap3A, %swap3A_109] {strides = array<i32>} : memref<128x32xf32, #tpu.memory_space<vmem>>, vector<1x16xf32>,
      %swap3A_111 = vector.shape_cast %swap3A_110 : vector<1x16xf32> to vector<16xf32>
      %swap3A_112 = vector.shape_cast %broadcast_in_dim3A_108 : vector<16xf32> to vector<1x16xf32>
      tpu.vector_store %arg18[%swap3A, %swap3A_109], %swap3A_112 {strides = array<i32>} : memref<128x32xf32, #tpu.memory_space<vmem>>, vector<1x16xf32>,
      %broadcast_in_dim3A_113 = arith.constant 0.000000e+00 : f32
      %broadcast_in_dim3A_114 = vector.broadcast %broadcast_in_dim3A_113 : f32 to vector<16xf32>
      %swap3A_115 = arith.index_cast %scan3A_106 : i32 to index
      %swap3A_116 = arith.constant 16 : index
      %swap3A_117 = tpu.vector_load %arg18[%swap3A_115, %swap3A_116] {strides = array<i32>} : memref<128x32xf32, #tpu.memory_space<vmem>>, vector<1x16xf32>,
      %swap3A_118 = vector.shape_cast %swap3A_117 : vector<1x16xf32> to vector<16xf32>
      %swap3A_119 = vector.shape_cast %broadcast_in_dim3A_114 : vector<16xf32> to vector<1x16xf32>
      tpu.vector_store %arg18[%swap3A_115, %swap3A_116], %swap3A_119 {strides = array<i32>} : memref<128x32xf32, #tpu.memory_space<vmem>>, vector<1x16xf32>,
      %broadcast_in_dim3A_120 = arith.constant 0.000000e+00 : f32
      %broadcast_in_dim3A_121 = vector.broadcast %broadcast_in_dim3A_120 : f32 to vector<16xf32>
      %swap3A_122 = arith.index_cast %scan3A_106 : i32 to index
      %swap3A_123 = arith.constant 0 : index
      %swap3A_124 = tpu.vector_load %arg19[%swap3A_122, %swap3A_123] {strides = array<i32>} : memref<128x32xf32, #tpu.memory_space<vmem>>, vector<1x16xf32>,
      %swap3A_125 = vector.shape_cast %swap3A_124 : vector<1x16xf32> to vector<16xf32>
      %swap3A_126 = vector.shape_cast %broadcast_in_dim3A_121 : vector<16xf32> to vector<1x16xf32>
      tpu.vector_store %arg19[%swap3A_122, %swap3A_123], %swap3A_126 {strides = array<i32>} : memref<128x32xf32, #tpu.memory_space<vmem>>, vector<1x16xf32>,
      %broadcast_in_dim3A_127 = arith.constant 0.000000e+00 : f32
      %broadcast_in_dim3A_128 = vector.broadcast %broadcast_in_dim3A_127 : f32 to vector<16xf32>
      %swap3A_129 = arith.index_cast %scan3A_106 : i32 to index
      %swap3A_130 = arith.constant 16 : index
      %swap3A_131 = tpu.vector_load %arg19[%swap3A_129, %swap3A_130] {strides = array<i32>} : memref<128x32xf32, #tpu.memory_space<vmem>>, vector<1x16xf32>,
      %swap3A_132 = vector.shape_cast %swap3A_131 : vector<1x16xf32> to vector<16xf32>
      %swap3A_133 = vector.shape_cast %broadcast_in_dim3A_128 : vector<16xf32> to vector<1x16xf32>
      tpu.vector_store %arg19[%swap3A_129, %swap3A_130], %swap3A_133 {strides = array<i32>} : memref<128x32xf32, #tpu.memory_space<vmem>>, vector<1x16xf32>,
      %broadcast_in_dim3A_134 = arith.constant 0.000000e+00 : f32
      %broadcast_in_dim3A_135 = vector.broadcast %broadcast_in_dim3A_134 : f32 to vector<16xf32>
      %swap3A_136 = arith.index_cast %scan3A_106 : i32 to index
      %swap3A_137 = arith.constant 0 : index
      %swap3A_138 = tpu.vector_load %arg20[%swap3A_136, %swap3A_137] {strides = array<i32>} : memref<128x32xf32, #tpu.memory_space<vmem>>, vector<1x16xf32>,
      %swap3A_139 = vector.shape_cast %swap3A_138 : vector<1x16xf32> to vector<16xf32>
      %swap3A_140 = vector.shape_cast %broadcast_in_dim3A_135 : vector<16xf32> to vector<1x16xf32>
      tpu.vector_store %arg20[%swap3A_136, %swap3A_137], %swap3A_140 {strides = array<i32>} : memref<128x32xf32, #tpu.memory_space<vmem>>, vector<1x16xf32>,
      %broadcast_in_dim3A_141 = arith.constant 0.000000e+00 : f32
      %broadcast_in_dim3A_142 = vector.broadcast %broadcast_in_dim3A_141 : f32 to vector<16xf32>
      %swap3A_143 = arith.index_cast %scan3A_106 : i32 to index
      %swap3A_144 = arith.constant 16 : index
      %swap3A_145 = tpu.vector_load %arg20[%swap3A_143, %swap3A_144] {strides = array<i32>} : memref<128x32xf32, #tpu.memory_space<vmem>>, vector<1x16xf32>,
      %swap3A_146 = vector.shape_cast %swap3A_145 : vector<1x16xf32> to vector<16xf32>
      %swap3A_147 = vector.shape_cast %broadcast_in_dim3A_142 : vector<16xf32> to vector<1x16xf32>
      tpu.vector_store %arg20[%swap3A_143, %swap3A_144], %swap3A_147 {strides = array<i32>} : memref<128x32xf32, #tpu.memory_space<vmem>>, vector<1x16xf32>,
      %broadcast_in_dim3A_148 = arith.constant 0.000000e+00 : f32
      %broadcast_in_dim3A_149 = vector.broadcast %broadcast_in_dim3A_148 : f32 to vector<16xf32>
      %swap3A_150 = arith.index_cast %scan3A_106 : i32 to index
      %swap3A_151 = arith.constant 0 : index
      %swap3A_152 = tpu.vector_load %arg21[%swap3A_150, %swap3A_151] {strides = array<i32>} : memref<128x32xf32, #tpu.memory_space<vmem>>, vector<1x16xf32>,
      %swap3A_153 = vector.shape_cast %swap3A_152 : vector<1x16xf32> to vector<16xf32>
      %swap3A_154 = vector.shape_cast %broadcast_in_dim3A_149 : vector<16xf32> to vector<1x16xf32>
      tpu.vector_store %arg21[%swap3A_150, %swap3A_151], %swap3A_154 {strides = array<i32>} : memref<128x32xf32, #tpu.memory_space<vmem>>, vector<1x16xf32>,
      %broadcast_in_dim3A_155 = arith.constant 0.000000e+00 : f32
      %broadcast_in_dim3A_156 = vector.broadcast %broadcast_in_dim3A_155 : f32 to vector<16xf32>
      %swap3A_157 = arith.index_cast %scan3A_106 : i32 to index
      %swap3A_158 = arith.constant 16 : index
      %swap3A_159 = tpu.vector_load %arg21[%swap3A_157, %swap3A_158] {strides = array<i32>} : memref<128x32xf32, #tpu.memory_space<vmem>>, vector<1x16xf32>,
      %swap3A_160 = vector.shape_cast %swap3A_159 : vector<1x16xf32> to vector<16xf32>
      %swap3A_161 = vector.shape_cast %broadcast_in_dim3A_156 : vector<16xf32> to vector<1x16xf32>
      tpu.vector_store %arg21[%swap3A_157, %swap3A_158], %swap3A_161 {strides = array<i32>} : memref<128x32xf32, #tpu.memory_space<vmem>>, vector<1x16xf32>,
      %broadcast_in_dim3A_162 = arith.constant 0.000000e+00 : f32
      %broadcast_in_dim3A_163 = vector.broadcast %broadcast_in_dim3A_162 : f32 to vector<16xf32>
      %swap3A_164 = arith.index_cast %scan3A_106 : i32 to index
      %swap3A_165 = arith.constant 0 : index
      %swap3A_166 = tpu.vector_load %arg34[%swap3A_164, %swap3A_165] {strides = array<i32>} : memref<128x16xf32, #tpu.memory_space<vmem>>, vector<1x16xf32>,
      %swap3A_167 = vector.shape_cast %swap3A_166 : vector<1x16xf32> to vector<16xf32>
      %swap3A_168 = vector.shape_cast %broadcast_in_dim3A_163 : vector<16xf32> to vector<1x16xf32>
      tpu.vector_store %arg34[%swap3A_164, %swap3A_165], %swap3A_168 {strides = array<i32>} : memref<128x16xf32, #tpu.memory_space<vmem>>, vector<1x16xf32>,
      %scan3A_169 = arith.constant 0 : i32
      scf.yield %scan3A_169 : i32
    }
    %scan3A_12 = arith.constant 128 : i32
    %scan3A_13 = arith.constant 0 : i32
    %scan3A_14 = arith.constant 5 : i32
    %scan3A_15 = arith.addi %scan3A_13, %scan3A_14 : i32
    %scan3A_16 = arith.constant 1 : i32
    scf.for %scan3A_106 = %scan3A_13 to %scan3A_15 step %scan3A_16  : i32 {
      %mul3A_107 = arith.constant 1 : i32
      %mul3A_108 = arith.muli %scan3A_106, %mul3A_107 : i32
      %add3A_109 = arith.constant 0 : i32
      %add3A_110 = arith.addi %add3A_109, %mul3A_108 : i32
      %mul3A_111 = arith.constant 128 : i32
      %mul3A_112 = arith.muli %add3A_110, %mul3A_111 : i32
      %add3A_113 = arith.addi %mul3A_2, %mul3A_112 : i32
      "tpu.region"() ({
        %run_scoped3A = tpu.sem_alloc : memref<!tpu.dma_semaphore, #tpu.memory_space<semaphore_mem>>
        %dma_start3A_114 = arith.constant 0 : i32
        %dma_start3A_115 = tpu.memref_slice %arg13[%add3A_113, %dma_start3A_114] : memref<10240x32xf32, #tpu.memory_space<vmem_shared>> -> memref<128x32xf32, #tpu.memory_space<vmem_shared>>
        %dma_start3A_116 = arith.constant 0 : i32
        %dma_start3A_117 = tpu.memref_slice %arg13[%add3A_113, %dma_start3A_116] : memref<10240x32xf32, #tpu.memory_space<vmem_shared>> -> memref<128x32xf32, #tpu.memory_space<vmem_shared>>
        tpu.enqueue_dma source(%arg18 : memref<128x32xf32, #tpu.memory_space<vmem>>) target(%dma_start3A_117 : memref<128x32xf32, #tpu.memory_space<vmem_shared>>) target_semaphore(%run_scoped3A : memref<!tpu.dma_semaphore, #tpu.memory_space<semaphore_mem>>)
        %dma_wait3A_118 = arith.constant 0 : i32
        %dma_wait3A_119 = tpu.memref_slice %arg13[%add3A_113, %dma_wait3A_118] : memref<10240x32xf32, #tpu.memory_space<vmem_shared>> -> memref<128x32xf32, #tpu.memory_space<vmem_shared>>
        %dma_wait3A_120 = arith.constant 0 : i32
        %dma_wait3A_121 = tpu.memref_slice %arg13[%add3A_113, %dma_wait3A_120] : memref<10240x32xf32, #tpu.memory_space<vmem_shared>> -> memref<128x32xf32, #tpu.memory_space<vmem_shared>>
        tpu.wait_dma2 semaphore(%run_scoped3A : memref<!tpu.dma_semaphore, #tpu.memory_space<semaphore_mem>>) src(%arg18 : memref<128x32xf32, #tpu.memory_space<vmem>>) dst(%dma_wait3A_121 : memref<128x32xf32, #tpu.memory_space<vmem_shared>>)
        tpu.yield
      }) : () -> ()
      "tpu.region"() ({
        %run_scoped3A = tpu.sem_alloc : memref<!tpu.dma_semaphore, #tpu.memory_space<semaphore_mem>>
        %dma_start3A_114 = arith.constant 0 : i32
        %dma_start3A_115 = tpu.memref_slice %arg14[%add3A_113, %dma_start3A_114] : memref<10240x32xf32, #tpu.memory_space<vmem_shared>> -> memref<128x32xf32, #tpu.memory_space<vmem_shared>>
        %dma_start3A_116 = arith.constant 0 : i32
        %dma_start3A_117 = tpu.memref_slice %arg14[%add3A_113, %dma_start3A_116] : memref<10240x32xf32, #tpu.memory_space<vmem_shared>> -> memref<128x32xf32, #tpu.memory_space<vmem_shared>>
        tpu.enqueue_dma source(%arg19 : memref<128x32xf32, #tpu.memory_space<vmem>>) target(%dma_start3A_117 : memref<128x32xf32, #tpu.memory_space<vmem_shared>>) target_semaphore(%run_scoped3A : memref<!tpu.dma_semaphore, #tpu.memory_space<semaphore_mem>>)
        %dma_wait3A_118 = arith.constant 0 : i32
        %dma_wait3A_119 = tpu.memref_slice %arg14[%add3A_113, %dma_wait3A_118] : memref<10240x32xf32, #tpu.memory_space<vmem_shared>> -> memref<128x32xf32, #tpu.memory_space<vmem_shared>>
        %dma_wait3A_120 = arith.constant 0 : i32
        %dma_wait3A_121 = tpu.memref_slice %arg14[%add3A_113, %dma_wait3A_120] : memref<10240x32xf32, #tpu.memory_space<vmem_shared>> -> memref<128x32xf32, #tpu.memory_space<vmem_shared>>
        tpu.wait_dma2 semaphore(%run_scoped3A : memref<!tpu.dma_semaphore, #tpu.memory_space<semaphore_mem>>) src(%arg19 : memref<128x32xf32, #tpu.memory_space<vmem>>) dst(%dma_wait3A_121 : memref<128x32xf32, #tpu.memory_space<vmem_shared>>)
        tpu.yield
      }) : () -> ()
      "tpu.region"() ({
        %run_scoped3A = tpu.sem_alloc : memref<!tpu.dma_semaphore, #tpu.memory_space<semaphore_mem>>
        %dma_start3A_114 = arith.constant 0 : i32
        %dma_start3A_115 = tpu.memref_slice %arg15[%add3A_113, %dma_start3A_114] : memref<10240x32xf32, #tpu.memory_space<vmem_shared>> -> memref<128x32xf32, #tpu.memory_space<vmem_shared>>
        %dma_start3A_116 = arith.constant 0 : i32
        %dma_start3A_117 = tpu.memref_slice %arg15[%add3A_113, %dma_start3A_116] : memref<10240x32xf32, #tpu.memory_space<vmem_shared>> -> memref<128x32xf32, #tpu.memory_space<vmem_shared>>
        tpu.enqueue_dma source(%arg20 : memref<128x32xf32, #tpu.memory_space<vmem>>) target(%dma_start3A_117 : memref<128x32xf32, #tpu.memory_space<vmem_shared>>) target_semaphore(%run_scoped3A : memref<!tpu.dma_semaphore, #tpu.memory_space<semaphore_mem>>)
        %dma_wait3A_118 = arith.constant 0 : i32
        %dma_wait3A_119 = tpu.memref_slice %arg15[%add3A_113, %dma_wait3A_118] : memref<10240x32xf32, #tpu.memory_space<vmem_shared>> -> memref<128x32xf32, #tpu.memory_space<vmem_shared>>
        %dma_wait3A_120 = arith.constant 0 : i32
        %dma_wait3A_121 = tpu.memref_slice %arg15[%add3A_113, %dma_wait3A_120] : memref<10240x32xf32, #tpu.memory_space<vmem_shared>> -> memref<128x32xf32, #tpu.memory_space<vmem_shared>>
        tpu.wait_dma2 semaphore(%run_scoped3A : memref<!tpu.dma_semaphore, #tpu.memory_space<semaphore_mem>>) src(%arg20 : memref<128x32xf32, #tpu.memory_space<vmem>>) dst(%dma_wait3A_121 : memref<128x32xf32, #tpu.memory_space<vmem_shared>>)
        tpu.yield
      }) : () -> ()
      "tpu.region"() ({
        %run_scoped3A = tpu.sem_alloc : memref<!tpu.dma_semaphore, #tpu.memory_space<semaphore_mem>>
        %dma_start3A_114 = arith.constant 0 : i32
        %dma_start3A_115 = tpu.memref_slice %arg16[%add3A_113, %dma_start3A_114] : memref<10240x32xf32, #tpu.memory_space<vmem_shared>> -> memref<128x32xf32, #tpu.memory_space<vmem_shared>>
        %dma_start3A_116 = arith.constant 0 : i32
        %dma_start3A_117 = tpu.memref_slice %arg16[%add3A_113, %dma_start3A_116] : memref<10240x32xf32, #tpu.memory_space<vmem_shared>> -> memref<128x32xf32, #tpu.memory_space<vmem_shared>>
        tpu.enqueue_dma source(%arg21 : memref<128x32xf32, #tpu.memory_space<vmem>>) target(%dma_start3A_117 : memref<128x32xf32, #tpu.memory_space<vmem_shared>>) target_semaphore(%run_scoped3A : memref<!tpu.dma_semaphore, #tpu.memory_space<semaphore_mem>>)
        %dma_wait3A_118 = arith.constant 0 : i32
        %dma_wait3A_119 = tpu.memref_slice %arg16[%add3A_113, %dma_wait3A_118] : memref<10240x32xf32, #tpu.memory_space<vmem_shared>> -> memref<128x32xf32, #tpu.memory_space<vmem_shared>>
        %dma_wait3A_120 = arith.constant 0 : i32
        %dma_wait3A_121 = tpu.memref_slice %arg16[%add3A_113, %dma_wait3A_120] : memref<10240x32xf32, #tpu.memory_space<vmem_shared>> -> memref<128x32xf32, #tpu.memory_space<vmem_shared>>
        tpu.wait_dma2 semaphore(%run_scoped3A : memref<!tpu.dma_semaphore, #tpu.memory_space<semaphore_mem>>) src(%arg21 : memref<128x32xf32, #tpu.memory_space<vmem>>) dst(%dma_wait3A_121 : memref<128x32xf32, #tpu.memory_space<vmem_shared>>)
        tpu.yield
      }) : () -> ()
      "tpu.region"() ({
        %run_scoped3A = tpu.sem_alloc : memref<!tpu.dma_semaphore, #tpu.memory_space<semaphore_mem>>
        %dma_start3A_114 = arith.constant 0 : i32
        %dma_start3A_115 = tpu.memref_slice %arg17[%add3A_113, %dma_start3A_114] : memref<10240x16xf32, #tpu.memory_space<vmem_shared>> -> memref<128x16xf32, #tpu.memory_space<vmem_shared>>
        %dma_start3A_116 = arith.constant 0 : i32
        %dma_start3A_117 = tpu.memref_slice %arg17[%add3A_113, %dma_start3A_116] : memref<10240x16xf32, #tpu.memory_space<vmem_shared>> -> memref<128x16xf32, #tpu.memory_space<vmem_shared>>
        tpu.enqueue_dma source(%arg34 : memref<128x16xf32, #tpu.memory_space<vmem>>) target(%dma_start3A_117 : memref<128x16xf32, #tpu.memory_space<vmem_shared>>) target_semaphore(%run_scoped3A : memref<!tpu.dma_semaphore, #tpu.memory_space<semaphore_mem>>)
        %dma_wait3A_118 = arith.constant 0 : i32
        %dma_wait3A_119 = tpu.memref_slice %arg17[%add3A_113, %dma_wait3A_118] : memref<10240x16xf32, #tpu.memory_space<vmem_shared>> -> memref<128x16xf32, #tpu.memory_space<vmem_shared>>
        %dma_wait3A_120 = arith.constant 0 : i32
        %dma_wait3A_121 = tpu.memref_slice %arg17[%add3A_113, %dma_wait3A_120] : memref<10240x16xf32, #tpu.memory_space<vmem_shared>> -> memref<128x16xf32, #tpu.memory_space<vmem_shared>>
        tpu.wait_dma2 semaphore(%run_scoped3A : memref<!tpu.dma_semaphore, #tpu.memory_space<semaphore_mem>>) src(%arg34 : memref<128x16xf32, #tpu.memory_space<vmem>>) dst(%dma_wait3A_121 : memref<128x16xf32, #tpu.memory_space<vmem_shared>>)
        tpu.yield
      }) : () -> ()
    }
    %scan3A_17 = arith.constant 5 : i32
    %scan3A_18 = arith.constant 0 : i32
    %scan3A_19 = arith.constant 0 : i32
    %scan3A_20 = arith.constant 128 : i32
    %scan3A_21 = arith.addi %scan3A_19, %scan3A_20 : i32
    %scan3A_22 = arith.constant 1 : i32
    %scan3A_23 = scf.for %scan3A_106 = %scan3A_19 to %scan3A_21 step %scan3A_22 iter_args(%scan3A_107 = %scan3A_18) -> (i32)  : i32 {
      %broadcast_in_dim3A = arith.constant 1.000000e+00 : f32
      %broadcast_in_dim3A_108 = vector.broadcast %broadcast_in_dim3A : f32 to vector<16xf32>
      %swap3A = arith.index_cast %scan3A_106 : i32 to index
      %swap3A_109 = arith.constant 0 : index
      %swap3A_110 = tpu.vector_load %arg34[%swap3A, %swap3A_109] {strides = array<i32>} : memref<128x16xf32, #tpu.memory_space<vmem>>, vector<1x16xf32>,
      %swap3A_111 = vector.shape_cast %swap3A_110 : vector<1x16xf32> to vector<16xf32>
      %swap3A_112 = vector.shape_cast %broadcast_in_dim3A_108 : vector<16xf32> to vector<1x16xf32>
      tpu.vector_store %arg34[%swap3A, %swap3A_109], %swap3A_112 {strides = array<i32>} : memref<128x16xf32, #tpu.memory_space<vmem>>, vector<1x16xf32>,
      %scan3A_113 = arith.constant 0 : i32
      scf.yield %scan3A_113 : i32
    }
    %scan3A_24 = arith.constant 128 : i32
    %barrier3A = arith.constant 0 : index
    tpu.barrier barrier_id(%barrier3A)
    %dma_start3A = tpu.memref_slice %arg6[%mul3A_6] : memref<327680xi32, #tpu.memory_space<hbm>> -> memref<128xi32, #tpu.memory_space<hbm>>
    %dma_start3A_25 = tpu.memref_slice %arg6[%mul3A_6] : memref<327680xi32, #tpu.memory_space<hbm>> -> memref<128xi32, #tpu.memory_space<hbm>>
    tpu.enqueue_dma source(%dma_start3A_25 : memref<128xi32, #tpu.memory_space<hbm>>) target(%arg26 : memref<128xi32, #tpu.memory_space<vmem>>) target_semaphore(%arg35 : memref<!tpu.dma_semaphore, #tpu.memory_space<semaphore_mem>>)
    %dma_start3A_26 = tpu.memref_slice %arg7[%mul3A_6] : memref<327680xi32, #tpu.memory_space<hbm>> -> memref<128xi32, #tpu.memory_space<hbm>>
    %dma_start3A_27 = tpu.memref_slice %arg7[%mul3A_6] : memref<327680xi32, #tpu.memory_space<hbm>> -> memref<128xi32, #tpu.memory_space<hbm>>
    tpu.enqueue_dma source(%dma_start3A_27 : memref<128xi32, #tpu.memory_space<hbm>>) target(%arg30 : memref<128xi32, #tpu.memory_space<vmem>>) target_semaphore(%arg35 : memref<!tpu.dma_semaphore, #tpu.memory_space<semaphore_mem>>)
    %scan3A_28 = arith.constant 0 : i32
    %scan3A_29 = arith.constant 20 : i32
    %scan3A_30 = arith.addi %scan3A_28, %scan3A_29 : i32
    %scan3A_31 = arith.constant 1 : i32
    scf.for %scan3A_106 = %scan3A_28 to %scan3A_30 step %scan3A_31  : i32 {
      %mul3A_107 = arith.constant 1 : i32
      %mul3A_108 = arith.muli %scan3A_106, %mul3A_107 : i32
      %add3A_109 = arith.constant 0 : i32
      %add3A_110 = arith.addi %add3A_109, %mul3A_108 : i32
      %mul3A_111 = arith.constant 4 : i32
      %mul3A_112 = arith.muli %add3A_110, %mul3A_111 : i32
      %add3A_113 = arith.constant 0 : i32
      %add3A_114 = arith.addi %mul3A_112, %add3A_113 : i32
      %dma_wait3A_115 = arith.constant 0 : i32
      %dma_wait3A_116 = tpu.memref_slice %arg6[%dma_wait3A_115] : memref<327680xi32, #tpu.memory_space<hbm>> -> memref<128xi32, #tpu.memory_space<hbm>>
      %dma_wait3A_117 = arith.constant 0 : i32
      %dma_wait3A_118 = tpu.memref_slice %arg6[%dma_wait3A_117] : memref<327680xi32, #tpu.memory_space<hbm>> -> memref<128xi32, #tpu.memory_space<hbm>>
      tpu.wait_dma2 semaphore(%arg35 : memref<!tpu.dma_semaphore, #tpu.memory_space<semaphore_mem>>) src(%dma_wait3A_118 : memref<128xi32, #tpu.memory_space<hbm>>) dst(%arg26 : memref<128xi32, #tpu.memory_space<vmem>>)
      %dma_wait3A_119 = arith.constant 0 : i32
      %dma_wait3A_120 = tpu.memref_slice %arg6[%dma_wait3A_119] : memref<327680xi32, #tpu.memory_space<hbm>> -> memref<128xi32, #tpu.memory_space<hbm>>
      %dma_wait3A_121 = arith.constant 0 : i32
      %dma_wait3A_122 = tpu.memref_slice %arg6[%dma_wait3A_121] : memref<327680xi32, #tpu.memory_space<hbm>> -> memref<128xi32, #tpu.memory_space<hbm>>
      tpu.wait_dma2 semaphore(%arg35 : memref<!tpu.dma_semaphore, #tpu.memory_space<semaphore_mem>>) src(%dma_wait3A_122 : memref<128xi32, #tpu.memory_space<hbm>>) dst(%arg30 : memref<128xi32, #tpu.memory_space<vmem>>)
      %ge3A = arith.constant 2 : i32
      %ge3A_123 = arith.cmpi sge, %add3A_114, %ge3A : i32
      %convert_element_type3A = arith.extui %ge3A_123 : i1 to i32
      %cond3A = arith.constant 0 : i32
      %cond3A_124 = arith.cmpi ne, %convert_element_type3A, %cond3A : i32
      scf.if %cond3A_124 {
        %dma_wait3A_375 = arith.constant 0 : i32
        %dma_wait3A_376 = arith.constant 0 : i32
        %dma_wait3A_377 = tpu.memref_slice %arg2[%dma_wait3A_375, %dma_wait3A_376] : memref<10240x32xf32, #tpu.memory_space<hbm>> -> memref<128x32xf32, #tpu.memory_space<hbm>>
        %dma_wait3A_378 = arith.constant 0 : i32
        %dma_wait3A_379 = arith.constant 0 : i32
        %dma_wait3A_380 = tpu.memref_slice %arg2[%dma_wait3A_378, %dma_wait3A_379] : memref<10240x32xf32, #tpu.memory_space<hbm>> -> memref<128x32xf32, #tpu.memory_space<hbm>>
        tpu.wait_dma2 semaphore(%arg38 : memref<!tpu.dma_semaphore, #tpu.memory_space<semaphore_mem>>) src(%dma_wait3A_380 : memref<128x32xf32, #tpu.memory_space<hbm>>) dst(%arg18 : memref<128x32xf32, #tpu.memory_space<vmem>>)
        %dma_wait3A_381 = arith.constant 0 : i32
        %dma_wait3A_382 = arith.constant 0 : i32
        %dma_wait3A_383 = tpu.memref_slice %arg3[%dma_wait3A_381, %dma_wait3A_382] : memref<10240x32xf32, #tpu.memory_space<hbm>> -> memref<128x32xf32, #tpu.memory_space<hbm>>
        %dma_wait3A_384 = arith.constant 0 : i32
        %dma_wait3A_385 = arith.constant 0 : i32
        %dma_wait3A_386 = tpu.memref_slice %arg3[%dma_wait3A_384, %dma_wait3A_385] : memref<10240x32xf32, #tpu.memory_space<hbm>> -> memref<128x32xf32, #tpu.memory_space<hbm>>
        tpu.wait_dma2 semaphore(%arg38 : memref<!tpu.dma_semaphore, #tpu.memory_space<semaphore_mem>>) src(%dma_wait3A_386 : memref<128x32xf32, #tpu.memory_space<hbm>>) dst(%arg19 : memref<128x32xf32, #tpu.memory_space<vmem>>)
        %dma_wait3A_387 = arith.constant 0 : i32
        %dma_wait3A_388 = arith.constant 0 : i32
        %dma_wait3A_389 = tpu.memref_slice %arg4[%dma_wait3A_387, %dma_wait3A_388] : memref<10240x32xf32, #tpu.memory_space<hbm>> -> memref<128x32xf32, #tpu.memory_space<hbm>>
        %dma_wait3A_390 = arith.constant 0 : i32
        %dma_wait3A_391 = arith.constant 0 : i32
        %dma_wait3A_392 = tpu.memref_slice %arg4[%dma_wait3A_390, %dma_wait3A_391] : memref<10240x32xf32, #tpu.memory_space<hbm>> -> memref<128x32xf32, #tpu.memory_space<hbm>>
        tpu.wait_dma2 semaphore(%arg38 : memref<!tpu.dma_semaphore, #tpu.memory_space<semaphore_mem>>) src(%dma_wait3A_392 : memref<128x32xf32, #tpu.memory_space<hbm>>) dst(%arg20 : memref<128x32xf32, #tpu.memory_space<vmem>>)
        %dma_wait3A_393 = arith.constant 0 : i32
        %dma_wait3A_394 = arith.constant 0 : i32
        %dma_wait3A_395 = tpu.memref_slice %arg5[%dma_wait3A_393, %dma_wait3A_394] : memref<10240x32xf32, #tpu.memory_space<hbm>> -> memref<128x32xf32, #tpu.memory_space<hbm>>
        %dma_wait3A_396 = arith.constant 0 : i32
        %dma_wait3A_397 = arith.constant 0 : i32
        %dma_wait3A_398 = tpu.memref_slice %arg5[%dma_wait3A_396, %dma_wait3A_397] : memref<10240x32xf32, #tpu.memory_space<hbm>> -> memref<128x32xf32, #tpu.memory_space<hbm>>
        tpu.wait_dma2 semaphore(%arg38 : memref<!tpu.dma_semaphore, #tpu.memory_space<semaphore_mem>>) src(%dma_wait3A_398 : memref<128x32xf32, #tpu.memory_space<hbm>>) dst(%arg21 : memref<128x32xf32, #tpu.memory_space<vmem>>)
        %dma_wait3A_399 = arith.constant 0 : i32
        %dma_wait3A_400 = arith.constant 0 : i32
        %dma_wait3A_401 = tpu.memref_slice %arg12[%dma_wait3A_399, %dma_wait3A_400] : memref<20480x16xf32, #tpu.memory_space<hbm>> -> memref<128x16xf32, #tpu.memory_space<hbm>>
        %dma_wait3A_402 = arith.constant 0 : i32
        %dma_wait3A_403 = arith.constant 0 : i32
        %dma_wait3A_404 = tpu.memref_slice %arg12[%dma_wait3A_402, %dma_wait3A_403] : memref<20480x16xf32, #tpu.memory_space<hbm>> -> memref<128x16xf32, #tpu.memory_space<hbm>>
        tpu.wait_dma2 semaphore(%arg38 : memref<!tpu.dma_semaphore, #tpu.memory_space<semaphore_mem>>) src(%dma_wait3A_404 : memref<128x16xf32, #tpu.memory_space<hbm>>) dst(%arg34 : memref<128x16xf32, #tpu.memory_space<vmem>>)
      } else {
      }
      %add3A_125 = arith.constant 1 : i32
      %add3A_126 = arith.addi %add3A_114, %add3A_125 : i32
      %rem3A = arith.constant 80 : i32
      %rem3A_127 = arith.remsi %add3A_126, %rem3A : i32
      %mul3A_128 = arith.constant 128 : i32
      %mul3A_129 = arith.muli %rem3A_127, %mul3A_128 : i32
      %add3A_130 = arith.addi %mul3A_6, %mul3A_129 : i32
      %dma_start3A_131 = tpu.memref_slice %arg6[%add3A_130] : memref<327680xi32, #tpu.memory_space<hbm>> -> memref<128xi32, #tpu.memory_space<hbm>>
      %dma_start3A_132 = tpu.memref_slice %arg6[%add3A_130] : memref<327680xi32, #tpu.memory_space<hbm>> -> memref<128xi32, #tpu.memory_space<hbm>>
      tpu.enqueue_dma source(%dma_start3A_132 : memref<128xi32, #tpu.memory_space<hbm>>) target(%arg27 : memref<128xi32, #tpu.memory_space<vmem>>) target_semaphore(%arg35 : memref<!tpu.dma_semaphore, #tpu.memory_space<semaphore_mem>>)
      %dma_start3A_133 = tpu.memref_slice %arg7[%add3A_130] : memref<327680xi32, #tpu.memory_space<hbm>> -> memref<128xi32, #tpu.memory_space<hbm>>
      %dma_start3A_134 = tpu.memref_slice %arg7[%add3A_130] : memref<327680xi32, #tpu.memory_space<hbm>> -> memref<128xi32, #tpu.memory_space<hbm>>
      tpu.enqueue_dma source(%dma_start3A_134 : memref<128xi32, #tpu.memory_space<hbm>>) target(%arg31 : memref<128xi32, #tpu.memory_space<vmem>>) target_semaphore(%arg35 : memref<!tpu.dma_semaphore, #tpu.memory_space<semaphore_mem>>)
      %dma_start3A_135 = arith.constant 0 : i32
      %dma_start3A_136 = arith.constant 0 : i32
      %dma_start3A_137 = tpu.memref_slice %arg2[%dma_start3A_135, %dma_start3A_136] : memref<10240x32xf32, #tpu.memory_space<hbm>> -> memref<10240x32xf32, #tpu.memory_space<hbm>>
      tpu.enqueue_indirect_dma source(%dma_start3A_137 : memref<10240x32xf32, #tpu.memory_space<hbm>>) target(%arg18 : memref<128x32xf32, #tpu.memory_space<vmem>>) offsets(%arg26 : memref<128xi32, #tpu.memory_space<vmem>>) semaphore(%arg36 : memref<!tpu.dma_semaphore, #tpu.memory_space<semaphore_mem>>)
      %dma_start3A_138 = arith.constant 0 : i32
      %dma_start3A_139 = arith.constant 0 : i32
      %dma_start3A_140 = tpu.memref_slice %arg3[%dma_start3A_138, %dma_start3A_139] : memref<10240x32xf32, #tpu.memory_space<hbm>> -> memref<10240x32xf32, #tpu.memory_space<hbm>>
      tpu.enqueue_indirect_dma source(%dma_start3A_140 : memref<10240x32xf32, #tpu.memory_space<hbm>>) target(%arg19 : memref<128x32xf32, #tpu.memory_space<vmem>>) offsets(%arg26 : memref<128xi32, #tpu.memory_space<vmem>>) semaphore(%arg36 : memref<!tpu.dma_semaphore, #tpu.memory_space<semaphore_mem>>)
      %dma_start3A_141 = arith.constant 0 : i32
      %dma_start3A_142 = arith.constant 0 : i32
      %dma_start3A_143 = tpu.memref_slice %arg4[%dma_start3A_141, %dma_start3A_142] : memref<10240x32xf32, #tpu.memory_space<hbm>> -> memref<10240x32xf32, #tpu.memory_space<hbm>>
      tpu.enqueue_indirect_dma source(%dma_start3A_143 : memref<10240x32xf32, #tpu.memory_space<hbm>>) target(%arg20 : memref<128x32xf32, #tpu.memory_space<vmem>>) offsets(%arg26 : memref<128xi32, #tpu.memory_space<vmem>>) semaphore(%arg36 : memref<!tpu.dma_semaphore, #tpu.memory_space<semaphore_mem>>)
      %dma_start3A_144 = arith.constant 0 : i32
      %dma_start3A_145 = arith.constant 0 : i32
      %dma_start3A_146 = tpu.memref_slice %arg5[%dma_start3A_144, %dma_start3A_145] : memref<10240x32xf32, #tpu.memory_space<hbm>> -> memref<10240x32xf32, #tpu.memory_space<hbm>>
      tpu.enqueue_indirect_dma source(%dma_start3A_146 : memref<10240x32xf32, #tpu.memory_space<hbm>>) target(%arg21 : memref<128x32xf32, #tpu.memory_space<vmem>>) offsets(%arg26 : memref<128xi32, #tpu.memory_space<vmem>>) semaphore(%arg36 : memref<!tpu.dma_semaphore, #tpu.memory_space<semaphore_mem>>)
      %dma_wait3A_147 = arith.constant 0 : i32
      %dma_wait3A_148 = arith.constant 0 : i32
      %dma_wait3A_149 = tpu.memref_slice %arg2[%dma_wait3A_147, %dma_wait3A_148] : memref<10240x32xf32, #tpu.memory_space<hbm>> -> memref<10240x32xf32, #tpu.memory_space<hbm>>
      tpu.wait_indirect_dma semaphore(%arg36 : memref<!tpu.dma_semaphore, #tpu.memory_space<semaphore_mem>>) src(%dma_wait3A_149 : memref<10240x32xf32, #tpu.memory_space<hbm>>) dst(%arg18 : memref<128x32xf32, #tpu.memory_space<vmem>>)
      %dma_wait3A_150 = arith.constant 0 : i32
      %dma_wait3A_151 = arith.constant 0 : i32
      %dma_wait3A_152 = tpu.memref_slice %arg3[%dma_wait3A_150, %dma_wait3A_151] : memref<10240x32xf32, #tpu.memory_space<hbm>> -> memref<10240x32xf32, #tpu.memory_space<hbm>>
      tpu.wait_indirect_dma semaphore(%arg36 : memref<!tpu.dma_semaphore, #tpu.memory_space<semaphore_mem>>) src(%dma_wait3A_152 : memref<10240x32xf32, #tpu.memory_space<hbm>>) dst(%arg19 : memref<128x32xf32, #tpu.memory_space<vmem>>)
      %dma_wait3A_153 = arith.constant 0 : i32
      %dma_wait3A_154 = arith.constant 0 : i32
      %dma_wait3A_155 = tpu.memref_slice %arg4[%dma_wait3A_153, %dma_wait3A_154] : memref<10240x32xf32, #tpu.memory_space<hbm>> -> memref<10240x32xf32, #tpu.memory_space<hbm>>
      tpu.wait_indirect_dma semaphore(%arg36 : memref<!tpu.dma_semaphore, #tpu.memory_space<semaphore_mem>>) src(%dma_wait3A_155 : memref<10240x32xf32, #tpu.memory_space<hbm>>) dst(%arg20 : memref<128x32xf32, #tpu.memory_space<vmem>>)
      %dma_wait3A_156 = arith.constant 0 : i32
      %dma_wait3A_157 = arith.constant 0 : i32
      %dma_wait3A_158 = tpu.memref_slice %arg5[%dma_wait3A_156, %dma_wait3A_157] : memref<10240x32xf32, #tpu.memory_space<hbm>> -> memref<10240x32xf32, #tpu.memory_space<hbm>>
      tpu.wait_indirect_dma semaphore(%arg36 : memref<!tpu.dma_semaphore, #tpu.memory_space<semaphore_mem>>) src(%dma_wait3A_158 : memref<10240x32xf32, #tpu.memory_space<hbm>>) dst(%arg21 : memref<128x32xf32, #tpu.memory_space<vmem>>)
      %dma_start3A_159 = arith.constant 0 : i32
      %dma_start3A_160 = arith.constant 0 : i32
      %dma_start3A_161 = tpu.memref_slice %arg13[%dma_start3A_159, %dma_start3A_160] : memref<10240x32xf32, #tpu.memory_space<vmem_shared>> -> memref<10240x32xf32, #tpu.memory_space<vmem_shared>>
      tpu.enqueue_indirect_dma source(%arg18 : memref<128x32xf32, #tpu.memory_space<vmem>>) target(%dma_start3A_161 : memref<10240x32xf32, #tpu.memory_space<vmem_shared>>) offsets(%arg30 : memref<128xi32, #tpu.memory_space<vmem>>) semaphore(%arg38 : memref<!tpu.dma_semaphore, #tpu.memory_space<semaphore_mem>>) {add = true}
      %dma_start3A_162 = arith.constant 0 : i32
      %dma_start3A_163 = arith.constant 0 : i32
      %dma_start3A_164 = tpu.memref_slice %arg14[%dma_start3A_162, %dma_start3A_163] : memref<10240x32xf32, #tpu.memory_space<vmem_shared>> -> memref<10240x32xf32, #tpu.memory_space<vmem_shared>>
      tpu.enqueue_indirect_dma source(%arg19 : memref<128x32xf32, #tpu.memory_space<vmem>>) target(%dma_start3A_164 : memref<10240x32xf32, #tpu.memory_space<vmem_shared>>) offsets(%arg30 : memref<128xi32, #tpu.memory_space<vmem>>) semaphore(%arg38 : memref<!tpu.dma_semaphore, #tpu.memory_space<semaphore_mem>>) {add = true}
      %dma_start3A_165 = arith.constant 0 : i32
      %dma_start3A_166 = arith.constant 0 : i32
      %dma_start3A_167 = tpu.memref_slice %arg15[%dma_start3A_165, %dma_start3A_166] : memref<10240x32xf32, #tpu.memory_space<vmem_shared>> -> memref<10240x32xf32, #tpu.memory_space<vmem_shared>>
      tpu.enqueue_indirect_dma source(%arg20 : memref<128x32xf32, #tpu.memory_space<vmem>>) target(%dma_start3A_167 : memref<10240x32xf32, #tpu.memory_space<vmem_shared>>) offsets(%arg30 : memref<128xi32, #tpu.memory_space<vmem>>) semaphore(%arg38 : memref<!tpu.dma_semaphore, #tpu.memory_space<semaphore_mem>>) {add = true}
      %dma_start3A_168 = arith.constant 0 : i32
      %dma_start3A_169 = arith.constant 0 : i32
      %dma_start3A_170 = tpu.memref_slice %arg16[%dma_start3A_168, %dma_start3A_169] : memref<10240x32xf32, #tpu.memory_space<vmem_shared>> -> memref<10240x32xf32, #tpu.memory_space<vmem_shared>>
      tpu.enqueue_indirect_dma source(%arg21 : memref<128x32xf32, #tpu.memory_space<vmem>>) target(%dma_start3A_170 : memref<10240x32xf32, #tpu.memory_space<vmem_shared>>) offsets(%arg30 : memref<128xi32, #tpu.memory_space<vmem>>) semaphore(%arg38 : memref<!tpu.dma_semaphore, #tpu.memory_space<semaphore_mem>>) {add = true}
      %dma_start3A_171 = arith.constant 0 : i32
      %dma_start3A_172 = arith.constant 0 : i32
      %dma_start3A_173 = tpu.memref_slice %arg17[%dma_start3A_171, %dma_start3A_172] : memref<10240x16xf32, #tpu.memory_space<vmem_shared>> -> memref<10240x16xf32, #tpu.memory_space<vmem_shared>>
      tpu.enqueue_indirect_dma source(%arg34 : memref<128x16xf32, #tpu.memory_space<vmem>>) target(%dma_start3A_173 : memref<10240x16xf32, #tpu.memory_space<vmem_shared>>) offsets(%arg30 : memref<128xi32, #tpu.memory_space<vmem>>) semaphore(%arg38 : memref<!tpu.dma_semaphore, #tpu.memory_space<semaphore_mem>>) {add = true}
      %mul3A_174 = arith.constant 4 : i32
      %mul3A_175 = arith.muli %add3A_110, %mul3A_174 : i32
      %add3A_176 = arith.constant 1 : i32
      %add3A_177 = arith.addi %mul3A_175, %add3A_176 : i32
      %dma_wait3A_178 = arith.constant 0 : i32
      %dma_wait3A_179 = tpu.memref_slice %arg6[%dma_wait3A_178] : memref<327680xi32, #tpu.memory_space<hbm>> -> memref<128xi32, #tpu.memory_space<hbm>>
      %dma_wait3A_180 = arith.constant 0 : i32
      %dma_wait3A_181 = tpu.memref_slice %arg6[%dma_wait3A_180] : memref<327680xi32, #tpu.memory_space<hbm>> -> memref<128xi32, #tpu.memory_space<hbm>>
      tpu.wait_dma2 semaphore(%arg35 : memref<!tpu.dma_semaphore, #tpu.memory_space<semaphore_mem>>) src(%dma_wait3A_181 : memref<128xi32, #tpu.memory_space<hbm>>) dst(%arg26 : memref<128xi32, #tpu.memory_space<vmem>>)
      %dma_wait3A_182 = arith.constant 0 : i32
      %dma_wait3A_183 = tpu.memref_slice %arg6[%dma_wait3A_182] : memref<327680xi32, #tpu.memory_space<hbm>> -> memref<128xi32, #tpu.memory_space<hbm>>
      %dma_wait3A_184 = arith.constant 0 : i32
      %dma_wait3A_185 = tpu.memref_slice %arg6[%dma_wait3A_184] : memref<327680xi32, #tpu.memory_space<hbm>> -> memref<128xi32, #tpu.memory_space<hbm>>
      tpu.wait_dma2 semaphore(%arg35 : memref<!tpu.dma_semaphore, #tpu.memory_space<semaphore_mem>>) src(%dma_wait3A_185 : memref<128xi32, #tpu.memory_space<hbm>>) dst(%arg30 : memref<128xi32, #tpu.memory_space<vmem>>)
      %ge3A_186 = arith.constant 2 : i32
      %ge3A_187 = arith.cmpi sge, %add3A_177, %ge3A_186 : i32
      %convert_element_type3A_188 = arith.extui %ge3A_187 : i1 to i32
      %cond3A_189 = arith.constant 0 : i32
      %cond3A_190 = arith.cmpi ne, %convert_element_type3A_188, %cond3A_189 : i32
      scf.if %cond3A_190 {
        %dma_wait3A_375 = arith.constant 0 : i32
        %dma_wait3A_376 = arith.constant 0 : i32
        %dma_wait3A_377 = tpu.memref_slice %arg2[%dma_wait3A_375, %dma_wait3A_376] : memref<10240x32xf32, #tpu.memory_space<hbm>> -> memref<128x32xf32, #tpu.memory_space<hbm>>
        %dma_wait3A_378 = arith.constant 0 : i32
        %dma_wait3A_379 = arith.constant 0 : i32
        %dma_wait3A_380 = tpu.memref_slice %arg2[%dma_wait3A_378, %dma_wait3A_379] : memref<10240x32xf32, #tpu.memory_space<hbm>> -> memref<128x32xf32, #tpu.memory_space<hbm>>
        tpu.wait_dma2 semaphore(%arg39 : memref<!tpu.dma_semaphore, #tpu.memory_space<semaphore_mem>>) src(%dma_wait3A_380 : memref<128x32xf32, #tpu.memory_space<hbm>>) dst(%arg22 : memref<128x32xf32, #tpu.memory_space<vmem>>)
        %dma_wait3A_381 = arith.constant 0 : i32
        %dma_wait3A_382 = arith.constant 0 : i32
        %dma_wait3A_383 = tpu.memref_slice %arg3[%dma_wait3A_381, %dma_wait3A_382] : memref<10240x32xf32, #tpu.memory_space<hbm>> -> memref<128x32xf32, #tpu.memory_space<hbm>>
        %dma_wait3A_384 = arith.constant 0 : i32
        %dma_wait3A_385 = arith.constant 0 : i32
        %dma_wait3A_386 = tpu.memref_slice %arg3[%dma_wait3A_384, %dma_wait3A_385] : memref<10240x32xf32, #tpu.memory_space<hbm>> -> memref<128x32xf32, #tpu.memory_space<hbm>>
        tpu.wait_dma2 semaphore(%arg39 : memref<!tpu.dma_semaphore, #tpu.memory_space<semaphore_mem>>) src(%dma_wait3A_386 : memref<128x32xf32, #tpu.memory_space<hbm>>) dst(%arg23 : memref<128x32xf32, #tpu.memory_space<vmem>>)
        %dma_wait3A_387 = arith.constant 0 : i32
        %dma_wait3A_388 = arith.constant 0 : i32
        %dma_wait3A_389 = tpu.memref_slice %arg4[%dma_wait3A_387, %dma_wait3A_388] : memref<10240x32xf32, #tpu.memory_space<hbm>> -> memref<128x32xf32, #tpu.memory_space<hbm>>
        %dma_wait3A_390 = arith.constant 0 : i32
        %dma_wait3A_391 = arith.constant 0 : i32
        %dma_wait3A_392 = tpu.memref_slice %arg4[%dma_wait3A_390, %dma_wait3A_391] : memref<10240x32xf32, #tpu.memory_space<hbm>> -> memref<128x32xf32, #tpu.memory_space<hbm>>
        tpu.wait_dma2 semaphore(%arg39 : memref<!tpu.dma_semaphore, #tpu.memory_space<semaphore_mem>>) src(%dma_wait3A_392 : memref<128x32xf32, #tpu.memory_space<hbm>>) dst(%arg24 : memref<128x32xf32, #tpu.memory_space<vmem>>)
        %dma_wait3A_393 = arith.constant 0 : i32
        %dma_wait3A_394 = arith.constant 0 : i32
        %dma_wait3A_395 = tpu.memref_slice %arg5[%dma_wait3A_393, %dma_wait3A_394] : memref<10240x32xf32, #tpu.memory_space<hbm>> -> memref<128x32xf32, #tpu.memory_space<hbm>>
        %dma_wait3A_396 = arith.constant 0 : i32
        %dma_wait3A_397 = arith.constant 0 : i32
        %dma_wait3A_398 = tpu.memref_slice %arg5[%dma_wait3A_396, %dma_wait3A_397] : memref<10240x32xf32, #tpu.memory_space<hbm>> -> memref<128x32xf32, #tpu.memory_space<hbm>>
        tpu.wait_dma2 semaphore(%arg39 : memref<!tpu.dma_semaphore, #tpu.memory_space<semaphore_mem>>) src(%dma_wait3A_398 : memref<128x32xf32, #tpu.memory_space<hbm>>) dst(%arg25 : memref<128x32xf32, #tpu.memory_space<vmem>>)
        %dma_wait3A_399 = arith.constant 0 : i32
        %dma_wait3A_400 = arith.constant 0 : i32
        %dma_wait3A_401 = tpu.memref_slice %arg12[%dma_wait3A_399, %dma_wait3A_400] : memref<20480x16xf32, #tpu.memory_space<hbm>> -> memref<128x16xf32, #tpu.memory_space<hbm>>
        %dma_wait3A_402 = arith.constant 0 : i32
        %dma_wait3A_403 = arith.constant 0 : i32
        %dma_wait3A_404 = tpu.memref_slice %arg12[%dma_wait3A_402, %dma_wait3A_403] : memref<20480x16xf32, #tpu.memory_space<hbm>> -> memref<128x16xf32, #tpu.memory_space<hbm>>
        tpu.wait_dma2 semaphore(%arg39 : memref<!tpu.dma_semaphore, #tpu.memory_space<semaphore_mem>>) src(%dma_wait3A_404 : memref<128x16xf32, #tpu.memory_space<hbm>>) dst(%arg34 : memref<128x16xf32, #tpu.memory_space<vmem>>)
      } else {
      }
      %add3A_191 = arith.constant 1 : i32
      %add3A_192 = arith.addi %add3A_177, %add3A_191 : i32
      %rem3A_193 = arith.constant 80 : i32
      %rem3A_194 = arith.remsi %add3A_192, %rem3A_193 : i32
      %mul3A_195 = arith.constant 128 : i32
      %mul3A_196 = arith.muli %rem3A_194, %mul3A_195 : i32
      %add3A_197 = arith.addi %mul3A_6, %mul3A_196 : i32
      %dma_start3A_198 = tpu.memref_slice %arg6[%add3A_197] : memref<327680xi32, #tpu.memory_space<hbm>> -> memref<128xi32, #tpu.memory_space<hbm>>
      %dma_start3A_199 = tpu.memref_slice %arg6[%add3A_197] : memref<327680xi32, #tpu.memory_space<hbm>> -> memref<128xi32, #tpu.memory_space<hbm>>
      tpu.enqueue_dma source(%dma_start3A_199 : memref<128xi32, #tpu.memory_space<hbm>>) target(%arg28 : memref<128xi32, #tpu.memory_space<vmem>>) target_semaphore(%arg35 : memref<!tpu.dma_semaphore, #tpu.memory_space<semaphore_mem>>)
      %dma_start3A_200 = tpu.memref_slice %arg7[%add3A_197] : memref<327680xi32, #tpu.memory_space<hbm>> -> memref<128xi32, #tpu.memory_space<hbm>>
      %dma_start3A_201 = tpu.memref_slice %arg7[%add3A_197] : memref<327680xi32, #tpu.memory_space<hbm>> -> memref<128xi32, #tpu.memory_space<hbm>>
      tpu.enqueue_dma source(%dma_start3A_201 : memref<128xi32, #tpu.memory_space<hbm>>) target(%arg32 : memref<128xi32, #tpu.memory_space<vmem>>) target_semaphore(%arg35 : memref<!tpu.dma_semaphore, #tpu.memory_space<semaphore_mem>>)
      %dma_start3A_202 = arith.constant 0 : i32
      %dma_start3A_203 = arith.constant 0 : i32
      %dma_start3A_204 = tpu.memref_slice %arg2[%dma_start3A_202, %dma_start3A_203] : memref<10240x32xf32, #tpu.memory_space<hbm>> -> memref<10240x32xf32, #tpu.memory_space<hbm>>
      tpu.enqueue_indirect_dma source(%dma_start3A_204 : memref<10240x32xf32, #tpu.memory_space<hbm>>) target(%arg22 : memref<128x32xf32, #tpu.memory_space<vmem>>) offsets(%arg27 : memref<128xi32, #tpu.memory_space<vmem>>) semaphore(%arg37 : memref<!tpu.dma_semaphore, #tpu.memory_space<semaphore_mem>>)
      %dma_start3A_205 = arith.constant 0 : i32
      %dma_start3A_206 = arith.constant 0 : i32
      %dma_start3A_207 = tpu.memref_slice %arg3[%dma_start3A_205, %dma_start3A_206] : memref<10240x32xf32, #tpu.memory_space<hbm>> -> memref<10240x32xf32, #tpu.memory_space<hbm>>
      tpu.enqueue_indirect_dma source(%dma_start3A_207 : memref<10240x32xf32, #tpu.memory_space<hbm>>) target(%arg23 : memref<128x32xf32, #tpu.memory_space<vmem>>) offsets(%arg27 : memref<128xi32, #tpu.memory_space<vmem>>) semaphore(%arg37 : memref<!tpu.dma_semaphore, #tpu.memory_space<semaphore_mem>>)
      %dma_start3A_208 = arith.constant 0 : i32
      %dma_start3A_209 = arith.constant 0 : i32
      %dma_start3A_210 = tpu.memref_slice %arg4[%dma_start3A_208, %dma_start3A_209] : memref<10240x32xf32, #tpu.memory_space<hbm>> -> memref<10240x32xf32, #tpu.memory_space<hbm>>
      tpu.enqueue_indirect_dma source(%dma_start3A_210 : memref<10240x32xf32, #tpu.memory_space<hbm>>) target(%arg24 : memref<128x32xf32, #tpu.memory_space<vmem>>) offsets(%arg27 : memref<128xi32, #tpu.memory_space<vmem>>) semaphore(%arg37 : memref<!tpu.dma_semaphore, #tpu.memory_space<semaphore_mem>>)
      %dma_start3A_211 = arith.constant 0 : i32
      %dma_start3A_212 = arith.constant 0 : i32
      %dma_start3A_213 = tpu.memref_slice %arg5[%dma_start3A_211, %dma_start3A_212] : memref<10240x32xf32, #tpu.memory_space<hbm>> -> memref<10240x32xf32, #tpu.memory_space<hbm>>
      tpu.enqueue_indirect_dma source(%dma_start3A_213 : memref<10240x32xf32, #tpu.memory_space<hbm>>) target(%arg25 : memref<128x32xf32, #tpu.memory_space<vmem>>) offsets(%arg27 : memref<128xi32, #tpu.memory_space<vmem>>) semaphore(%arg37 : memref<!tpu.dma_semaphore, #tpu.memory_space<semaphore_mem>>)
      %dma_wait3A_214 = arith.constant 0 : i32
      %dma_wait3A_215 = arith.constant 0 : i32
      %dma_wait3A_216 = tpu.memref_slice %arg2[%dma_wait3A_214, %dma_wait3A_215] : memref<10240x32xf32, #tpu.memory_space<hbm>> -> memref<10240x32xf32, #tpu.memory_space<hbm>>
      tpu.wait_indirect_dma semaphore(%arg37 : memref<!tpu.dma_semaphore, #tpu.memory_space<semaphore_mem>>) src(%dma_wait3A_216 : memref<10240x32xf32, #tpu.memory_space<hbm>>) dst(%arg22 : memref<128x32xf32, #tpu.memory_space<vmem>>)
      %dma_wait3A_217 = arith.constant 0 : i32
      %dma_wait3A_218 = arith.constant 0 : i32
      %dma_wait3A_219 = tpu.memref_slice %arg3[%dma_wait3A_217, %dma_wait3A_218] : memref<10240x32xf32, #tpu.memory_space<hbm>> -> memref<10240x32xf32, #tpu.memory_space<hbm>>
      tpu.wait_indirect_dma semaphore(%arg37 : memref<!tpu.dma_semaphore, #tpu.memory_space<semaphore_mem>>) src(%dma_wait3A_219 : memref<10240x32xf32, #tpu.memory_space<hbm>>) dst(%arg23 : memref<128x32xf32, #tpu.memory_space<vmem>>)
      %dma_wait3A_220 = arith.constant 0 : i32
      %dma_wait3A_221 = arith.constant 0 : i32
      %dma_wait3A_222 = tpu.memref_slice %arg4[%dma_wait3A_220, %dma_wait3A_221] : memref<10240x32xf32, #tpu.memory_space<hbm>> -> memref<10240x32xf32, #tpu.memory_space<hbm>>
      tpu.wait_indirect_dma semaphore(%arg37 : memref<!tpu.dma_semaphore, #tpu.memory_space<semaphore_mem>>) src(%dma_wait3A_222 : memref<10240x32xf32, #tpu.memory_space<hbm>>) dst(%arg24 : memref<128x32xf32, #tpu.memory_space<vmem>>)
      %dma_wait3A_223 = arith.constant 0 : i32
      %dma_wait3A_224 = arith.constant 0 : i32
      %dma_wait3A_225 = tpu.memref_slice %arg5[%dma_wait3A_223, %dma_wait3A_224] : memref<10240x32xf32, #tpu.memory_space<hbm>> -> memref<10240x32xf32, #tpu.memory_space<hbm>>
      tpu.wait_indirect_dma semaphore(%arg37 : memref<!tpu.dma_semaphore, #tpu.memory_space<semaphore_mem>>) src(%dma_wait3A_225 : memref<10240x32xf32, #tpu.memory_space<hbm>>) dst(%arg25 : memref<128x32xf32, #tpu.memory_space<vmem>>)
      %dma_start3A_226 = arith.constant 0 : i32
      %dma_start3A_227 = arith.constant 0 : i32
      %dma_start3A_228 = tpu.memref_slice %arg13[%dma_start3A_226, %dma_start3A_227] : memref<10240x32xf32, #tpu.memory_space<vmem_shared>> -> memref<10240x32xf32, #tpu.memory_space<vmem_shared>>
      tpu.enqueue_indirect_dma source(%arg22 : memref<128x32xf32, #tpu.memory_space<vmem>>) target(%dma_start3A_228 : memref<10240x32xf32, #tpu.memory_space<vmem_shared>>) offsets(%arg31 : memref<128xi32, #tpu.memory_space<vmem>>) semaphore(%arg39 : memref<!tpu.dma_semaphore, #tpu.memory_space<semaphore_mem>>) {add = true}
      %dma_start3A_229 = arith.constant 0 : i32
      %dma_start3A_230 = arith.constant 0 : i32
      %dma_start3A_231 = tpu.memref_slice %arg14[%dma_start3A_229, %dma_start3A_230] : memref<10240x32xf32, #tpu.memory_space<vmem_shared>> -> memref<10240x32xf32, #tpu.memory_space<vmem_shared>>
      tpu.enqueue_indirect_dma source(%arg23 : memref<128x32xf32, #tpu.memory_space<vmem>>) target(%dma_start3A_231 : memref<10240x32xf32, #tpu.memory_space<vmem_shared>>) offsets(%arg31 : memref<128xi32, #tpu.memory_space<vmem>>) semaphore(%arg39 : memref<!tpu.dma_semaphore, #tpu.memory_space<semaphore_mem>>) {add = true}
      %dma_start3A_232 = arith.constant 0 : i32
      %dma_start3A_233 = arith.constant 0 : i32
      %dma_start3A_234 = tpu.memref_slice %arg15[%dma_start3A_232, %dma_start3A_233] : memref<10240x32xf32, #tpu.memory_space<vmem_shared>> -> memref<10240x32xf32, #tpu.memory_space<vmem_shared>>
      tpu.enqueue_indirect_dma source(%arg24 : memref<128x32xf32, #tpu.memory_space<vmem>>) target(%dma_start3A_234 : memref<10240x32xf32, #tpu.memory_space<vmem_shared>>) offsets(%arg31 : memref<128xi32, #tpu.memory_space<vmem>>) semaphore(%arg39 : memref<!tpu.dma_semaphore, #tpu.memory_space<semaphore_mem>>) {add = true}
      %dma_start3A_235 = arith.constant 0 : i32
      %dma_start3A_236 = arith.constant 0 : i32
      %dma_start3A_237 = tpu.memref_slice %arg16[%dma_start3A_235, %dma_start3A_236] : memref<10240x32xf32, #tpu.memory_space<vmem_shared>> -> memref<10240x32xf32, #tpu.memory_space<vmem_shared>>
      tpu.enqueue_indirect_dma source(%arg25 : memref<128x32xf32, #tpu.memory_space<vmem>>) target(%dma_start3A_237 : memref<10240x32xf32, #tpu.memory_space<vmem_shared>>) offsets(%arg31 : memref<128xi32, #tpu.memory_space<vmem>>) semaphore(%arg39 : memref<!tpu.dma_semaphore, #tpu.memory_space<semaphore_mem>>) {add = true}
      %dma_start3A_238 = arith.constant 0 : i32
      %dma_start3A_239 = arith.constant 0 : i32
      %dma_start3A_240 = tpu.memref_slice %arg17[%dma_start3A_238, %dma_start3A_239] : memref<10240x16xf32, #tpu.memory_space<vmem_shared>> -> memref<10240x16xf32, #tpu.memory_space<vmem_shared>>
      tpu.enqueue_indirect_dma source(%arg34 : memref<128x16xf32, #tpu.memory_space<vmem>>) target(%dma_start3A_240 : memref<10240x16xf32, #tpu.memory_space<vmem_shared>>) offsets(%arg31 : memref<128xi32, #tpu.memory_space<vmem>>) semaphore(%arg39 : memref<!tpu.dma_semaphore, #tpu.memory_space<semaphore_mem>>) {add = true}
      %mul3A_241 = arith.constant 4 : i32
      %mul3A_242 = arith.muli %add3A_110, %mul3A_241 : i32
      %add3A_243 = arith.constant 2 : i32
      %add3A_244 = arith.addi %mul3A_242, %add3A_243 : i32
      %dma_wait3A_245 = arith.constant 0 : i32
      %dma_wait3A_246 = tpu.memref_slice %arg6[%dma_wait3A_245] : memref<327680xi32, #tpu.memory_space<hbm>> -> memref<128xi32, #tpu.memory_space<hbm>>
      %dma_wait3A_247 = arith.constant 0 : i32
      %dma_wait3A_248 = tpu.memref_slice %arg6[%dma_wait3A_247] : memref<327680xi32, #tpu.memory_space<hbm>> -> memref<128xi32, #tpu.memory_space<hbm>>
      tpu.wait_dma2 semaphore(%arg35 : memref<!tpu.dma_semaphore, #tpu.memory_space<semaphore_mem>>) src(%dma_wait3A_248 : memref<128xi32, #tpu.memory_space<hbm>>) dst(%arg26 : memref<128xi32, #tpu.memory_space<vmem>>)
      %dma_wait3A_249 = arith.constant 0 : i32
      %dma_wait3A_250 = tpu.memref_slice %arg6[%dma_wait3A_249] : memref<327680xi32, #tpu.memory_space<hbm>> -> memref<128xi32, #tpu.memory_space<hbm>>
      %dma_wait3A_251 = arith.constant 0 : i32
      %dma_wait3A_252 = tpu.memref_slice %arg6[%dma_wait3A_251] : memref<327680xi32, #tpu.memory_space<hbm>> -> memref<128xi32, #tpu.memory_space<hbm>>
      tpu.wait_dma2 semaphore(%arg35 : memref<!tpu.dma_semaphore, #tpu.memory_space<semaphore_mem>>) src(%dma_wait3A_252 : memref<128xi32, #tpu.memory_space<hbm>>) dst(%arg30 : memref<128xi32, #tpu.memory_space<vmem>>)
      %ge3A_253 = arith.constant 2 : i32
      %ge3A_254 = arith.cmpi sge, %add3A_244, %ge3A_253 : i32
      %convert_element_type3A_255 = arith.extui %ge3A_254 : i1 to i32
      %cond3A_256 = arith.constant 0 : i32
      %cond3A_257 = arith.cmpi ne, %convert_element_type3A_255, %cond3A_256 : i32
      scf.if %cond3A_257 {
        %dma_wait3A_375 = arith.constant 0 : i32
        %dma_wait3A_376 = arith.constant 0 : i32
        %dma_wait3A_377 = tpu.memref_slice %arg2[%dma_wait3A_375, %dma_wait3A_376] : memref<10240x32xf32, #tpu.memory_space<hbm>> -> memref<128x32xf32, #tpu.memory_space<hbm>>
        %dma_wait3A_378 = arith.constant 0 : i32
        %dma_wait3A_379 = arith.constant 0 : i32
        %dma_wait3A_380 = tpu.memref_slice %arg2[%dma_wait3A_378, %dma_wait3A_379] : memref<10240x32xf32, #tpu.memory_space<hbm>> -> memref<128x32xf32, #tpu.memory_space<hbm>>
        tpu.wait_dma2 semaphore(%arg38 : memref<!tpu.dma_semaphore, #tpu.memory_space<semaphore_mem>>) src(%dma_wait3A_380 : memref<128x32xf32, #tpu.memory_space<hbm>>) dst(%arg18 : memref<128x32xf32, #tpu.memory_space<vmem>>)
        %dma_wait3A_381 = arith.constant 0 : i32
        %dma_wait3A_382 = arith.constant 0 : i32
        %dma_wait3A_383 = tpu.memref_slice %arg3[%dma_wait3A_381, %dma_wait3A_382] : memref<10240x32xf32, #tpu.memory_space<hbm>> -> memref<128x32xf32, #tpu.memory_space<hbm>>
        %dma_wait3A_384 = arith.constant 0 : i32
        %dma_wait3A_385 = arith.constant 0 : i32
        %dma_wait3A_386 = tpu.memref_slice %arg3[%dma_wait3A_384, %dma_wait3A_385] : memref<10240x32xf32, #tpu.memory_space<hbm>> -> memref<128x32xf32, #tpu.memory_space<hbm>>
        tpu.wait_dma2 semaphore(%arg38 : memref<!tpu.dma_semaphore, #tpu.memory_space<semaphore_mem>>) src(%dma_wait3A_386 : memref<128x32xf32, #tpu.memory_space<hbm>>) dst(%arg19 : memref<128x32xf32, #tpu.memory_space<vmem>>)
        %dma_wait3A_387 = arith.constant 0 : i32
        %dma_wait3A_388 = arith.constant 0 : i32
        %dma_wait3A_389 = tpu.memref_slice %arg4[%dma_wait3A_387, %dma_wait3A_388] : memref<10240x32xf32, #tpu.memory_space<hbm>> -> memref<128x32xf32, #tpu.memory_space<hbm>>
        %dma_wait3A_390 = arith.constant 0 : i32
        %dma_wait3A_391 = arith.constant 0 : i32
        %dma_wait3A_392 = tpu.memref_slice %arg4[%dma_wait3A_390, %dma_wait3A_391] : memref<10240x32xf32, #tpu.memory_space<hbm>> -> memref<128x32xf32, #tpu.memory_space<hbm>>
        tpu.wait_dma2 semaphore(%arg38 : memref<!tpu.dma_semaphore, #tpu.memory_space<semaphore_mem>>) src(%dma_wait3A_392 : memref<128x32xf32, #tpu.memory_space<hbm>>) dst(%arg20 : memref<128x32xf32, #tpu.memory_space<vmem>>)
        %dma_wait3A_393 = arith.constant 0 : i32
        %dma_wait3A_394 = arith.constant 0 : i32
        %dma_wait3A_395 = tpu.memref_slice %arg5[%dma_wait3A_393, %dma_wait3A_394] : memref<10240x32xf32, #tpu.memory_space<hbm>> -> memref<128x32xf32, #tpu.memory_space<hbm>>
        %dma_wait3A_396 = arith.constant 0 : i32
        %dma_wait3A_397 = arith.constant 0 : i32
        %dma_wait3A_398 = tpu.memref_slice %arg5[%dma_wait3A_396, %dma_wait3A_397] : memref<10240x32xf32, #tpu.memory_space<hbm>> -> memref<128x32xf32, #tpu.memory_space<hbm>>
        tpu.wait_dma2 semaphore(%arg38 : memref<!tpu.dma_semaphore, #tpu.memory_space<semaphore_mem>>) src(%dma_wait3A_398 : memref<128x32xf32, #tpu.memory_space<hbm>>) dst(%arg21 : memref<128x32xf32, #tpu.memory_space<vmem>>)
        %dma_wait3A_399 = arith.constant 0 : i32
        %dma_wait3A_400 = arith.constant 0 : i32
        %dma_wait3A_401 = tpu.memref_slice %arg12[%dma_wait3A_399, %dma_wait3A_400] : memref<20480x16xf32, #tpu.memory_space<hbm>> -> memref<128x16xf32, #tpu.memory_space<hbm>>
        %dma_wait3A_402 = arith.constant 0 : i32
        %dma_wait3A_403 = arith.constant 0 : i32
        %dma_wait3A_404 = tpu.memref_slice %arg12[%dma_wait3A_402, %dma_wait3A_403] : memref<20480x16xf32, #tpu.memory_space<hbm>> -> memref<128x16xf32, #tpu.memory_space<hbm>>
        tpu.wait_dma2 semaphore(%arg38 : memref<!tpu.dma_semaphore, #tpu.memory_space<semaphore_mem>>) src(%dma_wait3A_404 : memref<128x16xf32, #tpu.memory_space<hbm>>) dst(%arg34 : memref<128x16xf32, #tpu.memory_space<vmem>>)
      } else {
      }
      %add3A_258 = arith.constant 1 : i32
      %add3A_259 = arith.addi %add3A_244, %add3A_258 : i32
      %rem3A_260 = arith.constant 80 : i32
      %rem3A_261 = arith.remsi %add3A_259, %rem3A_260 : i32
      %mul3A_262 = arith.constant 128 : i32
      %mul3A_263 = arith.muli %rem3A_261, %mul3A_262 : i32
      %add3A_264 = arith.addi %mul3A_6, %mul3A_263 : i32
      %dma_start3A_265 = tpu.memref_slice %arg6[%add3A_264] : memref<327680xi32, #tpu.memory_space<hbm>> -> memref<128xi32, #tpu.memory_space<hbm>>
      %dma_start3A_266 = tpu.memref_slice %arg6[%add3A_264] : memref<327680xi32, #tpu.memory_space<hbm>> -> memref<128xi32, #tpu.memory_space<hbm>>
      tpu.enqueue_dma source(%dma_start3A_266 : memref<128xi32, #tpu.memory_space<hbm>>) target(%arg29 : memref<128xi32, #tpu.memory_space<vmem>>) target_semaphore(%arg35 : memref<!tpu.dma_semaphore, #tpu.memory_space<semaphore_mem>>)
      %dma_start3A_267 = tpu.memref_slice %arg7[%add3A_264] : memref<327680xi32, #tpu.memory_space<hbm>> -> memref<128xi32, #tpu.memory_space<hbm>>
      %dma_start3A_268 = tpu.memref_slice %arg7[%add3A_264] : memref<327680xi32, #tpu.memory_space<hbm>> -> memref<128xi32, #tpu.memory_space<hbm>>
      tpu.enqueue_dma source(%dma_start3A_268 : memref<128xi32, #tpu.memory_space<hbm>>) target(%arg33 : memref<128xi32, #tpu.memory_space<vmem>>) target_semaphore(%arg35 : memref<!tpu.dma_semaphore, #tpu.memory_space<semaphore_mem>>)
      %dma_start3A_269 = arith.constant 0 : i32
      %dma_start3A_270 = arith.constant 0 : i32
      %dma_start3A_271 = tpu.memref_slice %arg2[%dma_start3A_269, %dma_start3A_270] : memref<10240x32xf32, #tpu.memory_space<hbm>> -> memref<10240x32xf32, #tpu.memory_space<hbm>>
      tpu.enqueue_indirect_dma source(%dma_start3A_271 : memref<10240x32xf32, #tpu.memory_space<hbm>>) target(%arg18 : memref<128x32xf32, #tpu.memory_space<vmem>>) offsets(%arg28 : memref<128xi32, #tpu.memory_space<vmem>>) semaphore(%arg36 : memref<!tpu.dma_semaphore, #tpu.memory_space<semaphore_mem>>)
      %dma_start3A_272 = arith.constant 0 : i32
      %dma_start3A_273 = arith.constant 0 : i32
      %dma_start3A_274 = tpu.memref_slice %arg3[%dma_start3A_272, %dma_start3A_273] : memref<10240x32xf32, #tpu.memory_space<hbm>> -> memref<10240x32xf32, #tpu.memory_space<hbm>>
      tpu.enqueue_indirect_dma source(%dma_start3A_274 : memref<10240x32xf32, #tpu.memory_space<hbm>>) target(%arg19 : memref<128x32xf32, #tpu.memory_space<vmem>>) offsets(%arg28 : memref<128xi32, #tpu.memory_space<vmem>>) semaphore(%arg36 : memref<!tpu.dma_semaphore, #tpu.memory_space<semaphore_mem>>)
      %dma_start3A_275 = arith.constant 0 : i32
      %dma_start3A_276 = arith.constant 0 : i32
      %dma_start3A_277 = tpu.memref_slice %arg4[%dma_start3A_275, %dma_start3A_276] : memref<10240x32xf32, #tpu.memory_space<hbm>> -> memref<10240x32xf32, #tpu.memory_space<hbm>>
      tpu.enqueue_indirect_dma source(%dma_start3A_277 : memref<10240x32xf32, #tpu.memory_space<hbm>>) target(%arg20 : memref<128x32xf32, #tpu.memory_space<vmem>>) offsets(%arg28 : memref<128xi32, #tpu.memory_space<vmem>>) semaphore(%arg36 : memref<!tpu.dma_semaphore, #tpu.memory_space<semaphore_mem>>)
      %dma_start3A_278 = arith.constant 0 : i32
      %dma_start3A_279 = arith.constant 0 : i32
      %dma_start3A_280 = tpu.memref_slice %arg5[%dma_start3A_278, %dma_start3A_279] : memref<10240x32xf32, #tpu.memory_space<hbm>> -> memref<10240x32xf32, #tpu.memory_space<hbm>>
      tpu.enqueue_indirect_dma source(%dma_start3A_280 : memref<10240x32xf32, #tpu.memory_space<hbm>>) target(%arg21 : memref<128x32xf32, #tpu.memory_space<vmem>>) offsets(%arg28 : memref<128xi32, #tpu.memory_space<vmem>>) semaphore(%arg36 : memref<!tpu.dma_semaphore, #tpu.memory_space<semaphore_mem>>)
      %dma_wait3A_281 = arith.constant 0 : i32
      %dma_wait3A_282 = arith.constant 0 : i32
      %dma_wait3A_283 = tpu.memref_slice %arg2[%dma_wait3A_281, %dma_wait3A_282] : memref<10240x32xf32, #tpu.memory_space<hbm>> -> memref<10240x32xf32, #tpu.memory_space<hbm>>
      tpu.wait_indirect_dma semaphore(%arg36 : memref<!tpu.dma_semaphore, #tpu.memory_space<semaphore_mem>>) src(%dma_wait3A_283 : memref<10240x32xf32, #tpu.memory_space<hbm>>) dst(%arg18 : memref<128x32xf32, #tpu.memory_space<vmem>>)
      %dma_wait3A_284 = arith.constant 0 : i32
      %dma_wait3A_285 = arith.constant 0 : i32
      %dma_wait3A_286 = tpu.memref_slice %arg3[%dma_wait3A_284, %dma_wait3A_285] : memref<10240x32xf32, #tpu.memory_space<hbm>> -> memref<10240x32xf32, #tpu.memory_space<hbm>>
      tpu.wait_indirect_dma semaphore(%arg36 : memref<!tpu.dma_semaphore, #tpu.memory_space<semaphore_mem>>) src(%dma_wait3A_286 : memref<10240x32xf32, #tpu.memory_space<hbm>>) dst(%arg19 : memref<128x32xf32, #tpu.memory_space<vmem>>)
      %dma_wait3A_287 = arith.constant 0 : i32
      %dma_wait3A_288 = arith.constant 0 : i32
      %dma_wait3A_289 = tpu.memref_slice %arg4[%dma_wait3A_287, %dma_wait3A_288] : memref<10240x32xf32, #tpu.memory_space<hbm>> -> memref<10240x32xf32, #tpu.memory_space<hbm>>
      tpu.wait_indirect_dma semaphore(%arg36 : memref<!tpu.dma_semaphore, #tpu.memory_space<semaphore_mem>>) src(%dma_wait3A_289 : memref<10240x32xf32, #tpu.memory_space<hbm>>) dst(%arg20 : memref<128x32xf32, #tpu.memory_space<vmem>>)
      %dma_wait3A_290 = arith.constant 0 : i32
      %dma_wait3A_291 = arith.constant 0 : i32
      %dma_wait3A_292 = tpu.memref_slice %arg5[%dma_wait3A_290, %dma_wait3A_291] : memref<10240x32xf32, #tpu.memory_space<hbm>> -> memref<10240x32xf32, #tpu.memory_space<hbm>>
      tpu.wait_indirect_dma semaphore(%arg36 : memref<!tpu.dma_semaphore, #tpu.memory_space<semaphore_mem>>) src(%dma_wait3A_292 : memref<10240x32xf32, #tpu.memory_space<hbm>>) dst(%arg21 : memref<128x32xf32, #tpu.memory_space<vmem>>)
      %dma_start3A_293 = arith.constant 0 : i32
      %dma_start3A_294 = arith.constant 0 : i32
      %dma_start3A_295 = tpu.memref_slice %arg13[%dma_start3A_293, %dma_start3A_294] : memref<10240x32xf32, #tpu.memory_space<vmem_shared>> -> memref<10240x32xf32, #tpu.memory_space<vmem_shared>>
      tpu.enqueue_indirect_dma source(%arg18 : memref<128x32xf32, #tpu.memory_space<vmem>>) target(%dma_start3A_295 : memref<10240x32xf32, #tpu.memory_space<vmem_shared>>) offsets(%arg32 : memref<128xi32, #tpu.memory_space<vmem>>) semaphore(%arg38 : memref<!tpu.dma_semaphore, #tpu.memory_space<semaphore_mem>>) {add = true}
      %dma_start3A_296 = arith.constant 0 : i32
      %dma_start3A_297 = arith.constant 0 : i32
      %dma_start3A_298 = tpu.memref_slice %arg14[%dma_start3A_296, %dma_start3A_297] : memref<10240x32xf32, #tpu.memory_space<vmem_shared>> -> memref<10240x32xf32, #tpu.memory_space<vmem_shared>>
      tpu.enqueue_indirect_dma source(%arg19 : memref<128x32xf32, #tpu.memory_space<vmem>>) target(%dma_start3A_298 : memref<10240x32xf32, #tpu.memory_space<vmem_shared>>) offsets(%arg32 : memref<128xi32, #tpu.memory_space<vmem>>) semaphore(%arg38 : memref<!tpu.dma_semaphore, #tpu.memory_space<semaphore_mem>>) {add = true}
      %dma_start3A_299 = arith.constant 0 : i32
      %dma_start3A_300 = arith.constant 0 : i32
      %dma_start3A_301 = tpu.memref_slice %arg15[%dma_start3A_299, %dma_start3A_300] : memref<10240x32xf32, #tpu.memory_space<vmem_shared>> -> memref<10240x32xf32, #tpu.memory_space<vmem_shared>>
      tpu.enqueue_indirect_dma source(%arg20 : memref<128x32xf32, #tpu.memory_space<vmem>>) target(%dma_start3A_301 : memref<10240x32xf32, #tpu.memory_space<vmem_shared>>) offsets(%arg32 : memref<128xi32, #tpu.memory_space<vmem>>) semaphore(%arg38 : memref<!tpu.dma_semaphore, #tpu.memory_space<semaphore_mem>>) {add = true}
      %dma_start3A_302 = arith.constant 0 : i32
      %dma_start3A_303 = arith.constant 0 : i32
      %dma_start3A_304 = tpu.memref_slice %arg16[%dma_start3A_302, %dma_start3A_303] : memref<10240x32xf32, #tpu.memory_space<vmem_shared>> -> memref<10240x32xf32, #tpu.memory_space<vmem_shared>>
      tpu.enqueue_indirect_dma source(%arg21 : memref<128x32xf32, #tpu.memory_space<vmem>>) target(%dma_start3A_304 : memref<10240x32xf32, #tpu.memory_space<vmem_shared>>) offsets(%arg32 : memref<128xi32, #tpu.memory_space<vmem>>) semaphore(%arg38 : memref<!tpu.dma_semaphore, #tpu.memory_space<semaphore_mem>>) {add = true}
      %dma_start3A_305 = arith.constant 0 : i32
      %dma_start3A_306 = arith.constant 0 : i32
      %dma_start3A_307 = tpu.memref_slice %arg17[%dma_start3A_305, %dma_start3A_306] : memref<10240x16xf32, #tpu.memory_space<vmem_shared>> -> memref<10240x16xf32, #tpu.memory_space<vmem_shared>>
      tpu.enqueue_indirect_dma source(%arg34 : memref<128x16xf32, #tpu.memory_space<vmem>>) target(%dma_start3A_307 : memref<10240x16xf32, #tpu.memory_space<vmem_shared>>) offsets(%arg32 : memref<128xi32, #tpu.memory_space<vmem>>) semaphore(%arg38 : memref<!tpu.dma_semaphore, #tpu.memory_space<semaphore_mem>>) {add = true}
      %mul3A_308 = arith.constant 4 : i32
      %mul3A_309 = arith.muli %add3A_110, %mul3A_308 : i32
      %add3A_310 = arith.constant 3 : i32
      %add3A_311 = arith.addi %mul3A_309, %add3A_310 : i32
      %dma_wait3A_312 = arith.constant 0 : i32
      %dma_wait3A_313 = tpu.memref_slice %arg6[%dma_wait3A_312] : memref<327680xi32, #tpu.memory_space<hbm>> -> memref<128xi32, #tpu.memory_space<hbm>>
      %dma_wait3A_314 = arith.constant 0 : i32
      %dma_wait3A_315 = tpu.memref_slice %arg6[%dma_wait3A_314] : memref<327680xi32, #tpu.memory_space<hbm>> -> memref<128xi32, #tpu.memory_space<hbm>>
      tpu.wait_dma2 semaphore(%arg35 : memref<!tpu.dma_semaphore, #tpu.memory_space<semaphore_mem>>) src(%dma_wait3A_315 : memref<128xi32, #tpu.memory_space<hbm>>) dst(%arg26 : memref<128xi32, #tpu.memory_space<vmem>>)
      %dma_wait3A_316 = arith.constant 0 : i32
      %dma_wait3A_317 = tpu.memref_slice %arg6[%dma_wait3A_316] : memref<327680xi32, #tpu.memory_space<hbm>> -> memref<128xi32, #tpu.memory_space<hbm>>
      %dma_wait3A_318 = arith.constant 0 : i32
      %dma_wait3A_319 = tpu.memref_slice %arg6[%dma_wait3A_318] : memref<327680xi32, #tpu.memory_space<hbm>> -> memref<128xi32, #tpu.memory_space<hbm>>
      tpu.wait_dma2 semaphore(%arg35 : memref<!tpu.dma_semaphore, #tpu.memory_space<semaphore_mem>>) src(%dma_wait3A_319 : memref<128xi32, #tpu.memory_space<hbm>>) dst(%arg30 : memref<128xi32, #tpu.memory_space<vmem>>)
      %ge3A_320 = arith.constant 2 : i32
      %ge3A_321 = arith.cmpi sge, %add3A_311, %ge3A_320 : i32
      %convert_element_type3A_322 = arith.extui %ge3A_321 : i1 to i32
      %cond3A_323 = arith.constant 0 : i32
      %cond3A_324 = arith.cmpi ne, %convert_element_type3A_322, %cond3A_323 : i32
      scf.if %cond3A_324 {
        %dma_wait3A_375 = arith.constant 0 : i32
        %dma_wait3A_376 = arith.constant 0 : i32
        %dma_wait3A_377 = tpu.memref_slice %arg2[%dma_wait3A_375, %dma_wait3A_376] : memref<10240x32xf32, #tpu.memory_space<hbm>> -> memref<128x32xf32, #tpu.memory_space<hbm>>
        %dma_wait3A_378 = arith.constant 0 : i32
        %dma_wait3A_379 = arith.constant 0 : i32
        %dma_wait3A_380 = tpu.memref_slice %arg2[%dma_wait3A_378, %dma_wait3A_379] : memref<10240x32xf32, #tpu.memory_space<hbm>> -> memref<128x32xf32, #tpu.memory_space<hbm>>
        tpu.wait_dma2 semaphore(%arg39 : memref<!tpu.dma_semaphore, #tpu.memory_space<semaphore_mem>>) src(%dma_wait3A_380 : memref<128x32xf32, #tpu.memory_space<hbm>>) dst(%arg22 : memref<128x32xf32, #tpu.memory_space<vmem>>)
        %dma_wait3A_381 = arith.constant 0 : i32
        %dma_wait3A_382 = arith.constant 0 : i32
        %dma_wait3A_383 = tpu.memref_slice %arg3[%dma_wait3A_381, %dma_wait3A_382] : memref<10240x32xf32, #tpu.memory_space<hbm>> -> memref<128x32xf32, #tpu.memory_space<hbm>>
        %dma_wait3A_384 = arith.constant 0 : i32
        %dma_wait3A_385 = arith.constant 0 : i32
        %dma_wait3A_386 = tpu.memref_slice %arg3[%dma_wait3A_384, %dma_wait3A_385] : memref<10240x32xf32, #tpu.memory_space<hbm>> -> memref<128x32xf32, #tpu.memory_space<hbm>>
        tpu.wait_dma2 semaphore(%arg39 : memref<!tpu.dma_semaphore, #tpu.memory_space<semaphore_mem>>) src(%dma_wait3A_386 : memref<128x32xf32, #tpu.memory_space<hbm>>) dst(%arg23 : memref<128x32xf32, #tpu.memory_space<vmem>>)
        %dma_wait3A_387 = arith.constant 0 : i32
        %dma_wait3A_388 = arith.constant 0 : i32
        %dma_wait3A_389 = tpu.memref_slice %arg4[%dma_wait3A_387, %dma_wait3A_388] : memref<10240x32xf32, #tpu.memory_space<hbm>> -> memref<128x32xf32, #tpu.memory_space<hbm>>
        %dma_wait3A_390 = arith.constant 0 : i32
        %dma_wait3A_391 = arith.constant 0 : i32
        %dma_wait3A_392 = tpu.memref_slice %arg4[%dma_wait3A_390, %dma_wait3A_391] : memref<10240x32xf32, #tpu.memory_space<hbm>> -> memref<128x32xf32, #tpu.memory_space<hbm>>
        tpu.wait_dma2 semaphore(%arg39 : memref<!tpu.dma_semaphore, #tpu.memory_space<semaphore_mem>>) src(%dma_wait3A_392 : memref<128x32xf32, #tpu.memory_space<hbm>>) dst(%arg24 : memref<128x32xf32, #tpu.memory_space<vmem>>)
        %dma_wait3A_393 = arith.constant 0 : i32
        %dma_wait3A_394 = arith.constant 0 : i32
        %dma_wait3A_395 = tpu.memref_slice %arg5[%dma_wait3A_393, %dma_wait3A_394] : memref<10240x32xf32, #tpu.memory_space<hbm>> -> memref<128x32xf32, #tpu.memory_space<hbm>>
        %dma_wait3A_396 = arith.constant 0 : i32
        %dma_wait3A_397 = arith.constant 0 : i32
        %dma_wait3A_398 = tpu.memref_slice %arg5[%dma_wait3A_396, %dma_wait3A_397] : memref<10240x32xf32, #tpu.memory_space<hbm>> -> memref<128x32xf32, #tpu.memory_space<hbm>>
        tpu.wait_dma2 semaphore(%arg39 : memref<!tpu.dma_semaphore, #tpu.memory_space<semaphore_mem>>) src(%dma_wait3A_398 : memref<128x32xf32, #tpu.memory_space<hbm>>) dst(%arg25 : memref<128x32xf32, #tpu.memory_space<vmem>>)
        %dma_wait3A_399 = arith.constant 0 : i32
        %dma_wait3A_400 = arith.constant 0 : i32
        %dma_wait3A_401 = tpu.memref_slice %arg12[%dma_wait3A_399, %dma_wait3A_400] : memref<20480x16xf32, #tpu.memory_space<hbm>> -> memref<128x16xf32, #tpu.memory_space<hbm>>
        %dma_wait3A_402 = arith.constant 0 : i32
        %dma_wait3A_403 = arith.constant 0 : i32
        %dma_wait3A_404 = tpu.memref_slice %arg12[%dma_wait3A_402, %dma_wait3A_403] : memref<20480x16xf32, #tpu.memory_space<hbm>> -> memref<128x16xf32, #tpu.memory_space<hbm>>
        tpu.wait_dma2 semaphore(%arg39 : memref<!tpu.dma_semaphore, #tpu.memory_space<semaphore_mem>>) src(%dma_wait3A_404 : memref<128x16xf32, #tpu.memory_space<hbm>>) dst(%arg34 : memref<128x16xf32, #tpu.memory_space<vmem>>)
      } else {
      }
      %add3A_325 = arith.constant 1 : i32
      %add3A_326 = arith.addi %add3A_311, %add3A_325 : i32
      %rem3A_327 = arith.constant 80 : i32
      %rem3A_328 = arith.remsi %add3A_326, %rem3A_327 : i32
      %mul3A_329 = arith.constant 128 : i32
      %mul3A_330 = arith.muli %rem3A_328, %mul3A_329 : i32
      %add3A_331 = arith.addi %mul3A_6, %mul3A_330 : i32
      %dma_start3A_332 = tpu.memref_slice %arg6[%add3A_331] : memref<327680xi32, #tpu.memory_space<hbm>> -> memref<128xi32, #tpu.memory_space<hbm>>
      %dma_start3A_333 = tpu.memref_slice %arg6[%add3A_331] : memref<327680xi32, #tpu.memory_space<hbm>> -> memref<128xi32, #tpu.memory_space<hbm>>
      tpu.enqueue_dma source(%dma_start3A_333 : memref<128xi32, #tpu.memory_space<hbm>>) target(%arg26 : memref<128xi32, #tpu.memory_space<vmem>>) target_semaphore(%arg35 : memref<!tpu.dma_semaphore, #tpu.memory_space<semaphore_mem>>)
      %dma_start3A_334 = tpu.memref_slice %arg7[%add3A_331] : memref<327680xi32, #tpu.memory_space<hbm>> -> memref<128xi32, #tpu.memory_space<hbm>>
      %dma_start3A_335 = tpu.memref_slice %arg7[%add3A_331] : memref<327680xi32, #tpu.memory_space<hbm>> -> memref<128xi32, #tpu.memory_space<hbm>>
      tpu.enqueue_dma source(%dma_start3A_335 : memref<128xi32, #tpu.memory_space<hbm>>) target(%arg30 : memref<128xi32, #tpu.memory_space<vmem>>) target_semaphore(%arg35 : memref<!tpu.dma_semaphore, #tpu.memory_space<semaphore_mem>>)
      %dma_start3A_336 = arith.constant 0 : i32
      %dma_start3A_337 = arith.constant 0 : i32
      %dma_start3A_338 = tpu.memref_slice %arg2[%dma_start3A_336, %dma_start3A_337] : memref<10240x32xf32, #tpu.memory_space<hbm>> -> memref<10240x32xf32, #tpu.memory_space<hbm>>
      tpu.enqueue_indirect_dma source(%dma_start3A_338 : memref<10240x32xf32, #tpu.memory_space<hbm>>) target(%arg22 : memref<128x32xf32, #tpu.memory_space<vmem>>) offsets(%arg29 : memref<128xi32, #tpu.memory_space<vmem>>) semaphore(%arg37 : memref<!tpu.dma_semaphore, #tpu.memory_space<semaphore_mem>>)
      %dma_start3A_339 = arith.constant 0 : i32
      %dma_start3A_340 = arith.constant 0 : i32
      %dma_start3A_341 = tpu.memref_slice %arg3[%dma_start3A_339, %dma_start3A_340] : memref<10240x32xf32, #tpu.memory_space<hbm>> -> memref<10240x32xf32, #tpu.memory_space<hbm>>
      tpu.enqueue_indirect_dma source(%dma_start3A_341 : memref<10240x32xf32, #tpu.memory_space<hbm>>) target(%arg23 : memref<128x32xf32, #tpu.memory_space<vmem>>) offsets(%arg29 : memref<128xi32, #tpu.memory_space<vmem>>) semaphore(%arg37 : memref<!tpu.dma_semaphore, #tpu.memory_space<semaphore_mem>>)
      %dma_start3A_342 = arith.constant 0 : i32
      %dma_start3A_343 = arith.constant 0 : i32
      %dma_start3A_344 = tpu.memref_slice %arg4[%dma_start3A_342, %dma_start3A_343] : memref<10240x32xf32, #tpu.memory_space<hbm>> -> memref<10240x32xf32, #tpu.memory_space<hbm>>
      tpu.enqueue_indirect_dma source(%dma_start3A_344 : memref<10240x32xf32, #tpu.memory_space<hbm>>) target(%arg24 : memref<128x32xf32, #tpu.memory_space<vmem>>) offsets(%arg29 : memref<128xi32, #tpu.memory_space<vmem>>) semaphore(%arg37 : memref<!tpu.dma_semaphore, #tpu.memory_space<semaphore_mem>>)
      %dma_start3A_345 = arith.constant 0 : i32
      %dma_start3A_346 = arith.constant 0 : i32
      %dma_start3A_347 = tpu.memref_slice %arg5[%dma_start3A_345, %dma_start3A_346] : memref<10240x32xf32, #tpu.memory_space<hbm>> -> memref<10240x32xf32, #tpu.memory_space<hbm>>
      tpu.enqueue_indirect_dma source(%dma_start3A_347 : memref<10240x32xf32, #tpu.memory_space<hbm>>) target(%arg25 : memref<128x32xf32, #tpu.memory_space<vmem>>) offsets(%arg29 : memref<128xi32, #tpu.memory_space<vmem>>) semaphore(%arg37 : memref<!tpu.dma_semaphore, #tpu.memory_space<semaphore_mem>>)
      %dma_wait3A_348 = arith.constant 0 : i32
      %dma_wait3A_349 = arith.constant 0 : i32
      %dma_wait3A_350 = tpu.memref_slice %arg2[%dma_wait3A_348, %dma_wait3A_349] : memref<10240x32xf32, #tpu.memory_space<hbm>> -> memref<10240x32xf32, #tpu.memory_space<hbm>>
      tpu.wait_indirect_dma semaphore(%arg37 : memref<!tpu.dma_semaphore, #tpu.memory_space<semaphore_mem>>) src(%dma_wait3A_350 : memref<10240x32xf32, #tpu.memory_space<hbm>>) dst(%arg22 : memref<128x32xf32, #tpu.memory_space<vmem>>)
      %dma_wait3A_351 = arith.constant 0 : i32
      %dma_wait3A_352 = arith.constant 0 : i32
      %dma_wait3A_353 = tpu.memref_slice %arg3[%dma_wait3A_351, %dma_wait3A_352] : memref<10240x32xf32, #tpu.memory_space<hbm>> -> memref<10240x32xf32, #tpu.memory_space<hbm>>
      tpu.wait_indirect_dma semaphore(%arg37 : memref<!tpu.dma_semaphore, #tpu.memory_space<semaphore_mem>>) src(%dma_wait3A_353 : memref<10240x32xf32, #tpu.memory_space<hbm>>) dst(%arg23 : memref<128x32xf32, #tpu.memory_space<vmem>>)
      %dma_wait3A_354 = arith.constant 0 : i32
      %dma_wait3A_355 = arith.constant 0 : i32
      %dma_wait3A_356 = tpu.memref_slice %arg4[%dma_wait3A_354, %dma_wait3A_355] : memref<10240x32xf32, #tpu.memory_space<hbm>> -> memref<10240x32xf32, #tpu.memory_space<hbm>>
      tpu.wait_indirect_dma semaphore(%arg37 : memref<!tpu.dma_semaphore, #tpu.memory_space<semaphore_mem>>) src(%dma_wait3A_356 : memref<10240x32xf32, #tpu.memory_space<hbm>>) dst(%arg24 : memref<128x32xf32, #tpu.memory_space<vmem>>)
      %dma_wait3A_357 = arith.constant 0 : i32
      %dma_wait3A_358 = arith.constant 0 : i32
      %dma_wait3A_359 = tpu.memref_slice %arg5[%dma_wait3A_357, %dma_wait3A_358] : memref<10240x32xf32, #tpu.memory_space<hbm>> -> memref<10240x32xf32, #tpu.memory_space<hbm>>
      tpu.wait_indirect_dma semaphore(%arg37 : memref<!tpu.dma_semaphore, #tpu.memory_space<semaphore_mem>>) src(%dma_wait3A_359 : memref<10240x32xf32, #tpu.memory_space<hbm>>) dst(%arg25 : memref<128x32xf32, #tpu.memory_space<vmem>>)
      %dma_start3A_360 = arith.constant 0 : i32
      %dma_start3A_361 = arith.constant 0 : i32
      %dma_start3A_362 = tpu.memref_slice %arg13[%dma_start3A_360, %dma_start3A_361] : memref<10240x32xf32, #tpu.memory_space<vmem_shared>> -> memref<10240x32xf32, #tpu.memory_space<vmem_shared>>
      tpu.enqueue_indirect_dma source(%arg22 : memref<128x32xf32, #tpu.memory_space<vmem>>) target(%dma_start3A_362 : memref<10240x32xf32, #tpu.memory_space<vmem_shared>>) offsets(%arg33 : memref<128xi32, #tpu.memory_space<vmem>>) semaphore(%arg39 : memref<!tpu.dma_semaphore, #tpu.memory_space<semaphore_mem>>) {add = true}
      %dma_start3A_363 = arith.constant 0 : i32
      %dma_start3A_364 = arith.constant 0 : i32
      %dma_start3A_365 = tpu.memref_slice %arg14[%dma_start3A_363, %dma_start3A_364] : memref<10240x32xf32, #tpu.memory_space<vmem_shared>> -> memref<10240x32xf32, #tpu.memory_space<vmem_shared>>
      tpu.enqueue_indirect_dma source(%arg23 : memref<128x32xf32, #tpu.memory_space<vmem>>) target(%dma_start3A_365 : memref<10240x32xf32, #tpu.memory_space<vmem_shared>>) offsets(%arg33 : memref<128xi32, #tpu.memory_space<vmem>>) semaphore(%arg39 : memref<!tpu.dma_semaphore, #tpu.memory_space<semaphore_mem>>) {add = true}
      %dma_start3A_366 = arith.constant 0 : i32
      %dma_start3A_367 = arith.constant 0 : i32
      %dma_start3A_368 = tpu.memref_slice %arg15[%dma_start3A_366, %dma_start3A_367] : memref<10240x32xf32, #tpu.memory_space<vmem_shared>> -> memref<10240x32xf32, #tpu.memory_space<vmem_shared>>
      tpu.enqueue_indirect_dma source(%arg24 : memref<128x32xf32, #tpu.memory_space<vmem>>) target(%dma_start3A_368 : memref<10240x32xf32, #tpu.memory_space<vmem_shared>>) offsets(%arg33 : memref<128xi32, #tpu.memory_space<vmem>>) semaphore(%arg39 : memref<!tpu.dma_semaphore, #tpu.memory_space<semaphore_mem>>) {add = true}
      %dma_start3A_369 = arith.constant 0 : i32
      %dma_start3A_370 = arith.constant 0 : i32
      %dma_start3A_371 = tpu.memref_slice %arg16[%dma_start3A_369, %dma_start3A_370] : memref<10240x32xf32, #tpu.memory_space<vmem_shared>> -> memref<10240x32xf32, #tpu.memory_space<vmem_shared>>
      tpu.enqueue_indirect_dma source(%arg25 : memref<128x32xf32, #tpu.memory_space<vmem>>) target(%dma_start3A_371 : memref<10240x32xf32, #tpu.memory_space<vmem_shared>>) offsets(%arg33 : memref<128xi32, #tpu.memory_space<vmem>>) semaphore(%arg39 : memref<!tpu.dma_semaphore, #tpu.memory_space<semaphore_mem>>) {add = true}
      %dma_start3A_372 = arith.constant 0 : i32
      %dma_start3A_373 = arith.constant 0 : i32
      %dma_start3A_374 = tpu.memref_slice %arg17[%dma_start3A_372, %dma_start3A_373] : memref<10240x16xf32, #tpu.memory_space<vmem_shared>> -> memref<10240x16xf32, #tpu.memory_space<vmem_shared>>
      tpu.enqueue_indirect_dma source(%arg34 : memref<128x16xf32, #tpu.memory_space<vmem>>) target(%dma_start3A_374 : memref<10240x16xf32, #tpu.memory_space<vmem_shared>>) offsets(%arg33 : memref<128xi32, #tpu.memory_space<vmem>>) semaphore(%arg39 : memref<!tpu.dma_semaphore, #tpu.memory_space<semaphore_mem>>) {add = true}
    }
    %scan3A_32 = arith.constant 20 : i32
    %dma_wait3A = arith.constant 0 : i32
    %dma_wait3A_33 = arith.constant 0 : i32
    %dma_wait3A_34 = tpu.memref_slice %arg2[%dma_wait3A, %dma_wait3A_33] : memref<10240x32xf32, #tpu.memory_space<hbm>> -> memref<128x32xf32, #tpu.memory_space<hbm>>
    %dma_wait3A_35 = arith.constant 0 : i32
    %dma_wait3A_36 = arith.constant 0 : i32
    %dma_wait3A_37 = tpu.memref_slice %arg2[%dma_wait3A_35, %dma_wait3A_36] : memref<10240x32xf32, #tpu.memory_space<hbm>> -> memref<128x32xf32, #tpu.memory_space<hbm>>
    tpu.wait_dma2 semaphore(%arg38 : memref<!tpu.dma_semaphore, #tpu.memory_space<semaphore_mem>>) src(%dma_wait3A_37 : memref<128x32xf32, #tpu.memory_space<hbm>>) dst(%arg18 : memref<128x32xf32, #tpu.memory_space<vmem>>)
    %dma_wait3A_38 = arith.constant 0 : i32
    %dma_wait3A_39 = arith.constant 0 : i32
    %dma_wait3A_40 = tpu.memref_slice %arg3[%dma_wait3A_38, %dma_wait3A_39] : memref<10240x32xf32, #tpu.memory_space<hbm>> -> memref<128x32xf32, #tpu.memory_space<hbm>>
    %dma_wait3A_41 = arith.constant 0 : i32
    %dma_wait3A_42 = arith.constant 0 : i32
    %dma_wait3A_43 = tpu.memref_slice %arg3[%dma_wait3A_41, %dma_wait3A_42] : memref<10240x32xf32, #tpu.memory_space<hbm>> -> memref<128x32xf32, #tpu.memory_space<hbm>>
    tpu.wait_dma2 semaphore(%arg38 : memref<!tpu.dma_semaphore, #tpu.memory_space<semaphore_mem>>) src(%dma_wait3A_43 : memref<128x32xf32, #tpu.memory_space<hbm>>) dst(%arg19 : memref<128x32xf32, #tpu.memory_space<vmem>>)
    %dma_wait3A_44 = arith.constant 0 : i32
    %dma_wait3A_45 = arith.constant 0 : i32
    %dma_wait3A_46 = tpu.memref_slice %arg4[%dma_wait3A_44, %dma_wait3A_45] : memref<10240x32xf32, #tpu.memory_space<hbm>> -> memref<128x32xf32, #tpu.memory_space<hbm>>
    %dma_wait3A_47 = arith.constant 0 : i32
    %dma_wait3A_48 = arith.constant 0 : i32
    %dma_wait3A_49 = tpu.memref_slice %arg4[%dma_wait3A_47, %dma_wait3A_48] : memref<10240x32xf32, #tpu.memory_space<hbm>> -> memref<128x32xf32, #tpu.memory_space<hbm>>
    tpu.wait_dma2 semaphore(%arg38 : memref<!tpu.dma_semaphore, #tpu.memory_space<semaphore_mem>>) src(%dma_wait3A_49 : memref<128x32xf32, #tpu.memory_space<hbm>>) dst(%arg20 : memref<128x32xf32, #tpu.memory_space<vmem>>)
    %dma_wait3A_50 = arith.constant 0 : i32
    %dma_wait3A_51 = arith.constant 0 : i32
    %dma_wait3A_52 = tpu.memref_slice %arg5[%dma_wait3A_50, %dma_wait3A_51] : memref<10240x32xf32, #tpu.memory_space<hbm>> -> memref<128x32xf32, #tpu.memory_space<hbm>>
    %dma_wait3A_53 = arith.constant 0 : i32
    %dma_wait3A_54 = arith.constant 0 : i32
    %dma_wait3A_55 = tpu.memref_slice %arg5[%dma_wait3A_53, %dma_wait3A_54] : memref<10240x32xf32, #tpu.memory_space<hbm>> -> memref<128x32xf32, #tpu.memory_space<hbm>>
    tpu.wait_dma2 semaphore(%arg38 : memref<!tpu.dma_semaphore, #tpu.memory_space<semaphore_mem>>) src(%dma_wait3A_55 : memref<128x32xf32, #tpu.memory_space<hbm>>) dst(%arg21 : memref<128x32xf32, #tpu.memory_space<vmem>>)
    %dma_wait3A_56 = arith.constant 0 : i32
    %dma_wait3A_57 = arith.constant 0 : i32
    %dma_wait3A_58 = tpu.memref_slice %arg12[%dma_wait3A_56, %dma_wait3A_57] : memref<20480x16xf32, #tpu.memory_space<hbm>> -> memref<128x16xf32, #tpu.memory_space<hbm>>
    %dma_wait3A_59 = arith.constant 0 : i32
    %dma_wait3A_60 = arith.constant 0 : i32
    %dma_wait3A_61 = tpu.memref_slice %arg12[%dma_wait3A_59, %dma_wait3A_60] : memref<20480x16xf32, #tpu.memory_space<hbm>> -> memref<128x16xf32, #tpu.memory_space<hbm>>
    tpu.wait_dma2 semaphore(%arg38 : memref<!tpu.dma_semaphore, #tpu.memory_space<semaphore_mem>>) src(%dma_wait3A_61 : memref<128x16xf32, #tpu.memory_space<hbm>>) dst(%arg34 : memref<128x16xf32, #tpu.memory_space<vmem>>)
    %dma_wait3A_62 = arith.constant 0 : i32
    %dma_wait3A_63 = arith.constant 0 : i32
    %dma_wait3A_64 = tpu.memref_slice %arg2[%dma_wait3A_62, %dma_wait3A_63] : memref<10240x32xf32, #tpu.memory_space<hbm>> -> memref<128x32xf32, #tpu.memory_space<hbm>>
    %dma_wait3A_65 = arith.constant 0 : i32
    %dma_wait3A_66 = arith.constant 0 : i32
    %dma_wait3A_67 = tpu.memref_slice %arg2[%dma_wait3A_65, %dma_wait3A_66] : memref<10240x32xf32, #tpu.memory_space<hbm>> -> memref<128x32xf32, #tpu.memory_space<hbm>>
    tpu.wait_dma2 semaphore(%arg39 : memref<!tpu.dma_semaphore, #tpu.memory_space<semaphore_mem>>) src(%dma_wait3A_67 : memref<128x32xf32, #tpu.memory_space<hbm>>) dst(%arg22 : memref<128x32xf32, #tpu.memory_space<vmem>>)
    %dma_wait3A_68 = arith.constant 0 : i32
    %dma_wait3A_69 = arith.constant 0 : i32
    %dma_wait3A_70 = tpu.memref_slice %arg3[%dma_wait3A_68, %dma_wait3A_69] : memref<10240x32xf32, #tpu.memory_space<hbm>> -> memref<128x32xf32, #tpu.memory_space<hbm>>
    %dma_wait3A_71 = arith.constant 0 : i32
    %dma_wait3A_72 = arith.constant 0 : i32
    %dma_wait3A_73 = tpu.memref_slice %arg3[%dma_wait3A_71, %dma_wait3A_72] : memref<10240x32xf32, #tpu.memory_space<hbm>> -> memref<128x32xf32, #tpu.memory_space<hbm>>
    tpu.wait_dma2 semaphore(%arg39 : memref<!tpu.dma_semaphore, #tpu.memory_space<semaphore_mem>>) src(%dma_wait3A_73 : memref<128x32xf32, #tpu.memory_space<hbm>>) dst(%arg23 : memref<128x32xf32, #tpu.memory_space<vmem>>)
    %dma_wait3A_74 = arith.constant 0 : i32
    %dma_wait3A_75 = arith.constant 0 : i32
    %dma_wait3A_76 = tpu.memref_slice %arg4[%dma_wait3A_74, %dma_wait3A_75] : memref<10240x32xf32, #tpu.memory_space<hbm>> -> memref<128x32xf32, #tpu.memory_space<hbm>>
    %dma_wait3A_77 = arith.constant 0 : i32
    %dma_wait3A_78 = arith.constant 0 : i32
    %dma_wait3A_79 = tpu.memref_slice %arg4[%dma_wait3A_77, %dma_wait3A_78] : memref<10240x32xf32, #tpu.memory_space<hbm>> -> memref<128x32xf32, #tpu.memory_space<hbm>>
    tpu.wait_dma2 semaphore(%arg39 : memref<!tpu.dma_semaphore, #tpu.memory_space<semaphore_mem>>) src(%dma_wait3A_79 : memref<128x32xf32, #tpu.memory_space<hbm>>) dst(%arg24 : memref<128x32xf32, #tpu.memory_space<vmem>>)
    %dma_wait3A_80 = arith.constant 0 : i32
    %dma_wait3A_81 = arith.constant 0 : i32
    %dma_wait3A_82 = tpu.memref_slice %arg5[%dma_wait3A_80, %dma_wait3A_81] : memref<10240x32xf32, #tpu.memory_space<hbm>> -> memref<128x32xf32, #tpu.memory_space<hbm>>
    %dma_wait3A_83 = arith.constant 0 : i32
    %dma_wait3A_84 = arith.constant 0 : i32
    %dma_wait3A_85 = tpu.memref_slice %arg5[%dma_wait3A_83, %dma_wait3A_84] : memref<10240x32xf32, #tpu.memory_space<hbm>> -> memref<128x32xf32, #tpu.memory_space<hbm>>
    tpu.wait_dma2 semaphore(%arg39 : memref<!tpu.dma_semaphore, #tpu.memory_space<semaphore_mem>>) src(%dma_wait3A_85 : memref<128x32xf32, #tpu.memory_space<hbm>>) dst(%arg25 : memref<128x32xf32, #tpu.memory_space<vmem>>)
    %dma_wait3A_86 = arith.constant 0 : i32
    %dma_wait3A_87 = arith.constant 0 : i32
    %dma_wait3A_88 = tpu.memref_slice %arg12[%dma_wait3A_86, %dma_wait3A_87] : memref<20480x16xf32, #tpu.memory_space<hbm>> -> memref<128x16xf32, #tpu.memory_space<hbm>>
    %dma_wait3A_89 = arith.constant 0 : i32
    %dma_wait3A_90 = arith.constant 0 : i32
    %dma_wait3A_91 = tpu.memref_slice %arg12[%dma_wait3A_89, %dma_wait3A_90] : memref<20480x16xf32, #tpu.memory_space<hbm>> -> memref<128x16xf32, #tpu.memory_space<hbm>>
    tpu.wait_dma2 semaphore(%arg39 : memref<!tpu.dma_semaphore, #tpu.memory_space<semaphore_mem>>) src(%dma_wait3A_91 : memref<128x16xf32, #tpu.memory_space<hbm>>) dst(%arg34 : memref<128x16xf32, #tpu.memory_space<vmem>>)
    %dma_wait3A_92 = arith.constant 0 : i32
    %dma_wait3A_93 = tpu.memref_slice %arg6[%dma_wait3A_92] : memref<327680xi32, #tpu.memory_space<hbm>> -> memref<128xi32, #tpu.memory_space<hbm>>
    %dma_wait3A_94 = arith.constant 0 : i32
    %dma_wait3A_95 = tpu.memref_slice %arg6[%dma_wait3A_94] : memref<327680xi32, #tpu.memory_space<hbm>> -> memref<128xi32, #tpu.memory_space<hbm>>
    tpu.wait_dma2 semaphore(%arg35 : memref<!tpu.dma_semaphore, #tpu.memory_space<semaphore_mem>>) src(%dma_wait3A_95 : memref<128xi32, #tpu.memory_space<hbm>>) dst(%arg26 : memref<128xi32, #tpu.memory_space<vmem>>)
    %dma_wait3A_96 = arith.constant 0 : i32
    %dma_wait3A_97 = tpu.memref_slice %arg6[%dma_wait3A_96] : memref<327680xi32, #tpu.memory_space<hbm>> -> memref<128xi32, #tpu.memory_space<hbm>>
    %dma_wait3A_98 = arith.constant 0 : i32
    %dma_wait3A_99 = tpu.memref_slice %arg6[%dma_wait3A_98] : memref<327680xi32, #tpu.memory_space<hbm>> -> memref<128xi32, #tpu.memory_space<hbm>>
    tpu.wait_dma2 semaphore(%arg35 : memref<!tpu.dma_semaphore, #tpu.memory_space<semaphore_mem>>) src(%dma_wait3A_99 : memref<128xi32, #tpu.memory_space<hbm>>) dst(%arg30 : memref<128xi32, #tpu.memory_space<vmem>>)
    %barrier3A_100 = arith.constant 0 : index
    tpu.barrier barrier_id(%barrier3A_100)
    %scan3A_101 = arith.constant 0 : i32
    %scan3A_102 = arith.constant 5 : i32
    %scan3A_103 = arith.addi %scan3A_101, %scan3A_102 : i32
    %scan3A_104 = arith.constant 1 : i32
    scf.for %scan3A_106 = %scan3A_101 to %scan3A_103 step %scan3A_104  : i32 {
      %mul3A_107 = arith.constant 1 : i32
      %mul3A_108 = arith.muli %scan3A_106, %mul3A_107 : i32
      %add3A_109 = arith.constant 0 : i32
      %add3A_110 = arith.addi %add3A_109, %mul3A_108 : i32
      %mul3A_111 = arith.constant 128 : i32
      %mul3A_112 = arith.muli %add3A_110, %mul3A_111 : i32
      %add3A_113 = arith.addi %mul3A_2, %mul3A_112 : i32
      "tpu.region"() ({
        %run_scoped3A = tpu.sem_alloc : memref<!tpu.dma_semaphore, #tpu.memory_space<semaphore_mem>>
        %dma_start3A_129 = arith.constant 0 : i32
        %dma_start3A_130 = tpu.memref_slice %arg13[%add3A_113, %dma_start3A_129] : memref<10240x32xf32, #tpu.memory_space<vmem_shared>> -> memref<128x32xf32, #tpu.memory_space<vmem_shared>>
        %dma_start3A_131 = arith.constant 0 : i32
        %dma_start3A_132 = tpu.memref_slice %arg13[%add3A_113, %dma_start3A_131] : memref<10240x32xf32, #tpu.memory_space<vmem_shared>> -> memref<128x32xf32, #tpu.memory_space<vmem_shared>>
        tpu.enqueue_dma source(%dma_start3A_132 : memref<128x32xf32, #tpu.memory_space<vmem_shared>>) target(%arg18 : memref<128x32xf32, #tpu.memory_space<vmem>>) target_semaphore(%run_scoped3A : memref<!tpu.dma_semaphore, #tpu.memory_space<semaphore_mem>>)
        %dma_wait3A_133 = arith.constant 0 : i32
        %dma_wait3A_134 = tpu.memref_slice %arg13[%add3A_113, %dma_wait3A_133] : memref<10240x32xf32, #tpu.memory_space<vmem_shared>> -> memref<128x32xf32, #tpu.memory_space<vmem_shared>>
        %dma_wait3A_135 = arith.constant 0 : i32
        %dma_wait3A_136 = tpu.memref_slice %arg13[%add3A_113, %dma_wait3A_135] : memref<10240x32xf32, #tpu.memory_space<vmem_shared>> -> memref<128x32xf32, #tpu.memory_space<vmem_shared>>
        tpu.wait_dma2 semaphore(%run_scoped3A : memref<!tpu.dma_semaphore, #tpu.memory_space<semaphore_mem>>) src(%dma_wait3A_136 : memref<128x32xf32, #tpu.memory_space<vmem_shared>>) dst(%arg18 : memref<128x32xf32, #tpu.memory_space<vmem>>)
        tpu.yield
      }) : () -> ()
      %mul3A_114 = arith.constant 10240 : i32
      %mul3A_115 = arith.muli %arg0, %mul3A_114 : i32
      %add3A_116 = arith.addi %mul3A_115, %add3A_113 : i32
      "tpu.region"() ({
        %run_scoped3A = tpu.sem_alloc : memref<!tpu.dma_semaphore, #tpu.memory_space<semaphore_mem>>
        %dma_start3A_129 = arith.constant 0 : i32
        %dma_start3A_130 = tpu.memref_slice %arg8[%add3A_116, %dma_start3A_129] : memref<20480x32xf32, #tpu.memory_space<hbm>> -> memref<128x32xf32, #tpu.memory_space<hbm>>
        %dma_start3A_131 = arith.constant 0 : i32
        %dma_start3A_132 = tpu.memref_slice %arg8[%add3A_116, %dma_start3A_131] : memref<20480x32xf32, #tpu.memory_space<hbm>> -> memref<128x32xf32, #tpu.memory_space<hbm>>
        tpu.enqueue_dma source(%arg18 : memref<128x32xf32, #tpu.memory_space<vmem>>) target(%dma_start3A_132 : memref<128x32xf32, #tpu.memory_space<hbm>>) target_semaphore(%run_scoped3A : memref<!tpu.dma_semaphore, #tpu.memory_space<semaphore_mem>>)
        %dma_wait3A_133 = arith.constant 0 : i32
        %dma_wait3A_134 = tpu.memref_slice %arg8[%add3A_116, %dma_wait3A_133] : memref<20480x32xf32, #tpu.memory_space<hbm>> -> memref<128x32xf32, #tpu.memory_space<hbm>>
        %dma_wait3A_135 = arith.constant 0 : i32
        %dma_wait3A_136 = tpu.memref_slice %arg8[%add3A_116, %dma_wait3A_135] : memref<20480x32xf32, #tpu.memory_space<hbm>> -> memref<128x32xf32, #tpu.memory_space<hbm>>
        tpu.wait_dma2 semaphore(%run_scoped3A : memref<!tpu.dma_semaphore, #tpu.memory_space<semaphore_mem>>) src(%arg18 : memref<128x32xf32, #tpu.memory_space<vmem>>) dst(%dma_wait3A_136 : memref<128x32xf32, #tpu.memory_space<hbm>>)
        tpu.yield
      }) : () -> ()
      "tpu.region"() ({
        %run_scoped3A = tpu.sem_alloc : memref<!tpu.dma_semaphore, #tpu.memory_space<semaphore_mem>>
        %dma_start3A_129 = arith.constant 0 : i32
        %dma_start3A_130 = tpu.memref_slice %arg14[%add3A_113, %dma_start3A_129] : memref<10240x32xf32, #tpu.memory_space<vmem_shared>> -> memref<128x32xf32, #tpu.memory_space<vmem_shared>>
        %dma_start3A_131 = arith.constant 0 : i32
        %dma_start3A_132 = tpu.memref_slice %arg14[%add3A_113, %dma_start3A_131] : memref<10240x32xf32, #tpu.memory_space<vmem_shared>> -> memref<128x32xf32, #tpu.memory_space<vmem_shared>>
        tpu.enqueue_dma source(%dma_start3A_132 : memref<128x32xf32, #tpu.memory_space<vmem_shared>>) target(%arg19 : memref<128x32xf32, #tpu.memory_space<vmem>>) target_semaphore(%run_scoped3A : memref<!tpu.dma_semaphore, #tpu.memory_space<semaphore_mem>>)
        %dma_wait3A_133 = arith.constant 0 : i32
        %dma_wait3A_134 = tpu.memref_slice %arg14[%add3A_113, %dma_wait3A_133] : memref<10240x32xf32, #tpu.memory_space<vmem_shared>> -> memref<128x32xf32, #tpu.memory_space<vmem_shared>>
        %dma_wait3A_135 = arith.constant 0 : i32
        %dma_wait3A_136 = tpu.memref_slice %arg14[%add3A_113, %dma_wait3A_135] : memref<10240x32xf32, #tpu.memory_space<vmem_shared>> -> memref<128x32xf32, #tpu.memory_space<vmem_shared>>
        tpu.wait_dma2 semaphore(%run_scoped3A : memref<!tpu.dma_semaphore, #tpu.memory_space<semaphore_mem>>) src(%dma_wait3A_136 : memref<128x32xf32, #tpu.memory_space<vmem_shared>>) dst(%arg19 : memref<128x32xf32, #tpu.memory_space<vmem>>)
        tpu.yield
      }) : () -> ()
      %mul3A_117 = arith.constant 10240 : i32
      %mul3A_118 = arith.muli %arg0, %mul3A_117 : i32
      %add3A_119 = arith.addi %mul3A_118, %add3A_113 : i32
      "tpu.region"() ({
        %run_scoped3A = tpu.sem_alloc : memref<!tpu.dma_semaphore, #tpu.memory_space<semaphore_mem>>
        %dma_start3A_129 = arith.constant 0 : i32
        %dma_start3A_130 = tpu.memref_slice %arg9[%add3A_119, %dma_start3A_129] : memref<20480x32xf32, #tpu.memory_space<hbm>> -> memref<128x32xf32, #tpu.memory_space<hbm>>
        %dma_start3A_131 = arith.constant 0 : i32
        %dma_start3A_132 = tpu.memref_slice %arg9[%add3A_119, %dma_start3A_131] : memref<20480x32xf32, #tpu.memory_space<hbm>> -> memref<128x32xf32, #tpu.memory_space<hbm>>
        tpu.enqueue_dma source(%arg19 : memref<128x32xf32, #tpu.memory_space<vmem>>) target(%dma_start3A_132 : memref<128x32xf32, #tpu.memory_space<hbm>>) target_semaphore(%run_scoped3A : memref<!tpu.dma_semaphore, #tpu.memory_space<semaphore_mem>>)
        %dma_wait3A_133 = arith.constant 0 : i32
        %dma_wait3A_134 = tpu.memref_slice %arg9[%add3A_119, %dma_wait3A_133] : memref<20480x32xf32, #tpu.memory_space<hbm>> -> memref<128x32xf32, #tpu.memory_space<hbm>>
        %dma_wait3A_135 = arith.constant 0 : i32
        %dma_wait3A_136 = tpu.memref_slice %arg9[%add3A_119, %dma_wait3A_135] : memref<20480x32xf32, #tpu.memory_space<hbm>> -> memref<128x32xf32, #tpu.memory_space<hbm>>
        tpu.wait_dma2 semaphore(%run_scoped3A : memref<!tpu.dma_semaphore, #tpu.memory_space<semaphore_mem>>) src(%arg19 : memref<128x32xf32, #tpu.memory_space<vmem>>) dst(%dma_wait3A_136 : memref<128x32xf32, #tpu.memory_space<hbm>>)
        tpu.yield
      }) : () -> ()
      "tpu.region"() ({
        %run_scoped3A = tpu.sem_alloc : memref<!tpu.dma_semaphore, #tpu.memory_space<semaphore_mem>>
        %dma_start3A_129 = arith.constant 0 : i32
        %dma_start3A_130 = tpu.memref_slice %arg15[%add3A_113, %dma_start3A_129] : memref<10240x32xf32, #tpu.memory_space<vmem_shared>> -> memref<128x32xf32, #tpu.memory_space<vmem_shared>>
        %dma_start3A_131 = arith.constant 0 : i32
        %dma_start3A_132 = tpu.memref_slice %arg15[%add3A_113, %dma_start3A_131] : memref<10240x32xf32, #tpu.memory_space<vmem_shared>> -> memref<128x32xf32, #tpu.memory_space<vmem_shared>>
        tpu.enqueue_dma source(%dma_start3A_132 : memref<128x32xf32, #tpu.memory_space<vmem_shared>>) target(%arg20 : memref<128x32xf32, #tpu.memory_space<vmem>>) target_semaphore(%run_scoped3A : memref<!tpu.dma_semaphore, #tpu.memory_space<semaphore_mem>>)
        %dma_wait3A_133 = arith.constant 0 : i32
        %dma_wait3A_134 = tpu.memref_slice %arg15[%add3A_113, %dma_wait3A_133] : memref<10240x32xf32, #tpu.memory_space<vmem_shared>> -> memref<128x32xf32, #tpu.memory_space<vmem_shared>>
        %dma_wait3A_135 = arith.constant 0 : i32
        %dma_wait3A_136 = tpu.memref_slice %arg15[%add3A_113, %dma_wait3A_135] : memref<10240x32xf32, #tpu.memory_space<vmem_shared>> -> memref<128x32xf32, #tpu.memory_space<vmem_shared>>
        tpu.wait_dma2 semaphore(%run_scoped3A : memref<!tpu.dma_semaphore, #tpu.memory_space<semaphore_mem>>) src(%dma_wait3A_136 : memref<128x32xf32, #tpu.memory_space<vmem_shared>>) dst(%arg20 : memref<128x32xf32, #tpu.memory_space<vmem>>)
        tpu.yield
      }) : () -> ()
      %mul3A_120 = arith.constant 10240 : i32
      %mul3A_121 = arith.muli %arg0, %mul3A_120 : i32
      %add3A_122 = arith.addi %mul3A_121, %add3A_113 : i32
      "tpu.region"() ({
        %run_scoped3A = tpu.sem_alloc : memref<!tpu.dma_semaphore, #tpu.memory_space<semaphore_mem>>
        %dma_start3A_129 = arith.constant 0 : i32
        %dma_start3A_130 = tpu.memref_slice %arg10[%add3A_122, %dma_start3A_129] : memref<20480x32xf32, #tpu.memory_space<hbm>> -> memref<128x32xf32, #tpu.memory_space<hbm>>
        %dma_start3A_131 = arith.constant 0 : i32
        %dma_start3A_132 = tpu.memref_slice %arg10[%add3A_122, %dma_start3A_131] : memref<20480x32xf32, #tpu.memory_space<hbm>> -> memref<128x32xf32, #tpu.memory_space<hbm>>
        tpu.enqueue_dma source(%arg20 : memref<128x32xf32, #tpu.memory_space<vmem>>) target(%dma_start3A_132 : memref<128x32xf32, #tpu.memory_space<hbm>>) target_semaphore(%run_scoped3A : memref<!tpu.dma_semaphore, #tpu.memory_space<semaphore_mem>>)
        %dma_wait3A_133 = arith.constant 0 : i32
        %dma_wait3A_134 = tpu.memref_slice %arg10[%add3A_122, %dma_wait3A_133] : memref<20480x32xf32, #tpu.memory_space<hbm>> -> memref<128x32xf32, #tpu.memory_space<hbm>>
        %dma_wait3A_135 = arith.constant 0 : i32
        %dma_wait3A_136 = tpu.memref_slice %arg10[%add3A_122, %dma_wait3A_135] : memref<20480x32xf32, #tpu.memory_space<hbm>> -> memref<128x32xf32, #tpu.memory_space<hbm>>
        tpu.wait_dma2 semaphore(%run_scoped3A : memref<!tpu.dma_semaphore, #tpu.memory_space<semaphore_mem>>) src(%arg20 : memref<128x32xf32, #tpu.memory_space<vmem>>) dst(%dma_wait3A_136 : memref<128x32xf32, #tpu.memory_space<hbm>>)
        tpu.yield
      }) : () -> ()
      "tpu.region"() ({
        %run_scoped3A = tpu.sem_alloc : memref<!tpu.dma_semaphore, #tpu.memory_space<semaphore_mem>>
        %dma_start3A_129 = arith.constant 0 : i32
        %dma_start3A_130 = tpu.memref_slice %arg16[%add3A_113, %dma_start3A_129] : memref<10240x32xf32, #tpu.memory_space<vmem_shared>> -> memref<128x32xf32, #tpu.memory_space<vmem_shared>>
        %dma_start3A_131 = arith.constant 0 : i32
        %dma_start3A_132 = tpu.memref_slice %arg16[%add3A_113, %dma_start3A_131] : memref<10240x32xf32, #tpu.memory_space<vmem_shared>> -> memref<128x32xf32, #tpu.memory_space<vmem_shared>>
        tpu.enqueue_dma source(%dma_start3A_132 : memref<128x32xf32, #tpu.memory_space<vmem_shared>>) target(%arg21 : memref<128x32xf32, #tpu.memory_space<vmem>>) target_semaphore(%run_scoped3A : memref<!tpu.dma_semaphore, #tpu.memory_space<semaphore_mem>>)
        %dma_wait3A_133 = arith.constant 0 : i32
        %dma_wait3A_134 = tpu.memref_slice %arg16[%add3A_113, %dma_wait3A_133] : memref<10240x32xf32, #tpu.memory_space<vmem_shared>> -> memref<128x32xf32, #tpu.memory_space<vmem_shared>>
        %dma_wait3A_135 = arith.constant 0 : i32
        %dma_wait3A_136 = tpu.memref_slice %arg16[%add3A_113, %dma_wait3A_135] : memref<10240x32xf32, #tpu.memory_space<vmem_shared>> -> memref<128x32xf32, #tpu.memory_space<vmem_shared>>
        tpu.wait_dma2 semaphore(%run_scoped3A : memref<!tpu.dma_semaphore, #tpu.memory_space<semaphore_mem>>) src(%dma_wait3A_136 : memref<128x32xf32, #tpu.memory_space<vmem_shared>>) dst(%arg21 : memref<128x32xf32, #tpu.memory_space<vmem>>)
        tpu.yield
      }) : () -> ()
      %mul3A_123 = arith.constant 10240 : i32
      %mul3A_124 = arith.muli %arg0, %mul3A_123 : i32
      %add3A_125 = arith.addi %mul3A_124, %add3A_113 : i32
      "tpu.region"() ({
        %run_scoped3A = tpu.sem_alloc : memref<!tpu.dma_semaphore, #tpu.memory_space<semaphore_mem>>
        %dma_start3A_129 = arith.constant 0 : i32
        %dma_start3A_130 = tpu.memref_slice %arg11[%add3A_125, %dma_start3A_129] : memref<20480x32xf32, #tpu.memory_space<hbm>> -> memref<128x32xf32, #tpu.memory_space<hbm>>
        %dma_start3A_131 = arith.constant 0 : i32
        %dma_start3A_132 = tpu.memref_slice %arg11[%add3A_125, %dma_start3A_131] : memref<20480x32xf32, #tpu.memory_space<hbm>> -> memref<128x32xf32, #tpu.memory_space<hbm>>
        tpu.enqueue_dma source(%arg21 : memref<128x32xf32, #tpu.memory_space<vmem>>) target(%dma_start3A_132 : memref<128x32xf32, #tpu.memory_space<hbm>>) target_semaphore(%run_scoped3A : memref<!tpu.dma_semaphore, #tpu.memory_space<semaphore_mem>>)
        %dma_wait3A_133 = arith.constant 0 : i32
        %dma_wait3A_134 = tpu.memref_slice %arg11[%add3A_125, %dma_wait3A_133] : memref<20480x32xf32, #tpu.memory_space<hbm>> -> memref<128x32xf32, #tpu.memory_space<hbm>>
        %dma_wait3A_135 = arith.constant 0 : i32
        %dma_wait3A_136 = tpu.memref_slice %arg11[%add3A_125, %dma_wait3A_135] : memref<20480x32xf32, #tpu.memory_space<hbm>> -> memref<128x32xf32, #tpu.memory_space<hbm>>
        tpu.wait_dma2 semaphore(%run_scoped3A : memref<!tpu.dma_semaphore, #tpu.memory_space<semaphore_mem>>) src(%arg21 : memref<128x32xf32, #tpu.memory_space<vmem>>) dst(%dma_wait3A_136 : memref<128x32xf32, #tpu.memory_space<hbm>>)
        tpu.yield
      }) : () -> ()
      "tpu.region"() ({
        %run_scoped3A = tpu.sem_alloc : memref<!tpu.dma_semaphore, #tpu.memory_space<semaphore_mem>>
        %dma_start3A_129 = arith.constant 0 : i32
        %dma_start3A_130 = tpu.memref_slice %arg17[%add3A_113, %dma_start3A_129] : memref<10240x16xf32, #tpu.memory_space<vmem_shared>> -> memref<128x16xf32, #tpu.memory_space<vmem_shared>>
        %dma_start3A_131 = arith.constant 0 : i32
        %dma_start3A_132 = tpu.memref_slice %arg17[%add3A_113, %dma_start3A_131] : memref<10240x16xf32, #tpu.memory_space<vmem_shared>> -> memref<128x16xf32, #tpu.memory_space<vmem_shared>>
        tpu.enqueue_dma source(%dma_start3A_132 : memref<128x16xf32, #tpu.memory_space<vmem_shared>>) target(%arg34 : memref<128x16xf32, #tpu.memory_space<vmem>>) target_semaphore(%run_scoped3A : memref<!tpu.dma_semaphore, #tpu.memory_space<semaphore_mem>>)
        %dma_wait3A_133 = arith.constant 0 : i32
        %dma_wait3A_134 = tpu.memref_slice %arg17[%add3A_113, %dma_wait3A_133] : memref<10240x16xf32, #tpu.memory_space<vmem_shared>> -> memref<128x16xf32, #tpu.memory_space<vmem_shared>>
        %dma_wait3A_135 = arith.constant 0 : i32
        %dma_wait3A_136 = tpu.memref_slice %arg17[%add3A_113, %dma_wait3A_135] : memref<10240x16xf32, #tpu.memory_space<vmem_shared>> -> memref<128x16xf32, #tpu.memory_space<vmem_shared>>
        tpu.wait_dma2 semaphore(%run_scoped3A : memref<!tpu.dma_semaphore, #tpu.memory_space<semaphore_mem>>) src(%dma_wait3A_136 : memref<128x16xf32, #tpu.memory_space<vmem_shared>>) dst(%arg34 : memref<128x16xf32, #tpu.memory_space<vmem>>)
        tpu.yield
      }) : () -> ()
      %mul3A_126 = arith.constant 10240 : i32
      %mul3A_127 = arith.muli %arg0, %mul3A_126 : i32
      %add3A_128 = arith.addi %mul3A_127, %add3A_113 : i32
      "tpu.region"() ({
        %run_scoped3A = tpu.sem_alloc : memref<!tpu.dma_semaphore, #tpu.memory_space<semaphore_mem>>
        %dma_start3A_129 = arith.constant 0 : i32
        %dma_start3A_130 = tpu.memref_slice %arg12[%add3A_128, %dma_start3A_129] : memref<20480x16xf32, #tpu.memory_space<hbm>> -> memref<128x16xf32, #tpu.memory_space<hbm>>
        %dma_start3A_131 = arith.constant 0 : i32
        %dma_start3A_132 = tpu.memref_slice %arg12[%add3A_128, %dma_start3A_131] : memref<20480x16xf32, #tpu.memory_space<hbm>> -> memref<128x16xf32, #tpu.memory_space<hbm>>
        tpu.enqueue_dma source(%arg34 : memref<128x16xf32, #tpu.memory_space<vmem>>) target(%dma_start3A_132 : memref<128x16xf32, #tpu.memory_space<hbm>>) target_semaphore(%run_scoped3A : memref<!tpu.dma_semaphore, #tpu.memory_space<semaphore_mem>>)
        %dma_wait3A_133 = arith.constant 0 : i32
        %dma_wait3A_134 = tpu.memref_slice %arg12[%add3A_128, %dma_wait3A_133] : memref<20480x16xf32, #tpu.memory_space<hbm>> -> memref<128x16xf32, #tpu.memory_space<hbm>>
        %dma_wait3A_135 = arith.constant 0 : i32
        %dma_wait3A_136 = tpu.memref_slice %arg12[%add3A_128, %dma_wait3A_135] : memref<20480x16xf32, #tpu.memory_space<hbm>> -> memref<128x16xf32, #tpu.memory_space<hbm>>
        tpu.wait_dma2 semaphore(%run_scoped3A : memref<!tpu.dma_semaphore, #tpu.memory_space<semaphore_mem>>) src(%arg34 : memref<128x16xf32, #tpu.memory_space<vmem>>) dst(%dma_wait3A_136 : memref<128x16xf32, #tpu.memory_space<hbm>>)
        tpu.yield
      }) : () -> ()
    }
    %scan3A_105 = arith.constant 5 : i32
    return
  }
}

#map = affine_map<(d0, d1) -> (0, 0)>
#map1 = affine_map<(d0, d1) -> (0)>
module attributes {stable_mosaic.version = 14 : i64} {
  func.func @_sc_scatter_body(%arg0: i32, %arg1: i32, %arg2: memref<10240x32xf32, #tpu.memory_space<hbm>>, %arg3: memref<10240x32xf32, #tpu.memory_space<hbm>>, %arg4: memref<10240x32xf32, #tpu.memory_space<hbm>>, %arg5: memref<10240x32xf32, #tpu.memory_space<hbm>>, %arg6: memref<327680xi32, #tpu.memory_space<hbm>>, %arg7: memref<327680xi32, #tpu.memory_space<hbm>>, %arg8: memref<20480x32xf32, #tpu.memory_space<hbm>>, %arg9: memref<20480x32xf32, #tpu.memory_space<hbm>>, %arg10: memref<20480x32xf32, #tpu.memory_space<hbm>>, %arg11: memref<20480x32xf32, #tpu.memory_space<hbm>>, %arg12: memref<10240x32xf32, #tpu.memory_space<vmem_shared>>, %arg13: memref<10240x32xf32, #tpu.memory_space<vmem_shared>>, %arg14: memref<10240x32xf32, #tpu.memory_space<vmem_shared>>, %arg15: memref<10240x32xf32, #tpu.memory_space<vmem_shared>>, %arg16: memref<128x32xf32, #tpu.memory_space<vmem>>, %arg17: memref<128x32xf32, #tpu.memory_space<vmem>>, %arg18: memref<128x32xf32, #tpu.memory_space<vmem>>, %arg19: memref<128x32xf32, #tpu.memory_space<vmem>>, %arg20: memref<128x32xf32, #tpu.memory_space<vmem>>, %arg21: memref<128x32xf32, #tpu.memory_space<vmem>>, %arg22: memref<128x32xf32, #tpu.memory_space<vmem>>, %arg23: memref<128x32xf32, #tpu.memory_space<vmem>>, %arg24: memref<128xi32, #tpu.memory_space<vmem>>, %arg25: memref<128xi32, #tpu.memory_space<vmem>>, %arg26: memref<128xi32, #tpu.memory_space<vmem>>, %arg27: memref<128xi32, #tpu.memory_space<vmem>>, %arg28: memref<128xi32, #tpu.memory_space<vmem>>, %arg29: memref<128xi32, #tpu.memory_space<vmem>>, %arg30: memref<128xi32, #tpu.memory_space<vmem>>, %arg31: memref<128xi32, #tpu.memory_space<vmem>>, %arg32: memref<!tpu.dma_semaphore, #tpu.memory_space<semaphore_mem>>, %arg33: memref<!tpu.dma_semaphore, #tpu.memory_space<semaphore_mem>>, %arg34: memref<!tpu.dma_semaphore, #tpu.memory_space<semaphore_mem>>, %arg35: memref<!tpu.dma_semaphore, #tpu.memory_space<semaphore_mem>>, %arg36: memref<!tpu.dma_semaphore, #tpu.memory_space<semaphore_mem>>) attributes {dimension_semantics = [#tpu.dimension_semantics<core_parallel>, #tpu.dimension_semantics<subcore_parallel>], iteration_bounds = array<i64: 2, 16>, scalar_prefetch = 0 : i64, scratch_operands = 25 : i64, tpu.core_type = #tpu.core_type<sc_vector_subcore>, window_params = [{transform_indices = #map}, {transform_indices = #map}, {transform_indices = #map}, {transform_indices = #map}, {transform_indices = #map1}, {transform_indices = #map1}, {transform_indices = #map}, {transform_indices = #map}, {transform_indices = #map}, {transform_indices = #map}]} {
    %mul3A = arith.constant 16 : i32
    %mul3A_0 = arith.muli %arg0, %mul3A : i32
    %add3A = arith.addi %mul3A_0, %arg1 : i32
    %mul3A_1 = arith.constant 640 : i32
    %mul3A_2 = arith.muli %arg1, %mul3A_1 : i32
    %mul3A_3 = arith.constant 80 : i32
    %mul3A_4 = arith.muli %add3A, %mul3A_3 : i32
    %mul3A_5 = arith.constant 128 : i32
    %mul3A_6 = arith.muli %mul3A_4, %mul3A_5 : i32
    %scan3A = arith.constant 0 : i32
    %scan3A_7 = arith.constant 0 : i32
    %scan3A_8 = arith.constant 128 : i32
    %scan3A_9 = arith.addi %scan3A_7, %scan3A_8 : i32
    %scan3A_10 = arith.constant 1 : i32
    %scan3A_11 = scf.for %scan3A_87 = %scan3A_7 to %scan3A_9 step %scan3A_10 iter_args(%scan3A_88 = %scan3A) -> (i32)  : i32 {
      %broadcast_in_dim3A = arith.constant 0.000000e+00 : f32
      %broadcast_in_dim3A_89 = vector.broadcast %broadcast_in_dim3A : f32 to vector<16xf32>
      %swap3A = arith.index_cast %scan3A_87 : i32 to index
      %swap3A_90 = arith.constant 0 : index
      %swap3A_91 = tpu.vector_load %arg16[%swap3A, %swap3A_90] {strides = array<i32>} : memref<128x32xf32, #tpu.memory_space<vmem>>, vector<1x16xf32>,
      %swap3A_92 = vector.shape_cast %swap3A_91 : vector<1x16xf32> to vector<16xf32>
      %swap3A_93 = vector.shape_cast %broadcast_in_dim3A_89 : vector<16xf32> to vector<1x16xf32>
      tpu.vector_store %arg16[%swap3A, %swap3A_90], %swap3A_93 {strides = array<i32>} : memref<128x32xf32, #tpu.memory_space<vmem>>, vector<1x16xf32>,
      %broadcast_in_dim3A_94 = arith.constant 0.000000e+00 : f32
      %broadcast_in_dim3A_95 = vector.broadcast %broadcast_in_dim3A_94 : f32 to vector<16xf32>
      %swap3A_96 = arith.index_cast %scan3A_87 : i32 to index
      %swap3A_97 = arith.constant 16 : index
      %swap3A_98 = tpu.vector_load %arg16[%swap3A_96, %swap3A_97] {strides = array<i32>} : memref<128x32xf32, #tpu.memory_space<vmem>>, vector<1x16xf32>,
      %swap3A_99 = vector.shape_cast %swap3A_98 : vector<1x16xf32> to vector<16xf32>
      %swap3A_100 = vector.shape_cast %broadcast_in_dim3A_95 : vector<16xf32> to vector<1x16xf32>
      tpu.vector_store %arg16[%swap3A_96, %swap3A_97], %swap3A_100 {strides = array<i32>} : memref<128x32xf32, #tpu.memory_space<vmem>>, vector<1x16xf32>,
      %broadcast_in_dim3A_101 = arith.constant 0.000000e+00 : f32
      %broadcast_in_dim3A_102 = vector.broadcast %broadcast_in_dim3A_101 : f32 to vector<16xf32>
      %swap3A_103 = arith.index_cast %scan3A_87 : i32 to index
      %swap3A_104 = arith.constant 0 : index
      %swap3A_105 = tpu.vector_load %arg17[%swap3A_103, %swap3A_104] {strides = array<i32>} : memref<128x32xf32, #tpu.memory_space<vmem>>, vector<1x16xf32>,
      %swap3A_106 = vector.shape_cast %swap3A_105 : vector<1x16xf32> to vector<16xf32>
      %swap3A_107 = vector.shape_cast %broadcast_in_dim3A_102 : vector<16xf32> to vector<1x16xf32>
      tpu.vector_store %arg17[%swap3A_103, %swap3A_104], %swap3A_107 {strides = array<i32>} : memref<128x32xf32, #tpu.memory_space<vmem>>, vector<1x16xf32>,
      %broadcast_in_dim3A_108 = arith.constant 0.000000e+00 : f32
      %broadcast_in_dim3A_109 = vector.broadcast %broadcast_in_dim3A_108 : f32 to vector<16xf32>
      %swap3A_110 = arith.index_cast %scan3A_87 : i32 to index
      %swap3A_111 = arith.constant 16 : index
      %swap3A_112 = tpu.vector_load %arg17[%swap3A_110, %swap3A_111] {strides = array<i32>} : memref<128x32xf32, #tpu.memory_space<vmem>>, vector<1x16xf32>,
      %swap3A_113 = vector.shape_cast %swap3A_112 : vector<1x16xf32> to vector<16xf32>
      %swap3A_114 = vector.shape_cast %broadcast_in_dim3A_109 : vector<16xf32> to vector<1x16xf32>
      tpu.vector_store %arg17[%swap3A_110, %swap3A_111], %swap3A_114 {strides = array<i32>} : memref<128x32xf32, #tpu.memory_space<vmem>>, vector<1x16xf32>,
      %broadcast_in_dim3A_115 = arith.constant 0.000000e+00 : f32
      %broadcast_in_dim3A_116 = vector.broadcast %broadcast_in_dim3A_115 : f32 to vector<16xf32>
      %swap3A_117 = arith.index_cast %scan3A_87 : i32 to index
      %swap3A_118 = arith.constant 0 : index
      %swap3A_119 = tpu.vector_load %arg18[%swap3A_117, %swap3A_118] {strides = array<i32>} : memref<128x32xf32, #tpu.memory_space<vmem>>, vector<1x16xf32>,
      %swap3A_120 = vector.shape_cast %swap3A_119 : vector<1x16xf32> to vector<16xf32>
      %swap3A_121 = vector.shape_cast %broadcast_in_dim3A_116 : vector<16xf32> to vector<1x16xf32>
      tpu.vector_store %arg18[%swap3A_117, %swap3A_118], %swap3A_121 {strides = array<i32>} : memref<128x32xf32, #tpu.memory_space<vmem>>, vector<1x16xf32>,
      %broadcast_in_dim3A_122 = arith.constant 0.000000e+00 : f32
      %broadcast_in_dim3A_123 = vector.broadcast %broadcast_in_dim3A_122 : f32 to vector<16xf32>
      %swap3A_124 = arith.index_cast %scan3A_87 : i32 to index
      %swap3A_125 = arith.constant 16 : index
      %swap3A_126 = tpu.vector_load %arg18[%swap3A_124, %swap3A_125] {strides = array<i32>} : memref<128x32xf32, #tpu.memory_space<vmem>>, vector<1x16xf32>,
      %swap3A_127 = vector.shape_cast %swap3A_126 : vector<1x16xf32> to vector<16xf32>
      %swap3A_128 = vector.shape_cast %broadcast_in_dim3A_123 : vector<16xf32> to vector<1x16xf32>
      tpu.vector_store %arg18[%swap3A_124, %swap3A_125], %swap3A_128 {strides = array<i32>} : memref<128x32xf32, #tpu.memory_space<vmem>>, vector<1x16xf32>,
      %broadcast_in_dim3A_129 = arith.constant 0.000000e+00 : f32
      %broadcast_in_dim3A_130 = vector.broadcast %broadcast_in_dim3A_129 : f32 to vector<16xf32>
      %swap3A_131 = arith.index_cast %scan3A_87 : i32 to index
      %swap3A_132 = arith.constant 0 : index
      %swap3A_133 = tpu.vector_load %arg19[%swap3A_131, %swap3A_132] {strides = array<i32>} : memref<128x32xf32, #tpu.memory_space<vmem>>, vector<1x16xf32>,
      %swap3A_134 = vector.shape_cast %swap3A_133 : vector<1x16xf32> to vector<16xf32>
      %swap3A_135 = vector.shape_cast %broadcast_in_dim3A_130 : vector<16xf32> to vector<1x16xf32>
      tpu.vector_store %arg19[%swap3A_131, %swap3A_132], %swap3A_135 {strides = array<i32>} : memref<128x32xf32, #tpu.memory_space<vmem>>, vector<1x16xf32>,
      %broadcast_in_dim3A_136 = arith.constant 0.000000e+00 : f32
      %broadcast_in_dim3A_137 = vector.broadcast %broadcast_in_dim3A_136 : f32 to vector<16xf32>
      %swap3A_138 = arith.index_cast %scan3A_87 : i32 to index
      %swap3A_139 = arith.constant 16 : index
      %swap3A_140 = tpu.vector_load %arg19[%swap3A_138, %swap3A_139] {strides = array<i32>} : memref<128x32xf32, #tpu.memory_space<vmem>>, vector<1x16xf32>,
      %swap3A_141 = vector.shape_cast %swap3A_140 : vector<1x16xf32> to vector<16xf32>
      %swap3A_142 = vector.shape_cast %broadcast_in_dim3A_137 : vector<16xf32> to vector<1x16xf32>
      tpu.vector_store %arg19[%swap3A_138, %swap3A_139], %swap3A_142 {strides = array<i32>} : memref<128x32xf32, #tpu.memory_space<vmem>>, vector<1x16xf32>,
      %scan3A_143 = arith.constant 0 : i32
      scf.yield %scan3A_143 : i32
    }
    %scan3A_12 = arith.constant 128 : i32
    %scan3A_13 = arith.constant 0 : i32
    %scan3A_14 = arith.constant 5 : i32
    %scan3A_15 = arith.addi %scan3A_13, %scan3A_14 : i32
    %scan3A_16 = arith.constant 1 : i32
    scf.for %scan3A_87 = %scan3A_13 to %scan3A_15 step %scan3A_16  : i32 {
      %mul3A_88 = arith.constant 1 : i32
      %mul3A_89 = arith.muli %scan3A_87, %mul3A_88 : i32
      %add3A_90 = arith.constant 0 : i32
      %add3A_91 = arith.addi %add3A_90, %mul3A_89 : i32
      %mul3A_92 = arith.constant 128 : i32
      %mul3A_93 = arith.muli %add3A_91, %mul3A_92 : i32
      %add3A_94 = arith.addi %mul3A_2, %mul3A_93 : i32
      "tpu.region"() ({
        %run_scoped3A = tpu.sem_alloc : memref<!tpu.dma_semaphore, #tpu.memory_space<semaphore_mem>>
        %dma_start3A_95 = arith.constant 0 : i32
        %dma_start3A_96 = tpu.memref_slice %arg12[%add3A_94, %dma_start3A_95] : memref<10240x32xf32, #tpu.memory_space<vmem_shared>> -> memref<128x32xf32, #tpu.memory_space<vmem_shared>>
        %dma_start3A_97 = arith.constant 0 : i32
        %dma_start3A_98 = tpu.memref_slice %arg12[%add3A_94, %dma_start3A_97] : memref<10240x32xf32, #tpu.memory_space<vmem_shared>> -> memref<128x32xf32, #tpu.memory_space<vmem_shared>>
        tpu.enqueue_dma source(%arg16 : memref<128x32xf32, #tpu.memory_space<vmem>>) target(%dma_start3A_98 : memref<128x32xf32, #tpu.memory_space<vmem_shared>>) target_semaphore(%run_scoped3A : memref<!tpu.dma_semaphore, #tpu.memory_space<semaphore_mem>>)
        %dma_wait3A_99 = arith.constant 0 : i32
        %dma_wait3A_100 = tpu.memref_slice %arg12[%add3A_94, %dma_wait3A_99] : memref<10240x32xf32, #tpu.memory_space<vmem_shared>> -> memref<128x32xf32, #tpu.memory_space<vmem_shared>>
        %dma_wait3A_101 = arith.constant 0 : i32
        %dma_wait3A_102 = tpu.memref_slice %arg12[%add3A_94, %dma_wait3A_101] : memref<10240x32xf32, #tpu.memory_space<vmem_shared>> -> memref<128x32xf32, #tpu.memory_space<vmem_shared>>
        tpu.wait_dma2 semaphore(%run_scoped3A : memref<!tpu.dma_semaphore, #tpu.memory_space<semaphore_mem>>) src(%arg16 : memref<128x32xf32, #tpu.memory_space<vmem>>) dst(%dma_wait3A_102 : memref<128x32xf32, #tpu.memory_space<vmem_shared>>)
        tpu.yield
      }) : () -> ()
      "tpu.region"() ({
        %run_scoped3A = tpu.sem_alloc : memref<!tpu.dma_semaphore, #tpu.memory_space<semaphore_mem>>
        %dma_start3A_95 = arith.constant 0 : i32
        %dma_start3A_96 = tpu.memref_slice %arg13[%add3A_94, %dma_start3A_95] : memref<10240x32xf32, #tpu.memory_space<vmem_shared>> -> memref<128x32xf32, #tpu.memory_space<vmem_shared>>
        %dma_start3A_97 = arith.constant 0 : i32
        %dma_start3A_98 = tpu.memref_slice %arg13[%add3A_94, %dma_start3A_97] : memref<10240x32xf32, #tpu.memory_space<vmem_shared>> -> memref<128x32xf32, #tpu.memory_space<vmem_shared>>
        tpu.enqueue_dma source(%arg17 : memref<128x32xf32, #tpu.memory_space<vmem>>) target(%dma_start3A_98 : memref<128x32xf32, #tpu.memory_space<vmem_shared>>) target_semaphore(%run_scoped3A : memref<!tpu.dma_semaphore, #tpu.memory_space<semaphore_mem>>)
        %dma_wait3A_99 = arith.constant 0 : i32
        %dma_wait3A_100 = tpu.memref_slice %arg13[%add3A_94, %dma_wait3A_99] : memref<10240x32xf32, #tpu.memory_space<vmem_shared>> -> memref<128x32xf32, #tpu.memory_space<vmem_shared>>
        %dma_wait3A_101 = arith.constant 0 : i32
        %dma_wait3A_102 = tpu.memref_slice %arg13[%add3A_94, %dma_wait3A_101] : memref<10240x32xf32, #tpu.memory_space<vmem_shared>> -> memref<128x32xf32, #tpu.memory_space<vmem_shared>>
        tpu.wait_dma2 semaphore(%run_scoped3A : memref<!tpu.dma_semaphore, #tpu.memory_space<semaphore_mem>>) src(%arg17 : memref<128x32xf32, #tpu.memory_space<vmem>>) dst(%dma_wait3A_102 : memref<128x32xf32, #tpu.memory_space<vmem_shared>>)
        tpu.yield
      }) : () -> ()
      "tpu.region"() ({
        %run_scoped3A = tpu.sem_alloc : memref<!tpu.dma_semaphore, #tpu.memory_space<semaphore_mem>>
        %dma_start3A_95 = arith.constant 0 : i32
        %dma_start3A_96 = tpu.memref_slice %arg14[%add3A_94, %dma_start3A_95] : memref<10240x32xf32, #tpu.memory_space<vmem_shared>> -> memref<128x32xf32, #tpu.memory_space<vmem_shared>>
        %dma_start3A_97 = arith.constant 0 : i32
        %dma_start3A_98 = tpu.memref_slice %arg14[%add3A_94, %dma_start3A_97] : memref<10240x32xf32, #tpu.memory_space<vmem_shared>> -> memref<128x32xf32, #tpu.memory_space<vmem_shared>>
        tpu.enqueue_dma source(%arg18 : memref<128x32xf32, #tpu.memory_space<vmem>>) target(%dma_start3A_98 : memref<128x32xf32, #tpu.memory_space<vmem_shared>>) target_semaphore(%run_scoped3A : memref<!tpu.dma_semaphore, #tpu.memory_space<semaphore_mem>>)
        %dma_wait3A_99 = arith.constant 0 : i32
        %dma_wait3A_100 = tpu.memref_slice %arg14[%add3A_94, %dma_wait3A_99] : memref<10240x32xf32, #tpu.memory_space<vmem_shared>> -> memref<128x32xf32, #tpu.memory_space<vmem_shared>>
        %dma_wait3A_101 = arith.constant 0 : i32
        %dma_wait3A_102 = tpu.memref_slice %arg14[%add3A_94, %dma_wait3A_101] : memref<10240x32xf32, #tpu.memory_space<vmem_shared>> -> memref<128x32xf32, #tpu.memory_space<vmem_shared>>
        tpu.wait_dma2 semaphore(%run_scoped3A : memref<!tpu.dma_semaphore, #tpu.memory_space<semaphore_mem>>) src(%arg18 : memref<128x32xf32, #tpu.memory_space<vmem>>) dst(%dma_wait3A_102 : memref<128x32xf32, #tpu.memory_space<vmem_shared>>)
        tpu.yield
      }) : () -> ()
      "tpu.region"() ({
        %run_scoped3A = tpu.sem_alloc : memref<!tpu.dma_semaphore, #tpu.memory_space<semaphore_mem>>
        %dma_start3A_95 = arith.constant 0 : i32
        %dma_start3A_96 = tpu.memref_slice %arg15[%add3A_94, %dma_start3A_95] : memref<10240x32xf32, #tpu.memory_space<vmem_shared>> -> memref<128x32xf32, #tpu.memory_space<vmem_shared>>
        %dma_start3A_97 = arith.constant 0 : i32
        %dma_start3A_98 = tpu.memref_slice %arg15[%add3A_94, %dma_start3A_97] : memref<10240x32xf32, #tpu.memory_space<vmem_shared>> -> memref<128x32xf32, #tpu.memory_space<vmem_shared>>
        tpu.enqueue_dma source(%arg19 : memref<128x32xf32, #tpu.memory_space<vmem>>) target(%dma_start3A_98 : memref<128x32xf32, #tpu.memory_space<vmem_shared>>) target_semaphore(%run_scoped3A : memref<!tpu.dma_semaphore, #tpu.memory_space<semaphore_mem>>)
        %dma_wait3A_99 = arith.constant 0 : i32
        %dma_wait3A_100 = tpu.memref_slice %arg15[%add3A_94, %dma_wait3A_99] : memref<10240x32xf32, #tpu.memory_space<vmem_shared>> -> memref<128x32xf32, #tpu.memory_space<vmem_shared>>
        %dma_wait3A_101 = arith.constant 0 : i32
        %dma_wait3A_102 = tpu.memref_slice %arg15[%add3A_94, %dma_wait3A_101] : memref<10240x32xf32, #tpu.memory_space<vmem_shared>> -> memref<128x32xf32, #tpu.memory_space<vmem_shared>>
        tpu.wait_dma2 semaphore(%run_scoped3A : memref<!tpu.dma_semaphore, #tpu.memory_space<semaphore_mem>>) src(%arg19 : memref<128x32xf32, #tpu.memory_space<vmem>>) dst(%dma_wait3A_102 : memref<128x32xf32, #tpu.memory_space<vmem_shared>>)
        tpu.yield
      }) : () -> ()
    }
    %scan3A_17 = arith.constant 5 : i32
    %barrier3A = arith.constant 0 : index
    tpu.barrier barrier_id(%barrier3A)
    %dma_start3A = tpu.memref_slice %arg6[%mul3A_6] : memref<327680xi32, #tpu.memory_space<hbm>> -> memref<128xi32, #tpu.memory_space<hbm>>
    %dma_start3A_18 = tpu.memref_slice %arg6[%mul3A_6] : memref<327680xi32, #tpu.memory_space<hbm>> -> memref<128xi32, #tpu.memory_space<hbm>>
    tpu.enqueue_dma source(%dma_start3A_18 : memref<128xi32, #tpu.memory_space<hbm>>) target(%arg24 : memref<128xi32, #tpu.memory_space<vmem>>) target_semaphore(%arg32 : memref<!tpu.dma_semaphore, #tpu.memory_space<semaphore_mem>>)
    %dma_start3A_19 = tpu.memref_slice %arg7[%mul3A_6] : memref<327680xi32, #tpu.memory_space<hbm>> -> memref<128xi32, #tpu.memory_space<hbm>>
    %dma_start3A_20 = tpu.memref_slice %arg7[%mul3A_6] : memref<327680xi32, #tpu.memory_space<hbm>> -> memref<128xi32, #tpu.memory_space<hbm>>
    tpu.enqueue_dma source(%dma_start3A_20 : memref<128xi32, #tpu.memory_space<hbm>>) target(%arg28 : memref<128xi32, #tpu.memory_space<vmem>>) target_semaphore(%arg32 : memref<!tpu.dma_semaphore, #tpu.memory_space<semaphore_mem>>)
    %scan3A_21 = arith.constant 0 : i32
    %scan3A_22 = arith.constant 20 : i32
    %scan3A_23 = arith.addi %scan3A_21, %scan3A_22 : i32
    %scan3A_24 = arith.constant 1 : i32
    scf.for %scan3A_87 = %scan3A_21 to %scan3A_23 step %scan3A_24  : i32 {
      %mul3A_88 = arith.constant 1 : i32
      %mul3A_89 = arith.muli %scan3A_87, %mul3A_88 : i32
      %add3A_90 = arith.constant 0 : i32
      %add3A_91 = arith.addi %add3A_90, %mul3A_89 : i32
      %mul3A_92 = arith.constant 4 : i32
      %mul3A_93 = arith.muli %add3A_91, %mul3A_92 : i32
      %add3A_94 = arith.constant 0 : i32
      %add3A_95 = arith.addi %mul3A_93, %add3A_94 : i32
      %dma_wait3A_96 = arith.constant 0 : i32
      %dma_wait3A_97 = tpu.memref_slice %arg6[%dma_wait3A_96] : memref<327680xi32, #tpu.memory_space<hbm>> -> memref<128xi32, #tpu.memory_space<hbm>>
      %dma_wait3A_98 = arith.constant 0 : i32
      %dma_wait3A_99 = tpu.memref_slice %arg6[%dma_wait3A_98] : memref<327680xi32, #tpu.memory_space<hbm>> -> memref<128xi32, #tpu.memory_space<hbm>>
      tpu.wait_dma2 semaphore(%arg32 : memref<!tpu.dma_semaphore, #tpu.memory_space<semaphore_mem>>) src(%dma_wait3A_99 : memref<128xi32, #tpu.memory_space<hbm>>) dst(%arg24 : memref<128xi32, #tpu.memory_space<vmem>>)
      %dma_wait3A_100 = arith.constant 0 : i32
      %dma_wait3A_101 = tpu.memref_slice %arg6[%dma_wait3A_100] : memref<327680xi32, #tpu.memory_space<hbm>> -> memref<128xi32, #tpu.memory_space<hbm>>
      %dma_wait3A_102 = arith.constant 0 : i32
      %dma_wait3A_103 = tpu.memref_slice %arg6[%dma_wait3A_102] : memref<327680xi32, #tpu.memory_space<hbm>> -> memref<128xi32, #tpu.memory_space<hbm>>
      tpu.wait_dma2 semaphore(%arg32 : memref<!tpu.dma_semaphore, #tpu.memory_space<semaphore_mem>>) src(%dma_wait3A_103 : memref<128xi32, #tpu.memory_space<hbm>>) dst(%arg28 : memref<128xi32, #tpu.memory_space<vmem>>)
      %ge3A = arith.constant 2 : i32
      %ge3A_104 = arith.cmpi sge, %add3A_95, %ge3A : i32
      %convert_element_type3A = arith.extui %ge3A_104 : i1 to i32
      %cond3A = arith.constant 0 : i32
      %cond3A_105 = arith.cmpi ne, %convert_element_type3A, %cond3A : i32
      scf.if %cond3A_105 {
        %dma_wait3A_344 = arith.constant 0 : i32
        %dma_wait3A_345 = arith.constant 0 : i32
        %dma_wait3A_346 = tpu.memref_slice %arg2[%dma_wait3A_344, %dma_wait3A_345] : memref<10240x32xf32, #tpu.memory_space<hbm>> -> memref<128x32xf32, #tpu.memory_space<hbm>>
        %dma_wait3A_347 = arith.constant 0 : i32
        %dma_wait3A_348 = arith.constant 0 : i32
        %dma_wait3A_349 = tpu.memref_slice %arg2[%dma_wait3A_347, %dma_wait3A_348] : memref<10240x32xf32, #tpu.memory_space<hbm>> -> memref<128x32xf32, #tpu.memory_space<hbm>>
        tpu.wait_dma2 semaphore(%arg35 : memref<!tpu.dma_semaphore, #tpu.memory_space<semaphore_mem>>) src(%dma_wait3A_349 : memref<128x32xf32, #tpu.memory_space<hbm>>) dst(%arg16 : memref<128x32xf32, #tpu.memory_space<vmem>>)
        %dma_wait3A_350 = arith.constant 0 : i32
        %dma_wait3A_351 = arith.constant 0 : i32
        %dma_wait3A_352 = tpu.memref_slice %arg3[%dma_wait3A_350, %dma_wait3A_351] : memref<10240x32xf32, #tpu.memory_space<hbm>> -> memref<128x32xf32, #tpu.memory_space<hbm>>
        %dma_wait3A_353 = arith.constant 0 : i32
        %dma_wait3A_354 = arith.constant 0 : i32
        %dma_wait3A_355 = tpu.memref_slice %arg3[%dma_wait3A_353, %dma_wait3A_354] : memref<10240x32xf32, #tpu.memory_space<hbm>> -> memref<128x32xf32, #tpu.memory_space<hbm>>
        tpu.wait_dma2 semaphore(%arg35 : memref<!tpu.dma_semaphore, #tpu.memory_space<semaphore_mem>>) src(%dma_wait3A_355 : memref<128x32xf32, #tpu.memory_space<hbm>>) dst(%arg17 : memref<128x32xf32, #tpu.memory_space<vmem>>)
        %dma_wait3A_356 = arith.constant 0 : i32
        %dma_wait3A_357 = arith.constant 0 : i32
        %dma_wait3A_358 = tpu.memref_slice %arg4[%dma_wait3A_356, %dma_wait3A_357] : memref<10240x32xf32, #tpu.memory_space<hbm>> -> memref<128x32xf32, #tpu.memory_space<hbm>>
        %dma_wait3A_359 = arith.constant 0 : i32
        %dma_wait3A_360 = arith.constant 0 : i32
        %dma_wait3A_361 = tpu.memref_slice %arg4[%dma_wait3A_359, %dma_wait3A_360] : memref<10240x32xf32, #tpu.memory_space<hbm>> -> memref<128x32xf32, #tpu.memory_space<hbm>>
        tpu.wait_dma2 semaphore(%arg35 : memref<!tpu.dma_semaphore, #tpu.memory_space<semaphore_mem>>) src(%dma_wait3A_361 : memref<128x32xf32, #tpu.memory_space<hbm>>) dst(%arg18 : memref<128x32xf32, #tpu.memory_space<vmem>>)
        %dma_wait3A_362 = arith.constant 0 : i32
        %dma_wait3A_363 = arith.constant 0 : i32
        %dma_wait3A_364 = tpu.memref_slice %arg5[%dma_wait3A_362, %dma_wait3A_363] : memref<10240x32xf32, #tpu.memory_space<hbm>> -> memref<128x32xf32, #tpu.memory_space<hbm>>
        %dma_wait3A_365 = arith.constant 0 : i32
        %dma_wait3A_366 = arith.constant 0 : i32
        %dma_wait3A_367 = tpu.memref_slice %arg5[%dma_wait3A_365, %dma_wait3A_366] : memref<10240x32xf32, #tpu.memory_space<hbm>> -> memref<128x32xf32, #tpu.memory_space<hbm>>
        tpu.wait_dma2 semaphore(%arg35 : memref<!tpu.dma_semaphore, #tpu.memory_space<semaphore_mem>>) src(%dma_wait3A_367 : memref<128x32xf32, #tpu.memory_space<hbm>>) dst(%arg19 : memref<128x32xf32, #tpu.memory_space<vmem>>)
      } else {
      }
      %add3A_106 = arith.constant 1 : i32
      %add3A_107 = arith.addi %add3A_95, %add3A_106 : i32
      %rem3A = arith.constant 80 : i32
      %rem3A_108 = arith.remsi %add3A_107, %rem3A : i32
      %mul3A_109 = arith.constant 128 : i32
      %mul3A_110 = arith.muli %rem3A_108, %mul3A_109 : i32
      %add3A_111 = arith.addi %mul3A_6, %mul3A_110 : i32
      %dma_start3A_112 = tpu.memref_slice %arg6[%add3A_111] : memref<327680xi32, #tpu.memory_space<hbm>> -> memref<128xi32, #tpu.memory_space<hbm>>
      %dma_start3A_113 = tpu.memref_slice %arg6[%add3A_111] : memref<327680xi32, #tpu.memory_space<hbm>> -> memref<128xi32, #tpu.memory_space<hbm>>
      tpu.enqueue_dma source(%dma_start3A_113 : memref<128xi32, #tpu.memory_space<hbm>>) target(%arg25 : memref<128xi32, #tpu.memory_space<vmem>>) target_semaphore(%arg32 : memref<!tpu.dma_semaphore, #tpu.memory_space<semaphore_mem>>)
      %dma_start3A_114 = tpu.memref_slice %arg7[%add3A_111] : memref<327680xi32, #tpu.memory_space<hbm>> -> memref<128xi32, #tpu.memory_space<hbm>>
      %dma_start3A_115 = tpu.memref_slice %arg7[%add3A_111] : memref<327680xi32, #tpu.memory_space<hbm>> -> memref<128xi32, #tpu.memory_space<hbm>>
      tpu.enqueue_dma source(%dma_start3A_115 : memref<128xi32, #tpu.memory_space<hbm>>) target(%arg29 : memref<128xi32, #tpu.memory_space<vmem>>) target_semaphore(%arg32 : memref<!tpu.dma_semaphore, #tpu.memory_space<semaphore_mem>>)
      %dma_start3A_116 = arith.constant 0 : i32
      %dma_start3A_117 = arith.constant 0 : i32
      %dma_start3A_118 = tpu.memref_slice %arg2[%dma_start3A_116, %dma_start3A_117] : memref<10240x32xf32, #tpu.memory_space<hbm>> -> memref<10240x32xf32, #tpu.memory_space<hbm>>
      tpu.enqueue_indirect_dma source(%dma_start3A_118 : memref<10240x32xf32, #tpu.memory_space<hbm>>) target(%arg16 : memref<128x32xf32, #tpu.memory_space<vmem>>) offsets(%arg24 : memref<128xi32, #tpu.memory_space<vmem>>) semaphore(%arg33 : memref<!tpu.dma_semaphore, #tpu.memory_space<semaphore_mem>>)
      %dma_start3A_119 = arith.constant 0 : i32
      %dma_start3A_120 = arith.constant 0 : i32
      %dma_start3A_121 = tpu.memref_slice %arg3[%dma_start3A_119, %dma_start3A_120] : memref<10240x32xf32, #tpu.memory_space<hbm>> -> memref<10240x32xf32, #tpu.memory_space<hbm>>
      tpu.enqueue_indirect_dma source(%dma_start3A_121 : memref<10240x32xf32, #tpu.memory_space<hbm>>) target(%arg17 : memref<128x32xf32, #tpu.memory_space<vmem>>) offsets(%arg24 : memref<128xi32, #tpu.memory_space<vmem>>) semaphore(%arg33 : memref<!tpu.dma_semaphore, #tpu.memory_space<semaphore_mem>>)
      %dma_start3A_122 = arith.constant 0 : i32
      %dma_start3A_123 = arith.constant 0 : i32
      %dma_start3A_124 = tpu.memref_slice %arg4[%dma_start3A_122, %dma_start3A_123] : memref<10240x32xf32, #tpu.memory_space<hbm>> -> memref<10240x32xf32, #tpu.memory_space<hbm>>
      tpu.enqueue_indirect_dma source(%dma_start3A_124 : memref<10240x32xf32, #tpu.memory_space<hbm>>) target(%arg18 : memref<128x32xf32, #tpu.memory_space<vmem>>) offsets(%arg24 : memref<128xi32, #tpu.memory_space<vmem>>) semaphore(%arg33 : memref<!tpu.dma_semaphore, #tpu.memory_space<semaphore_mem>>)
      %dma_start3A_125 = arith.constant 0 : i32
      %dma_start3A_126 = arith.constant 0 : i32
      %dma_start3A_127 = tpu.memref_slice %arg5[%dma_start3A_125, %dma_start3A_126] : memref<10240x32xf32, #tpu.memory_space<hbm>> -> memref<10240x32xf32, #tpu.memory_space<hbm>>
      tpu.enqueue_indirect_dma source(%dma_start3A_127 : memref<10240x32xf32, #tpu.memory_space<hbm>>) target(%arg19 : memref<128x32xf32, #tpu.memory_space<vmem>>) offsets(%arg24 : memref<128xi32, #tpu.memory_space<vmem>>) semaphore(%arg33 : memref<!tpu.dma_semaphore, #tpu.memory_space<semaphore_mem>>)
      %dma_wait3A_128 = arith.constant 0 : i32
      %dma_wait3A_129 = arith.constant 0 : i32
      %dma_wait3A_130 = tpu.memref_slice %arg2[%dma_wait3A_128, %dma_wait3A_129] : memref<10240x32xf32, #tpu.memory_space<hbm>> -> memref<10240x32xf32, #tpu.memory_space<hbm>>
      tpu.wait_indirect_dma semaphore(%arg33 : memref<!tpu.dma_semaphore, #tpu.memory_space<semaphore_mem>>) src(%dma_wait3A_130 : memref<10240x32xf32, #tpu.memory_space<hbm>>) dst(%arg16 : memref<128x32xf32, #tpu.memory_space<vmem>>)
      %dma_wait3A_131 = arith.constant 0 : i32
      %dma_wait3A_132 = arith.constant 0 : i32
      %dma_wait3A_133 = tpu.memref_slice %arg3[%dma_wait3A_131, %dma_wait3A_132] : memref<10240x32xf32, #tpu.memory_space<hbm>> -> memref<10240x32xf32, #tpu.memory_space<hbm>>
      tpu.wait_indirect_dma semaphore(%arg33 : memref<!tpu.dma_semaphore, #tpu.memory_space<semaphore_mem>>) src(%dma_wait3A_133 : memref<10240x32xf32, #tpu.memory_space<hbm>>) dst(%arg17 : memref<128x32xf32, #tpu.memory_space<vmem>>)
      %dma_wait3A_134 = arith.constant 0 : i32
      %dma_wait3A_135 = arith.constant 0 : i32
      %dma_wait3A_136 = tpu.memref_slice %arg4[%dma_wait3A_134, %dma_wait3A_135] : memref<10240x32xf32, #tpu.memory_space<hbm>> -> memref<10240x32xf32, #tpu.memory_space<hbm>>
      tpu.wait_indirect_dma semaphore(%arg33 : memref<!tpu.dma_semaphore, #tpu.memory_space<semaphore_mem>>) src(%dma_wait3A_136 : memref<10240x32xf32, #tpu.memory_space<hbm>>) dst(%arg18 : memref<128x32xf32, #tpu.memory_space<vmem>>)
      %dma_wait3A_137 = arith.constant 0 : i32
      %dma_wait3A_138 = arith.constant 0 : i32
      %dma_wait3A_139 = tpu.memref_slice %arg5[%dma_wait3A_137, %dma_wait3A_138] : memref<10240x32xf32, #tpu.memory_space<hbm>> -> memref<10240x32xf32, #tpu.memory_space<hbm>>
      tpu.wait_indirect_dma semaphore(%arg33 : memref<!tpu.dma_semaphore, #tpu.memory_space<semaphore_mem>>) src(%dma_wait3A_139 : memref<10240x32xf32, #tpu.memory_space<hbm>>) dst(%arg19 : memref<128x32xf32, #tpu.memory_space<vmem>>)
      %dma_start3A_140 = arith.constant 0 : i32
      %dma_start3A_141 = arith.constant 0 : i32
      %dma_start3A_142 = tpu.memref_slice %arg12[%dma_start3A_140, %dma_start3A_141] : memref<10240x32xf32, #tpu.memory_space<vmem_shared>> -> memref<10240x32xf32, #tpu.memory_space<vmem_shared>>
      tpu.enqueue_indirect_dma source(%arg16 : memref<128x32xf32, #tpu.memory_space<vmem>>) target(%dma_start3A_142 : memref<10240x32xf32, #tpu.memory_space<vmem_shared>>) offsets(%arg28 : memref<128xi32, #tpu.memory_space<vmem>>) semaphore(%arg35 : memref<!tpu.dma_semaphore, #tpu.memory_space<semaphore_mem>>) {add = true}
      %dma_start3A_143 = arith.constant 0 : i32
      %dma_start3A_144 = arith.constant 0 : i32
      %dma_start3A_145 = tpu.memref_slice %arg13[%dma_start3A_143, %dma_start3A_144] : memref<10240x32xf32, #tpu.memory_space<vmem_shared>> -> memref<10240x32xf32, #tpu.memory_space<vmem_shared>>
      tpu.enqueue_indirect_dma source(%arg17 : memref<128x32xf32, #tpu.memory_space<vmem>>) target(%dma_start3A_145 : memref<10240x32xf32, #tpu.memory_space<vmem_shared>>) offsets(%arg28 : memref<128xi32, #tpu.memory_space<vmem>>) semaphore(%arg35 : memref<!tpu.dma_semaphore, #tpu.memory_space<semaphore_mem>>) {add = true}
      %dma_start3A_146 = arith.constant 0 : i32
      %dma_start3A_147 = arith.constant 0 : i32
      %dma_start3A_148 = tpu.memref_slice %arg14[%dma_start3A_146, %dma_start3A_147] : memref<10240x32xf32, #tpu.memory_space<vmem_shared>> -> memref<10240x32xf32, #tpu.memory_space<vmem_shared>>
      tpu.enqueue_indirect_dma source(%arg18 : memref<128x32xf32, #tpu.memory_space<vmem>>) target(%dma_start3A_148 : memref<10240x32xf32, #tpu.memory_space<vmem_shared>>) offsets(%arg28 : memref<128xi32, #tpu.memory_space<vmem>>) semaphore(%arg35 : memref<!tpu.dma_semaphore, #tpu.memory_space<semaphore_mem>>) {add = true}
      %dma_start3A_149 = arith.constant 0 : i32
      %dma_start3A_150 = arith.constant 0 : i32
      %dma_start3A_151 = tpu.memref_slice %arg15[%dma_start3A_149, %dma_start3A_150] : memref<10240x32xf32, #tpu.memory_space<vmem_shared>> -> memref<10240x32xf32, #tpu.memory_space<vmem_shared>>
      tpu.enqueue_indirect_dma source(%arg19 : memref<128x32xf32, #tpu.memory_space<vmem>>) target(%dma_start3A_151 : memref<10240x32xf32, #tpu.memory_space<vmem_shared>>) offsets(%arg28 : memref<128xi32, #tpu.memory_space<vmem>>) semaphore(%arg35 : memref<!tpu.dma_semaphore, #tpu.memory_space<semaphore_mem>>) {add = true}
      %mul3A_152 = arith.constant 4 : i32
      %mul3A_153 = arith.muli %add3A_91, %mul3A_152 : i32
      %add3A_154 = arith.constant 1 : i32
      %add3A_155 = arith.addi %mul3A_153, %add3A_154 : i32
      %dma_wait3A_156 = arith.constant 0 : i32
      %dma_wait3A_157 = tpu.memref_slice %arg6[%dma_wait3A_156] : memref<327680xi32, #tpu.memory_space<hbm>> -> memref<128xi32, #tpu.memory_space<hbm>>
      %dma_wait3A_158 = arith.constant 0 : i32
      %dma_wait3A_159 = tpu.memref_slice %arg6[%dma_wait3A_158] : memref<327680xi32, #tpu.memory_space<hbm>> -> memref<128xi32, #tpu.memory_space<hbm>>
      tpu.wait_dma2 semaphore(%arg32 : memref<!tpu.dma_semaphore, #tpu.memory_space<semaphore_mem>>) src(%dma_wait3A_159 : memref<128xi32, #tpu.memory_space<hbm>>) dst(%arg24 : memref<128xi32, #tpu.memory_space<vmem>>)
      %dma_wait3A_160 = arith.constant 0 : i32
      %dma_wait3A_161 = tpu.memref_slice %arg6[%dma_wait3A_160] : memref<327680xi32, #tpu.memory_space<hbm>> -> memref<128xi32, #tpu.memory_space<hbm>>
      %dma_wait3A_162 = arith.constant 0 : i32
      %dma_wait3A_163 = tpu.memref_slice %arg6[%dma_wait3A_162] : memref<327680xi32, #tpu.memory_space<hbm>> -> memref<128xi32, #tpu.memory_space<hbm>>
      tpu.wait_dma2 semaphore(%arg32 : memref<!tpu.dma_semaphore, #tpu.memory_space<semaphore_mem>>) src(%dma_wait3A_163 : memref<128xi32, #tpu.memory_space<hbm>>) dst(%arg28 : memref<128xi32, #tpu.memory_space<vmem>>)
      %ge3A_164 = arith.constant 2 : i32
      %ge3A_165 = arith.cmpi sge, %add3A_155, %ge3A_164 : i32
      %convert_element_type3A_166 = arith.extui %ge3A_165 : i1 to i32
      %cond3A_167 = arith.constant 0 : i32
      %cond3A_168 = arith.cmpi ne, %convert_element_type3A_166, %cond3A_167 : i32
      scf.if %cond3A_168 {
        %dma_wait3A_344 = arith.constant 0 : i32
        %dma_wait3A_345 = arith.constant 0 : i32
        %dma_wait3A_346 = tpu.memref_slice %arg2[%dma_wait3A_344, %dma_wait3A_345] : memref<10240x32xf32, #tpu.memory_space<hbm>> -> memref<128x32xf32, #tpu.memory_space<hbm>>
        %dma_wait3A_347 = arith.constant 0 : i32
        %dma_wait3A_348 = arith.constant 0 : i32
        %dma_wait3A_349 = tpu.memref_slice %arg2[%dma_wait3A_347, %dma_wait3A_348] : memref<10240x32xf32, #tpu.memory_space<hbm>> -> memref<128x32xf32, #tpu.memory_space<hbm>>
        tpu.wait_dma2 semaphore(%arg36 : memref<!tpu.dma_semaphore, #tpu.memory_space<semaphore_mem>>) src(%dma_wait3A_349 : memref<128x32xf32, #tpu.memory_space<hbm>>) dst(%arg20 : memref<128x32xf32, #tpu.memory_space<vmem>>)
        %dma_wait3A_350 = arith.constant 0 : i32
        %dma_wait3A_351 = arith.constant 0 : i32
        %dma_wait3A_352 = tpu.memref_slice %arg3[%dma_wait3A_350, %dma_wait3A_351] : memref<10240x32xf32, #tpu.memory_space<hbm>> -> memref<128x32xf32, #tpu.memory_space<hbm>>
        %dma_wait3A_353 = arith.constant 0 : i32
        %dma_wait3A_354 = arith.constant 0 : i32
        %dma_wait3A_355 = tpu.memref_slice %arg3[%dma_wait3A_353, %dma_wait3A_354] : memref<10240x32xf32, #tpu.memory_space<hbm>> -> memref<128x32xf32, #tpu.memory_space<hbm>>
        tpu.wait_dma2 semaphore(%arg36 : memref<!tpu.dma_semaphore, #tpu.memory_space<semaphore_mem>>) src(%dma_wait3A_355 : memref<128x32xf32, #tpu.memory_space<hbm>>) dst(%arg21 : memref<128x32xf32, #tpu.memory_space<vmem>>)
        %dma_wait3A_356 = arith.constant 0 : i32
        %dma_wait3A_357 = arith.constant 0 : i32
        %dma_wait3A_358 = tpu.memref_slice %arg4[%dma_wait3A_356, %dma_wait3A_357] : memref<10240x32xf32, #tpu.memory_space<hbm>> -> memref<128x32xf32, #tpu.memory_space<hbm>>
        %dma_wait3A_359 = arith.constant 0 : i32
        %dma_wait3A_360 = arith.constant 0 : i32
        %dma_wait3A_361 = tpu.memref_slice %arg4[%dma_wait3A_359, %dma_wait3A_360] : memref<10240x32xf32, #tpu.memory_space<hbm>> -> memref<128x32xf32, #tpu.memory_space<hbm>>
        tpu.wait_dma2 semaphore(%arg36 : memref<!tpu.dma_semaphore, #tpu.memory_space<semaphore_mem>>) src(%dma_wait3A_361 : memref<128x32xf32, #tpu.memory_space<hbm>>) dst(%arg22 : memref<128x32xf32, #tpu.memory_space<vmem>>)
        %dma_wait3A_362 = arith.constant 0 : i32
        %dma_wait3A_363 = arith.constant 0 : i32
        %dma_wait3A_364 = tpu.memref_slice %arg5[%dma_wait3A_362, %dma_wait3A_363] : memref<10240x32xf32, #tpu.memory_space<hbm>> -> memref<128x32xf32, #tpu.memory_space<hbm>>
        %dma_wait3A_365 = arith.constant 0 : i32
        %dma_wait3A_366 = arith.constant 0 : i32
        %dma_wait3A_367 = tpu.memref_slice %arg5[%dma_wait3A_365, %dma_wait3A_366] : memref<10240x32xf32, #tpu.memory_space<hbm>> -> memref<128x32xf32, #tpu.memory_space<hbm>>
        tpu.wait_dma2 semaphore(%arg36 : memref<!tpu.dma_semaphore, #tpu.memory_space<semaphore_mem>>) src(%dma_wait3A_367 : memref<128x32xf32, #tpu.memory_space<hbm>>) dst(%arg23 : memref<128x32xf32, #tpu.memory_space<vmem>>)
      } else {
      }
      %add3A_169 = arith.constant 1 : i32
      %add3A_170 = arith.addi %add3A_155, %add3A_169 : i32
      %rem3A_171 = arith.constant 80 : i32
      %rem3A_172 = arith.remsi %add3A_170, %rem3A_171 : i32
      %mul3A_173 = arith.constant 128 : i32
      %mul3A_174 = arith.muli %rem3A_172, %mul3A_173 : i32
      %add3A_175 = arith.addi %mul3A_6, %mul3A_174 : i32
      %dma_start3A_176 = tpu.memref_slice %arg6[%add3A_175] : memref<327680xi32, #tpu.memory_space<hbm>> -> memref<128xi32, #tpu.memory_space<hbm>>
      %dma_start3A_177 = tpu.memref_slice %arg6[%add3A_175] : memref<327680xi32, #tpu.memory_space<hbm>> -> memref<128xi32, #tpu.memory_space<hbm>>
      tpu.enqueue_dma source(%dma_start3A_177 : memref<128xi32, #tpu.memory_space<hbm>>) target(%arg26 : memref<128xi32, #tpu.memory_space<vmem>>) target_semaphore(%arg32 : memref<!tpu.dma_semaphore, #tpu.memory_space<semaphore_mem>>)
      %dma_start3A_178 = tpu.memref_slice %arg7[%add3A_175] : memref<327680xi32, #tpu.memory_space<hbm>> -> memref<128xi32, #tpu.memory_space<hbm>>
      %dma_start3A_179 = tpu.memref_slice %arg7[%add3A_175] : memref<327680xi32, #tpu.memory_space<hbm>> -> memref<128xi32, #tpu.memory_space<hbm>>
      tpu.enqueue_dma source(%dma_start3A_179 : memref<128xi32, #tpu.memory_space<hbm>>) target(%arg30 : memref<128xi32, #tpu.memory_space<vmem>>) target_semaphore(%arg32 : memref<!tpu.dma_semaphore, #tpu.memory_space<semaphore_mem>>)
      %dma_start3A_180 = arith.constant 0 : i32
      %dma_start3A_181 = arith.constant 0 : i32
      %dma_start3A_182 = tpu.memref_slice %arg2[%dma_start3A_180, %dma_start3A_181] : memref<10240x32xf32, #tpu.memory_space<hbm>> -> memref<10240x32xf32, #tpu.memory_space<hbm>>
      tpu.enqueue_indirect_dma source(%dma_start3A_182 : memref<10240x32xf32, #tpu.memory_space<hbm>>) target(%arg20 : memref<128x32xf32, #tpu.memory_space<vmem>>) offsets(%arg25 : memref<128xi32, #tpu.memory_space<vmem>>) semaphore(%arg34 : memref<!tpu.dma_semaphore, #tpu.memory_space<semaphore_mem>>)
      %dma_start3A_183 = arith.constant 0 : i32
      %dma_start3A_184 = arith.constant 0 : i32
      %dma_start3A_185 = tpu.memref_slice %arg3[%dma_start3A_183, %dma_start3A_184] : memref<10240x32xf32, #tpu.memory_space<hbm>> -> memref<10240x32xf32, #tpu.memory_space<hbm>>
      tpu.enqueue_indirect_dma source(%dma_start3A_185 : memref<10240x32xf32, #tpu.memory_space<hbm>>) target(%arg21 : memref<128x32xf32, #tpu.memory_space<vmem>>) offsets(%arg25 : memref<128xi32, #tpu.memory_space<vmem>>) semaphore(%arg34 : memref<!tpu.dma_semaphore, #tpu.memory_space<semaphore_mem>>)
      %dma_start3A_186 = arith.constant 0 : i32
      %dma_start3A_187 = arith.constant 0 : i32
      %dma_start3A_188 = tpu.memref_slice %arg4[%dma_start3A_186, %dma_start3A_187] : memref<10240x32xf32, #tpu.memory_space<hbm>> -> memref<10240x32xf32, #tpu.memory_space<hbm>>
      tpu.enqueue_indirect_dma source(%dma_start3A_188 : memref<10240x32xf32, #tpu.memory_space<hbm>>) target(%arg22 : memref<128x32xf32, #tpu.memory_space<vmem>>) offsets(%arg25 : memref<128xi32, #tpu.memory_space<vmem>>) semaphore(%arg34 : memref<!tpu.dma_semaphore, #tpu.memory_space<semaphore_mem>>)
      %dma_start3A_189 = arith.constant 0 : i32
      %dma_start3A_190 = arith.constant 0 : i32
      %dma_start3A_191 = tpu.memref_slice %arg5[%dma_start3A_189, %dma_start3A_190] : memref<10240x32xf32, #tpu.memory_space<hbm>> -> memref<10240x32xf32, #tpu.memory_space<hbm>>
      tpu.enqueue_indirect_dma source(%dma_start3A_191 : memref<10240x32xf32, #tpu.memory_space<hbm>>) target(%arg23 : memref<128x32xf32, #tpu.memory_space<vmem>>) offsets(%arg25 : memref<128xi32, #tpu.memory_space<vmem>>) semaphore(%arg34 : memref<!tpu.dma_semaphore, #tpu.memory_space<semaphore_mem>>)
      %dma_wait3A_192 = arith.constant 0 : i32
      %dma_wait3A_193 = arith.constant 0 : i32
      %dma_wait3A_194 = tpu.memref_slice %arg2[%dma_wait3A_192, %dma_wait3A_193] : memref<10240x32xf32, #tpu.memory_space<hbm>> -> memref<10240x32xf32, #tpu.memory_space<hbm>>
      tpu.wait_indirect_dma semaphore(%arg34 : memref<!tpu.dma_semaphore, #tpu.memory_space<semaphore_mem>>) src(%dma_wait3A_194 : memref<10240x32xf32, #tpu.memory_space<hbm>>) dst(%arg20 : memref<128x32xf32, #tpu.memory_space<vmem>>)
      %dma_wait3A_195 = arith.constant 0 : i32
      %dma_wait3A_196 = arith.constant 0 : i32
      %dma_wait3A_197 = tpu.memref_slice %arg3[%dma_wait3A_195, %dma_wait3A_196] : memref<10240x32xf32, #tpu.memory_space<hbm>> -> memref<10240x32xf32, #tpu.memory_space<hbm>>
      tpu.wait_indirect_dma semaphore(%arg34 : memref<!tpu.dma_semaphore, #tpu.memory_space<semaphore_mem>>) src(%dma_wait3A_197 : memref<10240x32xf32, #tpu.memory_space<hbm>>) dst(%arg21 : memref<128x32xf32, #tpu.memory_space<vmem>>)
      %dma_wait3A_198 = arith.constant 0 : i32
      %dma_wait3A_199 = arith.constant 0 : i32
      %dma_wait3A_200 = tpu.memref_slice %arg4[%dma_wait3A_198, %dma_wait3A_199] : memref<10240x32xf32, #tpu.memory_space<hbm>> -> memref<10240x32xf32, #tpu.memory_space<hbm>>
      tpu.wait_indirect_dma semaphore(%arg34 : memref<!tpu.dma_semaphore, #tpu.memory_space<semaphore_mem>>) src(%dma_wait3A_200 : memref<10240x32xf32, #tpu.memory_space<hbm>>) dst(%arg22 : memref<128x32xf32, #tpu.memory_space<vmem>>)
      %dma_wait3A_201 = arith.constant 0 : i32
      %dma_wait3A_202 = arith.constant 0 : i32
      %dma_wait3A_203 = tpu.memref_slice %arg5[%dma_wait3A_201, %dma_wait3A_202] : memref<10240x32xf32, #tpu.memory_space<hbm>> -> memref<10240x32xf32, #tpu.memory_space<hbm>>
      tpu.wait_indirect_dma semaphore(%arg34 : memref<!tpu.dma_semaphore, #tpu.memory_space<semaphore_mem>>) src(%dma_wait3A_203 : memref<10240x32xf32, #tpu.memory_space<hbm>>) dst(%arg23 : memref<128x32xf32, #tpu.memory_space<vmem>>)
      %dma_start3A_204 = arith.constant 0 : i32
      %dma_start3A_205 = arith.constant 0 : i32
      %dma_start3A_206 = tpu.memref_slice %arg12[%dma_start3A_204, %dma_start3A_205] : memref<10240x32xf32, #tpu.memory_space<vmem_shared>> -> memref<10240x32xf32, #tpu.memory_space<vmem_shared>>
      tpu.enqueue_indirect_dma source(%arg20 : memref<128x32xf32, #tpu.memory_space<vmem>>) target(%dma_start3A_206 : memref<10240x32xf32, #tpu.memory_space<vmem_shared>>) offsets(%arg29 : memref<128xi32, #tpu.memory_space<vmem>>) semaphore(%arg36 : memref<!tpu.dma_semaphore, #tpu.memory_space<semaphore_mem>>) {add = true}
      %dma_start3A_207 = arith.constant 0 : i32
      %dma_start3A_208 = arith.constant 0 : i32
      %dma_start3A_209 = tpu.memref_slice %arg13[%dma_start3A_207, %dma_start3A_208] : memref<10240x32xf32, #tpu.memory_space<vmem_shared>> -> memref<10240x32xf32, #tpu.memory_space<vmem_shared>>
      tpu.enqueue_indirect_dma source(%arg21 : memref<128x32xf32, #tpu.memory_space<vmem>>) target(%dma_start3A_209 : memref<10240x32xf32, #tpu.memory_space<vmem_shared>>) offsets(%arg29 : memref<128xi32, #tpu.memory_space<vmem>>) semaphore(%arg36 : memref<!tpu.dma_semaphore, #tpu.memory_space<semaphore_mem>>) {add = true}
      %dma_start3A_210 = arith.constant 0 : i32
      %dma_start3A_211 = arith.constant 0 : i32
      %dma_start3A_212 = tpu.memref_slice %arg14[%dma_start3A_210, %dma_start3A_211] : memref<10240x32xf32, #tpu.memory_space<vmem_shared>> -> memref<10240x32xf32, #tpu.memory_space<vmem_shared>>
      tpu.enqueue_indirect_dma source(%arg22 : memref<128x32xf32, #tpu.memory_space<vmem>>) target(%dma_start3A_212 : memref<10240x32xf32, #tpu.memory_space<vmem_shared>>) offsets(%arg29 : memref<128xi32, #tpu.memory_space<vmem>>) semaphore(%arg36 : memref<!tpu.dma_semaphore, #tpu.memory_space<semaphore_mem>>) {add = true}
      %dma_start3A_213 = arith.constant 0 : i32
      %dma_start3A_214 = arith.constant 0 : i32
      %dma_start3A_215 = tpu.memref_slice %arg15[%dma_start3A_213, %dma_start3A_214] : memref<10240x32xf32, #tpu.memory_space<vmem_shared>> -> memref<10240x32xf32, #tpu.memory_space<vmem_shared>>
      tpu.enqueue_indirect_dma source(%arg23 : memref<128x32xf32, #tpu.memory_space<vmem>>) target(%dma_start3A_215 : memref<10240x32xf32, #tpu.memory_space<vmem_shared>>) offsets(%arg29 : memref<128xi32, #tpu.memory_space<vmem>>) semaphore(%arg36 : memref<!tpu.dma_semaphore, #tpu.memory_space<semaphore_mem>>) {add = true}
      %mul3A_216 = arith.constant 4 : i32
      %mul3A_217 = arith.muli %add3A_91, %mul3A_216 : i32
      %add3A_218 = arith.constant 2 : i32
      %add3A_219 = arith.addi %mul3A_217, %add3A_218 : i32
      %dma_wait3A_220 = arith.constant 0 : i32
      %dma_wait3A_221 = tpu.memref_slice %arg6[%dma_wait3A_220] : memref<327680xi32, #tpu.memory_space<hbm>> -> memref<128xi32, #tpu.memory_space<hbm>>
      %dma_wait3A_222 = arith.constant 0 : i32
      %dma_wait3A_223 = tpu.memref_slice %arg6[%dma_wait3A_222] : memref<327680xi32, #tpu.memory_space<hbm>> -> memref<128xi32, #tpu.memory_space<hbm>>
      tpu.wait_dma2 semaphore(%arg32 : memref<!tpu.dma_semaphore, #tpu.memory_space<semaphore_mem>>) src(%dma_wait3A_223 : memref<128xi32, #tpu.memory_space<hbm>>) dst(%arg24 : memref<128xi32, #tpu.memory_space<vmem>>)
      %dma_wait3A_224 = arith.constant 0 : i32
      %dma_wait3A_225 = tpu.memref_slice %arg6[%dma_wait3A_224] : memref<327680xi32, #tpu.memory_space<hbm>> -> memref<128xi32, #tpu.memory_space<hbm>>
      %dma_wait3A_226 = arith.constant 0 : i32
      %dma_wait3A_227 = tpu.memref_slice %arg6[%dma_wait3A_226] : memref<327680xi32, #tpu.memory_space<hbm>> -> memref<128xi32, #tpu.memory_space<hbm>>
      tpu.wait_dma2 semaphore(%arg32 : memref<!tpu.dma_semaphore, #tpu.memory_space<semaphore_mem>>) src(%dma_wait3A_227 : memref<128xi32, #tpu.memory_space<hbm>>) dst(%arg28 : memref<128xi32, #tpu.memory_space<vmem>>)
      %ge3A_228 = arith.constant 2 : i32
      %ge3A_229 = arith.cmpi sge, %add3A_219, %ge3A_228 : i32
      %convert_element_type3A_230 = arith.extui %ge3A_229 : i1 to i32
      %cond3A_231 = arith.constant 0 : i32
      %cond3A_232 = arith.cmpi ne, %convert_element_type3A_230, %cond3A_231 : i32
      scf.if %cond3A_232 {
        %dma_wait3A_344 = arith.constant 0 : i32
        %dma_wait3A_345 = arith.constant 0 : i32
        %dma_wait3A_346 = tpu.memref_slice %arg2[%dma_wait3A_344, %dma_wait3A_345] : memref<10240x32xf32, #tpu.memory_space<hbm>> -> memref<128x32xf32, #tpu.memory_space<hbm>>
        %dma_wait3A_347 = arith.constant 0 : i32
        %dma_wait3A_348 = arith.constant 0 : i32
        %dma_wait3A_349 = tpu.memref_slice %arg2[%dma_wait3A_347, %dma_wait3A_348] : memref<10240x32xf32, #tpu.memory_space<hbm>> -> memref<128x32xf32, #tpu.memory_space<hbm>>
        tpu.wait_dma2 semaphore(%arg35 : memref<!tpu.dma_semaphore, #tpu.memory_space<semaphore_mem>>) src(%dma_wait3A_349 : memref<128x32xf32, #tpu.memory_space<hbm>>) dst(%arg16 : memref<128x32xf32, #tpu.memory_space<vmem>>)
        %dma_wait3A_350 = arith.constant 0 : i32
        %dma_wait3A_351 = arith.constant 0 : i32
        %dma_wait3A_352 = tpu.memref_slice %arg3[%dma_wait3A_350, %dma_wait3A_351] : memref<10240x32xf32, #tpu.memory_space<hbm>> -> memref<128x32xf32, #tpu.memory_space<hbm>>
        %dma_wait3A_353 = arith.constant 0 : i32
        %dma_wait3A_354 = arith.constant 0 : i32
        %dma_wait3A_355 = tpu.memref_slice %arg3[%dma_wait3A_353, %dma_wait3A_354] : memref<10240x32xf32, #tpu.memory_space<hbm>> -> memref<128x32xf32, #tpu.memory_space<hbm>>
        tpu.wait_dma2 semaphore(%arg35 : memref<!tpu.dma_semaphore, #tpu.memory_space<semaphore_mem>>) src(%dma_wait3A_355 : memref<128x32xf32, #tpu.memory_space<hbm>>) dst(%arg17 : memref<128x32xf32, #tpu.memory_space<vmem>>)
        %dma_wait3A_356 = arith.constant 0 : i32
        %dma_wait3A_357 = arith.constant 0 : i32
        %dma_wait3A_358 = tpu.memref_slice %arg4[%dma_wait3A_356, %dma_wait3A_357] : memref<10240x32xf32, #tpu.memory_space<hbm>> -> memref<128x32xf32, #tpu.memory_space<hbm>>
        %dma_wait3A_359 = arith.constant 0 : i32
        %dma_wait3A_360 = arith.constant 0 : i32
        %dma_wait3A_361 = tpu.memref_slice %arg4[%dma_wait3A_359, %dma_wait3A_360] : memref<10240x32xf32, #tpu.memory_space<hbm>> -> memref<128x32xf32, #tpu.memory_space<hbm>>
        tpu.wait_dma2 semaphore(%arg35 : memref<!tpu.dma_semaphore, #tpu.memory_space<semaphore_mem>>) src(%dma_wait3A_361 : memref<128x32xf32, #tpu.memory_space<hbm>>) dst(%arg18 : memref<128x32xf32, #tpu.memory_space<vmem>>)
        %dma_wait3A_362 = arith.constant 0 : i32
        %dma_wait3A_363 = arith.constant 0 : i32
        %dma_wait3A_364 = tpu.memref_slice %arg5[%dma_wait3A_362, %dma_wait3A_363] : memref<10240x32xf32, #tpu.memory_space<hbm>> -> memref<128x32xf32, #tpu.memory_space<hbm>>
        %dma_wait3A_365 = arith.constant 0 : i32
        %dma_wait3A_366 = arith.constant 0 : i32
        %dma_wait3A_367 = tpu.memref_slice %arg5[%dma_wait3A_365, %dma_wait3A_366] : memref<10240x32xf32, #tpu.memory_space<hbm>> -> memref<128x32xf32, #tpu.memory_space<hbm>>
        tpu.wait_dma2 semaphore(%arg35 : memref<!tpu.dma_semaphore, #tpu.memory_space<semaphore_mem>>) src(%dma_wait3A_367 : memref<128x32xf32, #tpu.memory_space<hbm>>) dst(%arg19 : memref<128x32xf32, #tpu.memory_space<vmem>>)
      } else {
      }
      %add3A_233 = arith.constant 1 : i32
      %add3A_234 = arith.addi %add3A_219, %add3A_233 : i32
      %rem3A_235 = arith.constant 80 : i32
      %rem3A_236 = arith.remsi %add3A_234, %rem3A_235 : i32
      %mul3A_237 = arith.constant 128 : i32
      %mul3A_238 = arith.muli %rem3A_236, %mul3A_237 : i32
      %add3A_239 = arith.addi %mul3A_6, %mul3A_238 : i32
      %dma_start3A_240 = tpu.memref_slice %arg6[%add3A_239] : memref<327680xi32, #tpu.memory_space<hbm>> -> memref<128xi32, #tpu.memory_space<hbm>>
      %dma_start3A_241 = tpu.memref_slice %arg6[%add3A_239] : memref<327680xi32, #tpu.memory_space<hbm>> -> memref<128xi32, #tpu.memory_space<hbm>>
      tpu.enqueue_dma source(%dma_start3A_241 : memref<128xi32, #tpu.memory_space<hbm>>) target(%arg27 : memref<128xi32, #tpu.memory_space<vmem>>) target_semaphore(%arg32 : memref<!tpu.dma_semaphore, #tpu.memory_space<semaphore_mem>>)
      %dma_start3A_242 = tpu.memref_slice %arg7[%add3A_239] : memref<327680xi32, #tpu.memory_space<hbm>> -> memref<128xi32, #tpu.memory_space<hbm>>
      %dma_start3A_243 = tpu.memref_slice %arg7[%add3A_239] : memref<327680xi32, #tpu.memory_space<hbm>> -> memref<128xi32, #tpu.memory_space<hbm>>
      tpu.enqueue_dma source(%dma_start3A_243 : memref<128xi32, #tpu.memory_space<hbm>>) target(%arg31 : memref<128xi32, #tpu.memory_space<vmem>>) target_semaphore(%arg32 : memref<!tpu.dma_semaphore, #tpu.memory_space<semaphore_mem>>)
      %dma_start3A_244 = arith.constant 0 : i32
      %dma_start3A_245 = arith.constant 0 : i32
      %dma_start3A_246 = tpu.memref_slice %arg2[%dma_start3A_244, %dma_start3A_245] : memref<10240x32xf32, #tpu.memory_space<hbm>> -> memref<10240x32xf32, #tpu.memory_space<hbm>>
      tpu.enqueue_indirect_dma source(%dma_start3A_246 : memref<10240x32xf32, #tpu.memory_space<hbm>>) target(%arg16 : memref<128x32xf32, #tpu.memory_space<vmem>>) offsets(%arg26 : memref<128xi32, #tpu.memory_space<vmem>>) semaphore(%arg33 : memref<!tpu.dma_semaphore, #tpu.memory_space<semaphore_mem>>)
      %dma_start3A_247 = arith.constant 0 : i32
      %dma_start3A_248 = arith.constant 0 : i32
      %dma_start3A_249 = tpu.memref_slice %arg3[%dma_start3A_247, %dma_start3A_248] : memref<10240x32xf32, #tpu.memory_space<hbm>> -> memref<10240x32xf32, #tpu.memory_space<hbm>>
      tpu.enqueue_indirect_dma source(%dma_start3A_249 : memref<10240x32xf32, #tpu.memory_space<hbm>>) target(%arg17 : memref<128x32xf32, #tpu.memory_space<vmem>>) offsets(%arg26 : memref<128xi32, #tpu.memory_space<vmem>>) semaphore(%arg33 : memref<!tpu.dma_semaphore, #tpu.memory_space<semaphore_mem>>)
      %dma_start3A_250 = arith.constant 0 : i32
      %dma_start3A_251 = arith.constant 0 : i32
      %dma_start3A_252 = tpu.memref_slice %arg4[%dma_start3A_250, %dma_start3A_251] : memref<10240x32xf32, #tpu.memory_space<hbm>> -> memref<10240x32xf32, #tpu.memory_space<hbm>>
      tpu.enqueue_indirect_dma source(%dma_start3A_252 : memref<10240x32xf32, #tpu.memory_space<hbm>>) target(%arg18 : memref<128x32xf32, #tpu.memory_space<vmem>>) offsets(%arg26 : memref<128xi32, #tpu.memory_space<vmem>>) semaphore(%arg33 : memref<!tpu.dma_semaphore, #tpu.memory_space<semaphore_mem>>)
      %dma_start3A_253 = arith.constant 0 : i32
      %dma_start3A_254 = arith.constant 0 : i32
      %dma_start3A_255 = tpu.memref_slice %arg5[%dma_start3A_253, %dma_start3A_254] : memref<10240x32xf32, #tpu.memory_space<hbm>> -> memref<10240x32xf32, #tpu.memory_space<hbm>>
      tpu.enqueue_indirect_dma source(%dma_start3A_255 : memref<10240x32xf32, #tpu.memory_space<hbm>>) target(%arg19 : memref<128x32xf32, #tpu.memory_space<vmem>>) offsets(%arg26 : memref<128xi32, #tpu.memory_space<vmem>>) semaphore(%arg33 : memref<!tpu.dma_semaphore, #tpu.memory_space<semaphore_mem>>)
      %dma_wait3A_256 = arith.constant 0 : i32
      %dma_wait3A_257 = arith.constant 0 : i32
      %dma_wait3A_258 = tpu.memref_slice %arg2[%dma_wait3A_256, %dma_wait3A_257] : memref<10240x32xf32, #tpu.memory_space<hbm>> -> memref<10240x32xf32, #tpu.memory_space<hbm>>
      tpu.wait_indirect_dma semaphore(%arg33 : memref<!tpu.dma_semaphore, #tpu.memory_space<semaphore_mem>>) src(%dma_wait3A_258 : memref<10240x32xf32, #tpu.memory_space<hbm>>) dst(%arg16 : memref<128x32xf32, #tpu.memory_space<vmem>>)
      %dma_wait3A_259 = arith.constant 0 : i32
      %dma_wait3A_260 = arith.constant 0 : i32
      %dma_wait3A_261 = tpu.memref_slice %arg3[%dma_wait3A_259, %dma_wait3A_260] : memref<10240x32xf32, #tpu.memory_space<hbm>> -> memref<10240x32xf32, #tpu.memory_space<hbm>>
      tpu.wait_indirect_dma semaphore(%arg33 : memref<!tpu.dma_semaphore, #tpu.memory_space<semaphore_mem>>) src(%dma_wait3A_261 : memref<10240x32xf32, #tpu.memory_space<hbm>>) dst(%arg17 : memref<128x32xf32, #tpu.memory_space<vmem>>)
      %dma_wait3A_262 = arith.constant 0 : i32
      %dma_wait3A_263 = arith.constant 0 : i32
      %dma_wait3A_264 = tpu.memref_slice %arg4[%dma_wait3A_262, %dma_wait3A_263] : memref<10240x32xf32, #tpu.memory_space<hbm>> -> memref<10240x32xf32, #tpu.memory_space<hbm>>
      tpu.wait_indirect_dma semaphore(%arg33 : memref<!tpu.dma_semaphore, #tpu.memory_space<semaphore_mem>>) src(%dma_wait3A_264 : memref<10240x32xf32, #tpu.memory_space<hbm>>) dst(%arg18 : memref<128x32xf32, #tpu.memory_space<vmem>>)
      %dma_wait3A_265 = arith.constant 0 : i32
      %dma_wait3A_266 = arith.constant 0 : i32
      %dma_wait3A_267 = tpu.memref_slice %arg5[%dma_wait3A_265, %dma_wait3A_266] : memref<10240x32xf32, #tpu.memory_space<hbm>> -> memref<10240x32xf32, #tpu.memory_space<hbm>>
      tpu.wait_indirect_dma semaphore(%arg33 : memref<!tpu.dma_semaphore, #tpu.memory_space<semaphore_mem>>) src(%dma_wait3A_267 : memref<10240x32xf32, #tpu.memory_space<hbm>>) dst(%arg19 : memref<128x32xf32, #tpu.memory_space<vmem>>)
      %dma_start3A_268 = arith.constant 0 : i32
      %dma_start3A_269 = arith.constant 0 : i32
      %dma_start3A_270 = tpu.memref_slice %arg12[%dma_start3A_268, %dma_start3A_269] : memref<10240x32xf32, #tpu.memory_space<vmem_shared>> -> memref<10240x32xf32, #tpu.memory_space<vmem_shared>>
      tpu.enqueue_indirect_dma source(%arg16 : memref<128x32xf32, #tpu.memory_space<vmem>>) target(%dma_start3A_270 : memref<10240x32xf32, #tpu.memory_space<vmem_shared>>) offsets(%arg30 : memref<128xi32, #tpu.memory_space<vmem>>) semaphore(%arg35 : memref<!tpu.dma_semaphore, #tpu.memory_space<semaphore_mem>>) {add = true}
      %dma_start3A_271 = arith.constant 0 : i32
      %dma_start3A_272 = arith.constant 0 : i32
      %dma_start3A_273 = tpu.memref_slice %arg13[%dma_start3A_271, %dma_start3A_272] : memref<10240x32xf32, #tpu.memory_space<vmem_shared>> -> memref<10240x32xf32, #tpu.memory_space<vmem_shared>>
      tpu.enqueue_indirect_dma source(%arg17 : memref<128x32xf32, #tpu.memory_space<vmem>>) target(%dma_start3A_273 : memref<10240x32xf32, #tpu.memory_space<vmem_shared>>) offsets(%arg30 : memref<128xi32, #tpu.memory_space<vmem>>) semaphore(%arg35 : memref<!tpu.dma_semaphore, #tpu.memory_space<semaphore_mem>>) {add = true}
      %dma_start3A_274 = arith.constant 0 : i32
      %dma_start3A_275 = arith.constant 0 : i32
      %dma_start3A_276 = tpu.memref_slice %arg14[%dma_start3A_274, %dma_start3A_275] : memref<10240x32xf32, #tpu.memory_space<vmem_shared>> -> memref<10240x32xf32, #tpu.memory_space<vmem_shared>>
      tpu.enqueue_indirect_dma source(%arg18 : memref<128x32xf32, #tpu.memory_space<vmem>>) target(%dma_start3A_276 : memref<10240x32xf32, #tpu.memory_space<vmem_shared>>) offsets(%arg30 : memref<128xi32, #tpu.memory_space<vmem>>) semaphore(%arg35 : memref<!tpu.dma_semaphore, #tpu.memory_space<semaphore_mem>>) {add = true}
      %dma_start3A_277 = arith.constant 0 : i32
      %dma_start3A_278 = arith.constant 0 : i32
      %dma_start3A_279 = tpu.memref_slice %arg15[%dma_start3A_277, %dma_start3A_278] : memref<10240x32xf32, #tpu.memory_space<vmem_shared>> -> memref<10240x32xf32, #tpu.memory_space<vmem_shared>>
      tpu.enqueue_indirect_dma source(%arg19 : memref<128x32xf32, #tpu.memory_space<vmem>>) target(%dma_start3A_279 : memref<10240x32xf32, #tpu.memory_space<vmem_shared>>) offsets(%arg30 : memref<128xi32, #tpu.memory_space<vmem>>) semaphore(%arg35 : memref<!tpu.dma_semaphore, #tpu.memory_space<semaphore_mem>>) {add = true}
      %mul3A_280 = arith.constant 4 : i32
      %mul3A_281 = arith.muli %add3A_91, %mul3A_280 : i32
      %add3A_282 = arith.constant 3 : i32
      %add3A_283 = arith.addi %mul3A_281, %add3A_282 : i32
      %dma_wait3A_284 = arith.constant 0 : i32
      %dma_wait3A_285 = tpu.memref_slice %arg6[%dma_wait3A_284] : memref<327680xi32, #tpu.memory_space<hbm>> -> memref<128xi32, #tpu.memory_space<hbm>>
      %dma_wait3A_286 = arith.constant 0 : i32
      %dma_wait3A_287 = tpu.memref_slice %arg6[%dma_wait3A_286] : memref<327680xi32, #tpu.memory_space<hbm>> -> memref<128xi32, #tpu.memory_space<hbm>>
      tpu.wait_dma2 semaphore(%arg32 : memref<!tpu.dma_semaphore, #tpu.memory_space<semaphore_mem>>) src(%dma_wait3A_287 : memref<128xi32, #tpu.memory_space<hbm>>) dst(%arg24 : memref<128xi32, #tpu.memory_space<vmem>>)
      %dma_wait3A_288 = arith.constant 0 : i32
      %dma_wait3A_289 = tpu.memref_slice %arg6[%dma_wait3A_288] : memref<327680xi32, #tpu.memory_space<hbm>> -> memref<128xi32, #tpu.memory_space<hbm>>
      %dma_wait3A_290 = arith.constant 0 : i32
      %dma_wait3A_291 = tpu.memref_slice %arg6[%dma_wait3A_290] : memref<327680xi32, #tpu.memory_space<hbm>> -> memref<128xi32, #tpu.memory_space<hbm>>
      tpu.wait_dma2 semaphore(%arg32 : memref<!tpu.dma_semaphore, #tpu.memory_space<semaphore_mem>>) src(%dma_wait3A_291 : memref<128xi32, #tpu.memory_space<hbm>>) dst(%arg28 : memref<128xi32, #tpu.memory_space<vmem>>)
      %ge3A_292 = arith.constant 2 : i32
      %ge3A_293 = arith.cmpi sge, %add3A_283, %ge3A_292 : i32
      %convert_element_type3A_294 = arith.extui %ge3A_293 : i1 to i32
      %cond3A_295 = arith.constant 0 : i32
      %cond3A_296 = arith.cmpi ne, %convert_element_type3A_294, %cond3A_295 : i32
      scf.if %cond3A_296 {
        %dma_wait3A_344 = arith.constant 0 : i32
        %dma_wait3A_345 = arith.constant 0 : i32
        %dma_wait3A_346 = tpu.memref_slice %arg2[%dma_wait3A_344, %dma_wait3A_345] : memref<10240x32xf32, #tpu.memory_space<hbm>> -> memref<128x32xf32, #tpu.memory_space<hbm>>
        %dma_wait3A_347 = arith.constant 0 : i32
        %dma_wait3A_348 = arith.constant 0 : i32
        %dma_wait3A_349 = tpu.memref_slice %arg2[%dma_wait3A_347, %dma_wait3A_348] : memref<10240x32xf32, #tpu.memory_space<hbm>> -> memref<128x32xf32, #tpu.memory_space<hbm>>
        tpu.wait_dma2 semaphore(%arg36 : memref<!tpu.dma_semaphore, #tpu.memory_space<semaphore_mem>>) src(%dma_wait3A_349 : memref<128x32xf32, #tpu.memory_space<hbm>>) dst(%arg20 : memref<128x32xf32, #tpu.memory_space<vmem>>)
        %dma_wait3A_350 = arith.constant 0 : i32
        %dma_wait3A_351 = arith.constant 0 : i32
        %dma_wait3A_352 = tpu.memref_slice %arg3[%dma_wait3A_350, %dma_wait3A_351] : memref<10240x32xf32, #tpu.memory_space<hbm>> -> memref<128x32xf32, #tpu.memory_space<hbm>>
        %dma_wait3A_353 = arith.constant 0 : i32
        %dma_wait3A_354 = arith.constant 0 : i32
        %dma_wait3A_355 = tpu.memref_slice %arg3[%dma_wait3A_353, %dma_wait3A_354] : memref<10240x32xf32, #tpu.memory_space<hbm>> -> memref<128x32xf32, #tpu.memory_space<hbm>>
        tpu.wait_dma2 semaphore(%arg36 : memref<!tpu.dma_semaphore, #tpu.memory_space<semaphore_mem>>) src(%dma_wait3A_355 : memref<128x32xf32, #tpu.memory_space<hbm>>) dst(%arg21 : memref<128x32xf32, #tpu.memory_space<vmem>>)
        %dma_wait3A_356 = arith.constant 0 : i32
        %dma_wait3A_357 = arith.constant 0 : i32
        %dma_wait3A_358 = tpu.memref_slice %arg4[%dma_wait3A_356, %dma_wait3A_357] : memref<10240x32xf32, #tpu.memory_space<hbm>> -> memref<128x32xf32, #tpu.memory_space<hbm>>
        %dma_wait3A_359 = arith.constant 0 : i32
        %dma_wait3A_360 = arith.constant 0 : i32
        %dma_wait3A_361 = tpu.memref_slice %arg4[%dma_wait3A_359, %dma_wait3A_360] : memref<10240x32xf32, #tpu.memory_space<hbm>> -> memref<128x32xf32, #tpu.memory_space<hbm>>
        tpu.wait_dma2 semaphore(%arg36 : memref<!tpu.dma_semaphore, #tpu.memory_space<semaphore_mem>>) src(%dma_wait3A_361 : memref<128x32xf32, #tpu.memory_space<hbm>>) dst(%arg22 : memref<128x32xf32, #tpu.memory_space<vmem>>)
        %dma_wait3A_362 = arith.constant 0 : i32
        %dma_wait3A_363 = arith.constant 0 : i32
        %dma_wait3A_364 = tpu.memref_slice %arg5[%dma_wait3A_362, %dma_wait3A_363] : memref<10240x32xf32, #tpu.memory_space<hbm>> -> memref<128x32xf32, #tpu.memory_space<hbm>>
        %dma_wait3A_365 = arith.constant 0 : i32
        %dma_wait3A_366 = arith.constant 0 : i32
        %dma_wait3A_367 = tpu.memref_slice %arg5[%dma_wait3A_365, %dma_wait3A_366] : memref<10240x32xf32, #tpu.memory_space<hbm>> -> memref<128x32xf32, #tpu.memory_space<hbm>>
        tpu.wait_dma2 semaphore(%arg36 : memref<!tpu.dma_semaphore, #tpu.memory_space<semaphore_mem>>) src(%dma_wait3A_367 : memref<128x32xf32, #tpu.memory_space<hbm>>) dst(%arg23 : memref<128x32xf32, #tpu.memory_space<vmem>>)
      } else {
      }
      %add3A_297 = arith.constant 1 : i32
      %add3A_298 = arith.addi %add3A_283, %add3A_297 : i32
      %rem3A_299 = arith.constant 80 : i32
      %rem3A_300 = arith.remsi %add3A_298, %rem3A_299 : i32
      %mul3A_301 = arith.constant 128 : i32
      %mul3A_302 = arith.muli %rem3A_300, %mul3A_301 : i32
      %add3A_303 = arith.addi %mul3A_6, %mul3A_302 : i32
      %dma_start3A_304 = tpu.memref_slice %arg6[%add3A_303] : memref<327680xi32, #tpu.memory_space<hbm>> -> memref<128xi32, #tpu.memory_space<hbm>>
      %dma_start3A_305 = tpu.memref_slice %arg6[%add3A_303] : memref<327680xi32, #tpu.memory_space<hbm>> -> memref<128xi32, #tpu.memory_space<hbm>>
      tpu.enqueue_dma source(%dma_start3A_305 : memref<128xi32, #tpu.memory_space<hbm>>) target(%arg24 : memref<128xi32, #tpu.memory_space<vmem>>) target_semaphore(%arg32 : memref<!tpu.dma_semaphore, #tpu.memory_space<semaphore_mem>>)
      %dma_start3A_306 = tpu.memref_slice %arg7[%add3A_303] : memref<327680xi32, #tpu.memory_space<hbm>> -> memref<128xi32, #tpu.memory_space<hbm>>
      %dma_start3A_307 = tpu.memref_slice %arg7[%add3A_303] : memref<327680xi32, #tpu.memory_space<hbm>> -> memref<128xi32, #tpu.memory_space<hbm>>
      tpu.enqueue_dma source(%dma_start3A_307 : memref<128xi32, #tpu.memory_space<hbm>>) target(%arg28 : memref<128xi32, #tpu.memory_space<vmem>>) target_semaphore(%arg32 : memref<!tpu.dma_semaphore, #tpu.memory_space<semaphore_mem>>)
      %dma_start3A_308 = arith.constant 0 : i32
      %dma_start3A_309 = arith.constant 0 : i32
      %dma_start3A_310 = tpu.memref_slice %arg2[%dma_start3A_308, %dma_start3A_309] : memref<10240x32xf32, #tpu.memory_space<hbm>> -> memref<10240x32xf32, #tpu.memory_space<hbm>>
      tpu.enqueue_indirect_dma source(%dma_start3A_310 : memref<10240x32xf32, #tpu.memory_space<hbm>>) target(%arg20 : memref<128x32xf32, #tpu.memory_space<vmem>>) offsets(%arg27 : memref<128xi32, #tpu.memory_space<vmem>>) semaphore(%arg34 : memref<!tpu.dma_semaphore, #tpu.memory_space<semaphore_mem>>)
      %dma_start3A_311 = arith.constant 0 : i32
      %dma_start3A_312 = arith.constant 0 : i32
      %dma_start3A_313 = tpu.memref_slice %arg3[%dma_start3A_311, %dma_start3A_312] : memref<10240x32xf32, #tpu.memory_space<hbm>> -> memref<10240x32xf32, #tpu.memory_space<hbm>>
      tpu.enqueue_indirect_dma source(%dma_start3A_313 : memref<10240x32xf32, #tpu.memory_space<hbm>>) target(%arg21 : memref<128x32xf32, #tpu.memory_space<vmem>>) offsets(%arg27 : memref<128xi32, #tpu.memory_space<vmem>>) semaphore(%arg34 : memref<!tpu.dma_semaphore, #tpu.memory_space<semaphore_mem>>)
      %dma_start3A_314 = arith.constant 0 : i32
      %dma_start3A_315 = arith.constant 0 : i32
      %dma_start3A_316 = tpu.memref_slice %arg4[%dma_start3A_314, %dma_start3A_315] : memref<10240x32xf32, #tpu.memory_space<hbm>> -> memref<10240x32xf32, #tpu.memory_space<hbm>>
      tpu.enqueue_indirect_dma source(%dma_start3A_316 : memref<10240x32xf32, #tpu.memory_space<hbm>>) target(%arg22 : memref<128x32xf32, #tpu.memory_space<vmem>>) offsets(%arg27 : memref<128xi32, #tpu.memory_space<vmem>>) semaphore(%arg34 : memref<!tpu.dma_semaphore, #tpu.memory_space<semaphore_mem>>)
      %dma_start3A_317 = arith.constant 0 : i32
      %dma_start3A_318 = arith.constant 0 : i32
      %dma_start3A_319 = tpu.memref_slice %arg5[%dma_start3A_317, %dma_start3A_318] : memref<10240x32xf32, #tpu.memory_space<hbm>> -> memref<10240x32xf32, #tpu.memory_space<hbm>>
      tpu.enqueue_indirect_dma source(%dma_start3A_319 : memref<10240x32xf32, #tpu.memory_space<hbm>>) target(%arg23 : memref<128x32xf32, #tpu.memory_space<vmem>>) offsets(%arg27 : memref<128xi32, #tpu.memory_space<vmem>>) semaphore(%arg34 : memref<!tpu.dma_semaphore, #tpu.memory_space<semaphore_mem>>)
      %dma_wait3A_320 = arith.constant 0 : i32
      %dma_wait3A_321 = arith.constant 0 : i32
      %dma_wait3A_322 = tpu.memref_slice %arg2[%dma_wait3A_320, %dma_wait3A_321] : memref<10240x32xf32, #tpu.memory_space<hbm>> -> memref<10240x32xf32, #tpu.memory_space<hbm>>
      tpu.wait_indirect_dma semaphore(%arg34 : memref<!tpu.dma_semaphore, #tpu.memory_space<semaphore_mem>>) src(%dma_wait3A_322 : memref<10240x32xf32, #tpu.memory_space<hbm>>) dst(%arg20 : memref<128x32xf32, #tpu.memory_space<vmem>>)
      %dma_wait3A_323 = arith.constant 0 : i32
      %dma_wait3A_324 = arith.constant 0 : i32
      %dma_wait3A_325 = tpu.memref_slice %arg3[%dma_wait3A_323, %dma_wait3A_324] : memref<10240x32xf32, #tpu.memory_space<hbm>> -> memref<10240x32xf32, #tpu.memory_space<hbm>>
      tpu.wait_indirect_dma semaphore(%arg34 : memref<!tpu.dma_semaphore, #tpu.memory_space<semaphore_mem>>) src(%dma_wait3A_325 : memref<10240x32xf32, #tpu.memory_space<hbm>>) dst(%arg21 : memref<128x32xf32, #tpu.memory_space<vmem>>)
      %dma_wait3A_326 = arith.constant 0 : i32
      %dma_wait3A_327 = arith.constant 0 : i32
      %dma_wait3A_328 = tpu.memref_slice %arg4[%dma_wait3A_326, %dma_wait3A_327] : memref<10240x32xf32, #tpu.memory_space<hbm>> -> memref<10240x32xf32, #tpu.memory_space<hbm>>
      tpu.wait_indirect_dma semaphore(%arg34 : memref<!tpu.dma_semaphore, #tpu.memory_space<semaphore_mem>>) src(%dma_wait3A_328 : memref<10240x32xf32, #tpu.memory_space<hbm>>) dst(%arg22 : memref<128x32xf32, #tpu.memory_space<vmem>>)
      %dma_wait3A_329 = arith.constant 0 : i32
      %dma_wait3A_330 = arith.constant 0 : i32
      %dma_wait3A_331 = tpu.memref_slice %arg5[%dma_wait3A_329, %dma_wait3A_330] : memref<10240x32xf32, #tpu.memory_space<hbm>> -> memref<10240x32xf32, #tpu.memory_space<hbm>>
      tpu.wait_indirect_dma semaphore(%arg34 : memref<!tpu.dma_semaphore, #tpu.memory_space<semaphore_mem>>) src(%dma_wait3A_331 : memref<10240x32xf32, #tpu.memory_space<hbm>>) dst(%arg23 : memref<128x32xf32, #tpu.memory_space<vmem>>)
      %dma_start3A_332 = arith.constant 0 : i32
      %dma_start3A_333 = arith.constant 0 : i32
      %dma_start3A_334 = tpu.memref_slice %arg12[%dma_start3A_332, %dma_start3A_333] : memref<10240x32xf32, #tpu.memory_space<vmem_shared>> -> memref<10240x32xf32, #tpu.memory_space<vmem_shared>>
      tpu.enqueue_indirect_dma source(%arg20 : memref<128x32xf32, #tpu.memory_space<vmem>>) target(%dma_start3A_334 : memref<10240x32xf32, #tpu.memory_space<vmem_shared>>) offsets(%arg31 : memref<128xi32, #tpu.memory_space<vmem>>) semaphore(%arg36 : memref<!tpu.dma_semaphore, #tpu.memory_space<semaphore_mem>>) {add = true}
      %dma_start3A_335 = arith.constant 0 : i32
      %dma_start3A_336 = arith.constant 0 : i32
      %dma_start3A_337 = tpu.memref_slice %arg13[%dma_start3A_335, %dma_start3A_336] : memref<10240x32xf32, #tpu.memory_space<vmem_shared>> -> memref<10240x32xf32, #tpu.memory_space<vmem_shared>>
      tpu.enqueue_indirect_dma source(%arg21 : memref<128x32xf32, #tpu.memory_space<vmem>>) target(%dma_start3A_337 : memref<10240x32xf32, #tpu.memory_space<vmem_shared>>) offsets(%arg31 : memref<128xi32, #tpu.memory_space<vmem>>) semaphore(%arg36 : memref<!tpu.dma_semaphore, #tpu.memory_space<semaphore_mem>>) {add = true}
      %dma_start3A_338 = arith.constant 0 : i32
      %dma_start3A_339 = arith.constant 0 : i32
      %dma_start3A_340 = tpu.memref_slice %arg14[%dma_start3A_338, %dma_start3A_339] : memref<10240x32xf32, #tpu.memory_space<vmem_shared>> -> memref<10240x32xf32, #tpu.memory_space<vmem_shared>>
      tpu.enqueue_indirect_dma source(%arg22 : memref<128x32xf32, #tpu.memory_space<vmem>>) target(%dma_start3A_340 : memref<10240x32xf32, #tpu.memory_space<vmem_shared>>) offsets(%arg31 : memref<128xi32, #tpu.memory_space<vmem>>) semaphore(%arg36 : memref<!tpu.dma_semaphore, #tpu.memory_space<semaphore_mem>>) {add = true}
      %dma_start3A_341 = arith.constant 0 : i32
      %dma_start3A_342 = arith.constant 0 : i32
      %dma_start3A_343 = tpu.memref_slice %arg15[%dma_start3A_341, %dma_start3A_342] : memref<10240x32xf32, #tpu.memory_space<vmem_shared>> -> memref<10240x32xf32, #tpu.memory_space<vmem_shared>>
      tpu.enqueue_indirect_dma source(%arg23 : memref<128x32xf32, #tpu.memory_space<vmem>>) target(%dma_start3A_343 : memref<10240x32xf32, #tpu.memory_space<vmem_shared>>) offsets(%arg31 : memref<128xi32, #tpu.memory_space<vmem>>) semaphore(%arg36 : memref<!tpu.dma_semaphore, #tpu.memory_space<semaphore_mem>>) {add = true}
    }
    %scan3A_25 = arith.constant 20 : i32
    %dma_wait3A = arith.constant 0 : i32
    %dma_wait3A_26 = arith.constant 0 : i32
    %dma_wait3A_27 = tpu.memref_slice %arg2[%dma_wait3A, %dma_wait3A_26] : memref<10240x32xf32, #tpu.memory_space<hbm>> -> memref<128x32xf32, #tpu.memory_space<hbm>>
    %dma_wait3A_28 = arith.constant 0 : i32
    %dma_wait3A_29 = arith.constant 0 : i32
    %dma_wait3A_30 = tpu.memref_slice %arg2[%dma_wait3A_28, %dma_wait3A_29] : memref<10240x32xf32, #tpu.memory_space<hbm>> -> memref<128x32xf32, #tpu.memory_space<hbm>>
    tpu.wait_dma2 semaphore(%arg35 : memref<!tpu.dma_semaphore, #tpu.memory_space<semaphore_mem>>) src(%dma_wait3A_30 : memref<128x32xf32, #tpu.memory_space<hbm>>) dst(%arg16 : memref<128x32xf32, #tpu.memory_space<vmem>>)
    %dma_wait3A_31 = arith.constant 0 : i32
    %dma_wait3A_32 = arith.constant 0 : i32
    %dma_wait3A_33 = tpu.memref_slice %arg3[%dma_wait3A_31, %dma_wait3A_32] : memref<10240x32xf32, #tpu.memory_space<hbm>> -> memref<128x32xf32, #tpu.memory_space<hbm>>
    %dma_wait3A_34 = arith.constant 0 : i32
    %dma_wait3A_35 = arith.constant 0 : i32
    %dma_wait3A_36 = tpu.memref_slice %arg3[%dma_wait3A_34, %dma_wait3A_35] : memref<10240x32xf32, #tpu.memory_space<hbm>> -> memref<128x32xf32, #tpu.memory_space<hbm>>
    tpu.wait_dma2 semaphore(%arg35 : memref<!tpu.dma_semaphore, #tpu.memory_space<semaphore_mem>>) src(%dma_wait3A_36 : memref<128x32xf32, #tpu.memory_space<hbm>>) dst(%arg17 : memref<128x32xf32, #tpu.memory_space<vmem>>)
    %dma_wait3A_37 = arith.constant 0 : i32
    %dma_wait3A_38 = arith.constant 0 : i32
    %dma_wait3A_39 = tpu.memref_slice %arg4[%dma_wait3A_37, %dma_wait3A_38] : memref<10240x32xf32, #tpu.memory_space<hbm>> -> memref<128x32xf32, #tpu.memory_space<hbm>>
    %dma_wait3A_40 = arith.constant 0 : i32
    %dma_wait3A_41 = arith.constant 0 : i32
    %dma_wait3A_42 = tpu.memref_slice %arg4[%dma_wait3A_40, %dma_wait3A_41] : memref<10240x32xf32, #tpu.memory_space<hbm>> -> memref<128x32xf32, #tpu.memory_space<hbm>>
    tpu.wait_dma2 semaphore(%arg35 : memref<!tpu.dma_semaphore, #tpu.memory_space<semaphore_mem>>) src(%dma_wait3A_42 : memref<128x32xf32, #tpu.memory_space<hbm>>) dst(%arg18 : memref<128x32xf32, #tpu.memory_space<vmem>>)
    %dma_wait3A_43 = arith.constant 0 : i32
    %dma_wait3A_44 = arith.constant 0 : i32
    %dma_wait3A_45 = tpu.memref_slice %arg5[%dma_wait3A_43, %dma_wait3A_44] : memref<10240x32xf32, #tpu.memory_space<hbm>> -> memref<128x32xf32, #tpu.memory_space<hbm>>
    %dma_wait3A_46 = arith.constant 0 : i32
    %dma_wait3A_47 = arith.constant 0 : i32
    %dma_wait3A_48 = tpu.memref_slice %arg5[%dma_wait3A_46, %dma_wait3A_47] : memref<10240x32xf32, #tpu.memory_space<hbm>> -> memref<128x32xf32, #tpu.memory_space<hbm>>
    tpu.wait_dma2 semaphore(%arg35 : memref<!tpu.dma_semaphore, #tpu.memory_space<semaphore_mem>>) src(%dma_wait3A_48 : memref<128x32xf32, #tpu.memory_space<hbm>>) dst(%arg19 : memref<128x32xf32, #tpu.memory_space<vmem>>)
    %dma_wait3A_49 = arith.constant 0 : i32
    %dma_wait3A_50 = arith.constant 0 : i32
    %dma_wait3A_51 = tpu.memref_slice %arg2[%dma_wait3A_49, %dma_wait3A_50] : memref<10240x32xf32, #tpu.memory_space<hbm>> -> memref<128x32xf32, #tpu.memory_space<hbm>>
    %dma_wait3A_52 = arith.constant 0 : i32
    %dma_wait3A_53 = arith.constant 0 : i32
    %dma_wait3A_54 = tpu.memref_slice %arg2[%dma_wait3A_52, %dma_wait3A_53] : memref<10240x32xf32, #tpu.memory_space<hbm>> -> memref<128x32xf32, #tpu.memory_space<hbm>>
    tpu.wait_dma2 semaphore(%arg36 : memref<!tpu.dma_semaphore, #tpu.memory_space<semaphore_mem>>) src(%dma_wait3A_54 : memref<128x32xf32, #tpu.memory_space<hbm>>) dst(%arg20 : memref<128x32xf32, #tpu.memory_space<vmem>>)
    %dma_wait3A_55 = arith.constant 0 : i32
    %dma_wait3A_56 = arith.constant 0 : i32
    %dma_wait3A_57 = tpu.memref_slice %arg3[%dma_wait3A_55, %dma_wait3A_56] : memref<10240x32xf32, #tpu.memory_space<hbm>> -> memref<128x32xf32, #tpu.memory_space<hbm>>
    %dma_wait3A_58 = arith.constant 0 : i32
    %dma_wait3A_59 = arith.constant 0 : i32
    %dma_wait3A_60 = tpu.memref_slice %arg3[%dma_wait3A_58, %dma_wait3A_59] : memref<10240x32xf32, #tpu.memory_space<hbm>> -> memref<128x32xf32, #tpu.memory_space<hbm>>
    tpu.wait_dma2 semaphore(%arg36 : memref<!tpu.dma_semaphore, #tpu.memory_space<semaphore_mem>>) src(%dma_wait3A_60 : memref<128x32xf32, #tpu.memory_space<hbm>>) dst(%arg21 : memref<128x32xf32, #tpu.memory_space<vmem>>)
    %dma_wait3A_61 = arith.constant 0 : i32
    %dma_wait3A_62 = arith.constant 0 : i32
    %dma_wait3A_63 = tpu.memref_slice %arg4[%dma_wait3A_61, %dma_wait3A_62] : memref<10240x32xf32, #tpu.memory_space<hbm>> -> memref<128x32xf32, #tpu.memory_space<hbm>>
    %dma_wait3A_64 = arith.constant 0 : i32
    %dma_wait3A_65 = arith.constant 0 : i32
    %dma_wait3A_66 = tpu.memref_slice %arg4[%dma_wait3A_64, %dma_wait3A_65] : memref<10240x32xf32, #tpu.memory_space<hbm>> -> memref<128x32xf32, #tpu.memory_space<hbm>>
    tpu.wait_dma2 semaphore(%arg36 : memref<!tpu.dma_semaphore, #tpu.memory_space<semaphore_mem>>) src(%dma_wait3A_66 : memref<128x32xf32, #tpu.memory_space<hbm>>) dst(%arg22 : memref<128x32xf32, #tpu.memory_space<vmem>>)
    %dma_wait3A_67 = arith.constant 0 : i32
    %dma_wait3A_68 = arith.constant 0 : i32
    %dma_wait3A_69 = tpu.memref_slice %arg5[%dma_wait3A_67, %dma_wait3A_68] : memref<10240x32xf32, #tpu.memory_space<hbm>> -> memref<128x32xf32, #tpu.memory_space<hbm>>
    %dma_wait3A_70 = arith.constant 0 : i32
    %dma_wait3A_71 = arith.constant 0 : i32
    %dma_wait3A_72 = tpu.memref_slice %arg5[%dma_wait3A_70, %dma_wait3A_71] : memref<10240x32xf32, #tpu.memory_space<hbm>> -> memref<128x32xf32, #tpu.memory_space<hbm>>
    tpu.wait_dma2 semaphore(%arg36 : memref<!tpu.dma_semaphore, #tpu.memory_space<semaphore_mem>>) src(%dma_wait3A_72 : memref<128x32xf32, #tpu.memory_space<hbm>>) dst(%arg23 : memref<128x32xf32, #tpu.memory_space<vmem>>)
    %dma_wait3A_73 = arith.constant 0 : i32
    %dma_wait3A_74 = tpu.memref_slice %arg6[%dma_wait3A_73] : memref<327680xi32, #tpu.memory_space<hbm>> -> memref<128xi32, #tpu.memory_space<hbm>>
    %dma_wait3A_75 = arith.constant 0 : i32
    %dma_wait3A_76 = tpu.memref_slice %arg6[%dma_wait3A_75] : memref<327680xi32, #tpu.memory_space<hbm>> -> memref<128xi32, #tpu.memory_space<hbm>>
    tpu.wait_dma2 semaphore(%arg32 : memref<!tpu.dma_semaphore, #tpu.memory_space<semaphore_mem>>) src(%dma_wait3A_76 : memref<128xi32, #tpu.memory_space<hbm>>) dst(%arg24 : memref<128xi32, #tpu.memory_space<vmem>>)
    %dma_wait3A_77 = arith.constant 0 : i32
    %dma_wait3A_78 = tpu.memref_slice %arg6[%dma_wait3A_77] : memref<327680xi32, #tpu.memory_space<hbm>> -> memref<128xi32, #tpu.memory_space<hbm>>
    %dma_wait3A_79 = arith.constant 0 : i32
    %dma_wait3A_80 = tpu.memref_slice %arg6[%dma_wait3A_79] : memref<327680xi32, #tpu.memory_space<hbm>> -> memref<128xi32, #tpu.memory_space<hbm>>
    tpu.wait_dma2 semaphore(%arg32 : memref<!tpu.dma_semaphore, #tpu.memory_space<semaphore_mem>>) src(%dma_wait3A_80 : memref<128xi32, #tpu.memory_space<hbm>>) dst(%arg28 : memref<128xi32, #tpu.memory_space<vmem>>)
    %barrier3A_81 = arith.constant 0 : index
    tpu.barrier barrier_id(%barrier3A_81)
    %scan3A_82 = arith.constant 0 : i32
    %scan3A_83 = arith.constant 5 : i32
    %scan3A_84 = arith.addi %scan3A_82, %scan3A_83 : i32
    %scan3A_85 = arith.constant 1 : i32
    scf.for %scan3A_87 = %scan3A_82 to %scan3A_84 step %scan3A_85  : i32 {
      %mul3A_88 = arith.constant 1 : i32
      %mul3A_89 = arith.muli %scan3A_87, %mul3A_88 : i32
      %add3A_90 = arith.constant 0 : i32
      %add3A_91 = arith.addi %add3A_90, %mul3A_89 : i32
      %mul3A_92 = arith.constant 128 : i32
      %mul3A_93 = arith.muli %add3A_91, %mul3A_92 : i32
      %add3A_94 = arith.addi %mul3A_2, %mul3A_93 : i32
      "tpu.region"() ({
        %run_scoped3A = tpu.sem_alloc : memref<!tpu.dma_semaphore, #tpu.memory_space<semaphore_mem>>
        %dma_start3A_107 = arith.constant 0 : i32
        %dma_start3A_108 = tpu.memref_slice %arg12[%add3A_94, %dma_start3A_107] : memref<10240x32xf32, #tpu.memory_space<vmem_shared>> -> memref<128x32xf32, #tpu.memory_space<vmem_shared>>
        %dma_start3A_109 = arith.constant 0 : i32
        %dma_start3A_110 = tpu.memref_slice %arg12[%add3A_94, %dma_start3A_109] : memref<10240x32xf32, #tpu.memory_space<vmem_shared>> -> memref<128x32xf32, #tpu.memory_space<vmem_shared>>
        tpu.enqueue_dma source(%dma_start3A_110 : memref<128x32xf32, #tpu.memory_space<vmem_shared>>) target(%arg16 : memref<128x32xf32, #tpu.memory_space<vmem>>) target_semaphore(%run_scoped3A : memref<!tpu.dma_semaphore, #tpu.memory_space<semaphore_mem>>)
        %dma_wait3A_111 = arith.constant 0 : i32
        %dma_wait3A_112 = tpu.memref_slice %arg12[%add3A_94, %dma_wait3A_111] : memref<10240x32xf32, #tpu.memory_space<vmem_shared>> -> memref<128x32xf32, #tpu.memory_space<vmem_shared>>
        %dma_wait3A_113 = arith.constant 0 : i32
        %dma_wait3A_114 = tpu.memref_slice %arg12[%add3A_94, %dma_wait3A_113] : memref<10240x32xf32, #tpu.memory_space<vmem_shared>> -> memref<128x32xf32, #tpu.memory_space<vmem_shared>>
        tpu.wait_dma2 semaphore(%run_scoped3A : memref<!tpu.dma_semaphore, #tpu.memory_space<semaphore_mem>>) src(%dma_wait3A_114 : memref<128x32xf32, #tpu.memory_space<vmem_shared>>) dst(%arg16 : memref<128x32xf32, #tpu.memory_space<vmem>>)
        tpu.yield
      }) : () -> ()
      %mul3A_95 = arith.constant 10240 : i32
      %mul3A_96 = arith.muli %arg0, %mul3A_95 : i32
      %add3A_97 = arith.addi %mul3A_96, %add3A_94 : i32
      "tpu.region"() ({
        %run_scoped3A = tpu.sem_alloc : memref<!tpu.dma_semaphore, #tpu.memory_space<semaphore_mem>>
        %dma_start3A_107 = arith.constant 0 : i32
        %dma_start3A_108 = tpu.memref_slice %arg8[%add3A_97, %dma_start3A_107] : memref<20480x32xf32, #tpu.memory_space<hbm>> -> memref<128x32xf32, #tpu.memory_space<hbm>>
        %dma_start3A_109 = arith.constant 0 : i32
        %dma_start3A_110 = tpu.memref_slice %arg8[%add3A_97, %dma_start3A_109] : memref<20480x32xf32, #tpu.memory_space<hbm>> -> memref<128x32xf32, #tpu.memory_space<hbm>>
        tpu.enqueue_dma source(%arg16 : memref<128x32xf32, #tpu.memory_space<vmem>>) target(%dma_start3A_110 : memref<128x32xf32, #tpu.memory_space<hbm>>) target_semaphore(%run_scoped3A : memref<!tpu.dma_semaphore, #tpu.memory_space<semaphore_mem>>)
        %dma_wait3A_111 = arith.constant 0 : i32
        %dma_wait3A_112 = tpu.memref_slice %arg8[%add3A_97, %dma_wait3A_111] : memref<20480x32xf32, #tpu.memory_space<hbm>> -> memref<128x32xf32, #tpu.memory_space<hbm>>
        %dma_wait3A_113 = arith.constant 0 : i32
        %dma_wait3A_114 = tpu.memref_slice %arg8[%add3A_97, %dma_wait3A_113] : memref<20480x32xf32, #tpu.memory_space<hbm>> -> memref<128x32xf32, #tpu.memory_space<hbm>>
        tpu.wait_dma2 semaphore(%run_scoped3A : memref<!tpu.dma_semaphore, #tpu.memory_space<semaphore_mem>>) src(%arg16 : memref<128x32xf32, #tpu.memory_space<vmem>>) dst(%dma_wait3A_114 : memref<128x32xf32, #tpu.memory_space<hbm>>)
        tpu.yield
      }) : () -> ()
      "tpu.region"() ({
        %run_scoped3A = tpu.sem_alloc : memref<!tpu.dma_semaphore, #tpu.memory_space<semaphore_mem>>
        %dma_start3A_107 = arith.constant 0 : i32
        %dma_start3A_108 = tpu.memref_slice %arg13[%add3A_94, %dma_start3A_107] : memref<10240x32xf32, #tpu.memory_space<vmem_shared>> -> memref<128x32xf32, #tpu.memory_space<vmem_shared>>
        %dma_start3A_109 = arith.constant 0 : i32
        %dma_start3A_110 = tpu.memref_slice %arg13[%add3A_94, %dma_start3A_109] : memref<10240x32xf32, #tpu.memory_space<vmem_shared>> -> memref<128x32xf32, #tpu.memory_space<vmem_shared>>
        tpu.enqueue_dma source(%dma_start3A_110 : memref<128x32xf32, #tpu.memory_space<vmem_shared>>) target(%arg17 : memref<128x32xf32, #tpu.memory_space<vmem>>) target_semaphore(%run_scoped3A : memref<!tpu.dma_semaphore, #tpu.memory_space<semaphore_mem>>)
        %dma_wait3A_111 = arith.constant 0 : i32
        %dma_wait3A_112 = tpu.memref_slice %arg13[%add3A_94, %dma_wait3A_111] : memref<10240x32xf32, #tpu.memory_space<vmem_shared>> -> memref<128x32xf32, #tpu.memory_space<vmem_shared>>
        %dma_wait3A_113 = arith.constant 0 : i32
        %dma_wait3A_114 = tpu.memref_slice %arg13[%add3A_94, %dma_wait3A_113] : memref<10240x32xf32, #tpu.memory_space<vmem_shared>> -> memref<128x32xf32, #tpu.memory_space<vmem_shared>>
        tpu.wait_dma2 semaphore(%run_scoped3A : memref<!tpu.dma_semaphore, #tpu.memory_space<semaphore_mem>>) src(%dma_wait3A_114 : memref<128x32xf32, #tpu.memory_space<vmem_shared>>) dst(%arg17 : memref<128x32xf32, #tpu.memory_space<vmem>>)
        tpu.yield
      }) : () -> ()
      %mul3A_98 = arith.constant 10240 : i32
      %mul3A_99 = arith.muli %arg0, %mul3A_98 : i32
      %add3A_100 = arith.addi %mul3A_99, %add3A_94 : i32
      "tpu.region"() ({
        %run_scoped3A = tpu.sem_alloc : memref<!tpu.dma_semaphore, #tpu.memory_space<semaphore_mem>>
        %dma_start3A_107 = arith.constant 0 : i32
        %dma_start3A_108 = tpu.memref_slice %arg9[%add3A_100, %dma_start3A_107] : memref<20480x32xf32, #tpu.memory_space<hbm>> -> memref<128x32xf32, #tpu.memory_space<hbm>>
        %dma_start3A_109 = arith.constant 0 : i32
        %dma_start3A_110 = tpu.memref_slice %arg9[%add3A_100, %dma_start3A_109] : memref<20480x32xf32, #tpu.memory_space<hbm>> -> memref<128x32xf32, #tpu.memory_space<hbm>>
        tpu.enqueue_dma source(%arg17 : memref<128x32xf32, #tpu.memory_space<vmem>>) target(%dma_start3A_110 : memref<128x32xf32, #tpu.memory_space<hbm>>) target_semaphore(%run_scoped3A : memref<!tpu.dma_semaphore, #tpu.memory_space<semaphore_mem>>)
        %dma_wait3A_111 = arith.constant 0 : i32
        %dma_wait3A_112 = tpu.memref_slice %arg9[%add3A_100, %dma_wait3A_111] : memref<20480x32xf32, #tpu.memory_space<hbm>> -> memref<128x32xf32, #tpu.memory_space<hbm>>
        %dma_wait3A_113 = arith.constant 0 : i32
        %dma_wait3A_114 = tpu.memref_slice %arg9[%add3A_100, %dma_wait3A_113] : memref<20480x32xf32, #tpu.memory_space<hbm>> -> memref<128x32xf32, #tpu.memory_space<hbm>>
        tpu.wait_dma2 semaphore(%run_scoped3A : memref<!tpu.dma_semaphore, #tpu.memory_space<semaphore_mem>>) src(%arg17 : memref<128x32xf32, #tpu.memory_space<vmem>>) dst(%dma_wait3A_114 : memref<128x32xf32, #tpu.memory_space<hbm>>)
        tpu.yield
      }) : () -> ()
      "tpu.region"() ({
        %run_scoped3A = tpu.sem_alloc : memref<!tpu.dma_semaphore, #tpu.memory_space<semaphore_mem>>
        %dma_start3A_107 = arith.constant 0 : i32
        %dma_start3A_108 = tpu.memref_slice %arg14[%add3A_94, %dma_start3A_107] : memref<10240x32xf32, #tpu.memory_space<vmem_shared>> -> memref<128x32xf32, #tpu.memory_space<vmem_shared>>
        %dma_start3A_109 = arith.constant 0 : i32
        %dma_start3A_110 = tpu.memref_slice %arg14[%add3A_94, %dma_start3A_109] : memref<10240x32xf32, #tpu.memory_space<vmem_shared>> -> memref<128x32xf32, #tpu.memory_space<vmem_shared>>
        tpu.enqueue_dma source(%dma_start3A_110 : memref<128x32xf32, #tpu.memory_space<vmem_shared>>) target(%arg18 : memref<128x32xf32, #tpu.memory_space<vmem>>) target_semaphore(%run_scoped3A : memref<!tpu.dma_semaphore, #tpu.memory_space<semaphore_mem>>)
        %dma_wait3A_111 = arith.constant 0 : i32
        %dma_wait3A_112 = tpu.memref_slice %arg14[%add3A_94, %dma_wait3A_111] : memref<10240x32xf32, #tpu.memory_space<vmem_shared>> -> memref<128x32xf32, #tpu.memory_space<vmem_shared>>
        %dma_wait3A_113 = arith.constant 0 : i32
        %dma_wait3A_114 = tpu.memref_slice %arg14[%add3A_94, %dma_wait3A_113] : memref<10240x32xf32, #tpu.memory_space<vmem_shared>> -> memref<128x32xf32, #tpu.memory_space<vmem_shared>>
        tpu.wait_dma2 semaphore(%run_scoped3A : memref<!tpu.dma_semaphore, #tpu.memory_space<semaphore_mem>>) src(%dma_wait3A_114 : memref<128x32xf32, #tpu.memory_space<vmem_shared>>) dst(%arg18 : memref<128x32xf32, #tpu.memory_space<vmem>>)
        tpu.yield
      }) : () -> ()
      %mul3A_101 = arith.constant 10240 : i32
      %mul3A_102 = arith.muli %arg0, %mul3A_101 : i32
      %add3A_103 = arith.addi %mul3A_102, %add3A_94 : i32
      "tpu.region"() ({
        %run_scoped3A = tpu.sem_alloc : memref<!tpu.dma_semaphore, #tpu.memory_space<semaphore_mem>>
        %dma_start3A_107 = arith.constant 0 : i32
        %dma_start3A_108 = tpu.memref_slice %arg10[%add3A_103, %dma_start3A_107] : memref<20480x32xf32, #tpu.memory_space<hbm>> -> memref<128x32xf32, #tpu.memory_space<hbm>>
        %dma_start3A_109 = arith.constant 0 : i32
        %dma_start3A_110 = tpu.memref_slice %arg10[%add3A_103, %dma_start3A_109] : memref<20480x32xf32, #tpu.memory_space<hbm>> -> memref<128x32xf32, #tpu.memory_space<hbm>>
        tpu.enqueue_dma source(%arg18 : memref<128x32xf32, #tpu.memory_space<vmem>>) target(%dma_start3A_110 : memref<128x32xf32, #tpu.memory_space<hbm>>) target_semaphore(%run_scoped3A : memref<!tpu.dma_semaphore, #tpu.memory_space<semaphore_mem>>)
        %dma_wait3A_111 = arith.constant 0 : i32
        %dma_wait3A_112 = tpu.memref_slice %arg10[%add3A_103, %dma_wait3A_111] : memref<20480x32xf32, #tpu.memory_space<hbm>> -> memref<128x32xf32, #tpu.memory_space<hbm>>
        %dma_wait3A_113 = arith.constant 0 : i32
        %dma_wait3A_114 = tpu.memref_slice %arg10[%add3A_103, %dma_wait3A_113] : memref<20480x32xf32, #tpu.memory_space<hbm>> -> memref<128x32xf32, #tpu.memory_space<hbm>>
        tpu.wait_dma2 semaphore(%run_scoped3A : memref<!tpu.dma_semaphore, #tpu.memory_space<semaphore_mem>>) src(%arg18 : memref<128x32xf32, #tpu.memory_space<vmem>>) dst(%dma_wait3A_114 : memref<128x32xf32, #tpu.memory_space<hbm>>)
        tpu.yield
      }) : () -> ()
      "tpu.region"() ({
        %run_scoped3A = tpu.sem_alloc : memref<!tpu.dma_semaphore, #tpu.memory_space<semaphore_mem>>
        %dma_start3A_107 = arith.constant 0 : i32
        %dma_start3A_108 = tpu.memref_slice %arg15[%add3A_94, %dma_start3A_107] : memref<10240x32xf32, #tpu.memory_space<vmem_shared>> -> memref<128x32xf32, #tpu.memory_space<vmem_shared>>
        %dma_start3A_109 = arith.constant 0 : i32
        %dma_start3A_110 = tpu.memref_slice %arg15[%add3A_94, %dma_start3A_109] : memref<10240x32xf32, #tpu.memory_space<vmem_shared>> -> memref<128x32xf32, #tpu.memory_space<vmem_shared>>
        tpu.enqueue_dma source(%dma_start3A_110 : memref<128x32xf32, #tpu.memory_space<vmem_shared>>) target(%arg19 : memref<128x32xf32, #tpu.memory_space<vmem>>) target_semaphore(%run_scoped3A : memref<!tpu.dma_semaphore, #tpu.memory_space<semaphore_mem>>)
        %dma_wait3A_111 = arith.constant 0 : i32
        %dma_wait3A_112 = tpu.memref_slice %arg15[%add3A_94, %dma_wait3A_111] : memref<10240x32xf32, #tpu.memory_space<vmem_shared>> -> memref<128x32xf32, #tpu.memory_space<vmem_shared>>
        %dma_wait3A_113 = arith.constant 0 : i32
        %dma_wait3A_114 = tpu.memref_slice %arg15[%add3A_94, %dma_wait3A_113] : memref<10240x32xf32, #tpu.memory_space<vmem_shared>> -> memref<128x32xf32, #tpu.memory_space<vmem_shared>>
        tpu.wait_dma2 semaphore(%run_scoped3A : memref<!tpu.dma_semaphore, #tpu.memory_space<semaphore_mem>>) src(%dma_wait3A_114 : memref<128x32xf32, #tpu.memory_space<vmem_shared>>) dst(%arg19 : memref<128x32xf32, #tpu.memory_space<vmem>>)
        tpu.yield
      }) : () -> ()
      %mul3A_104 = arith.constant 10240 : i32
      %mul3A_105 = arith.muli %arg0, %mul3A_104 : i32
      %add3A_106 = arith.addi %mul3A_105, %add3A_94 : i32
      "tpu.region"() ({
        %run_scoped3A = tpu.sem_alloc : memref<!tpu.dma_semaphore, #tpu.memory_space<semaphore_mem>>
        %dma_start3A_107 = arith.constant 0 : i32
        %dma_start3A_108 = tpu.memref_slice %arg11[%add3A_106, %dma_start3A_107] : memref<20480x32xf32, #tpu.memory_space<hbm>> -> memref<128x32xf32, #tpu.memory_space<hbm>>
        %dma_start3A_109 = arith.constant 0 : i32
        %dma_start3A_110 = tpu.memref_slice %arg11[%add3A_106, %dma_start3A_109] : memref<20480x32xf32, #tpu.memory_space<hbm>> -> memref<128x32xf32, #tpu.memory_space<hbm>>
        tpu.enqueue_dma source(%arg19 : memref<128x32xf32, #tpu.memory_space<vmem>>) target(%dma_start3A_110 : memref<128x32xf32, #tpu.memory_space<hbm>>) target_semaphore(%run_scoped3A : memref<!tpu.dma_semaphore, #tpu.memory_space<semaphore_mem>>)
        %dma_wait3A_111 = arith.constant 0 : i32
        %dma_wait3A_112 = tpu.memref_slice %arg11[%add3A_106, %dma_wait3A_111] : memref<20480x32xf32, #tpu.memory_space<hbm>> -> memref<128x32xf32, #tpu.memory_space<hbm>>
        %dma_wait3A_113 = arith.constant 0 : i32
        %dma_wait3A_114 = tpu.memref_slice %arg11[%add3A_106, %dma_wait3A_113] : memref<20480x32xf32, #tpu.memory_space<hbm>> -> memref<128x32xf32, #tpu.memory_space<hbm>>
        tpu.wait_dma2 semaphore(%run_scoped3A : memref<!tpu.dma_semaphore, #tpu.memory_space<semaphore_mem>>) src(%arg19 : memref<128x32xf32, #tpu.memory_space<vmem>>) dst(%dma_wait3A_114 : memref<128x32xf32, #tpu.memory_space<hbm>>)
        tpu.yield
      }) : () -> ()
    }
    %scan3A_86 = arith.constant 5 : i32
    return
  }
}

module attributes {stable_mosaic.version = 14 : i64} {
  func.func @_enc_body(%arg0: i32, %arg1: memref<1024x128xf32, #tpu.memory_space<vmem>>, %arg2: memref<128x128xf32, #tpu.memory_space<vmem>>, %arg3: memref<1x128xf32, #tpu.memory_space<vmem>>, %arg4: memref<1024x32xf32, #tpu.memory_space<vmem>>, %arg5: memref<1024x32xf32, #tpu.memory_space<vmem>>, %arg6: memref<1024x32xf32, #tpu.memory_space<vmem>>, %arg7: memref<1024x32xf32, #tpu.memory_space<vmem>>) attributes {dimension_semantics = [#tpu.dimension_semantics<arbitrary>], iteration_bounds = array<i64: 10>, scalar_prefetch = 0 : i64, scratch_operands = 0 : i64, tpu.core_type = #tpu.core_type<tc>, window_params = [{transform_indices = @transform_0, window_bounds = array<i64: 1024, 128>}, {pipeline_mode = #tpu.pipeline_mode<synchronous>, transform_indices = @transform_1, window_bounds = array<i64: 128, 128>}, {pipeline_mode = #tpu.pipeline_mode<synchronous>, transform_indices = @transform_2, window_bounds = array<i64: 1, 128>}, {transform_indices = @transform_3, window_bounds = array<i64: 1024, 32>}, {transform_indices = @transform_4, window_bounds = array<i64: 1024, 32>}, {transform_indices = @transform_5, window_bounds = array<i64: 1024, 32>}, {transform_indices = @transform_6, window_bounds = array<i64: 1024, 32>}]} {
    %get3A = arith.constant 0 : index
    %get3A_0 = arith.constant 0 : index
    %get3A_1 = vector.load %arg1[%get3A, %get3A_0] : memref<1024x128xf32, #tpu.memory_space<vmem>>, vector<1024x128xf32>
    %get3A_2 = arith.constant 0 : index
    %get3A_3 = arith.constant 0 : index
    %get3A_4 = vector.load %arg2[%get3A_2, %get3A_3] : memref<128x128xf32, #tpu.memory_space<vmem>>, vector<128x128xf32>
    %dot_general3A = arith.constant dense<0.000000e+00> : vector<1024x128xf32>
    %dot_general3A_5 = tpu.matmul %get3A_1, %get3A_4, %dot_general3A {dimension_numbers = #tpu.dot_dimension_numbers<[1], [0], [0], [1], [0, 0, 1, 1], [], []>, transpose_lhs_hint = false} : vector<1024x128xf32>, vector<128x128xf32>, vector<1024x128xf32> -> vector<1024x128xf32>
    %get3A_6 = arith.constant 0 : index
    %get3A_7 = arith.constant 0 : index
    %get3A_8 = vector.load %arg3[%get3A_6, %get3A_7] : memref<1x128xf32, #tpu.memory_space<vmem>>, vector<1x128xf32>
    %add3A = vector.broadcast %get3A_8 : vector<1x128xf32> to vector<1024x128xf32>
    %add3A_9 = arith.addf %dot_general3A_5, %add3A : vector<1024x128xf32>
    %slice3A = vector.extract_strided_slice %add3A_9 {offsets = [0, 0], sizes = [1024, 32], strides = [1, 1]} : vector<1024x128xf32> to vector<1024x32xf32>
    %swap3A = arith.constant 0 : index
    %swap3A_10 = arith.constant 0 : index
    %swap3A_11 = vector.load %arg4[%swap3A, %swap3A_10] : memref<1024x32xf32, #tpu.memory_space<vmem>>, vector<1024x32xf32>
    tpu.vector_store %arg4[%swap3A, %swap3A_10], %slice3A {strides = array<i32>} : memref<1024x32xf32, #tpu.memory_space<vmem>>, vector<1024x32xf32>,
    %slice3A_12 = vector.extract_strided_slice %add3A_9 {offsets = [0, 32], sizes = [1024, 32], strides = [1, 1]} : vector<1024x128xf32> to vector<1024x32xf32>
    %swap3A_13 = arith.constant 0 : index
    %swap3A_14 = arith.constant 0 : index
    %swap3A_15 = vector.load %arg5[%swap3A_13, %swap3A_14] : memref<1024x32xf32, #tpu.memory_space<vmem>>, vector<1024x32xf32>
    tpu.vector_store %arg5[%swap3A_13, %swap3A_14], %slice3A_12 {strides = array<i32>} : memref<1024x32xf32, #tpu.memory_space<vmem>>, vector<1024x32xf32>,
    %slice3A_16 = vector.extract_strided_slice %add3A_9 {offsets = [0, 64], sizes = [1024, 32], strides = [1, 1]} : vector<1024x128xf32> to vector<1024x32xf32>
    %swap3A_17 = arith.constant 0 : index
    %swap3A_18 = arith.constant 0 : index
    %swap3A_19 = vector.load %arg6[%swap3A_17, %swap3A_18] : memref<1024x32xf32, #tpu.memory_space<vmem>>, vector<1024x32xf32>
    tpu.vector_store %arg6[%swap3A_17, %swap3A_18], %slice3A_16 {strides = array<i32>} : memref<1024x32xf32, #tpu.memory_space<vmem>>, vector<1024x32xf32>,
    %slice3A_20 = vector.extract_strided_slice %add3A_9 {offsets = [0, 96], sizes = [1024, 32], strides = [1, 1]} : vector<1024x128xf32> to vector<1024x32xf32>
    %swap3A_21 = arith.constant 0 : index
    %swap3A_22 = arith.constant 0 : index
    %swap3A_23 = vector.load %arg7[%swap3A_21, %swap3A_22] : memref<1024x32xf32, #tpu.memory_space<vmem>>, vector<1024x32xf32>
    tpu.vector_store %arg7[%swap3A_21, %swap3A_22], %slice3A_20 {strides = array<i32>} : memref<1024x32xf32, #tpu.memory_space<vmem>>, vector<1024x32xf32>,
    return
  }
  func.func @transform_0(%arg0: i32) -> (i32, i32) {
    %c0_i32 = arith.constant 0 : i32
    %c0_i32_0 = arith.constant 0 : i32
    return %arg0, %c0_i32 : i32, i32
  }
  func.func @transform_1(%arg0: i32) -> (i32, i32) {
    %c0_i32 = arith.constant 0 : i32
    %c0_i32_0 = arith.constant 0 : i32
    %c0_i32_1 = arith.constant 0 : i32
    return %c0_i32, %c0_i32_0 : i32, i32
  }
  func.func @transform_2(%arg0: i32) -> (i32, i32) {
    %c0_i32 = arith.constant 0 : i32
    %c0_i32_0 = arith.constant 0 : i32
    %c0_i32_1 = arith.constant 0 : i32
    return %c0_i32, %c0_i32_0 : i32, i32
  }
  func.func @transform_3(%arg0: i32) -> (i32, i32) {
    %c0_i32 = arith.constant 0 : i32
    %c0_i32_0 = arith.constant 0 : i32
    return %arg0, %c0_i32 : i32, i32
  }
  func.func @transform_4(%arg0: i32) -> (i32, i32) {
    %c0_i32 = arith.constant 0 : i32
    %c0_i32_0 = arith.constant 0 : i32
    return %arg0, %c0_i32 : i32, i32
  }
  func.func @transform_5(%arg0: i32) -> (i32, i32) {
    %c0_i32 = arith.constant 0 : i32
    %c0_i32_0 = arith.constant 0 : i32
    return %arg0, %c0_i32 : i32, i32
  }
  func.func @transform_6(%arg0: i32) -> (i32, i32) {
    %c0_i32 = arith.constant 0 : i32
    %c0_i32_0 = arith.constant 0 : i32
    return %arg0, %c0_i32 : i32, i32
  }
}

module attributes {stable_mosaic.version = 14 : i64} {
  func.func @_combine_body(%arg0: i32, %arg1: memref<2x1024x32xf32, #tpu.memory_space<vmem>>, %arg2: memref<2x1024x32xf32, #tpu.memory_space<vmem>>, %arg3: memref<2x1024x32xf32, #tpu.memory_space<vmem>>, %arg4: memref<2x1024x32xf32, #tpu.memory_space<vmem>>, %arg5: memref<2x1024x16xf32, #tpu.memory_space<vmem>>, %arg6: memref<1024x32xf32, #tpu.memory_space<vmem>>, %arg7: memref<1024x32xf32, #tpu.memory_space<vmem>>, %arg8: memref<1024x32xf32, #tpu.memory_space<vmem>>, %arg9: memref<1024x32xf32, #tpu.memory_space<vmem>>, %arg10: memref<128x128xf32, #tpu.memory_space<vmem>>, %arg11: memref<128x128xf32, #tpu.memory_space<vmem>>, %arg12: memref<1x128xf32, #tpu.memory_space<vmem>>, %arg13: memref<1024x32xf32, #tpu.memory_space<vmem>>, %arg14: memref<1024x32xf32, #tpu.memory_space<vmem>>, %arg15: memref<1024x32xf32, #tpu.memory_space<vmem>>, %arg16: memref<1024x32xf32, #tpu.memory_space<vmem>>) attributes {dimension_semantics = [#tpu.dimension_semantics<arbitrary>], iteration_bounds = array<i64: 10>, scalar_prefetch = 0 : i64, scratch_operands = 0 : i64, tpu.core_type = #tpu.core_type<tc>, window_params = [{transform_indices = @transform_0, window_bounds = array<i64: 2, 1024, 32>}, {transform_indices = @transform_1, window_bounds = array<i64: 2, 1024, 32>}, {transform_indices = @transform_2, window_bounds = array<i64: 2, 1024, 32>}, {transform_indices = @transform_3, window_bounds = array<i64: 2, 1024, 32>}, {transform_indices = @transform_4, window_bounds = array<i64: 2, 1024, 16>}, {transform_indices = @transform_5, window_bounds = array<i64: 1024, 32>}, {transform_indices = @transform_6, window_bounds = array<i64: 1024, 32>}, {transform_indices = @transform_7, window_bounds = array<i64: 1024, 32>}, {transform_indices = @transform_8, window_bounds = array<i64: 1024, 32>}, {pipeline_mode = #tpu.pipeline_mode<synchronous>, transform_indices = @transform_9, window_bounds = array<i64: 128, 128>}, {pipeline_mode = #tpu.pipeline_mode<synchronous>, transform_indices = @transform_10, window_bounds = array<i64: 128, 128>}, {pipeline_mode = #tpu.pipeline_mode<synchronous>, transform_indices = @transform_11, window_bounds = array<i64: 1, 128>}, {transform_indices = @transform_12, window_bounds = array<i64: 1024, 32>}, {transform_indices = @transform_13, window_bounds = array<i64: 1024, 32>}, {transform_indices = @transform_14, window_bounds = array<i64: 1024, 32>}, {transform_indices = @transform_15, window_bounds = array<i64: 1024, 32>}]} {
    %get3A = arith.constant 0 : index
    %get3A_0 = arith.constant 0 : index
    %get3A_1 = arith.constant 0 : index
    %get3A_2 = vector.load %arg1[%get3A, %get3A_0, %get3A_1] : memref<2x1024x32xf32, #tpu.memory_space<vmem>>, vector<2x1024x32xf32>
    %slice3A = vector.extract_strided_slice %get3A_2 {offsets = [0, 0, 0], sizes = [1, 1024, 32], strides = [1, 1, 1]} : vector<2x1024x32xf32> to vector<1x1024x32xf32>
    %squeeze3A = vector.shape_cast %slice3A : vector<1x1024x32xf32> to vector<1024x32xf32>
    %get3A_3 = arith.constant 0 : index
    %get3A_4 = arith.constant 0 : index
    %get3A_5 = arith.constant 0 : index
    %get3A_6 = vector.load %arg1[%get3A_3, %get3A_4, %get3A_5] : memref<2x1024x32xf32, #tpu.memory_space<vmem>>, vector<2x1024x32xf32>
    %slice3A_7 = vector.extract_strided_slice %get3A_6 {offsets = [1, 0, 0], sizes = [1, 1024, 32], strides = [1, 1, 1]} : vector<2x1024x32xf32> to vector<1x1024x32xf32>
    %squeeze3A_8 = vector.shape_cast %slice3A_7 : vector<1x1024x32xf32> to vector<1024x32xf32>
    %add3A = arith.addf %squeeze3A, %squeeze3A_8 : vector<1024x32xf32>
    %get3A_9 = arith.constant 0 : index
    %get3A_10 = arith.constant 0 : index
    %get3A_11 = arith.constant 0 : index
    %get3A_12 = vector.load %arg2[%get3A_9, %get3A_10, %get3A_11] : memref<2x1024x32xf32, #tpu.memory_space<vmem>>, vector<2x1024x32xf32>
    %slice3A_13 = vector.extract_strided_slice %get3A_12 {offsets = [0, 0, 0], sizes = [1, 1024, 32], strides = [1, 1, 1]} : vector<2x1024x32xf32> to vector<1x1024x32xf32>
    %squeeze3A_14 = vector.shape_cast %slice3A_13 : vector<1x1024x32xf32> to vector<1024x32xf32>
    %get3A_15 = arith.constant 0 : index
    %get3A_16 = arith.constant 0 : index
    %get3A_17 = arith.constant 0 : index
    %get3A_18 = vector.load %arg2[%get3A_15, %get3A_16, %get3A_17] : memref<2x1024x32xf32, #tpu.memory_space<vmem>>, vector<2x1024x32xf32>
    %slice3A_19 = vector.extract_strided_slice %get3A_18 {offsets = [1, 0, 0], sizes = [1, 1024, 32], strides = [1, 1, 1]} : vector<2x1024x32xf32> to vector<1x1024x32xf32>
    %squeeze3A_20 = vector.shape_cast %slice3A_19 : vector<1x1024x32xf32> to vector<1024x32xf32>
    %add3A_21 = arith.addf %squeeze3A_14, %squeeze3A_20 : vector<1024x32xf32>
    %get3A_22 = arith.constant 0 : index
    %get3A_23 = arith.constant 0 : index
    %get3A_24 = arith.constant 0 : index
    %get3A_25 = vector.load %arg3[%get3A_22, %get3A_23, %get3A_24] : memref<2x1024x32xf32, #tpu.memory_space<vmem>>, vector<2x1024x32xf32>
    %slice3A_26 = vector.extract_strided_slice %get3A_25 {offsets = [0, 0, 0], sizes = [1, 1024, 32], strides = [1, 1, 1]} : vector<2x1024x32xf32> to vector<1x1024x32xf32>
    %squeeze3A_27 = vector.shape_cast %slice3A_26 : vector<1x1024x32xf32> to vector<1024x32xf32>
    %get3A_28 = arith.constant 0 : index
    %get3A_29 = arith.constant 0 : index
    %get3A_30 = arith.constant 0 : index
    %get3A_31 = vector.load %arg3[%get3A_28, %get3A_29, %get3A_30] : memref<2x1024x32xf32, #tpu.memory_space<vmem>>, vector<2x1024x32xf32>
    %slice3A_32 = vector.extract_strided_slice %get3A_31 {offsets = [1, 0, 0], sizes = [1, 1024, 32], strides = [1, 1, 1]} : vector<2x1024x32xf32> to vector<1x1024x32xf32>
    %squeeze3A_33 = vector.shape_cast %slice3A_32 : vector<1x1024x32xf32> to vector<1024x32xf32>
    %add3A_34 = arith.addf %squeeze3A_27, %squeeze3A_33 : vector<1024x32xf32>
    %get3A_35 = arith.constant 0 : index
    %get3A_36 = arith.constant 0 : index
    %get3A_37 = arith.constant 0 : index
    %get3A_38 = vector.load %arg4[%get3A_35, %get3A_36, %get3A_37] : memref<2x1024x32xf32, #tpu.memory_space<vmem>>, vector<2x1024x32xf32>
    %slice3A_39 = vector.extract_strided_slice %get3A_38 {offsets = [0, 0, 0], sizes = [1, 1024, 32], strides = [1, 1, 1]} : vector<2x1024x32xf32> to vector<1x1024x32xf32>
    %squeeze3A_40 = vector.shape_cast %slice3A_39 : vector<1x1024x32xf32> to vector<1024x32xf32>
    %get3A_41 = arith.constant 0 : index
    %get3A_42 = arith.constant 0 : index
    %get3A_43 = arith.constant 0 : index
    %get3A_44 = vector.load %arg4[%get3A_41, %get3A_42, %get3A_43] : memref<2x1024x32xf32, #tpu.memory_space<vmem>>, vector<2x1024x32xf32>
    %slice3A_45 = vector.extract_strided_slice %get3A_44 {offsets = [1, 0, 0], sizes = [1, 1024, 32], strides = [1, 1, 1]} : vector<2x1024x32xf32> to vector<1x1024x32xf32>
    %squeeze3A_46 = vector.shape_cast %slice3A_45 : vector<1x1024x32xf32> to vector<1024x32xf32>
    %add3A_47 = arith.addf %squeeze3A_40, %squeeze3A_46 : vector<1024x32xf32>
    %concatenate3A = tpu.concatenate %add3A, %add3A_21, %add3A_34, %add3A_47 in 1 : vector<1024x32xf32>, vector<1024x32xf32>, vector<1024x32xf32>, vector<1024x32xf32> -> vector<1024x128xf32>
    %get3A_48 = arith.constant 0 : index
    %get3A_49 = arith.constant 0 : index
    %get3A_50 = arith.constant 0 : index
    %get3A_51 = vector.load %arg5[%get3A_48, %get3A_49, %get3A_50] : memref<2x1024x16xf32, #tpu.memory_space<vmem>>, vector<1x1024x1xf32>
    %get3A_52 = vector.shape_cast %get3A_51 : vector<1x1024x1xf32> to vector<1024x1xf32>
    %get3A_53 = arith.constant 1 : index
    %get3A_54 = arith.constant 0 : index
    %get3A_55 = arith.constant 0 : index
    %get3A_56 = vector.load %arg5[%get3A_53, %get3A_54, %get3A_55] : memref<2x1024x16xf32, #tpu.memory_space<vmem>>, vector<1x1024x1xf32>
    %get3A_57 = vector.shape_cast %get3A_56 : vector<1x1024x1xf32> to vector<1024x1xf32>
    %add3A_58 = arith.addf %get3A_52, %get3A_57 : vector<1024x1xf32>
    %max3A = arith.constant 1.000000e+00 : f32
    %max3A_59 = vector.broadcast %max3A : f32 to vector<1024x1xf32>
    %max3A_60 = arith.maximumf %add3A_58, %max3A_59 : vector<1024x1xf32>
    %div3A = arith.constant 1.000000e+00 : f32
    %div3A_61 = vector.broadcast %div3A : f32 to vector<1024x1xf32>
    %div3A_62 = arith.divf %div3A_61, %max3A_60 : vector<1024x1xf32>
    %mul3A = vector.broadcast %div3A_62 : vector<1024x1xf32> to vector<1024x128xf32>
    %mul3A_63 = arith.mulf %concatenate3A, %mul3A : vector<1024x128xf32>
    %get3A_64 = arith.constant 0 : index
    %get3A_65 = arith.constant 0 : index
    %get3A_66 = vector.load %arg6[%get3A_64, %get3A_65] : memref<1024x32xf32, #tpu.memory_space<vmem>>, vector<1024x32xf32>
    %get3A_67 = arith.constant 0 : index
    %get3A_68 = arith.constant 0 : index
    %get3A_69 = vector.load %arg7[%get3A_67, %get3A_68] : memref<1024x32xf32, #tpu.memory_space<vmem>>, vector<1024x32xf32>
    %get3A_70 = arith.constant 0 : index
    %get3A_71 = arith.constant 0 : index
    %get3A_72 = vector.load %arg8[%get3A_70, %get3A_71] : memref<1024x32xf32, #tpu.memory_space<vmem>>, vector<1024x32xf32>
    %get3A_73 = arith.constant 0 : index
    %get3A_74 = arith.constant 0 : index
    %get3A_75 = vector.load %arg9[%get3A_73, %get3A_74] : memref<1024x32xf32, #tpu.memory_space<vmem>>, vector<1024x32xf32>
    %concatenate3A_76 = tpu.concatenate %get3A_66, %get3A_69, %get3A_72, %get3A_75 in 1 : vector<1024x32xf32>, vector<1024x32xf32>, vector<1024x32xf32>, vector<1024x32xf32> -> vector<1024x128xf32>
    %get3A_77 = arith.constant 0 : index
    %get3A_78 = arith.constant 0 : index
    %get3A_79 = vector.load %arg10[%get3A_77, %get3A_78] : memref<128x128xf32, #tpu.memory_space<vmem>>, vector<128x128xf32>
    %dot_general3A = arith.constant dense<0.000000e+00> : vector<1024x128xf32>
    %dot_general3A_80 = tpu.matmul %mul3A_63, %get3A_79, %dot_general3A {dimension_numbers = #tpu.dot_dimension_numbers<[1], [0], [0], [1], [0, 0, 1, 1], [], []>, transpose_lhs_hint = false} : vector<1024x128xf32>, vector<128x128xf32>, vector<1024x128xf32> -> vector<1024x128xf32>
    %get3A_81 = arith.constant 0 : index
    %get3A_82 = arith.constant 0 : index
    %get3A_83 = vector.load %arg11[%get3A_81, %get3A_82] : memref<128x128xf32, #tpu.memory_space<vmem>>, vector<128x128xf32>
    %dot_general3A_84 = arith.constant dense<0.000000e+00> : vector<1024x128xf32>
    %dot_general3A_85 = tpu.matmul %concatenate3A_76, %get3A_83, %dot_general3A_84 {dimension_numbers = #tpu.dot_dimension_numbers<[1], [0], [0], [1], [0, 0, 1, 1], [], []>, transpose_lhs_hint = false} : vector<1024x128xf32>, vector<128x128xf32>, vector<1024x128xf32> -> vector<1024x128xf32>
    %add3A_86 = arith.addf %dot_general3A_80, %dot_general3A_85 : vector<1024x128xf32>
    %get3A_87 = arith.constant 0 : index
    %get3A_88 = arith.constant 0 : index
    %get3A_89 = vector.load %arg12[%get3A_87, %get3A_88] : memref<1x128xf32, #tpu.memory_space<vmem>>, vector<1x128xf32>
    %add3A_90 = vector.broadcast %get3A_89 : vector<1x128xf32> to vector<1024x128xf32>
    %add3A_91 = arith.addf %add3A_86, %add3A_90 : vector<1024x128xf32>
    %max3A_92 = arith.constant 0.000000e+00 : f32
    %max3A_93 = vector.broadcast %max3A_92 : f32 to vector<1024x128xf32>
    %max3A_94 = arith.maximumf %add3A_91, %max3A_93 : vector<1024x128xf32>
    %slice3A_95 = vector.extract_strided_slice %max3A_94 {offsets = [0, 0], sizes = [1024, 32], strides = [1, 1]} : vector<1024x128xf32> to vector<1024x32xf32>
    %swap3A = arith.constant 0 : index
    %swap3A_96 = arith.constant 0 : index
    %swap3A_97 = vector.load %arg13[%swap3A, %swap3A_96] : memref<1024x32xf32, #tpu.memory_space<vmem>>, vector<1024x32xf32>
    tpu.vector_store %arg13[%swap3A, %swap3A_96], %slice3A_95 {strides = array<i32>} : memref<1024x32xf32, #tpu.memory_space<vmem>>, vector<1024x32xf32>,
    %slice3A_98 = vector.extract_strided_slice %max3A_94 {offsets = [0, 32], sizes = [1024, 32], strides = [1, 1]} : vector<1024x128xf32> to vector<1024x32xf32>
    %swap3A_99 = arith.constant 0 : index
    %swap3A_100 = arith.constant 0 : index
    %swap3A_101 = vector.load %arg14[%swap3A_99, %swap3A_100] : memref<1024x32xf32, #tpu.memory_space<vmem>>, vector<1024x32xf32>
    tpu.vector_store %arg14[%swap3A_99, %swap3A_100], %slice3A_98 {strides = array<i32>} : memref<1024x32xf32, #tpu.memory_space<vmem>>, vector<1024x32xf32>,
    %slice3A_102 = vector.extract_strided_slice %max3A_94 {offsets = [0, 64], sizes = [1024, 32], strides = [1, 1]} : vector<1024x128xf32> to vector<1024x32xf32>
    %swap3A_103 = arith.constant 0 : index
    %swap3A_104 = arith.constant 0 : index
    %swap3A_105 = vector.load %arg15[%swap3A_103, %swap3A_104] : memref<1024x32xf32, #tpu.memory_space<vmem>>, vector<1024x32xf32>
    tpu.vector_store %arg15[%swap3A_103, %swap3A_104], %slice3A_102 {strides = array<i32>} : memref<1024x32xf32, #tpu.memory_space<vmem>>, vector<1024x32xf32>,
    %slice3A_106 = vector.extract_strided_slice %max3A_94 {offsets = [0, 96], sizes = [1024, 32], strides = [1, 1]} : vector<1024x128xf32> to vector<1024x32xf32>
    %swap3A_107 = arith.constant 0 : index
    %swap3A_108 = arith.constant 0 : index
    %swap3A_109 = vector.load %arg16[%swap3A_107, %swap3A_108] : memref<1024x32xf32, #tpu.memory_space<vmem>>, vector<1024x32xf32>
    tpu.vector_store %arg16[%swap3A_107, %swap3A_108], %slice3A_106 {strides = array<i32>} : memref<1024x32xf32, #tpu.memory_space<vmem>>, vector<1024x32xf32>,
    return
  }
  func.func @transform_0(%arg0: i32) -> (i32, i32, i32) {
    %c0_i32 = arith.constant 0 : i32
    %c0_i32_0 = arith.constant 0 : i32
    %c0_i32_1 = arith.constant 0 : i32
    return %c0_i32, %arg0, %c0_i32_0 : i32, i32, i32
  }
  func.func @transform_1(%arg0: i32) -> (i32, i32, i32) {
    %c0_i32 = arith.constant 0 : i32
    %c0_i32_0 = arith.constant 0 : i32
    %c0_i32_1 = arith.constant 0 : i32
    return %c0_i32, %arg0, %c0_i32_0 : i32, i32, i32
  }
  func.func @transform_2(%arg0: i32) -> (i32, i32, i32) {
    %c0_i32 = arith.constant 0 : i32
    %c0_i32_0 = arith.constant 0 : i32
    %c0_i32_1 = arith.constant 0 : i32
    return %c0_i32, %arg0, %c0_i32_0 : i32, i32, i32
  }
  func.func @transform_3(%arg0: i32) -> (i32, i32, i32) {
    %c0_i32 = arith.constant 0 : i32
    %c0_i32_0 = arith.constant 0 : i32
    %c0_i32_1 = arith.constant 0 : i32
    return %c0_i32, %arg0, %c0_i32_0 : i32, i32, i32
  }
  func.func @transform_4(%arg0: i32) -> (i32, i32, i32) {
    %c0_i32 = arith.constant 0 : i32
    %c0_i32_0 = arith.constant 0 : i32
    %c0_i32_1 = arith.constant 0 : i32
    return %c0_i32, %arg0, %c0_i32_0 : i32, i32, i32
  }
  func.func @transform_5(%arg0: i32) -> (i32, i32) {
    %c0_i32 = arith.constant 0 : i32
    %c0_i32_0 = arith.constant 0 : i32
    return %arg0, %c0_i32 : i32, i32
  }
  func.func @transform_6(%arg0: i32) -> (i32, i32) {
    %c0_i32 = arith.constant 0 : i32
    %c0_i32_0 = arith.constant 0 : i32
    return %arg0, %c0_i32 : i32, i32
  }
  func.func @transform_7(%arg0: i32) -> (i32, i32) {
    %c0_i32 = arith.constant 0 : i32
    %c0_i32_0 = arith.constant 0 : i32
    return %arg0, %c0_i32 : i32, i32
  }
  func.func @transform_8(%arg0: i32) -> (i32, i32) {
    %c0_i32 = arith.constant 0 : i32
    %c0_i32_0 = arith.constant 0 : i32
    return %arg0, %c0_i32 : i32, i32
  }
  func.func @transform_9(%arg0: i32) -> (i32, i32) {
    %c0_i32 = arith.constant 0 : i32
    %c0_i32_0 = arith.constant 0 : i32
    %c0_i32_1 = arith.constant 0 : i32
    return %c0_i32, %c0_i32_0 : i32, i32
  }
  func.func @transform_10(%arg0: i32) -> (i32, i32) {
    %c0_i32 = arith.constant 0 : i32
    %c0_i32_0 = arith.constant 0 : i32
    %c0_i32_1 = arith.constant 0 : i32
    return %c0_i32, %c0_i32_0 : i32, i32
  }
  func.func @transform_11(%arg0: i32) -> (i32, i32) {
    %c0_i32 = arith.constant 0 : i32
    %c0_i32_0 = arith.constant 0 : i32
    %c0_i32_1 = arith.constant 0 : i32
    return %c0_i32, %c0_i32_0 : i32, i32
  }
  func.func @transform_12(%arg0: i32) -> (i32, i32) {
    %c0_i32 = arith.constant 0 : i32
    %c0_i32_0 = arith.constant 0 : i32
    return %arg0, %c0_i32 : i32, i32
  }
  func.func @transform_13(%arg0: i32) -> (i32, i32) {
    %c0_i32 = arith.constant 0 : i32
    %c0_i32_0 = arith.constant 0 : i32
    return %arg0, %c0_i32 : i32, i32
  }
  func.func @transform_14(%arg0: i32) -> (i32, i32) {
    %c0_i32 = arith.constant 0 : i32
    %c0_i32_0 = arith.constant 0 : i32
    return %arg0, %c0_i32 : i32, i32
  }
  func.func @transform_15(%arg0: i32) -> (i32, i32) {
    %c0_i32 = arith.constant 0 : i32
    %c0_i32_0 = arith.constant 0 : i32
    return %arg0, %c0_i32 : i32, i32
  }
}

module attributes {stable_mosaic.version = 14 : i64} {
  func.func @_combine_head_body(%arg0: i32, %arg1: memref<2x1024x32xf32, #tpu.memory_space<vmem>>, %arg2: memref<2x1024x32xf32, #tpu.memory_space<vmem>>, %arg3: memref<2x1024x32xf32, #tpu.memory_space<vmem>>, %arg4: memref<2x1024x32xf32, #tpu.memory_space<vmem>>, %arg5: memref<2x1024x16xf32, #tpu.memory_space<vmem>>, %arg6: memref<1024x32xf32, #tpu.memory_space<vmem>>, %arg7: memref<1024x32xf32, #tpu.memory_space<vmem>>, %arg8: memref<1024x32xf32, #tpu.memory_space<vmem>>, %arg9: memref<1024x32xf32, #tpu.memory_space<vmem>>, %arg10: memref<128x128xf32, #tpu.memory_space<vmem>>, %arg11: memref<128x128xf32, #tpu.memory_space<vmem>>, %arg12: memref<1x128xf32, #tpu.memory_space<vmem>>, %arg13: memref<128x128xf32, #tpu.memory_space<vmem>>, %arg14: memref<1x128xf32, #tpu.memory_space<vmem>>, %arg15: memref<1x128xf32, #tpu.memory_space<vmem>>, %arg16: memref<1x1xf32, #tpu.memory_space<vmem>>, %arg17: memref<1x1024xf32, #tpu.memory_space<vmem>>) attributes {dimension_semantics = [#tpu.dimension_semantics<arbitrary>], iteration_bounds = array<i64: 10>, scalar_prefetch = 0 : i64, scratch_operands = 0 : i64, tpu.core_type = #tpu.core_type<tc>, window_params = [{transform_indices = @transform_0, window_bounds = array<i64: 2, 1024, 32>}, {transform_indices = @transform_1, window_bounds = array<i64: 2, 1024, 32>}, {transform_indices = @transform_2, window_bounds = array<i64: 2, 1024, 32>}, {transform_indices = @transform_3, window_bounds = array<i64: 2, 1024, 32>}, {transform_indices = @transform_4, window_bounds = array<i64: 2, 1024, 16>}, {transform_indices = @transform_5, window_bounds = array<i64: 1024, 32>}, {transform_indices = @transform_6, window_bounds = array<i64: 1024, 32>}, {transform_indices = @transform_7, window_bounds = array<i64: 1024, 32>}, {transform_indices = @transform_8, window_bounds = array<i64: 1024, 32>}, {pipeline_mode = #tpu.pipeline_mode<synchronous>, transform_indices = @transform_9, window_bounds = array<i64: 128, 128>}, {pipeline_mode = #tpu.pipeline_mode<synchronous>, transform_indices = @transform_10, window_bounds = array<i64: 128, 128>}, {pipeline_mode = #tpu.pipeline_mode<synchronous>, transform_indices = @transform_11, window_bounds = array<i64: 1, 128>}, {pipeline_mode = #tpu.pipeline_mode<synchronous>, transform_indices = @transform_12, window_bounds = array<i64: 128, 128>}, {pipeline_mode = #tpu.pipeline_mode<synchronous>, transform_indices = @transform_13, window_bounds = array<i64: 1, 128>}, {pipeline_mode = #tpu.pipeline_mode<synchronous>, transform_indices = @transform_14, window_bounds = array<i64: 1, 128>}, {pipeline_mode = #tpu.pipeline_mode<synchronous>, transform_indices = @transform_15, window_bounds = array<i64: 1, 1>}, {transform_indices = @transform_16, window_bounds = array<i64: 1, 1024>}]} {
    %get3A = arith.constant 0 : index
    %get3A_0 = arith.constant 0 : index
    %get3A_1 = arith.constant 0 : index
    %get3A_2 = vector.load %arg1[%get3A, %get3A_0, %get3A_1] : memref<2x1024x32xf32, #tpu.memory_space<vmem>>, vector<2x1024x32xf32>
    %slice3A = vector.extract_strided_slice %get3A_2 {offsets = [0, 0, 0], sizes = [1, 1024, 32], strides = [1, 1, 1]} : vector<2x1024x32xf32> to vector<1x1024x32xf32>
    %squeeze3A = vector.shape_cast %slice3A : vector<1x1024x32xf32> to vector<1024x32xf32>
    %get3A_3 = arith.constant 0 : index
    %get3A_4 = arith.constant 0 : index
    %get3A_5 = arith.constant 0 : index
    %get3A_6 = vector.load %arg1[%get3A_3, %get3A_4, %get3A_5] : memref<2x1024x32xf32, #tpu.memory_space<vmem>>, vector<2x1024x32xf32>
    %slice3A_7 = vector.extract_strided_slice %get3A_6 {offsets = [1, 0, 0], sizes = [1, 1024, 32], strides = [1, 1, 1]} : vector<2x1024x32xf32> to vector<1x1024x32xf32>
    %squeeze3A_8 = vector.shape_cast %slice3A_7 : vector<1x1024x32xf32> to vector<1024x32xf32>
    %add3A = arith.addf %squeeze3A, %squeeze3A_8 : vector<1024x32xf32>
    %get3A_9 = arith.constant 0 : index
    %get3A_10 = arith.constant 0 : index
    %get3A_11 = arith.constant 0 : index
    %get3A_12 = vector.load %arg2[%get3A_9, %get3A_10, %get3A_11] : memref<2x1024x32xf32, #tpu.memory_space<vmem>>, vector<2x1024x32xf32>
    %slice3A_13 = vector.extract_strided_slice %get3A_12 {offsets = [0, 0, 0], sizes = [1, 1024, 32], strides = [1, 1, 1]} : vector<2x1024x32xf32> to vector<1x1024x32xf32>
    %squeeze3A_14 = vector.shape_cast %slice3A_13 : vector<1x1024x32xf32> to vector<1024x32xf32>
    %get3A_15 = arith.constant 0 : index
    %get3A_16 = arith.constant 0 : index
    %get3A_17 = arith.constant 0 : index
    %get3A_18 = vector.load %arg2[%get3A_15, %get3A_16, %get3A_17] : memref<2x1024x32xf32, #tpu.memory_space<vmem>>, vector<2x1024x32xf32>
    %slice3A_19 = vector.extract_strided_slice %get3A_18 {offsets = [1, 0, 0], sizes = [1, 1024, 32], strides = [1, 1, 1]} : vector<2x1024x32xf32> to vector<1x1024x32xf32>
    %squeeze3A_20 = vector.shape_cast %slice3A_19 : vector<1x1024x32xf32> to vector<1024x32xf32>
    %add3A_21 = arith.addf %squeeze3A_14, %squeeze3A_20 : vector<1024x32xf32>
    %get3A_22 = arith.constant 0 : index
    %get3A_23 = arith.constant 0 : index
    %get3A_24 = arith.constant 0 : index
    %get3A_25 = vector.load %arg3[%get3A_22, %get3A_23, %get3A_24] : memref<2x1024x32xf32, #tpu.memory_space<vmem>>, vector<2x1024x32xf32>
    %slice3A_26 = vector.extract_strided_slice %get3A_25 {offsets = [0, 0, 0], sizes = [1, 1024, 32], strides = [1, 1, 1]} : vector<2x1024x32xf32> to vector<1x1024x32xf32>
    %squeeze3A_27 = vector.shape_cast %slice3A_26 : vector<1x1024x32xf32> to vector<1024x32xf32>
    %get3A_28 = arith.constant 0 : index
    %get3A_29 = arith.constant 0 : index
    %get3A_30 = arith.constant 0 : index
    %get3A_31 = vector.load %arg3[%get3A_28, %get3A_29, %get3A_30] : memref<2x1024x32xf32, #tpu.memory_space<vmem>>, vector<2x1024x32xf32>
    %slice3A_32 = vector.extract_strided_slice %get3A_31 {offsets = [1, 0, 0], sizes = [1, 1024, 32], strides = [1, 1, 1]} : vector<2x1024x32xf32> to vector<1x1024x32xf32>
    %squeeze3A_33 = vector.shape_cast %slice3A_32 : vector<1x1024x32xf32> to vector<1024x32xf32>
    %add3A_34 = arith.addf %squeeze3A_27, %squeeze3A_33 : vector<1024x32xf32>
    %get3A_35 = arith.constant 0 : index
    %get3A_36 = arith.constant 0 : index
    %get3A_37 = arith.constant 0 : index
    %get3A_38 = vector.load %arg4[%get3A_35, %get3A_36, %get3A_37] : memref<2x1024x32xf32, #tpu.memory_space<vmem>>, vector<2x1024x32xf32>
    %slice3A_39 = vector.extract_strided_slice %get3A_38 {offsets = [0, 0, 0], sizes = [1, 1024, 32], strides = [1, 1, 1]} : vector<2x1024x32xf32> to vector<1x1024x32xf32>
    %squeeze3A_40 = vector.shape_cast %slice3A_39 : vector<1x1024x32xf32> to vector<1024x32xf32>
    %get3A_41 = arith.constant 0 : index
    %get3A_42 = arith.constant 0 : index
    %get3A_43 = arith.constant 0 : index
    %get3A_44 = vector.load %arg4[%get3A_41, %get3A_42, %get3A_43] : memref<2x1024x32xf32, #tpu.memory_space<vmem>>, vector<2x1024x32xf32>
    %slice3A_45 = vector.extract_strided_slice %get3A_44 {offsets = [1, 0, 0], sizes = [1, 1024, 32], strides = [1, 1, 1]} : vector<2x1024x32xf32> to vector<1x1024x32xf32>
    %squeeze3A_46 = vector.shape_cast %slice3A_45 : vector<1x1024x32xf32> to vector<1024x32xf32>
    %add3A_47 = arith.addf %squeeze3A_40, %squeeze3A_46 : vector<1024x32xf32>
    %concatenate3A = tpu.concatenate %add3A, %add3A_21, %add3A_34, %add3A_47 in 1 : vector<1024x32xf32>, vector<1024x32xf32>, vector<1024x32xf32>, vector<1024x32xf32> -> vector<1024x128xf32>
    %get3A_48 = arith.constant 0 : index
    %get3A_49 = arith.constant 0 : index
    %get3A_50 = arith.constant 0 : index
    %get3A_51 = vector.load %arg5[%get3A_48, %get3A_49, %get3A_50] : memref<2x1024x16xf32, #tpu.memory_space<vmem>>, vector<1x1024x1xf32>
    %get3A_52 = vector.shape_cast %get3A_51 : vector<1x1024x1xf32> to vector<1024x1xf32>
    %get3A_53 = arith.constant 1 : index
    %get3A_54 = arith.constant 0 : index
    %get3A_55 = arith.constant 0 : index
    %get3A_56 = vector.load %arg5[%get3A_53, %get3A_54, %get3A_55] : memref<2x1024x16xf32, #tpu.memory_space<vmem>>, vector<1x1024x1xf32>
    %get3A_57 = vector.shape_cast %get3A_56 : vector<1x1024x1xf32> to vector<1024x1xf32>
    %add3A_58 = arith.addf %get3A_52, %get3A_57 : vector<1024x1xf32>
    %max3A = arith.constant 1.000000e+00 : f32
    %max3A_59 = vector.broadcast %max3A : f32 to vector<1024x1xf32>
    %max3A_60 = arith.maximumf %add3A_58, %max3A_59 : vector<1024x1xf32>
    %div3A = arith.constant 1.000000e+00 : f32
    %div3A_61 = vector.broadcast %div3A : f32 to vector<1024x1xf32>
    %div3A_62 = arith.divf %div3A_61, %max3A_60 : vector<1024x1xf32>
    %mul3A = vector.broadcast %div3A_62 : vector<1024x1xf32> to vector<1024x128xf32>
    %mul3A_63 = arith.mulf %concatenate3A, %mul3A : vector<1024x128xf32>
    %get3A_64 = arith.constant 0 : index
    %get3A_65 = arith.constant 0 : index
    %get3A_66 = vector.load %arg6[%get3A_64, %get3A_65] : memref<1024x32xf32, #tpu.memory_space<vmem>>, vector<1024x32xf32>
    %get3A_67 = arith.constant 0 : index
    %get3A_68 = arith.constant 0 : index
    %get3A_69 = vector.load %arg7[%get3A_67, %get3A_68] : memref<1024x32xf32, #tpu.memory_space<vmem>>, vector<1024x32xf32>
    %get3A_70 = arith.constant 0 : index
    %get3A_71 = arith.constant 0 : index
    %get3A_72 = vector.load %arg8[%get3A_70, %get3A_71] : memref<1024x32xf32, #tpu.memory_space<vmem>>, vector<1024x32xf32>
    %get3A_73 = arith.constant 0 : index
    %get3A_74 = arith.constant 0 : index
    %get3A_75 = vector.load %arg9[%get3A_73, %get3A_74] : memref<1024x32xf32, #tpu.memory_space<vmem>>, vector<1024x32xf32>
    %concatenate3A_76 = tpu.concatenate %get3A_66, %get3A_69, %get3A_72, %get3A_75 in 1 : vector<1024x32xf32>, vector<1024x32xf32>, vector<1024x32xf32>, vector<1024x32xf32> -> vector<1024x128xf32>
    %get3A_77 = arith.constant 0 : index
    %get3A_78 = arith.constant 0 : index
    %get3A_79 = vector.load %arg10[%get3A_77, %get3A_78] : memref<128x128xf32, #tpu.memory_space<vmem>>, vector<128x128xf32>
    %dot_general3A = arith.constant dense<0.000000e+00> : vector<1024x128xf32>
    %dot_general3A_80 = tpu.matmul %mul3A_63, %get3A_79, %dot_general3A {dimension_numbers = #tpu.dot_dimension_numbers<[1], [0], [0], [1], [0, 0, 1, 1], [], []>, transpose_lhs_hint = false} : vector<1024x128xf32>, vector<128x128xf32>, vector<1024x128xf32> -> vector<1024x128xf32>
    %get3A_81 = arith.constant 0 : index
    %get3A_82 = arith.constant 0 : index
    %get3A_83 = vector.load %arg11[%get3A_81, %get3A_82] : memref<128x128xf32, #tpu.memory_space<vmem>>, vector<128x128xf32>
    %dot_general3A_84 = arith.constant dense<0.000000e+00> : vector<1024x128xf32>
    %dot_general3A_85 = tpu.matmul %concatenate3A_76, %get3A_83, %dot_general3A_84 {dimension_numbers = #tpu.dot_dimension_numbers<[1], [0], [0], [1], [0, 0, 1, 1], [], []>, transpose_lhs_hint = false} : vector<1024x128xf32>, vector<128x128xf32>, vector<1024x128xf32> -> vector<1024x128xf32>
    %add3A_86 = arith.addf %dot_general3A_80, %dot_general3A_85 : vector<1024x128xf32>
    %get3A_87 = arith.constant 0 : index
    %get3A_88 = arith.constant 0 : index
    %get3A_89 = vector.load %arg12[%get3A_87, %get3A_88] : memref<1x128xf32, #tpu.memory_space<vmem>>, vector<1x128xf32>
    %add3A_90 = vector.broadcast %get3A_89 : vector<1x128xf32> to vector<1024x128xf32>
    %add3A_91 = arith.addf %add3A_86, %add3A_90 : vector<1024x128xf32>
    %max3A_92 = arith.constant 0.000000e+00 : f32
    %max3A_93 = vector.broadcast %max3A_92 : f32 to vector<1024x128xf32>
    %max3A_94 = arith.maximumf %add3A_91, %max3A_93 : vector<1024x128xf32>
    %get3A_95 = arith.constant 0 : index
    %get3A_96 = arith.constant 0 : index
    %get3A_97 = vector.load %arg13[%get3A_95, %get3A_96] : memref<128x128xf32, #tpu.memory_space<vmem>>, vector<128x128xf32>
    %dot_general3A_98 = arith.constant dense<0.000000e+00> : vector<1024x128xf32>
    %dot_general3A_99 = tpu.matmul %max3A_94, %get3A_97, %dot_general3A_98 {dimension_numbers = #tpu.dot_dimension_numbers<[1], [0], [0], [1], [0, 0, 1, 1], [], []>, transpose_lhs_hint = false} : vector<1024x128xf32>, vector<128x128xf32>, vector<1024x128xf32> -> vector<1024x128xf32>
    %get3A_100 = arith.constant 0 : index
    %get3A_101 = arith.constant 0 : index
    %get3A_102 = vector.load %arg14[%get3A_100, %get3A_101] : memref<1x128xf32, #tpu.memory_space<vmem>>, vector<1x128xf32>
    %add3A_103 = vector.broadcast %get3A_102 : vector<1x128xf32> to vector<1024x128xf32>
    %add3A_104 = arith.addf %dot_general3A_99, %add3A_103 : vector<1024x128xf32>
    %max3A_105 = arith.constant 0.000000e+00 : f32
    %max3A_106 = vector.broadcast %max3A_105 : f32 to vector<1024x128xf32>
    %max3A_107 = arith.maximumf %add3A_104, %max3A_106 : vector<1024x128xf32>
    %get3A_108 = arith.constant 0 : index
    %get3A_109 = arith.constant 0 : index
    %get3A_110 = vector.load %arg15[%get3A_108, %get3A_109] : memref<1x128xf32, #tpu.memory_space<vmem>>, vector<1x128xf32>
    %mul3A_111 = vector.broadcast %get3A_110 : vector<1x128xf32> to vector<1024x128xf32>
    %mul3A_112 = arith.mulf %max3A_107, %mul3A_111 : vector<1024x128xf32>
    %reduce_sum3A = arith.constant dense<0.000000e+00> : vector<1024xf32>
    %reduce_sum3A_113 = vector.multi_reduction <add>, %mul3A_112, %reduce_sum3A [1] : vector<1024x128xf32> to vector<1024xf32>
    %get3A_114 = arith.constant 0 : index
    %get3A_115 = arith.constant 0 : index
    %get3A_116 = vector.load %arg16[%get3A_114, %get3A_115] : memref<1x1xf32, #tpu.memory_space<vmem>>, vector<1x1xf32>
    %get3A_117 = vector.extract %get3A_116[0, 0] : f32 from vector<1x1xf32>
    %add3A_118 = vector.broadcast %get3A_117 : f32 to vector<1024xf32>
    %add3A_119 = arith.addf %reduce_sum3A_113, %add3A_118 : vector<1024xf32>
    %neg3A = arith.constant 0.000000e+00 : f32
    %neg3A_120 = vector.broadcast %neg3A : f32 to vector<1024xf32>
    %neg3A_121 = arith.subf %neg3A_120, %add3A_119 : vector<1024xf32>
    %exp3A = math.exp %neg3A_121 : vector<1024xf32>
    %add3A_122 = arith.constant 1.000000e+00 : f32
    %add3A_123 = vector.broadcast %add3A_122 : f32 to vector<1024xf32>
    %add3A_124 = arith.addf %add3A_123, %exp3A : vector<1024xf32>
    %div3A_125 = arith.constant 1.000000e+00 : f32
    %div3A_126 = vector.broadcast %div3A_125 : f32 to vector<1024xf32>
    %div3A_127 = arith.divf %div3A_126, %add3A_124 : vector<1024xf32>
    %broadcast_in_dim3A = vector.shape_cast %div3A_127 : vector<1024xf32> to vector<1x1024xf32>
    %swap3A = arith.constant 0 : index
    %swap3A_128 = arith.constant 0 : index
    %swap3A_129 = vector.load %arg17[%swap3A, %swap3A_128] : memref<1x1024xf32, #tpu.memory_space<vmem>>, vector<1x1024xf32>
    tpu.vector_store %arg17[%swap3A, %swap3A_128], %broadcast_in_dim3A {strides = array<i32>} : memref<1x1024xf32, #tpu.memory_space<vmem>>, vector<1x1024xf32>,
    return
  }
  func.func @transform_0(%arg0: i32) -> (i32, i32, i32) {
    %c0_i32 = arith.constant 0 : i32
    %c0_i32_0 = arith.constant 0 : i32
    %c0_i32_1 = arith.constant 0 : i32
    return %c0_i32, %arg0, %c0_i32_0 : i32, i32, i32
  }
  func.func @transform_1(%arg0: i32) -> (i32, i32, i32) {
    %c0_i32 = arith.constant 0 : i32
    %c0_i32_0 = arith.constant 0 : i32
    %c0_i32_1 = arith.constant 0 : i32
    return %c0_i32, %arg0, %c0_i32_0 : i32, i32, i32
  }
  func.func @transform_2(%arg0: i32) -> (i32, i32, i32) {
    %c0_i32 = arith.constant 0 : i32
    %c0_i32_0 = arith.constant 0 : i32
    %c0_i32_1 = arith.constant 0 : i32
    return %c0_i32, %arg0, %c0_i32_0 : i32, i32, i32
  }
  func.func @transform_3(%arg0: i32) -> (i32, i32, i32) {
    %c0_i32 = arith.constant 0 : i32
    %c0_i32_0 = arith.constant 0 : i32
    %c0_i32_1 = arith.constant 0 : i32
    return %c0_i32, %arg0, %c0_i32_0 : i32, i32, i32
  }
  func.func @transform_4(%arg0: i32) -> (i32, i32, i32) {
    %c0_i32 = arith.constant 0 : i32
    %c0_i32_0 = arith.constant 0 : i32
    %c0_i32_1 = arith.constant 0 : i32
    return %c0_i32, %arg0, %c0_i32_0 : i32, i32, i32
  }
  func.func @transform_5(%arg0: i32) -> (i32, i32) {
    %c0_i32 = arith.constant 0 : i32
    %c0_i32_0 = arith.constant 0 : i32
    return %arg0, %c0_i32 : i32, i32
  }
  func.func @transform_6(%arg0: i32) -> (i32, i32) {
    %c0_i32 = arith.constant 0 : i32
    %c0_i32_0 = arith.constant 0 : i32
    return %arg0, %c0_i32 : i32, i32
  }
  func.func @transform_7(%arg0: i32) -> (i32, i32) {
    %c0_i32 = arith.constant 0 : i32
    %c0_i32_0 = arith.constant 0 : i32
    return %arg0, %c0_i32 : i32, i32
  }
  func.func @transform_8(%arg0: i32) -> (i32, i32) {
    %c0_i32 = arith.constant 0 : i32
    %c0_i32_0 = arith.constant 0 : i32
    return %arg0, %c0_i32 : i32, i32
  }
  func.func @transform_9(%arg0: i32) -> (i32, i32) {
    %c0_i32 = arith.constant 0 : i32
    %c0_i32_0 = arith.constant 0 : i32
    %c0_i32_1 = arith.constant 0 : i32
    return %c0_i32, %c0_i32_0 : i32, i32
  }
  func.func @transform_10(%arg0: i32) -> (i32, i32) {
    %c0_i32 = arith.constant 0 : i32
    %c0_i32_0 = arith.constant 0 : i32
    %c0_i32_1 = arith.constant 0 : i32
    return %c0_i32, %c0_i32_0 : i32, i32
  }
  func.func @transform_11(%arg0: i32) -> (i32, i32) {
    %c0_i32 = arith.constant 0 : i32
    %c0_i32_0 = arith.constant 0 : i32
    %c0_i32_1 = arith.constant 0 : i32
    return %c0_i32, %c0_i32_0 : i32, i32
  }
  func.func @transform_12(%arg0: i32) -> (i32, i32) {
    %c0_i32 = arith.constant 0 : i32
    %c0_i32_0 = arith.constant 0 : i32
    %c0_i32_1 = arith.constant 0 : i32
    return %c0_i32, %c0_i32_0 : i32, i32
  }
  func.func @transform_13(%arg0: i32) -> (i32, i32) {
    %c0_i32 = arith.constant 0 : i32
    %c0_i32_0 = arith.constant 0 : i32
    %c0_i32_1 = arith.constant 0 : i32
    return %c0_i32, %c0_i32_0 : i32, i32
  }
  func.func @transform_14(%arg0: i32) -> (i32, i32) {
    %c0_i32 = arith.constant 0 : i32
    %c0_i32_0 = arith.constant 0 : i32
    %c0_i32_1 = arith.constant 0 : i32
    return %c0_i32, %c0_i32_0 : i32, i32
  }
  func.func @transform_15(%arg0: i32) -> (i32, i32) {
    %c0_i32 = arith.constant 0 : i32
    %c0_i32_0 = arith.constant 0 : i32
    %c0_i32_1 = arith.constant 0 : i32
    return %c0_i32, %c0_i32_0 : i32, i32
  }
  func.func @transform_16(%arg0: i32) -> (i32, i32) {
    %c0_i32 = arith.constant 0 : i32
    %c0_i32_0 = arith.constant 0 : i32
    return %c0_i32, %arg0 : i32, i32
  }
}

</mosaic_0001>

<sc_bundles>
// kernel: kernel.10.cloned.1.call-start
scs
__scs_entry_jumppad:
0x0: {  	(pc) =	sbr.rel $0x88, $3  }
0x1: {  	(tag) =	ssettag $0x0;
	lr =	simm.s32 $0x1  }
0x2: {  	[smem:$0x3F93] =	sst lr;
	_ =	strace $0xD0000000  }
0x3: {  	_ = 	snop  }
0x4: {  	_ = 	snop  }
0x5: {  	_ = 	snop  }
0x6: {  	_ = 	snop  }
0x7: {  	_ = 	snop  }
__scs_overlays_trampoline_lowered:
0x8: {  	[smem:$0x3FA2] =	sst s0  }
0x9: {  	[smem:$0x3FA3] =	sst s1  }
0xa: {  	[smem:$0x3FA4] =	sst s2  }
0xb: {  	[smem:$0x3FA5] =	sst s3  }
0xc: {  	[smem:$0x3FA6] =	sst s4  }
0xd: {  	[smem:$0x3FA7] =	sst s5  }
0xe: {  	[smem:$0x3FA8] =	sst s6  }
0xf: {  	[smem:$0x3FA9] =	sst s7  }
0x10: {  	[smem:$0x3FAA] =	sst s8  }
0x11: {  	[smem:$0x3FAB] =	sst s9;
	s0 =	simm.s32 @!p0 $0x0  }
0x12: {  	s1 =	sld [smem:$0x3F91];
	s0 =	simm.s32 @p0 $0x1  }
0x13: {  	[smem:$0x3FAC] =	sst s0;
	s0 =	simm.s32 @!p1 $0x0  }
0x14: {  	s2 =	sld [smem:$0x3F90];
	s0 =	simm.s32 @p1 $0x1  }
0x15: {  	[smem:$0x3FAD] =	sst s0;
	s0 =	simm.s32 @!p2 $0x0  }
0x16: {  	s3 =	sld [smem:$0x3FDB];
	s0 =	simm.s32 @p2 $0x1  }
0x17: {  	s4 =	simm.s32 $0x1BF5;
	[smem:$0x3FAF] =	sst s0  }
0x18: {  	s0 =	sld [smem:$0x3F92];
	_ =	swait.ge [sflag:s4], $0x0  }
0x19: {  	s7 =	sld [smem:$0x3F93]  }
0x1a: {  	s8 =	sadd.s32 $0xFFFFE003, lr  }
0x1b: {  	s9 =	sadd.s32 $0xFFFFFEF7, lr;
	s5 =	simm.s32 $0xFFFFFFFF;
	p2 =	slt.u32 s8, $0xFFFFF086  }
0x1c: {  	p1 =	slt.u32 s9, $0xF7A;
	s5 =	simm.s32 @!p2 $0x0  }
0x1d: {  	s5 =	simm.s32 @p1 $0x1;
	p0 =	seq.s32 s7, s2  }
0x1e: {  	s7 =	smul.u32 @!p0 $0xF7A, s2;
	p2 =	seq.s32 @!p0 s5, $0x0  }
0x1f: {  	s9 =	smul.u32 $0xF7A, s1;
	s8 =	simm.s32 @!p0 $0x1BF5;
	p2 =	por !p2, p0  }
0x20: {  	[sflag:s8] =	ssyncset.s32 @!p0 $0xFFFFF086;
	s6 =	sadd.s32 @!p0 s3, s7;
	s7 =	simm.s32 @!p0 $0x108  }
0x21: {  	s3 =	sadd.s32 s3, s9;
	s6 =	sadd.s32 @!p0 $0x88, s6;
	s7 =	simm.s32 @p2 $0x1082  }
0x22: {  	[simem:s7], [sflag:s8] =	dma.local @!p0 [hbm:s6], $0xF7A  }
0x23: {  	s9 =	sor.u32 $0xD0000000, s2;
	s6 =	simm.s32 $0x108;
	_ =	swait.ge @!p0 [sflag:s8], $0x0  }
0x24: {  	s3 =	sadd.s32 $0x88, s3;
	s6 =	simm.s32 @!p1 $0x1082;
	[sflag:s4] =	ssyncset.s32 $0xFFFFF086  }
0x25: {  	[simem:s6], [sflag:s4] =	dma.local [hbm:s3], $0xF7A  }
0x26: {  	[smem:$0x3F93] =	sst s1;
	(tag) =	ssettag s2;
	_ =	strace s9  }
0x27: {  	s1 =	sld [smem:$0x3FA3]  }
0x28: {  	s2 =	sld [smem:$0x3FA4]  }
0x29: {  	s4 =	sld [smem:$0x3FA6]  }
0x2a: {  	p0 =	seq.s32 s5, $0x0;
	s5 =	sld [smem:$0x3FA7]  }
0x2b: {  	s6 =	sld [smem:$0x3FA8]  }
0x2c: {  	s7 =	sld [smem:$0x3FA9]  }
0x2d: {  	s3 =	simm.s32 $0x108;
	s8 =	sld [smem:$0x3FAA]  }
0x2e: {  	s3 =	simm.s32 @!p0 $0x1082;
	s9 =	sld [smem:$0x3FAB]  }
0x2f: {  	lr =	sadd.s32 s0, s3;
	s0 =	sld [smem:$0x3FA2]  }
0x30: {  	s3 =	sld [smem:$0x3FA5]  }
0x31: {  	[smem:$0x3FAE] =	sst s10  }
0x32: {  	s10 =	sld [smem:$0x3FAC];
	_ =	sdelay $0x3  }
0x33: {  	p0 =	seq.s32 s10, $0x1;
	s10 =	sld [smem:$0x3FAE];
	_ =	sdelay $0x3  }
0x34: {  	[smem:$0x3FAE] =	sst s10  }
0x35: {  	s10 =	sld [smem:$0x3FAD];
	_ =	sdelay $0x3  }
0x36: {  	p1 =	seq.s32 s10, $0x1;
	s10 =	sld [smem:$0x3FAE];
	_ =	sdelay $0x3  }
0x37: {  	[smem:$0x3FAE] =	sst s10  }
0x38: {  	s10 =	sld [smem:$0x3FAF]  }
0x39: {  	_ = 	snop;
	(pc) =	sbr.ind lr, $3  }
0x3a: {  	_ = 	snop  }
0x3b: {  	_ = 	snop  }
0x3c: {  	p2 =	seq.s32 s10, $0x1;
	s10 =	sld [smem:$0x3FAE]  }
0x3d: {  	_ =	shalt  }
0x3e: {  	_ =	shalt  }
0x3f: {  	_ =	shalt  }
0x40: {  	_ =	shalt  }
0x41: {  	_ =	shalt  }
0x42: {  	_ =	shalt  }
0x43: {  	_ =	shalt  }
0x44: {  	_ =	shalt  }
0x45: {  	_ =	shalt  }
0x46: {  	_ =	shalt  }
0x47: {  	_ =	shalt  }
0x48: {  	_ =	shalt  }
0x49: {  	_ =	shalt  }
0x4a: {  	_ =	shalt  }
0x4b: {  	_ =	shalt  }
0x4c: {  	_ =	shalt  }
0x4d: {  	_ =	shalt  }
0x4e: {  	_ =	shalt  }
0x4f: {  	_ =	shalt  }
0x50: {  	_ =	shalt  }
0x51: {  	_ =	shalt  }
0x52: {  	_ =	shalt  }
0x53: {  	_ =	shalt  }
0x54: {  	_ =	shalt  }
0x55: {  	_ =	shalt  }
0x56: {  	_ =	shalt  }
0x57: {  	_ =	shalt  }
0x58: {  	_ =	shalt  }
0x59: {  	_ =	shalt  }
0x5a: {  	_ =	shalt  }
0x5b: {  	_ =	shalt  }
0x5c: {  	_ =	shalt  }
0x5d: {  	_ =	shalt  }
0x5e: {  	_ =	shalt  }
0x5f: {  	_ =	shalt  }
0x60: {  	_ =	shalt  }
0x61: {  	_ =	shalt  }
0x62: {  	_ =	shalt  }
0x63: {  	_ =	shalt  }
0x64: {  	_ =	shalt  }
0x65: {  	_ =	shalt  }
0x66: {  	_ =	shalt  }
0x67: {  	_ =	shalt  }
0x68: {  	_ =	shalt  }
0x69: {  	_ =	shalt  }
0x6a: {  	_ =	shalt  }
0x6b: {  	_ =	shalt  }
0x6c: {  	_ =	shalt  }
0x6d: {  	_ =	shalt  }
0x6e: {  	_ =	shalt  }
0x6f: {  	_ =	shalt  }
0x70: {  	_ =	shalt  }
0x71: {  	_ =	shalt  }
0x72: {  	_ =	shalt  }
0x73: {  	_ =	shalt  }
0x74: {  	_ =	shalt  }
0x75: {  	_ =	shalt  }
0x76: {  	_ =	shalt  }
0x77: {  	_ =	shalt  }
0x78: {  	_ =	shalt  }
0x79: {  	_ =	shalt  }
0x7a: {  	_ =	shalt  }
0x7b: {  	_ =	shalt  }
0x7c: {  	_ =	shalt  }
0x7d: {  	_ =	shalt  }
0x7e: {  	_ =	shalt  }
0x7f: {  	_ =	shalt  }
0x80: {  	_ =	shalt  }
0x81: {  	_ =	shalt  }
0x82: {  	_ =	shalt  }
0x83: {  	_ =	shalt  }
0x84: {  	_ =	shalt  }
0x85: {  	_ =	shalt  }
0x86: {  	_ =	shalt  }
0x87: {  	_ =	shalt  }
.Lfunc_end0:
.L_simem_size_0:
called_computation.1_lowered:
.L_overlay_start_0:
0x88: {  	s2 =	sld [smem:$0x3FD9]  }
0x89: {  	s3 =	sld [smem:$0x3FFE];
	_ =	sdelay $0x1  }
0x8a: {  	s1 =	srdreg.scid  }
0x8b: {  	s0 =	sand.u32 $0x1, s1  }
0x8c: {  	s16 =	sshll.u32 s0, $0xA;
	s2 =	sadd.s32 s3, s2  }
0x8d: {  	s2 =	sadd.s32 s2, s16  }
0x8e: {  	[smem:$0x3FBA] =	sst s2  }
0x8f: {  	_ = 	snop  }
0x90: {  	(tm) =	ssettm $0x1  }
0x91: {  	s17 =	sld [smem:$0x3FFB];
	_ =	sdelay $0x3  }
0x92: {  	_ =	strace s17  }
0x93: {  	s2 =	sld [smem:$0x3FFC];
	_ =	sdelay $0x3  }
0x94: {  	_ =	strace s2  }
0x95: {  	s2 =	sld [smem:$0x3FFD];
	_ =	sdelay $0x3  }
0x96: {  	_ =	strace s2  }
0x97: {  	_ =	strace $0x8FFFFFFF  }
0x98: {  	s18 =	sld [smem:$0x3FDB];
	_ =	sdelay $0x1  }
0x99: {  	s19 =	simm.s32 $_scs_section_size  }
0x9a: {  	s4 =	simm.s32 $_size__tile_overlayer_lowered;
	s5 =	simm.s32 $_tile_overlayer_lowered  }
0x9b: {  	s22 =	simm.s32 $0x1BFF;
	s21 =	sshll.u32 s5, $0x1;
	s2 =	sadd.s32 s19, s18  }
0x9c: {  	s6 =	simm.s32 $0x0;
	s20 =	sshll.u32 s4, $0x1;
	s4 =	sadd.s32 s21, s2  }
0x9d: {  	[timem:s6], [sflag:s22] =	dma.local [hbm:s4], s20  }
0x9e: {  	_ =	swait.ge [sflag:s22], s20  }
0x9f: {  	s3 =	ssub.s32 $0x0, s20;
	[sflag:s22] =	ssyncset.done $0x0  }
0xa0: {  	[sflag:s22] =	ssyncadd.s32 s3;
	_ =	sdelay $0x1  }
0xa1: {  	s23 =	simm.s32 $0x1B8B  }
0xa2: {  	_ =	swait.ge [sflag:s23], $0x1  }
0xa3: {  	[sflag:s23] =	ssyncset.done $0x0  }
0xa4: {  	s25 =	simm.s32 $0x1B8E;
	s24 =	sld [smem:$0x3FFE];
	[sflag:s23] =	ssyncadd.s32 $0xFFFFFFFF  }
0xa5: {  	s26 =	simm.s32 $execute0_lowered;
	[smem:$0x3FD2] =	sst s25  }
0xa6: {  	s4 =	sshll.u32 s26, $0x1;
	_ =	strace $0x80000049;
	[dreg:$0x1] =	wrdreg $0xFFFFFFFF  }
0xa7: {  	s28 =	simm.s32 $_size_execute0_lowered;
	s2 =	sadd.s32 s2, s4;
	[dreg:$0x0] =	wrdreg $0x0  }
0xa8: {  	s4 =	sshll.u32 s28, $0x1;
	[dreg:$0x2] =	wrdreg s2  }
0xa9: {  	[dreg:$0x3] =	wrdreg s4  }
0xaa: {  	[dreg:$0x4] =	wrdreg $0xC0  }
0xab: {  	_ =	task [dreg:s6], $0x5FFFF  }
0xac: {  	[dreg:$0x1] =	wrdreg $0xFFFFFFFF  }
0xad: {  	[dreg:$0x0] =	wrdreg $0x60  }
0xae: {  	[dreg:$0x2] =	wrdreg s24  }
0xaf: {  	[dreg:$0x3] =	wrdreg $0x0  }
0xb0: {  	[dreg:$0x4] =	wrdreg $0x50000  }
0xb1: {  	[dreg:$0x5] =	wrdreg $0xA0000  }
0xb2: {  	[dreg:$0x6] =	wrdreg $0xF0000  }
0xb3: {  	[dreg:$0x7] =	wrdreg $0x9  }
0xb4: {  	_ =	task.clear_ibuf [dreg:s6], $0x8FFFF;
	_ =	strace $0x90000049  }
0xb5: {  	s29 =	simm.s32 $0x9;
	_ =	strace $0x8000004B  }
0xb6: {  	_ =	swait.ge [sflag:s29], $0x1  }
0xb7: {  	[sflag:s29] =	ssyncadd.s32 $0xFFFFFFFF  }
0xb8: {  	_ =	strace $0x9000004B  }
0xb9: {  	_ =	sfence  }
0xba: {  	s30 =	sld [smem:$0x0];
	_ =	sdelay $0x2  }
0xbb: {  	s31 =	sshll.u32 s1, $0xD;
	s1 =	sshrl.u32 s1, $0x2  }
0xbc: {  	s3 =	sand.u32 $0x4000, s31;
	s1 =	sadd.s32 s1, s30  }
0xbd: {  	s0 =	sor.u32 s3, s0;
	s1 =	sshll.u32 s1, $0x11  }
0xbe: {  	s0 =	sor.u32 s1, s0  }
0xbf: {  	s0 =	sadd.s32 $0x8F2B, s0  }
0xc0: {  	[sflag:s0] =	ssyncadd.remote.s32 $0x1  }
0xc1: {  	_ =	sfence.sel $0xFFFF  }
0xc2: {  	[dreg:$0x0] =	wrdreg $0xFFFFFFFF;
	(pc) =	sbr.abs _section_cstart, $3  }
0xc3: {  	[dreg:$0x1] =	wrdreg $0xFFFFFFFF  }
0xc4: {  	_ =	task.clear_ibuf [dreg:s6], $0x2FFFF;
	_ =	strace $0x9FFFFFFF  }
0xc5: {  	(tm) =	ssettm $0x7FFFFFFF  }
tec
execute0_lowered:
.L_overlay_start_1:
0x0: {  	(tag) =	ssettag $0x1  }
0x1: {  	s0 =	rddreg [dreg:$0x0]  }
0x2: {  	s7 =	rddreg [dreg:$0x1]  }
0x3: {  	s25 =	rddreg [dreg:$0x2]  }
0x4: {  	s10 =	rddreg [dreg:$0x3]  }
0x5: {  	s12 =	rddreg [dreg:$0x4]  }
0x6: {  	s5 =	simm.s32 $0x0;
	s1 =	srdreg.scid;
	s14 =	stileid.u32  }
0x7: {  	[smem:$0x7FF] =	sst s5;
	s1 =	sand.u32 $0x1, s1;
	s31 =	sadd.s32 $0xFD400, s0  }
0x8: {  	s8 =	sadd.s32 $0xF3400, s0;
	s9 =	sadd.s32 $0xE9400, s0;
	s11 =	sadd.s32 $0xDF400, s0  }
0x9: {  	s16 =	sadd.s32 $0xD5400, s0;
	s6 =	smul.u32 $0x2800, s14;
	s17 =	sadd.s32 $0xCB400, s0  }
0xa: {  	s2 =	sshll.u32 s1, $0x4;
	s3 =	smul.u32 $0xA000, s1;
	s23 =	ssub.s32 $0x2, s1  }
0xb: {  	s1 =	smul.u32 $0x28000, s1;
	s2 =	sor.u32 s14, s2;
	s4 =	sshrl.u32 s23, $0x1  }
0xc: {  	_ =	strace $0x8000004A;
	s13 =	smul.u32 $0x2800, s2;
	s2 =	ssub.s32 s23, s4  }
0xd: {  	[dreg:$0xe] =	wrdreg s17;
	s0 =	sadd.s32 s3, s0;
	s2 =	smax.u32 s2, $0x1  }
0xe: {  	s3 =	smul.u32 $0x5000, s14;
	s24 =	sshrl.u32 s13, $0x3;
	[dreg:$0x12] =	wrdreg s2  }
0xf: {  	s1 =	sadd.s32 s6, s1;
	[dreg:$0xc] =	wrdreg s13;
	s26 =	sadd.s32 s16, s24  }
0x10: {  	s15 =	sadd.s32 $0x1000, s3;
	s4 =	sadd.s32 s17, s24;
	[dreg:$0x10] =	wrdreg s26  }
0x11: {  	s6 =	sor.u32 $0x180, s1;
	s19 =	sadd.s32 s15, s7;
	[dreg:$0x11] =	wrdreg s4  }
0x12: {  	s22 =	sor.u32 $0x100, s1;
	s20 =	sadd.s32 s15, s25;
	[dreg:$0x13] =	wrdreg s19  }
0x13: {  	s1 =	sor.u32 $0x80, s1;
	s18 =	sadd.s32 s15, s10;
	[dreg:$0x14] =	wrdreg s20  }
0x14: {  	s1 =	sshrl.u32 s1, $0x3;
	s2 =	sadd.s32 s15, s12;
	[dreg:$0x15] =	wrdreg s18  }
0x15: {  	s15 =	sadd.s32 s1, s17;
	[dreg:$0x16] =	wrdreg s2  }
0x16: {  	s24 =	sshrl.u32 s22, $0x3;
	s1 =	sadd.s32 s1, s16;
	[dreg:$0xa] =	wrdreg s15  }
0x17: {  	s22 =	sadd.s32 $0x3000, s3;
	s26 =	sadd.s32 s24, s17;
	[dreg:$0xb] =	wrdreg s1  }
0x18: {  	s1 =	sadd.s32 s22, s12;
	[dreg:$0x8] =	wrdreg s26  }
0x19: {  	s4 =	sshrl.u32 s6, $0x3;
	s15 =	sadd.s32 s3, s25;
	[dreg:$0x1e] =	wrdreg s1  }
0x1a: {  	s6 =	smov.u32 s10;
	s10 =	smov.u32 s16;
	[smem:$0x7F0] =	sst s15  }
0x1b: {  	s21 =	sadd.s32 s4, s17;
	[dreg:$0xd] =	wrdreg s10  }
0x1c: {  	s23 =	sadd.s32 s4, s16;
	[dreg:$0x6] =	wrdreg s21  }
0x1d: {  	s18 =	sadd.s32 $0x2000, s3;
	s4 =	sadd.s32 s24, s16;
	[dreg:$0x7] =	wrdreg s23  }
0x1e: {  	s19 =	sadd.s32 s18, s7;
	[dreg:$0x9] =	wrdreg s4  }
0x1f: {  	s20 =	sadd.s32 s18, s25;
	[dreg:$0x17] =	wrdreg s19  }
0x20: {  	s2 =	sadd.s32 s18, s12;
	[dreg:$0x18] =	wrdreg s20  }
0x21: {  	s28 =	simm.s32 $0x6;
	s24 =	sadd.s32 s22, s25;
	[dreg:$0x1a] =	wrdreg s2  }
0x22: {  	s29 =	simm.s32 $0x15000;
	s26 =	sadd.s32 s22, s6;
	[dreg:$0x1c] =	wrdreg s24  }
0x23: {  	s30 =	simm.s32 $0x16000;
	s16 =	sadd.s32 s3, s6;
	[dreg:$0x1d] =	wrdreg s26  }
0x24: {  	s17 =	smul.u32 $0xA00, s14;
	s21 =	sadd.s32 s18, s6;
	[smem:$0x7F1] =	sst s16  }
0x25: {  	s23 =	sadd.s32 s22, s7;
	s4 =	smul.u32 $0x14000, s14;
	[dreg:$0x19] =	wrdreg s21  }
0x26: {  	s14 =	sadd.s32 s3, s7;
	s18 =	sadd.s32 $0x4000, s3;
	[dreg:$0x1b] =	wrdreg s23  }
0x27: {  	s0 =	sadd.s32 s17, s0;
	[dreg:$0x1f] =	wrdreg s14;
	s17 =	sadd.s32 s3, s12  }
0x28: {  	s16 =	simm.s32 $0x1C000;
	s3 =	sadd.s32 s18, s7;
	[smem:$0x7F2] =	sst s17  }
0x29: {  	s19 =	sadd.s32 s18, s25;
	s20 =	sadd.s32 s18, s6;
	[smem:$0x7F3] =	sst s3  }
0x2a: {  	s2 =	sadd.s32 s18, s12;
	s14 =	simm.s32 $0x1;
	[smem:$0x7F4] =	sst s19  }
0x2b: {  	s18 =	simm.s32 $0x3;
	s1 =	sshrl.u32 s4, $0x2;
	[smem:$0x7F5] =	sst s20  }
0x2c: {  	[smem:$0x7F6] =	sst s2;
	s23 =	sadd.s32 $0x17400, s0;
	s26 =	sadd.s32 $0x11B400, s0  }
0x2d: {  	s24 =	sadd.s32 $0x3400, s0;
	s0 =	sadd.s32 $0x107400, s0;
	[smem:$0x7F8] =	sst s23  }
0x2e: {  	s4 =	simm.s32 $0x1C280;
	s17 =	simm.s32 $0x80;
	[smem:$0x7F9] =	sst s24  }
0x2f: {  	s20 =	simm.s32 $0x1C100;
	s19 =	simm.s32 $0x5;
	[smem:$0x7FA] =	sst s26  }
0x30: {  	s2 =	simm.s32 $0x0;
	s21 =	sadd.s32 s1, s7;
	[smem:$0x7FB] =	sst s0  }
0x31: {  	s22 =	sadd.s32 s1, s25;
	s24 =	sadd.s32 s1, s12;
	[dreg:$0xf] =	wrdreg s21  }
0x32: {  	s26 =	simm.s32 $0x14000;
	s7 =	simm.s32 $0x17000;
	[smem:$0x7F7] =	sst s22  }
0x33: {  	s23 =	simm.s32 $0x1C300;
	s22 =	sadd.s32 s1, s6;
	[smem:$0x7FD] =	sst s24  }
0x34: {  	v0 =	vimm.f32 $0.0e+00;
	s21 =	simm.s32 $0x2;
	s1 =	simm.s32 $0x4;
	[smem:$0x7FC] =	sst s22  }
.LBB2_1:
0x35: {  	[smem:$0x7EF] =	sst s2;
	s2 =	simm.s32 $0x0;
	s3 =	simm.s32 $0x80  }
.LBB2_2:
0x36: {  	p0 =	sne.s32 s3, $0x3F80;
	[tilespmem:s2+$0x17010] =	vst v0  }
0x37: {  	[tilespmem:s2+$0x14000] =	vst v0  }
0x38: {  	[tilespmem:s2+$0x14010] =	vst v0  }
.Ltmp0:
0x39: {  	[tilespmem:s2+$0x15000] =	vst v0;
	(pc) =	sbr.rel @p0 .LBB2_2-.Ltmp0, $4  }
0x3a: {  	[tilespmem:s2+$0x15010] =	vst v0  }
0x3b: {  	[tilespmem:s2+$0x16000] =	vst v0  }
0x3c: {  	[tilespmem:s2+$0x16010] =	vst v0  }
0x3d: {  	[tilespmem:s2+$0x17000] =	vst v0;
	s2 =	sshra.s32 s3, $0x2;
	s3 =	sadd.s32 $0x80, s3  }
0x3e: {  	[tilespmem:s2+$0x17010] =	vst v0  }
0x3f: {  	[tilespmem:s2+$0x14000] =	vst v0  }
0x40: {  	[tilespmem:s2+$0x14010] =	vst v0  }
0x41: {  	[tilespmem:s2+$0x15000] =	vst v0  }
0x42: {  	[tilespmem:s2+$0x15010] =	vst v0  }
0x43: {  	[tilespmem:s2+$0x16000] =	vst v0  }
0x44: {  	[tilespmem:s2+$0x16010] =	vst v0  }
0x45: {  	[tilespmem:s2+$0x17000] =	vst v0;
	s0 =	rddreg [dreg:$0x1f]  }
0x46: {  	[spmem:s0] =	stream.linear.scatter [tilespmem:s26], [sflag:$0x6], $0x1000, $0x38;
	[tilespmem:$0x1C400] =	vst v63  }
0x47: {  	_ =	swait.ge [sflag:s28], $0x1000  }
0x48: {  	s22 =	sld [smem:$0x7F0]  }
0x49: {  	[sflag:s28] =	ssyncset.done $0x0  }
0x4a: {  	[sflag:s28] =	ssyncadd.s32 $0xFFFFF000  }
0x4b: {  	[spmem:s22] =	stream.linear.scatter [tilespmem:s29], [sflag:$0x6], $0x1000, $0x38;
	[tilespmem:$0x1C400] =	vst v63  }
0x4c: {  	_ =	swait.ge [sflag:s28], $0x1000  }
0x4d: {  	s24 =	sld [smem:$0x7F1]  }
0x4e: {  	[sflag:s28] =	ssyncset.done $0x0  }
0x4f: {  	[sflag:s28] =	ssyncadd.s32 $0xFFFFF000  }
0x50: {  	[spmem:s24] =	stream.linear.scatter [tilespmem:s30], [sflag:$0x6], $0x1000, $0x38;
	[tilespmem:$0x1C400] =	vst v63  }
0x51: {  	_ =	swait.ge [sflag:s28], $0x1000  }
0x52: {  	s2 =	sld [smem:$0x7F2]  }
0x53: {  	[sflag:s28] =	ssyncset.done $0x0  }
0x54: {  	[sflag:s28] =	ssyncadd.s32 $0xFFFFF000  }
0x55: {  	[spmem:s2] =	stream.linear.scatter [tilespmem:s7], [sflag:$0x6], $0x1000, $0x38;
	[tilespmem:$0x1C400] =	vst v63  }
0x56: {  	_ =	swait.ge [sflag:s28], $0x1000  }
0x57: {  	[sflag:s28] =	ssyncset.done $0x0  }
0x58: {  	s3 =	rddreg [dreg:$0x13];
	[sflag:s28] =	ssyncadd.s32 $0xFFFFF000  }
0x59: {  	[spmem:s3] =	stream.linear.scatter [tilespmem:s26], [sflag:$0x6], $0x1000, $0x38;
	[tilespmem:$0x1C400] =	vst v63  }
0x5a: {  	_ =	swait.ge [sflag:s28], $0x1000  }
0x5b: {  	[sflag:s28] =	ssyncset.done $0x0  }
0x5c: {  	s10 =	rddreg [dreg:$0x14];
	[sflag:s28] =	ssyncadd.s32 $0xFFFFF000  }
0x5d: {  	[spmem:s10] =	stream.linear.scatter [tilespmem:s29], [sflag:$0x6], $0x1000, $0x38;
	[tilespmem:$0x1C400] =	vst v63  }
0x5e: {  	_ =	swait.ge [sflag:s28], $0x1000  }
0x5f: {  	[sflag:s28] =	ssyncset.done $0x0  }
0x60: {  	s13 =	rddreg [dreg:$0x15];
	[sflag:s28] =	ssyncadd.s32 $0xFFFFF000  }
0x61: {  	[spmem:s13] =	stream.linear.scatter [tilespmem:s30], [sflag:$0x6], $0x1000, $0x38;
	[tilespmem:$0x1C400] =	vst v63  }
0x62: {  	_ =	swait.ge [sflag:s28], $0x1000  }
0x63: {  	[sflag:s28] =	ssyncset.done $0x0  }
0x64: {  	s15 =	rddreg [dreg:$0x16];
	[sflag:s28] =	ssyncadd.s32 $0xFFFFF000  }
0x65: {  	[spmem:s15] =	stream.linear.scatter [tilespmem:s7], [sflag:$0x6], $0x1000, $0x38;
	[tilespmem:$0x1C400] =	vst v63  }
0x66: {  	_ =	swait.ge [sflag:s28], $0x1000  }
0x67: {  	[sflag:s28] =	ssyncset.done $0x0  }
0x68: {  	s22 =	rddreg [dreg:$0x17];
	[sflag:s28] =	ssyncadd.s32 $0xFFFFF000  }
0x69: {  	[spmem:s22] =	stream.linear.scatter [tilespmem:s26], [sflag:$0x6], $0x1000, $0x38;
	[tilespmem:$0x1C400] =	vst v63  }
0x6a: {  	_ =	swait.ge [sflag:s28], $0x1000  }
0x6b: {  	[sflag:s28] =	ssyncset.done $0x0  }
0x6c: {  	s24 =	rddreg [dreg:$0x18];
	[sflag:s28] =	ssyncadd.s32 $0xFFFFF000  }
0x6d: {  	[spmem:s24] =	stream.linear.scatter [tilespmem:s29], [sflag:$0x6], $0x1000, $0x38;
	[tilespmem:$0x1C400] =	vst v63  }
0x6e: {  	_ =	swait.ge [sflag:s28], $0x1000  }
0x6f: {  	[sflag:s28] =	ssyncset.done $0x0  }
0x70: {  	s2 =	rddreg [dreg:$0x19];
	[sflag:s28] =	ssyncadd.s32 $0xFFFFF000  }
0x71: {  	[spmem:s2] =	stream.linear.scatter [tilespmem:s30], [sflag:$0x6], $0x1000, $0x38;
	[tilespmem:$0x1C400] =	vst v63  }
0x72: {  	_ =	swait.ge [sflag:s28], $0x1000  }
0x73: {  	[sflag:s28] =	ssyncset.done $0x0  }
0x74: {  	s3 =	rddreg [dreg:$0x1a];
	[sflag:s28] =	ssyncadd.s32 $0xFFFFF000  }
0x75: {  	[spmem:s3] =	stream.linear.scatter [tilespmem:s7], [sflag:$0x6], $0x1000, $0x38;
	[tilespmem:$0x1C400] =	vst v63  }
0x76: {  	_ =	swait.ge [sflag:s28], $0x1000  }
0x77: {  	[sflag:s28] =	ssyncset.done $0x0  }
0x78: {  	s10 =	rddreg [dreg:$0x1b];
	[sflag:s28] =	ssyncadd.s32 $0xFFFFF000  }
0x79: {  	[spmem:s10] =	stream.linear.scatter [tilespmem:s26], [sflag:$0x6], $0x1000, $0x38;
	[tilespmem:$0x1C400] =	vst v63  }
0x7a: {  	_ =	swait.ge [sflag:s28], $0x1000  }
0x7b: {  	[sflag:s28] =	ssyncset.done $0x0  }
0x7c: {  	s13 =	rddreg [dreg:$0x1c];
	[sflag:s28] =	ssyncadd.s32 $0xFFFFF000  }
0x7d: {  	[spmem:s13] =	stream.linear.scatter [tilespmem:s29], [sflag:$0x6], $0x1000, $0x38;
	[tilespmem:$0x1C400] =	vst v63  }
0x7e: {  	_ =	swait.ge [sflag:s28], $0x1000  }
0x7f: {  	[sflag:s28] =	ssyncset.done $0x0  }
0x80: {  	s15 =	rddreg [dreg:$0x1d];
	[sflag:s28] =	ssyncadd.s32 $0xFFFFF000  }
0x81: {  	[spmem:s15] =	stream.linear.scatter [tilespmem:s30], [sflag:$0x6], $0x1000, $0x38;
	[tilespmem:$0x1C400] =	vst v63  }
0x82: {  	_ =	swait.ge [sflag:s28], $0x1000  }
0x83: {  	[sflag:s28] =	ssyncset.done $0x0  }
0x84: {  	s22 =	rddreg [dreg:$0x1e];
	[sflag:s28] =	ssyncadd.s32 $0xFFFFF000  }
0x85: {  	[spmem:s22] =	stream.linear.scatter [tilespmem:s7], [sflag:$0x6], $0x1000, $0x38;
	[tilespmem:$0x1C400] =	vst v63  }
0x86: {  	_ =	swait.ge [sflag:s28], $0x1000  }
0x87: {  	s24 =	sld [smem:$0x7F3]  }
0x88: {  	[sflag:s28] =	ssyncset.done $0x0  }
0x89: {  	[sflag:s28] =	ssyncadd.s32 $0xFFFFF000  }
0x8a: {  	[spmem:s24] =	stream.linear.scatter [tilespmem:s26], [sflag:$0x6], $0x1000, $0x38;
	[tilespmem:$0x1C400] =	vst v63  }
0x8b: {  	_ =	swait.ge [sflag:s28], $0x1000  }
0x8c: {  	s2 =	sld [smem:$0x7F4]  }
0x8d: {  	[sflag:s28] =	ssyncset.done $0x0  }
0x8e: {  	[sflag:s28] =	ssyncadd.s32 $0xFFFFF000  }
0x8f: {  	[spmem:s2] =	stream.linear.scatter [tilespmem:s29], [sflag:$0x6], $0x1000, $0x38;
	[tilespmem:$0x1C400] =	vst v63  }
0x90: {  	_ =	swait.ge [sflag:s28], $0x1000  }
0x91: {  	s3 =	sld [smem:$0x7F5]  }
0x92: {  	[sflag:s28] =	ssyncset.done $0x0  }
0x93: {  	[sflag:s28] =	ssyncadd.s32 $0xFFFFF000  }
0x94: {  	[spmem:s3] =	stream.linear.scatter [tilespmem:s30], [sflag:$0x6], $0x1000, $0x38;
	[tilespmem:$0x1C400] =	vst v63  }
0x95: {  	_ =	swait.ge [sflag:s28], $0x1000  }
0x96: {  	s10 =	sld [smem:$0x7F6]  }
0x97: {  	[sflag:s28] =	ssyncset.done $0x0  }
0x98: {  	[sflag:s28] =	ssyncadd.s32 $0xFFFFF000  }
0x99: {  	[spmem:s10] =	stream.linear.scatter [tilespmem:s7], [sflag:$0x6], $0x1000, $0x38;
	[tilespmem:$0x1C400] =	vst v63  }
0x9a: {  	_ =	swait.ge [sflag:s28], $0x1000  }
0x9b: {  	[sflag:s28] =	ssyncset.done $0x0  }
0x9c: {  	[sflag:s28] =	ssyncadd.s32 $0xFFFFF000  }
0x9d: {  	[bflag:$0x0] =	sbarrier.arrive $0xFFFF  }
0x9e: {  	s13 =	simm.s32 $0x0;
	s15 =	rddreg [dreg:$0x10]  }
0x9f: {  	[tilespmem:s16], [sflag:$0x1] =	stream.linear.gather [hbm4b:s15+s13], $0x80, $0x38;
	[tilespmem:$0x1C400] =	vst v63  }
0xa0: {  	s22 =	rddreg [dreg:$0x11];
	s15 =	simm.s32 $0x1C200  }
0xa1: {  	[tilespmem:s15], [sflag:$0x1] =	stream.linear.gather [hbm4b:s22+s13], $0x80, $0x38;
	[tilespmem:$0x1C400] =	vst v63  }
0xa2: {  	_ =	swait.ge [sflag:s14], $0x80  }
0xa3: {  	[sflag:s14] =	ssyncset.done $0x0  }
0xa4: {  	[sflag:s14] =	ssyncadd.s32 $0xFFFFFF80  }
0xa5: {  	_ =	swait.ge [sflag:s14], $0x80  }
0xa6: {  	p0 =	por $0x1, $0x1;
	[sflag:s14] =	ssyncset.done $0x0  }
0xa7: {  	s0 =	simm.s32 @!p0 $0x4;
	[sflag:s14] =	ssyncadd.s32 $0xFFFFFF80  }
0xa8: {  	_ =	swait.ge @!p0 [sflag:s0], $0x1000  }
0xa9: {  	[sflag:s0] =	ssyncset.done @!p0 $0x0  }
0xaa: {  	[sflag:s0] =	ssyncadd.s32 @!p0 $0xFFFFF000  }
0xab: {  	_ =	swait.ge @!p0 [sflag:s0], $0x1000  }
0xac: {  	[sflag:s0] =	ssyncset.done @!p0 $0x0  }
0xad: {  	[sflag:s0] =	ssyncadd.s32 @!p0 $0xFFFFF000  }
0xae: {  	_ =	swait.ge @!p0 [sflag:s0], $0x1000  }
0xaf: {  	[sflag:s0] =	ssyncset.done @!p0 $0x0  }
0xb0: {  	[sflag:s0] =	ssyncadd.s32 @!p0 $0xFFFFF000  }
0xb1: {  	_ =	swait.ge @!p0 [sflag:s0], $0x1000  }
0xb2: {  	s10 =	simm.s32 $0x1C080;
	s24 =	rddreg [dreg:$0xb];
	[sflag:s0] =	ssyncset.done @!p0 $0x0  }
0xb3: {  	s3 =	rddreg [dreg:$0xa];
	[sflag:s0] =	ssyncadd.s32 @!p0 $0xFFFFF000;
	s2 =	sadd.s32 $0x0, s24  }
0xb4: {  	[tilespmem:s10], [sflag:$0x1] =	stream.linear.gather [hbm4b:s2+s5], $0x80, $0x38;
	[tilespmem:$0x1C400] =	vst v63  }
0xb5: {  	s13 =	sadd.s32 $0x0, s3  }
0xb6: {  	[tilespmem:s4], [sflag:$0x1] =	stream.linear.gather [hbm4b:s13+s5], $0x80, $0x38;
	[tilespmem:$0x1C400] =	vst v63  }
0xb7: {  	_ = 	snop  }
0xb8: {  	[tilespmem:s26], [sflag:$0x2] =	stream.indirect.gather [hbm4b:s31+s17], $0x20, s16, s17, $0xb8;
	[tilespmem:$0x1C400] =	vst v63  }
0xb9: {  	_ = 	snop  }
0xba: {  	[tilespmem:s29], [sflag:$0x2] =	stream.indirect.gather [hbm4b:s8+s17], $0x20, s16, s17, $0xb8;
	[tilespmem:$0x1C400] =	vst v63  }
0xbb: {  	_ = 	snop  }
0xbc: {  	[tilespmem:s30], [sflag:$0x2] =	stream.indirect.gather [hbm4b:s9+s17], $0x20, s16, s17, $0xb8;
	[tilespmem:$0x1C400] =	vst v63  }
0xbd: {  	_ = 	snop  }
0xbe: {  	[tilespmem:s7], [sflag:$0x2] =	stream.indirect.gather [hbm4b:s11+s17], $0x20, s16, s17, $0xb8;
	[tilespmem:$0x1C400] =	vst v63  }
0xbf: {  	_ =	swait.ge [sflag:s21], $0x1000  }
0xc0: {  	[sflag:s21] =	ssyncset.done $0x0  }
0xc1: {  	[sflag:s21] =	ssyncadd.s32 $0xFFFFF000  }
0xc2: {  	_ =	swait.ge [sflag:s21], $0x1000  }
0xc3: {  	[sflag:s21] =	ssyncset.done $0x0  }
0xc4: {  	[sflag:s21] =	ssyncadd.s32 $0xFFFFF000  }
0xc5: {  	_ =	swait.ge [sflag:s21], $0x1000  }
0xc6: {  	[sflag:s21] =	ssyncset.done $0x0  }
0xc7: {  	[sflag:s21] =	ssyncadd.s32 $0xFFFFF000  }
0xc8: {  	_ =	swait.ge [sflag:s21], $0x1000  }
0xc9: {  	[sflag:s21] =	ssyncset.done $0x0  }
0xca: {  	[sflag:s21] =	ssyncadd.s32 $0xFFFFF000  }
0xcb: {  	s24 =	rddreg [dreg:$0x1]  }
0xcc: {  	[spmem:s24] =	stream.indirect.scatter.add.f32 [tilespmem:s26], [sflag:$0x4], $0x20, s15, s17, $0xb8;
	[tilespmem:$0x1C400] =	vst v63  }
0xcd: {  	_ = 	snop  }
0xce: {  	[spmem:s25] =	stream.indirect.scatter.add.f32 [tilespmem:s29], [sflag:$0x4], $0x20, s15, s17, $0xb8;
	[tilespmem:$0x1C400] =	vst v63  }
0xcf: {  	_ = 	snop  }
0xd0: {  	[spmem:s6] =	stream.indirect.scatter.add.f32 [tilespmem:s30], [sflag:$0x4], $0x20, s15, s17, $0xb8;
	[tilespmem:$0x1C400] =	vst v63  }
0xd1: {  	_ = 	snop  }
0xd2: {  	[spmem:s12] =	stream.indirect.scatter.add.f32 [tilespmem:s7], [sflag:$0x4], $0x20, s15, s17, $0xb8;
	[tilespmem:$0x1C400] =	vst v63  }
0xd3: {  	_ =	swait.ge [sflag:s14], $0x80  }
0xd4: {  	[sflag:s14] =	ssyncset.done $0x0  }
0xd5: {  	[sflag:s14] =	ssyncadd.s32 $0xFFFFFF80  }
0xd6: {  	_ =	swait.ge [sflag:s14], $0x80  }
0xd7: {  	[sflag:s14] =	ssyncset.done $0x0  }
0xd8: {  	s0 =	simm.s32 @!p0 $0x5;
	[sflag:s14] =	ssyncadd.s32 $0xFFFFFF80  }
0xd9: {  	_ =	swait.ge @!p0 [sflag:s0], $0x1000  }
0xda: {  	[sflag:s0] =	ssyncset.done @!p0 $0x0  }
0xdb: {  	[sflag:s0] =	ssyncadd.s32 @!p0 $0xFFFFF000  }
0xdc: {  	_ =	swait.ge @!p0 [sflag:s0], $0x1000  }
0xdd: {  	[sflag:s0] =	ssyncset.done @!p0 $0x0  }
0xde: {  	[sflag:s0] =	ssyncadd.s32 @!p0 $0xFFFFF000  }
0xdf: {  	_ =	swait.ge @!p0 [sflag:s0], $0x1000  }
0xe0: {  	[sflag:s0] =	ssyncset.done @!p0 $0x0  }
0xe1: {  	[sflag:s0] =	ssyncadd.s32 @!p0 $0xFFFFF000  }
0xe2: {  	_ =	swait.ge @!p0 [sflag:s0], $0x1000  }
0xe3: {  	s22 =	rddreg [dreg:$0x9];
	[sflag:s0] =	ssyncset.done @!p0 $0x0  }
0xe4: {  	s25 =	rddreg [dreg:$0x8];
	[sflag:s0] =	ssyncadd.s32 @!p0 $0xFFFFF000;
	s2 =	sadd.s32 $0x0, s22  }
0xe5: {  	[tilespmem:s20], [sflag:$0x1] =	stream.linear.gather [hbm4b:s2+s5], $0x80, $0x38;
	[tilespmem:$0x1C400] =	vst v63  }
0xe6: {  	s13 =	sadd.s32 $0x0, s25  }
0xe7: {  	[tilespmem:s23], [sflag:$0x1] =	stream.linear.gather [hbm4b:s13+s5], $0x80, $0x38;
	[tilespmem:$0x1C400] =	vst v63  }
0xe8: {  	s3 =	simm.s32 $0x18000  }
0xe9: {  	[tilespmem:s3], [sflag:$0x3] =	stream.indirect.gather [hbm4b:s31+s17], $0x20, s10, s17, $0xb8;
	[tilespmem:$0x1C400] =	vst v63  }
0xea: {  	s13 =	simm.s32 $0x19000  }
0xeb: {  	[tilespmem:s13], [sflag:$0x3] =	stream.indirect.gather [hbm4b:s8+s17], $0x20, s10, s17, $0xb8;
	[tilespmem:$0x1C400] =	vst v63  }
0xec: {  	s25 =	simm.s32 $0x1A000  }
0xed: {  	[tilespmem:s25], [sflag:$0x3] =	stream.indirect.gather [hbm4b:s9+s17], $0x20, s10, s17, $0xb8;
	[tilespmem:$0x1C400] =	vst v63  }
0xee: {  	s0 =	simm.s32 $0x1B000  }
0xef: {  	[tilespmem:s0], [sflag:$0x3] =	stream.indirect.gather [hbm4b:s11+s17], $0x20, s10, s17, $0xb8;
	[tilespmem:$0x1C400] =	vst v63  }
0xf0: {  	_ =	swait.ge [sflag:s18], $0x1000  }
0xf1: {  	[sflag:s18] =	ssyncset.done $0x0  }
0xf2: {  	[sflag:s18] =	ssyncadd.s32 $0xFFFFF000  }
0xf3: {  	_ =	swait.ge [sflag:s18], $0x1000  }
0xf4: {  	[sflag:s18] =	ssyncset.done $0x0  }
0xf5: {  	[sflag:s18] =	ssyncadd.s32 $0xFFFFF000  }
0xf6: {  	_ =	swait.ge [sflag:s18], $0x1000  }
0xf7: {  	[sflag:s18] =	ssyncset.done $0x0  }
0xf8: {  	[sflag:s18] =	ssyncadd.s32 $0xFFFFF000  }
0xf9: {  	_ =	swait.ge [sflag:s18], $0x1000  }
0xfa: {  	[sflag:s18] =	ssyncset.done $0x0  }
0xfb: {  	[sflag:s18] =	ssyncadd.s32 $0xFFFFF000  }
0xfc: {  	[spmem:s24] =	stream.indirect.scatter.add.f32 [tilespmem:s3], [sflag:$0x5], $0x20, s4, s17, $0xb8;
	[tilespmem:$0x1C400] =	vst v63  }
0xfd: {  	s22 =	rddreg [dreg:$0x2]  }
0xfe: {  	[spmem:s22] =	stream.indirect.scatter.add.f32 [tilespmem:s13], [sflag:$0x5], $0x20, s4, s17, $0xb8;
	[tilespmem:$0x1C400] =	vst v63  }
0xff: {  	_ = 	snop  }
0x100: {  	[spmem:s6] =	stream.indirect.scatter.add.f32 [tilespmem:s25], [sflag:$0x5], $0x20, s4, s17, $0xb8;
	[tilespmem:$0x1C400] =	vst v63  }
0x101: {  	_ = 	snop  }
0x102: {  	[spmem:s12] =	stream.indirect.scatter.add.f32 [tilespmem:s0], [sflag:$0x5], $0x20, s4, s17, $0xb8;
	[tilespmem:$0x1C400] =	vst v63  }
0x103: {  	_ =	swait.ge [sflag:s14], $0x80  }
0x104: {  	[sflag:s14] =	ssyncset.done $0x0  }
0x105: {  	[sflag:s14] =	ssyncadd.s32 $0xFFFFFF80  }
0x106: {  	_ =	swait.ge [sflag:s14], $0x80  }
0x107: {  	[sflag:s14] =	ssyncset.done $0x0  }
0x108: {  	[sflag:s14] =	ssyncadd.s32 $0xFFFFFF80  }
0x109: {  	_ =	swait.ge [sflag:s1], $0x1000  }
0x10a: {  	[sflag:s1] =	ssyncset.done $0x0  }
0x10b: {  	[sflag:s1] =	ssyncadd.s32 $0xFFFFF000  }
0x10c: {  	_ =	swait.ge [sflag:s1], $0x1000  }
0x10d: {  	[sflag:s1] =	ssyncset.done $0x0  }
0x10e: {  	[sflag:s1] =	ssyncadd.s32 $0xFFFFF000  }
0x10f: {  	_ =	swait.ge [sflag:s1], $0x1000  }
0x110: {  	[sflag:s1] =	ssyncset.done $0x0  }
0x111: {  	[sflag:s1] =	ssyncadd.s32 $0xFFFFF000  }
0x112: {  	_ =	swait.ge [sflag:s1], $0x1000  }
0x113: {  	s10 =	rddreg [dreg:$0x7]  }
0x114: {  	[sflag:s1] =	ssyncset.done $0x0;
	s22 =	rddreg [dreg:$0x6]  }
0x115: {  	[sflag:s1] =	ssyncadd.s32 $0xFFFFF000;
	s0 =	sadd.s32 $0x0, s10;
	s10 =	simm.s32 $0x1C180  }
0x116: {  	[tilespmem:s10], [sflag:$0x1] =	stream.linear.gather [hbm4b:s0+s5], $0x80, $0x38;
	[tilespmem:$0x1C400] =	vst v63  }
0x117: {  	s4 =	simm.s32 $0x1C380;
	s2 =	sadd.s32 $0x0, s22  }
0x118: {  	[tilespmem:s4], [sflag:$0x1] =	stream.linear.gather [hbm4b:s2+s5], $0x80, $0x38;
	[tilespmem:$0x1C400] =	vst v63  }
0x119: {  	_ = 	snop  }
0x11a: {  	[tilespmem:s26], [sflag:$0x2] =	stream.indirect.gather [hbm4b:s31+s17], $0x20, s20, s17, $0xb8;
	[tilespmem:$0x1C400] =	vst v63  }
0x11b: {  	_ = 	snop  }
0x11c: {  	[tilespmem:s29], [sflag:$0x2] =	stream.indirect.gather [hbm4b:s8+s17], $0x20, s20, s17, $0xb8;
	[tilespmem:$0x1C400] =	vst v63  }
0x11d: {  	_ = 	snop  }
0x11e: {  	[tilespmem:s30], [sflag:$0x2] =	stream.indirect.gather [hbm4b:s9+s17], $0x20, s20, s17, $0xb8;
	[tilespmem:$0x1C400] =	vst v63  }
0x11f: {  	_ = 	snop  }
0x120: {  	[tilespmem:s7], [sflag:$0x2] =	stream.indirect.gather [hbm4b:s11+s17], $0x20, s20, s17, $0xb8;
	[tilespmem:$0x1C400] =	vst v63  }
0x121: {  	_ =	swait.ge [sflag:s21], $0x1000  }
0x122: {  	[sflag:s21] =	ssyncset.done $0x0  }
0x123: {  	[sflag:s21] =	ssyncadd.s32 $0xFFFFF000  }
0x124: {  	_ =	swait.ge [sflag:s21], $0x1000  }
0x125: {  	[sflag:s21] =	ssyncset.done $0x0  }
0x126: {  	[sflag:s21] =	ssyncadd.s32 $0xFFFFF000  }
0x127: {  	_ =	swait.ge [sflag:s21], $0x1000  }
0x128: {  	[sflag:s21] =	ssyncset.done $0x0  }
0x129: {  	[sflag:s21] =	ssyncadd.s32 $0xFFFFF000  }
0x12a: {  	_ =	swait.ge [sflag:s21], $0x1000  }
0x12b: {  	[sflag:s21] =	ssyncset.done $0x0  }
0x12c: {  	[sflag:s21] =	ssyncadd.s32 $0xFFFFF000  }
0x12d: {  	[spmem:s24] =	stream.indirect.scatter.add.f32 [tilespmem:s26], [sflag:$0x4], $0x20, s23, s17, $0xb8;
	[tilespmem:$0x1C400] =	vst v63  }
0x12e: {  	s20 =	rddreg [dreg:$0x2]  }
0x12f: {  	[spmem:s20] =	stream.indirect.scatter.add.f32 [tilespmem:s29], [sflag:$0x4], $0x20, s23, s17, $0xb8;
	[tilespmem:$0x1C400] =	vst v63  }
0x130: {  	_ = 	snop  }
0x131: {  	[spmem:s6] =	stream.indirect.scatter.add.f32 [tilespmem:s30], [sflag:$0x4], $0x20, s23, s17, $0xb8;
	[tilespmem:$0x1C400] =	vst v63  }
0x132: {  	_ = 	snop  }
0x133: {  	[spmem:s12] =	stream.indirect.scatter.add.f32 [tilespmem:s7], [sflag:$0x4], $0x20, s23, s17, $0xb8;
	[tilespmem:$0x1C400] =	vst v63  }
0x134: {  	_ =	swait.ge [sflag:s14], $0x80  }
0x135: {  	[sflag:s14] =	ssyncset.done $0x0  }
0x136: {  	[sflag:s14] =	ssyncadd.s32 $0xFFFFFF80  }
0x137: {  	_ =	swait.ge [sflag:s14], $0x80  }
0x138: {  	[sflag:s14] =	ssyncset.done $0x0  }
0x139: {  	[sflag:s14] =	ssyncadd.s32 $0xFFFFFF80  }
0x13a: {  	_ =	swait.ge [sflag:s19], $0x1000  }
0x13b: {  	[sflag:s19] =	ssyncset.done $0x0  }
0x13c: {  	[sflag:s19] =	ssyncadd.s32 $0xFFFFF000  }
0x13d: {  	_ =	swait.ge [sflag:s19], $0x1000  }
0x13e: {  	[sflag:s19] =	ssyncset.done $0x0  }
0x13f: {  	[sflag:s19] =	ssyncadd.s32 $0xFFFFF000  }
0x140: {  	_ =	swait.ge [sflag:s19], $0x1000  }
0x141: {  	[sflag:s19] =	ssyncset.done $0x0  }
0x142: {  	[sflag:s19] =	ssyncadd.s32 $0xFFFFF000  }
0x143: {  	p0 =	por $0x0, $0x0;
	s0 =	simm.s32 $0x200;
	_ =	swait.ge [sflag:s19], $0x1000  }
0x144: {  	s0 =	simm.s32 @p0 $0x0;
	s22 =	rddreg [dreg:$0xc]  }
0x145: {  	s0 =	sadd.s32 s22, s0  }
0x146: {  	[sflag:s19] =	ssyncset.done $0x0;
	s23 =	rddreg [dreg:$0xd];
	s0 =	sshrl.u32 s0, $0x3  }
0x147: {  	s29 =	rddreg [dreg:$0xe];
	[sflag:s19] =	ssyncadd.s32 $0xFFFFF000;
	s26 =	sadd.s32 s23, s0  }
0x148: {  	[tilespmem:s16], [sflag:$0x1] =	stream.linear.gather [hbm4b:s26+s5], $0x80, $0x38;
	[tilespmem:$0x1C400] =	vst v63  }
0x149: {  	s0 =	sadd.s32 s29, s0  }
0x14a: {  	[tilespmem:s15], [sflag:$0x1] =	stream.linear.gather [hbm4b:s0+s5], $0x80, $0x38;
	[tilespmem:$0x1C400] =	vst v63  }
0x14b: {  	_ = 	snop  }
0x14c: {  	[tilespmem:s3], [sflag:$0x3] =	stream.indirect.gather [hbm4b:s31+s17], $0x20, s10, s17, $0xb8;
	[tilespmem:$0x1C400] =	vst v63  }
0x14d: {  	_ = 	snop  }
0x14e: {  	[tilespmem:s13], [sflag:$0x3] =	stream.indirect.gather [hbm4b:s8+s17], $0x20, s10, s17, $0xb8;
	[tilespmem:$0x1C400] =	vst v63  }
0x14f: {  	_ = 	snop  }
0x150: {  	[tilespmem:s25], [sflag:$0x3] =	stream.indirect.gather [hbm4b:s9+s17], $0x20, s10, s17, $0xb8;
	[tilespmem:$0x1C400] =	vst v63  }
0x151: {  	s0 =	simm.s32 $0x1B000  }
0x152: {  	[tilespmem:s0], [sflag:$0x3] =	stream.indirect.gather [hbm4b:s11+s17], $0x20, s10, s17, $0xb8;
	[tilespmem:$0x1C400] =	vst v63  }
0x153: {  	_ =	swait.ge [sflag:s18], $0x1000  }
0x154: {  	[sflag:s18] =	ssyncset.done $0x0  }
0x155: {  	[sflag:s18] =	ssyncadd.s32 $0xFFFFF000  }
0x156: {  	_ =	swait.ge [sflag:s18], $0x1000  }
0x157: {  	[sflag:s18] =	ssyncset.done $0x0  }
0x158: {  	[sflag:s18] =	ssyncadd.s32 $0xFFFFF000  }
0x159: {  	_ =	swait.ge [sflag:s18], $0x1000  }
0x15a: {  	[sflag:s18] =	ssyncset.done $0x0  }
0x15b: {  	[sflag:s18] =	ssyncadd.s32 $0xFFFFF000  }
0x15c: {  	_ =	swait.ge [sflag:s18], $0x1000  }
0x15d: {  	[sflag:s18] =	ssyncset.done $0x0  }
0x15e: {  	[sflag:s18] =	ssyncadd.s32 $0xFFFFF000  }
0x15f: {  	[spmem:s24] =	stream.indirect.scatter.add.f32 [tilespmem:s3], [sflag:$0x5], $0x20, s4, s17, $0xb8;
	[tilespmem:$0x1C400] =	vst v63  }
0x160: {  	s1 =	simm.s32 $0x4;
	s30 =	rddreg [dreg:$0x2]  }
0x161: {  	[spmem:s30] =	stream.indirect.scatter.add.f32 [tilespmem:s13], [sflag:$0x5], $0x20, s4, s17, $0xb8;
	[tilespmem:$0x1C400] =	vst v63  }
0x162: {  	s2 =	simm.s32 $0x40;
	s3 =	simm.s32 $0x400;
	s13 =	rddreg [dreg:$0x2]  }
0x163: {  	[spmem:s6] =	stream.indirect.scatter.add.f32 [tilespmem:s25], [sflag:$0x5], $0x20, s4, s17, $0xb8;
	[tilespmem:$0x1C400] =	vst v63  }
.LBB2_4:
0x164: {  	[spmem:s12] =	stream.indirect.scatter.add.f32 [tilespmem:s0], [sflag:$0x5], $0x20, s4, s17, $0xb8;
	[tilespmem:$0x1C400] =	vst v63  }
0x165: {  	_ =	swait.ge [sflag:s14], $0x80  }
0x166: {  	[sflag:s14] =	ssyncset.done $0x0  }
0x167: {  	[sflag:s14] =	ssyncadd.s32 $0xFFFFFF80  }
0x168: {  	s4 =	smov.u32 s2;
	_ =	swait.ge [sflag:s14], $0x80  }
0x169: {  	p1 =	seq.s32 s4, $0x0;
	[sflag:s14] =	ssyncset.done $0x0  }
0x16a: {  	s0 =	simm.s32 @!p1 $0x4;
	[sflag:s14] =	ssyncadd.s32 $0xFFFFFF80  }
0x16b: {  	_ =	swait.ge @!p1 [sflag:s0], $0x1000  }
0x16c: {  	[sflag:s0] =	ssyncset.done @!p1 $0x0  }
0x16d: {  	[sflag:s0] =	ssyncadd.s32 @!p1 $0xFFFFF000  }
0x16e: {  	_ =	swait.ge @!p1 [sflag:s0], $0x1000  }
0x16f: {  	[sflag:s0] =	ssyncset.done @!p1 $0x0  }
0x170: {  	[sflag:s0] =	ssyncadd.s32 @!p1 $0xFFFFF000  }
0x171: {  	_ =	swait.ge @!p1 [sflag:s0], $0x1000  }
0x172: {  	[sflag:s0] =	ssyncset.done @!p1 $0x0  }
0x173: {  	[sflag:s0] =	ssyncadd.s32 @!p1 $0xFFFFF000  }
0x174: {  	_ =	swait.ge @!p1 [sflag:s0], $0x1000  }
0x175: {  	s29 =	simm.s32 $0x1C080;
	s10 =	rddreg [dreg:$0xb];
	[sflag:s0] =	ssyncset.done @!p1 $0x0  }
0x176: {  	s26 =	rddreg [dreg:$0xa];
	[sflag:s0] =	ssyncadd.s32 @!p1 $0xFFFFF000;
	s30 =	sadd.s32 s4, s10  }
0x177: {  	[tilespmem:s29], [sflag:$0x1] =	stream.linear.gather [hbm4b:s30+s5], $0x80, $0x38;
	[tilespmem:$0x1C400] =	vst v63  }
0x178: {  	s15 =	simm.s32 $0x1C280;
	s10 =	sadd.s32 s4, s26  }
0x179: {  	[tilespmem:s15], [sflag:$0x1] =	stream.linear.gather [hbm4b:s10+s5], $0x80, $0x38;
	[tilespmem:$0x1C400] =	vst v63  }
0x17a: {  	s19 =	simm.s32 $0x14000  }
0x17b: {  	[tilespmem:s19], [sflag:$0x2] =	stream.indirect.gather [hbm4b:s31+s17], $0x20, s16, s17, $0xb8;
	[tilespmem:$0x1C400] =	vst v63  }
0x17c: {  	s26 =	simm.s32 $0x15000  }
0x17d: {  	[tilespmem:s26], [sflag:$0x2] =	stream.indirect.gather [hbm4b:s8+s17], $0x20, s16, s17, $0xb8;
	[tilespmem:$0x1C400] =	vst v63  }
0x17e: {  	s20 =	simm.s32 $0x16000  }
0x17f: {  	[tilespmem:s20], [sflag:$0x2] =	stream.indirect.gather [hbm4b:s9+s17], $0x20, s16, s17, $0xb8;
	[tilespmem:$0x1C400] =	vst v63  }
0x180: {  	s5 =	simm.s32 $0x17000  }
0x181: {  	[tilespmem:s5], [sflag:$0x2] =	stream.indirect.gather [hbm4b:s11+s17], $0x20, s16, s17, $0xb8;
	[tilespmem:$0x1C400] =	vst v63  }
0x182: {  	_ =	swait.ge [sflag:s21], $0x1000  }
0x183: {  	[sflag:s21] =	ssyncset.done $0x0  }
0x184: {  	[sflag:s21] =	ssyncadd.s32 $0xFFFFF000  }
0x185: {  	_ =	swait.ge [sflag:s21], $0x1000  }
0x186: {  	[sflag:s21] =	ssyncset.done $0x0  }
0x187: {  	[sflag:s21] =	ssyncadd.s32 $0xFFFFF000  }
0x188: {  	_ =	swait.ge [sflag:s21], $0x1000  }
0x189: {  	[sflag:s21] =	ssyncset.done $0x0  }
0x18a: {  	[sflag:s21] =	ssyncadd.s32 $0xFFFFF000  }
0x18b: {  	_ =	swait.ge [sflag:s21], $0x1000  }
0x18c: {  	[sflag:s21] =	ssyncset.done $0x0  }
0x18d: {  	s30 =	simm.s32 $0x1C200;
	[sflag:s21] =	ssyncadd.s32 $0xFFFFF000  }
0x18e: {  	[spmem:s24] =	stream.indirect.scatter.add.f32 [tilespmem:s19], [sflag:$0x4], $0x20, s30, s17, $0xb8;
	[tilespmem:$0x1C400] =	vst v63  }
0x18f: {  	_ = 	snop  }
0x190: {  	[spmem:s13] =	stream.indirect.scatter.add.f32 [tilespmem:s26], [sflag:$0x4], $0x20, s30, s17, $0xb8;
	[tilespmem:$0x1C400] =	vst v63  }
0x191: {  	_ = 	snop  }
0x192: {  	[spmem:s6] =	stream.indirect.scatter.add.f32 [tilespmem:s20], [sflag:$0x4], $0x20, s30, s17, $0xb8;
	[tilespmem:$0x1C400] =	vst v63  }
0x193: {  	s12 =	rddreg [dreg:$0x4]  }
0x194: {  	[spmem:s12] =	stream.indirect.scatter.add.f32 [tilespmem:s5], [sflag:$0x4], $0x20, s30, s17, $0xb8;
	[tilespmem:$0x1C400] =	vst v63  }
0x195: {  	_ =	swait.ge [sflag:s14], $0x80  }
0x196: {  	[sflag:s14] =	ssyncset.done $0x0  }
0x197: {  	[sflag:s14] =	ssyncadd.s32 $0xFFFFFF80  }
0x198: {  	_ =	swait.ge [sflag:s14], $0x80  }
0x199: {  	[sflag:s14] =	ssyncset.done $0x0  }
0x19a: {  	s0 =	simm.s32 @!p1 $0x5;
	[sflag:s14] =	ssyncadd.s32 $0xFFFFFF80  }
0x19b: {  	_ =	swait.ge @!p1 [sflag:s0], $0x1000  }
0x19c: {  	[sflag:s0] =	ssyncset.done @!p1 $0x0  }
0x19d: {  	[sflag:s0] =	ssyncadd.s32 @!p1 $0xFFFFF000  }
0x19e: {  	_ =	swait.ge @!p1 [sflag:s0], $0x1000  }
0x19f: {  	[sflag:s0] =	ssyncset.done @!p1 $0x0  }
0x1a0: {  	[sflag:s0] =	ssyncadd.s32 @!p1 $0xFFFFF000  }
0x1a1: {  	_ =	swait.ge @!p1 [sflag:s0], $0x1000  }
0x1a2: {  	[sflag:s0] =	ssyncset.done @!p1 $0x0  }
0x1a3: {  	[sflag:s0] =	ssyncadd.s32 @!p1 $0xFFFFF000  }
0x1a4: {  	s23 =	simm.s32 $0x0;
	_ =	swait.ge @!p1 [sflag:s0], $0x1000  }
0x1a5: {  	s22 =	simm.s32 $0x1C100;
	s13 =	rddreg [dreg:$0x9];
	[sflag:s0] =	ssyncset.done @!p1 $0x0  }
0x1a6: {  	s16 =	rddreg [dreg:$0x8];
	[sflag:s0] =	ssyncadd.s32 @!p1 $0xFFFFF000;
	s24 =	sadd.s32 s4, s13  }
0x1a7: {  	[tilespmem:s22], [sflag:$0x1] =	stream.linear.gather [hbm4b:s24+s23], $0x80, $0x38;
	[tilespmem:$0x1C400] =	vst v63  }
0x1a8: {  	s25 =	sadd.s32 s4, s16;
	s16 =	simm.s32 $0x1C300  }
0x1a9: {  	[tilespmem:s16], [sflag:$0x1] =	stream.linear.gather [hbm4b:s25+s23], $0x80, $0x38;
	[tilespmem:$0x1C400] =	vst v63  }
0x1aa: {  	s24 =	simm.s32 $0x18000  }
0x1ab: {  	[tilespmem:s24], [sflag:$0x3] =	stream.indirect.gather [hbm4b:s31+s17], $0x20, s29, s17, $0xb8;
	[tilespmem:$0x1C400] =	vst v63  }
0x1ac: {  	s13 =	simm.s32 $0x19000  }
0x1ad: {  	[tilespmem:s13], [sflag:$0x3] =	stream.indirect.gather [hbm4b:s8+s17], $0x20, s29, s17, $0xb8;
	[tilespmem:$0x1C400] =	vst v63  }
0x1ae: {  	s25 =	simm.s32 $0x1A000  }
0x1af: {  	[tilespmem:s25], [sflag:$0x3] =	stream.indirect.gather [hbm4b:s9+s17], $0x20, s29, s17, $0xb8;
	[tilespmem:$0x1C400] =	vst v63  }
0x1b0: {  	s7 =	simm.s32 $0x1B000  }
0x1b1: {  	[tilespmem:s7], [sflag:$0x3] =	stream.indirect.gather [hbm4b:s11+s17], $0x20, s29, s17, $0xb8;
	[tilespmem:$0x1C400] =	vst v63  }
0x1b2: {  	s12 =	rddreg [dreg:$0x4];
	_ =	swait.ge [sflag:s18], $0x1000  }
0x1b3: {  	[sflag:s18] =	ssyncset.done $0x0  }
0x1b4: {  	[sflag:s18] =	ssyncadd.s32 $0xFFFFF000  }
0x1b5: {  	_ =	swait.ge [sflag:s18], $0x1000  }
0x1b6: {  	[sflag:s18] =	ssyncset.done $0x0  }
0x1b7: {  	[sflag:s18] =	ssyncadd.s32 $0xFFFFF000  }
0x1b8: {  	_ =	swait.ge [sflag:s18], $0x1000  }
0x1b9: {  	[sflag:s18] =	ssyncset.done $0x0  }
0x1ba: {  	[sflag:s18] =	ssyncadd.s32 $0xFFFFF000  }
0x1bb: {  	_ =	swait.ge [sflag:s18], $0x1000  }
0x1bc: {  	[sflag:s18] =	ssyncset.done $0x0  }
0x1bd: {  	[sflag:s18] =	ssyncadd.s32 $0xFFFFF000  }
0x1be: {  	s29 =	rddreg [dreg:$0x1]  }
0x1bf: {  	[spmem:s29] =	stream.indirect.scatter.add.f32 [tilespmem:s24], [sflag:$0x5], $0x20, s15, s17, $0xb8;
	[tilespmem:$0x1C400] =	vst v63  }
0x1c0: {  	s10 =	rddreg [dreg:$0x2]  }
0x1c1: {  	[spmem:s10] =	stream.indirect.scatter.add.f32 [tilespmem:s13], [sflag:$0x5], $0x20, s15, s17, $0xb8;
	[tilespmem:$0x1C400] =	vst v63  }
0x1c2: {  	_ = 	snop  }
0x1c3: {  	[spmem:s6] =	stream.indirect.scatter.add.f32 [tilespmem:s25], [sflag:$0x5], $0x20, s15, s17, $0xb8;
	[tilespmem:$0x1C400] =	vst v63  }
0x1c4: {  	_ = 	snop  }
0x1c5: {  	[spmem:s12] =	stream.indirect.scatter.add.f32 [tilespmem:s7], [sflag:$0x5], $0x20, s15, s17, $0xb8;
	[tilespmem:$0x1C400] =	vst v63  }
0x1c6: {  	_ =	swait.ge [sflag:s14], $0x80  }
0x1c7: {  	[sflag:s14] =	ssyncset.done $0x0  }
0x1c8: {  	[sflag:s14] =	ssyncadd.s32 $0xFFFFFF80  }
0x1c9: {  	_ =	swait.ge [sflag:s14], $0x80  }
0x1ca: {  	[sflag:s14] =	ssyncset.done $0x0  }
0x1cb: {  	[sflag:s14] =	ssyncadd.s32 $0xFFFFFF80  }
0x1cc: {  	_ =	swait.ge [sflag:s1], $0x1000  }
0x1cd: {  	[sflag:s1] =	ssyncset.done $0x0  }
0x1ce: {  	[sflag:s1] =	ssyncadd.s32 $0xFFFFF000  }
0x1cf: {  	_ =	swait.ge [sflag:s1], $0x1000  }
0x1d0: {  	[sflag:s1] =	ssyncset.done $0x0  }
0x1d1: {  	[sflag:s1] =	ssyncadd.s32 $0xFFFFF000  }
0x1d2: {  	_ =	swait.ge [sflag:s1], $0x1000  }
0x1d3: {  	[sflag:s1] =	ssyncset.done $0x0  }
0x1d4: {  	[sflag:s1] =	ssyncadd.s32 $0xFFFFF000  }
0x1d5: {  	_ =	swait.ge [sflag:s1], $0x1000  }
0x1d6: {  	s29 =	rddreg [dreg:$0x7]  }
0x1d7: {  	[sflag:s1] =	ssyncset.done $0x0;
	s7 =	rddreg [dreg:$0x6]  }
0x1d8: {  	[sflag:s1] =	ssyncadd.s32 $0xFFFFF000;
	s0 =	sadd.s32 s4, s29;
	s29 =	simm.s32 $0x1C180  }
0x1d9: {  	[tilespmem:s29], [sflag:$0x1] =	stream.linear.gather [hbm4b:s0+s23], $0x80, $0x38;
	[tilespmem:$0x1C400] =	vst v63  }
0x1da: {  	s15 =	simm.s32 $0x1C380;
	s10 =	sadd.s32 s4, s7  }
0x1db: {  	[tilespmem:s15], [sflag:$0x1] =	stream.linear.gather [hbm4b:s10+s23], $0x80, $0x38;
	[tilespmem:$0x1C400] =	vst v63  }
0x1dc: {  	_ = 	snop  }
0x1dd: {  	[tilespmem:s19], [sflag:$0x2] =	stream.indirect.gather [hbm4b:s31+s17], $0x20, s22, s17, $0xb8;
	[tilespmem:$0x1C400] =	vst v63  }
0x1de: {  	_ = 	snop  }
0x1df: {  	[tilespmem:s26], [sflag:$0x2] =	stream.indirect.gather [hbm4b:s8+s17], $0x20, s22, s17, $0xb8;
	[tilespmem:$0x1C400] =	vst v63  }
0x1e0: {  	_ = 	snop  }
0x1e1: {  	[tilespmem:s20], [sflag:$0x2] =	stream.indirect.gather [hbm4b:s9+s17], $0x20, s22, s17, $0xb8;
	[tilespmem:$0x1C400] =	vst v63  }
0x1e2: {  	_ = 	snop  }
0x1e3: {  	[tilespmem:s5], [sflag:$0x2] =	stream.indirect.gather [hbm4b:s11+s17], $0x20, s22, s17, $0xb8;
	[tilespmem:$0x1C400] =	vst v63  }
0x1e4: {  	_ =	swait.ge [sflag:s21], $0x1000  }
0x1e5: {  	[sflag:s21] =	ssyncset.done $0x0  }
0x1e6: {  	[sflag:s21] =	ssyncadd.s32 $0xFFFFF000  }
0x1e7: {  	_ =	swait.ge [sflag:s21], $0x1000  }
0x1e8: {  	[sflag:s21] =	ssyncset.done $0x0  }
0x1e9: {  	[sflag:s21] =	ssyncadd.s32 $0xFFFFF000  }
0x1ea: {  	_ =	swait.ge [sflag:s21], $0x1000  }
0x1eb: {  	[sflag:s21] =	ssyncset.done $0x0  }
0x1ec: {  	[sflag:s21] =	ssyncadd.s32 $0xFFFFF000  }
0x1ed: {  	_ =	swait.ge [sflag:s21], $0x1000  }
0x1ee: {  	[sflag:s21] =	ssyncset.done $0x0  }
0x1ef: {  	[sflag:s21] =	ssyncadd.s32 $0xFFFFF000  }
0x1f0: {  	s10 =	rddreg [dreg:$0x1]  }
0x1f1: {  	[spmem:s10] =	stream.indirect.scatter.add.f32 [tilespmem:s19], [sflag:$0x4], $0x20, s16, s17, $0xb8;
	[tilespmem:$0x1C400] =	vst v63  }
0x1f2: {  	s15 =	rddreg [dreg:$0x2]  }
0x1f3: {  	[spmem:s15] =	stream.indirect.scatter.add.f32 [tilespmem:s26], [sflag:$0x4], $0x20, s16, s17, $0xb8;
	[tilespmem:$0x1C400] =	vst v63  }
0x1f4: {  	_ = 	snop  }
0x1f5: {  	[spmem:s6] =	stream.indirect.scatter.add.f32 [tilespmem:s20], [sflag:$0x4], $0x20, s16, s17, $0xb8;
	[tilespmem:$0x1C400] =	vst v63  }
0x1f6: {  	_ = 	snop  }
0x1f7: {  	[spmem:s12] =	stream.indirect.scatter.add.f32 [tilespmem:s5], [sflag:$0x4], $0x20, s16, s17, $0xb8;
	[tilespmem:$0x1C400] =	vst v63  }
0x1f8: {  	_ =	swait.ge [sflag:s14], $0x80  }
0x1f9: {  	[sflag:s14] =	ssyncset.done $0x0  }
0x1fa: {  	[sflag:s14] =	ssyncadd.s32 $0xFFFFFF80  }
0x1fb: {  	_ =	swait.ge [sflag:s14], $0x80  }
0x1fc: {  	[sflag:s14] =	ssyncset.done $0x0  }
0x1fd: {  	s19 =	simm.s32 $0x5;
	[sflag:s14] =	ssyncadd.s32 $0xFFFFFF80  }
0x1fe: {  	_ =	swait.ge [sflag:s19], $0x1000  }
0x1ff: {  	[sflag:s19] =	ssyncset.done $0x0  }
0x200: {  	[sflag:s19] =	ssyncadd.s32 $0xFFFFF000  }
0x201: {  	_ =	swait.ge [sflag:s19], $0x1000  }
0x202: {  	[sflag:s19] =	ssyncset.done $0x0  }
0x203: {  	[sflag:s19] =	ssyncadd.s32 $0xFFFFF000  }
0x204: {  	_ =	swait.ge [sflag:s19], $0x1000  }
0x205: {  	[sflag:s19] =	ssyncset.done $0x0  }
0x206: {  	[sflag:s19] =	ssyncadd.s32 $0xFFFFF000  }
0x207: {  	p1 =	seq.s32 s4, $0x4C0;
	s0 =	smov.u32 s3;
	_ =	swait.ge [sflag:s19], $0x1000  }
0x208: {  	s0 =	simm.s32 @p1 $0x0;
	s22 =	rddreg [dreg:$0xc]  }
0x209: {  	s16 =	simm.s32 $0x1C000;
	s5 =	simm.s32 $0x0;
	s0 =	sadd.s32 s22, s0  }
0x20a: {  	[sflag:s19] =	ssyncset.done $0x0;
	s23 =	rddreg [dreg:$0xd];
	s0 =	sshrl.u32 s0, $0x3  }
0x20b: {  	s26 =	rddreg [dreg:$0xe];
	[sflag:s19] =	ssyncadd.s32 $0xFFFFF000;
	s4 =	sadd.s32 s23, s0  }
0x20c: {  	[tilespmem:s16], [sflag:$0x1] =	stream.linear.gather [hbm4b:s4+s5], $0x80, $0x38;
	[tilespmem:$0x1C400] =	vst v63  }
0x20d: {  	s0 =	sadd.s32 s26, s0  }
0x20e: {  	[tilespmem:s30], [sflag:$0x1] =	stream.linear.gather [hbm4b:s0+s5], $0x80, $0x38;
	[tilespmem:$0x1C400] =	vst v63  }
0x20f: {  	_ = 	snop  }
0x210: {  	[tilespmem:s24], [sflag:$0x3] =	stream.indirect.gather [hbm4b:s31+s17], $0x20, s29, s17, $0xb8;
	[tilespmem:$0x1C400] =	vst v63  }
0x211: {  	_ = 	snop  }
0x212: {  	[tilespmem:s13], [sflag:$0x3] =	stream.indirect.gather [hbm4b:s8+s17], $0x20, s29, s17, $0xb8;
	[tilespmem:$0x1C400] =	vst v63  }
0x213: {  	_ = 	snop  }
0x214: {  	[tilespmem:s25], [sflag:$0x3] =	stream.indirect.gather [hbm4b:s9+s17], $0x20, s29, s17, $0xb8;
	[tilespmem:$0x1C400] =	vst v63  }
0x215: {  	s0 =	simm.s32 $0x1B000  }
0x216: {  	[tilespmem:s0], [sflag:$0x3] =	stream.indirect.gather [hbm4b:s11+s17], $0x20, s29, s17, $0xb8;
	[tilespmem:$0x1C400] =	vst v63  }
0x217: {  	_ =	swait.ge [sflag:s18], $0x1000  }
0x218: {  	[sflag:s18] =	ssyncset.done $0x0  }
0x219: {  	[sflag:s18] =	ssyncadd.s32 $0xFFFFF000  }
0x21a: {  	_ =	swait.ge [sflag:s18], $0x1000  }
0x21b: {  	[sflag:s18] =	ssyncset.done $0x0  }
0x21c: {  	[sflag:s18] =	ssyncadd.s32 $0xFFFFF000  }
0x21d: {  	_ =	swait.ge [sflag:s18], $0x1000  }
0x21e: {  	[sflag:s18] =	ssyncset.done $0x0  }
0x21f: {  	[sflag:s18] =	ssyncadd.s32 $0xFFFFF000  }
0x220: {  	_ =	swait.ge [sflag:s18], $0x1000  }
0x221: {  	[sflag:s18] =	ssyncset.done $0x0  }
0x222: {  	s2 =	sadd.s32 $0x40, s2;
	[sflag:s18] =	ssyncadd.s32 $0xFFFFF000  }
0x223: {  	p0 =	sne.s32 s2, $0x500;
	s4 =	simm.s32 $0x1C380;
	s29 =	rddreg [dreg:$0x1]  }
0x224: {  	[spmem:s29] =	stream.indirect.scatter.add.f32 [tilespmem:s24], [sflag:$0x5], $0x20, s4, s17, $0xb8;
	[tilespmem:$0x1C400] =	vst v63  }
.Ltmp1:
0x225: {  	s30 =	rddreg [dreg:$0x2];
	(pc) =	sbr.rel @p0 .LBB2_4-.Ltmp1, $4  }
0x226: {  	s24 =	rddreg [dreg:$0x1]  }
0x227: {  	[spmem:s30] =	stream.indirect.scatter.add.f32 [tilespmem:s13], [sflag:$0x5], $0x20, s4, s17, $0xb8;
	[tilespmem:$0x1C400] =	vst v63  }
0x228: {  	s3 =	sadd.s32 $0x200, s3;
	s13 =	rddreg [dreg:$0x2]  }
0x229: {  	[spmem:s6] =	stream.indirect.scatter.add.f32 [tilespmem:s25], [sflag:$0x5], $0x20, s4, s17, $0xb8;
	[tilespmem:$0x1C400] =	vst v63  }
0x22a: {  	[spmem:s12] =	stream.indirect.scatter.add.f32 [tilespmem:s0], [sflag:$0x5], $0x20, s4, s17, $0xb8;
	[tilespmem:$0x1C400] =	vst v63  }
0x22b: {  	_ =	swait.ge [sflag:s1], $0x1000  }
0x22c: {  	[sflag:s1] =	ssyncset.done $0x0  }
0x22d: {  	[sflag:s1] =	ssyncadd.s32 $0xFFFFF000  }
0x22e: {  	_ =	swait.ge [sflag:s1], $0x1000  }
0x22f: {  	[sflag:s1] =	ssyncset.done $0x0  }
0x230: {  	[sflag:s1] =	ssyncadd.s32 $0xFFFFF000  }
0x231: {  	_ =	swait.ge [sflag:s1], $0x1000  }
0x232: {  	[sflag:s1] =	ssyncset.done $0x0  }
0x233: {  	[sflag:s1] =	ssyncadd.s32 $0xFFFFF000  }
0x234: {  	_ =	swait.ge [sflag:s1], $0x1000  }
0x235: {  	[sflag:s1] =	ssyncset.done $0x0  }
0x236: {  	[sflag:s1] =	ssyncadd.s32 $0xFFFFF000  }
0x237: {  	_ =	swait.ge [sflag:s19], $0x1000  }
0x238: {  	[sflag:s19] =	ssyncset.done $0x0  }
0x239: {  	[sflag:s19] =	ssyncadd.s32 $0xFFFFF000  }
0x23a: {  	_ =	swait.ge [sflag:s19], $0x1000  }
0x23b: {  	[sflag:s19] =	ssyncset.done $0x0  }
0x23c: {  	[sflag:s19] =	ssyncadd.s32 $0xFFFFF000  }
0x23d: {  	_ =	swait.ge [sflag:s19], $0x1000  }
0x23e: {  	[sflag:s19] =	ssyncset.done $0x0  }
0x23f: {  	[sflag:s19] =	ssyncadd.s32 $0xFFFFF000  }
0x240: {  	_ =	swait.ge [sflag:s19], $0x1000  }
0x241: {  	[sflag:s19] =	ssyncset.done $0x0  }
0x242: {  	[sflag:s19] =	ssyncadd.s32 $0xFFFFF000  }
0x243: {  	_ =	swait.ge [sflag:s14], $0x80  }
0x244: {  	[sflag:s14] =	ssyncset.done $0x0  }
0x245: {  	[sflag:s14] =	ssyncadd.s32 $0xFFFFFF80  }
0x246: {  	_ =	swait.ge [sflag:s14], $0x80  }
0x247: {  	[sflag:s14] =	ssyncset.done $0x0  }
0x248: {  	[sflag:s14] =	ssyncadd.s32 $0xFFFFFF80  }
0x249: {  	[bflag:$0x0] =	sbarrier.arrive $0xFFFF  }
0x24a: {  	s3 =	rddreg [dreg:$0xf]  }
0x24b: {  	s2 =	simm.s32 $0x14000;
	s0 =	sadd.s32 $0x0, s3  }
0x24c: {  	[tilespmem:s2], [sflag:$0x6] =	stream.linear.gather [spmem:s0], $0x1000, $0x38;
	[tilespmem:$0x1C400] =	vst v63  }
0x24d: {  	_ =	swait.ge [sflag:s28], $0x1000  }
0x24e: {  	s3 =	sld [smem:$0x7FB]  }
0x24f: {  	[sflag:s28] =	ssyncset.done $0x0  }
0x250: {  	[sflag:s28] =	ssyncadd.s32 $0xFFFFF000  }
0x251: {  	[hbm4b:s3+s5] =	stream.linear.scatter [tilespmem:s2], [sflag:$0x6], $0x1000, $0x38;
	[tilespmem:$0x1C400] =	vst v63  }
0x252: {  	_ =	swait.ge [sflag:s28], $0x1000  }
0x253: {  	s16 =	sld [smem:$0x7F7];
	_ =	sdelay $0x1  }
0x254: {  	[sflag:s28] =	ssyncset.done $0x0  }
0x255: {  	s6 =	simm.s32 $0x15000;
	[sflag:s28] =	ssyncadd.s32 $0xFFFFF000;
	s4 =	sadd.s32 $0x0, s16  }
0x256: {  	[tilespmem:s6], [sflag:$0x6] =	stream.linear.gather [spmem:s4], $0x1000, $0x38;
	[tilespmem:$0x1C400] =	vst v63  }
0x257: {  	_ =	swait.ge [sflag:s28], $0x1000  }
0x258: {  	s7 =	sld [smem:$0x7FA]  }
0x259: {  	[sflag:s28] =	ssyncset.done $0x0  }
0x25a: {  	[sflag:s28] =	ssyncadd.s32 $0xFFFFF000  }
0x25b: {  	[hbm4b:s7+s5] =	stream.linear.scatter [tilespmem:s6], [sflag:$0x6], $0x1000, $0x38;
	[tilespmem:$0x1C400] =	vst v63  }
0x25c: {  	_ =	swait.ge [sflag:s28], $0x1000  }
0x25d: {  	s22 =	sld [smem:$0x7FC];
	_ =	sdelay $0x1  }
0x25e: {  	[sflag:s28] =	ssyncset.done $0x0  }
0x25f: {  	s6 =	simm.s32 $0x16000;
	[sflag:s28] =	ssyncadd.s32 $0xFFFFF000;
	s13 =	sadd.s32 $0x0, s22  }
0x260: {  	[tilespmem:s6], [sflag:$0x6] =	stream.linear.gather [spmem:s13], $0x1000, $0x38;
	[tilespmem:$0x1C400] =	vst v63  }
0x261: {  	_ =	swait.ge [sflag:s28], $0x1000  }
0x262: {  	s15 =	sld [smem:$0x7F9]  }
0x263: {  	[sflag:s28] =	ssyncset.done $0x0  }
0x264: {  	[sflag:s28] =	ssyncadd.s32 $0xFFFFF000  }
0x265: {  	[hbm4b:s15+s5] =	stream.linear.scatter [tilespmem:s6], [sflag:$0x6], $0x1000, $0x38;
	[tilespmem:$0x1C400] =	vst v63  }
0x266: {  	_ =	swait.ge [sflag:s28], $0x1000  }
0x267: {  	s24 =	sld [smem:$0x7FD];
	_ =	sdelay $0x1  }
0x268: {  	s23 =	simm.s32 $0x0;
	[sflag:s28] =	ssyncset.done $0x0  }
0x269: {  	s25 =	simm.s32 $0x17000;
	[sflag:s28] =	ssyncadd.s32 $0xFFFFF000;
	s20 =	sadd.s32 $0x0, s24  }
0x26a: {  	[tilespmem:s25], [sflag:$0x6] =	stream.linear.gather [spmem:s20], $0x1000, $0x38;
	[tilespmem:$0x1C400] =	vst v63  }
0x26b: {  	s12 =	simm.s32 $0x8000;
	s29 =	simm.s32 $0x15000;
	_ =	swait.ge [sflag:s28], $0x1000  }
0x26c: {  	s30 =	simm.s32 $0x16000;
	s1 =	simm.s32 $0x4;
	s26 =	sld [smem:$0x7F8]  }
0x26d: {  	s10 =	sadd.s32 $0x200, s3;
	s4 =	sadd.s32 $0x200, s7;
	[sflag:s28] =	ssyncset.done $0x0  }
0x26e: {  	s7 =	simm.s32 $0x17000;
	s5 =	simm.s32 $0x0;
	[sflag:s28] =	ssyncadd.s32 $0xFFFFF000  }
0x26f: {  	[hbm4b:s26+s23] =	stream.linear.scatter [tilespmem:s25], [sflag:$0x6], $0x1000, $0x38;
	[tilespmem:$0x1C400] =	vst v63  }
0x270: {  	s3 =	sadd.s32 $0x200, s15;
	s25 =	simm.s32 $0x1000;
	_ =	swait.ge [sflag:s28], $0x1000  }
0x271: {  	s2 =	sadd.s32 $0x200, s26;
	s26 =	simm.s32 $0x14000;
	[sflag:s28] =	ssyncset.done $0x0  }
.LBB2_6:
0x272: {  	s0 =	rddreg [dreg:$0xf]  }
0x273: {  	[sflag:s28] =	ssyncadd.s32 $0xFFFFF000;
	s6 =	sadd.s32 s25, s0  }
0x274: {  	[tilespmem:s26], [sflag:$0x6] =	stream.linear.gather [spmem:s6], $0x1000, $0x38;
	[tilespmem:$0x1C400] =	vst v63  }
0x275: {  	_ =	swait.ge [sflag:s28], $0x1000  }
0x276: {  	[sflag:s28] =	ssyncset.done $0x0  }
0x277: {  	[sflag:s28] =	ssyncadd.s32 $0xFFFFF000  }
0x278: {  	[hbm4b:s10+s5] =	stream.linear.scatter [tilespmem:s26], [sflag:$0x6], $0x1000, $0x38;
	[tilespmem:$0x1C400] =	vst v63  }
0x279: {  	_ =	swait.ge [sflag:s28], $0x1000  }
0x27a: {  	[sflag:s28] =	ssyncset.done $0x0  }
0x27b: {  	s20 =	sadd.s32 s25, s16;
	[sflag:s28] =	ssyncadd.s32 $0xFFFFF000  }
0x27c: {  	[tilespmem:s29], [sflag:$0x6] =	stream.linear.gather [spmem:s20], $0x1000, $0x38;
	[tilespmem:$0x1C400] =	vst v63  }
0x27d: {  	_ =	swait.ge [sflag:s28], $0x1000  }
0x27e: {  	[sflag:s28] =	ssyncset.done $0x0  }
0x27f: {  	[sflag:s28] =	ssyncadd.s32 $0xFFFFF000  }
0x280: {  	[hbm4b:s4+s5] =	stream.linear.scatter [tilespmem:s29], [sflag:$0x6], $0x1000, $0x38;
	[tilespmem:$0x1C400] =	vst v63  }
0x281: {  	_ =	swait.ge [sflag:s28], $0x1000  }
0x282: {  	[sflag:s28] =	ssyncset.done $0x0  }
0x283: {  	s23 =	sadd.s32 s25, s22;
	[sflag:s28] =	ssyncadd.s32 $0xFFFFF000  }
0x284: {  	[tilespmem:s30], [sflag:$0x6] =	stream.linear.gather [spmem:s23], $0x1000, $0x38;
	[tilespmem:$0x1C400] =	vst v63  }
0x285: {  	_ =	swait.ge [sflag:s28], $0x1000  }
0x286: {  	[sflag:s28] =	ssyncset.done $0x0  }
0x287: {  	[sflag:s28] =	ssyncadd.s32 $0xFFFFF000  }
0x288: {  	[hbm4b:s3+s5] =	stream.linear.scatter [tilespmem:s30], [sflag:$0x6], $0x1000, $0x38;
	[tilespmem:$0x1C400] =	vst v63  }
0x289: {  	_ =	swait.ge [sflag:s28], $0x1000  }
0x28a: {  	[sflag:s28] =	ssyncset.done $0x0  }
0x28b: {  	s13 =	smov.u32 s12;
	s25 =	sadd.s32 s25, s24;
	[sflag:s28] =	ssyncadd.s32 $0xFFFFF000  }
0x28c: {  	[tilespmem:s7], [sflag:$0x6] =	stream.linear.gather [spmem:s25], $0x1000, $0x38;
	[tilespmem:$0x1C400] =	vst v63  }
0x28d: {  	p0 =	sne.s32 s12, $0x10000;
	s6 =	rddreg [dreg:$0xf];
	_ =	swait.ge [sflag:s28], $0x1000  }
.Ltmp2:
0x28e: {  	s15 =	sadd.s32 $0x4000, s12;
	[sflag:s28] =	ssyncset.done $0x0;
	(pc) =	sbr.rel @p0 .LBB2_6-.Ltmp2, $4  }
0x28f: {  	s12 =	smov.u32 s15;
	s10 =	sadd.s32 $0x200, s10;
	[sflag:s28] =	ssyncadd.s32 $0xFFFFF000  }
0x290: {  	[hbm4b:s2+s5] =	stream.linear.scatter [tilespmem:s7], [sflag:$0x6], $0x1000, $0x38;
	[tilespmem:$0x1C400] =	vst v63  }
0x291: {  	s4 =	sadd.s32 $0x200, s4;
	s3 =	sadd.s32 $0x200, s3;
	_ =	swait.ge [sflag:s28], $0x1000  }
0x292: {  	s25 =	sshra.s32 s13, $0x2;
	s2 =	sadd.s32 $0x200, s2;
	[sflag:s28] =	ssyncset.done $0x0  }
0x293: {  	s0 =	sadd.s32 s25, s6;
	[sflag:s28] =	ssyncadd.s32 $0xFFFFF000  }
0x294: {  	[tilespmem:s26], [sflag:$0x6] =	stream.linear.gather [spmem:s0], $0x1000, $0x38;
	[tilespmem:$0x1C400] =	vst v63  }
0x295: {  	_ =	swait.ge [sflag:s28], $0x1000  }
0x296: {  	[sflag:s28] =	ssyncset.done $0x0  }
0x297: {  	[sflag:s28] =	ssyncadd.s32 $0xFFFFF000  }
0x298: {  	[hbm4b:s10+s5] =	stream.linear.scatter [tilespmem:s26], [sflag:$0x6], $0x1000, $0x38;
	[tilespmem:$0x1C400] =	vst v63  }
0x299: {  	_ =	swait.ge [sflag:s28], $0x1000  }
0x29a: {  	[sflag:s28] =	ssyncset.done $0x0  }
0x29b: {  	s20 =	sadd.s32 s25, s16;
	[sflag:s28] =	ssyncadd.s32 $0xFFFFF000  }
0x29c: {  	[tilespmem:s29], [sflag:$0x6] =	stream.linear.gather [spmem:s20], $0x1000, $0x38;
	[tilespmem:$0x1C400] =	vst v63  }
0x29d: {  	_ =	swait.ge [sflag:s28], $0x1000  }
0x29e: {  	[sflag:s28] =	ssyncset.done $0x0  }
0x29f: {  	[sflag:s28] =	ssyncadd.s32 $0xFFFFF000  }
0x2a0: {  	[hbm4b:s4+s5] =	stream.linear.scatter [tilespmem:s29], [sflag:$0x6], $0x1000, $0x38;
	[tilespmem:$0x1C400] =	vst v63  }
0x2a1: {  	_ =	swait.ge [sflag:s28], $0x1000  }
0x2a2: {  	[sflag:s28] =	ssyncset.done $0x0  }
0x2a3: {  	s22 =	sadd.s32 s25, s22;
	[sflag:s28] =	ssyncadd.s32 $0xFFFFF000  }
0x2a4: {  	[tilespmem:s30], [sflag:$0x6] =	stream.linear.gather [spmem:s22], $0x1000, $0x38;
	[tilespmem:$0x1C400] =	vst v63  }
0x2a5: {  	_ =	swait.ge [sflag:s28], $0x1000  }
0x2a6: {  	[sflag:s28] =	ssyncset.done $0x0  }
0x2a7: {  	[sflag:s28] =	ssyncadd.s32 $0xFFFFF000  }
0x2a8: {  	[hbm4b:s3+s5] =	stream.linear.scatter [tilespmem:s30], [sflag:$0x6], $0x1000, $0x38;
	[tilespmem:$0x1C400] =	vst v63  }
0x2a9: {  	_ =	swait.ge [sflag:s28], $0x1000  }
0x2aa: {  	[sflag:s28] =	ssyncset.done $0x0  }
0x2ab: {  	s23 =	sadd.s32 s25, s24;
	[sflag:s28] =	ssyncadd.s32 $0xFFFFF000  }
0x2ac: {  	[tilespmem:s7], [sflag:$0x6] =	stream.linear.gather [spmem:s23], $0x1000, $0x38;
	[tilespmem:$0x1C400] =	vst v63  }
0x2ad: {  	_ =	swait.ge [sflag:s28], $0x1000  }
0x2ae: {  	[sflag:s28] =	ssyncset.done $0x0  }
0x2af: {  	[sflag:s28] =	ssyncadd.s32 $0xFFFFF000  }
0x2b0: {  	[hbm4b:s2+s5] =	stream.linear.scatter [tilespmem:s7], [sflag:$0x6], $0x1000, $0x38;
	[tilespmem:$0x1C400] =	vst v63  }
0x2b1: {  	_ =	swait.ge [sflag:s28], $0x1000  }
0x2b2: {  	s24 =	sld [smem:$0x7EF];
	_ =	sdelay $0x2  }
0x2b3: {  	s25 =	rddreg [dreg:$0x12];
	s2 =	sadd.s32 $0x1, s24  }
0x2b4: {  	p0 =	sne.s32 s2, s25  }
.Ltmp3:
0x2b5: {  	[sflag:s28] =	ssyncset.done $0x0;
	(pc) =	sbr.rel @p0 .LBB2_1-.Ltmp3, $4  }
0x2b6: {  	[sflag:s28] =	ssyncadd.s32 $0xFFFFF000  }
0x2b7: {  	s6 =	rddreg [dreg:$0x3]  }
0x2b8: {  	s16 =	simm.s32 $0x1C000;
	s20 =	simm.s32 $0x1C100;
	s12 =	rddreg [dreg:$0x4]  }
0x2b9: {  	s4 =	simm.s32 $0x1C280;
	s23 =	simm.s32 $0x1C300;
	s25 =	rddreg [dreg:$0x2]  }
0x2ba: {  	_ =	sfence.sel $0x180000  }
0x2bb: {  	[bflag:$0x0] =	sbarrier.arrive $0xFFFF  }
0x2bc: {  	_ =	strace $0x9000004A  }
0x2bd: {  	s0 =	stileid.u32;
	[bflag:$0x2] =	sbarrier.arrive $0xFFFF  }
0x2be: {  	p0 =	sne.s32 s0, $0x0;
	s0 =	rddreg [dreg:$0x5]  }
0x2bf: {  	s0 =	sadd.s32 @!p0 $0x100000, s0  }
0x2c0: {  	[sflag:s0] =	ssyncadd.tile.s32 @!p0 $0x1;
	_ =	shalt  }
.Lfunc_end2:
_tile_overlayer_lowered:
.L_overlay_start_2:
0x2c1: {  	(tag) =	ssettag $0x2  }
0x2c2: {  	s0 =	rddreg [dreg:$0x0];
	s2 =	stileid.u32  }
0x2c3: {  	s1 =	rddreg [dreg:$0x1];
	p0 =	sne.s32 s2, $0x0  }
0x2c4: {  	s3 =	rddreg [dreg:$0x2];
	[bflag:$0x3] =	sbarrier.arrive $0xFFFF;
	s2 =	simm.s32 @!p0 $0x1C06  }
0x2c5: {  	[timem:s3], [sflag:s2] =	dma.local @!p0 [hbm:s0], s1  }
0x2c6: {  	s0 =	simm.s32 @!p0 $0x6  }
0x2c7: {  	_ =	swait.ge @!p0 [sflag:s0], s1  }
0x2c8: {  	s1 =	ssub.s32 @!p0 $0x0, s1;
	[sflag:s0] =	ssyncset.done @!p0 $0x0  }
0x2c9: {  	[sflag:s0] =	ssyncadd.s32 @!p0 s1  }
0x2ca: {  	[bflag:$0x3] =	sbarrier.arrive $0xFFFF  }
0x2cb: {  	_ =	shalt  }

// kernel: kernel.7.cloned.1.call-start
scs
__scs_entry_jumppad:
0x0: {  	(pc) =	sbr.rel $0x88, $3  }
0x1: {  	(tag) =	ssettag $0x0;
	lr =	simm.s32 $0x1  }
0x2: {  	[smem:$0x3F93] =	sst lr;
	_ =	strace $0xD0000000  }
0x3: {  	_ = 	snop  }
0x4: {  	_ = 	snop  }
0x5: {  	_ = 	snop  }
0x6: {  	_ = 	snop  }
0x7: {  	_ = 	snop  }
__scs_overlays_trampoline_lowered:
0x8: {  	[smem:$0x3FA2] =	sst s0  }
0x9: {  	[smem:$0x3FA3] =	sst s1  }
0xa: {  	[smem:$0x3FA4] =	sst s2  }
0xb: {  	[smem:$0x3FA5] =	sst s3  }
0xc: {  	[smem:$0x3FA6] =	sst s4  }
0xd: {  	[smem:$0x3FA7] =	sst s5  }
0xe: {  	[smem:$0x3FA8] =	sst s6  }
0xf: {  	[smem:$0x3FA9] =	sst s7  }
0x10: {  	[smem:$0x3FAA] =	sst s8  }
0x11: {  	[smem:$0x3FAB] =	sst s9;
	s0 =	simm.s32 @!p0 $0x0  }
0x12: {  	s1 =	sld [smem:$0x3F91];
	s0 =	simm.s32 @p0 $0x1  }
0x13: {  	[smem:$0x3FAC] =	sst s0;
	s0 =	simm.s32 @!p1 $0x0  }
0x14: {  	s2 =	sld [smem:$0x3F90];
	s0 =	simm.s32 @p1 $0x1  }
0x15: {  	[smem:$0x3FAD] =	sst s0;
	s0 =	simm.s32 @!p2 $0x0  }
0x16: {  	s3 =	sld [smem:$0x3FDB];
	s0 =	simm.s32 @p2 $0x1  }
0x17: {  	s4 =	simm.s32 $0x1BF5;
	[smem:$0x3FAF] =	sst s0  }
0x18: {  	s0 =	sld [smem:$0x3F92];
	_ =	swait.ge [sflag:s4], $0x0  }
0x19: {  	s7 =	sld [smem:$0x3F93]  }
0x1a: {  	s8 =	sadd.s32 $0xFFFFE003, lr  }
0x1b: {  	s9 =	sadd.s32 $0xFFFFFEF7, lr;
	s5 =	simm.s32 $0xFFFFFFFF;
	p2 =	slt.u32 s8, $0xFFFFF086  }
0x1c: {  	p1 =	slt.u32 s9, $0xF7A;
	s5 =	simm.s32 @!p2 $0x0  }
0x1d: {  	s5 =	simm.s32 @p1 $0x1;
	p0 =	seq.s32 s7, s2  }
0x1e: {  	s7 =	smul.u32 @!p0 $0xF7A, s2;
	p2 =	seq.s32 @!p0 s5, $0x0  }
0x1f: {  	s9 =	smul.u32 $0xF7A, s1;
	s8 =	simm.s32 @!p0 $0x1BF5;
	p2 =	por !p2, p0  }
0x20: {  	[sflag:s8] =	ssyncset.s32 @!p0 $0xFFFFF086;
	s6 =	sadd.s32 @!p0 s3, s7;
	s7 =	simm.s32 @!p0 $0x108  }
0x21: {  	s3 =	sadd.s32 s3, s9;
	s6 =	sadd.s32 @!p0 $0x88, s6;
	s7 =	simm.s32 @p2 $0x1082  }
0x22: {  	[simem:s7], [sflag:s8] =	dma.local @!p0 [hbm:s6], $0xF7A  }
0x23: {  	s9 =	sor.u32 $0xD0000000, s2;
	s6 =	simm.s32 $0x108;
	_ =	swait.ge @!p0 [sflag:s8], $0x0  }
0x24: {  	s3 =	sadd.s32 $0x88, s3;
	s6 =	simm.s32 @!p1 $0x1082;
	[sflag:s4] =	ssyncset.s32 $0xFFFFF086  }
0x25: {  	[simem:s6], [sflag:s4] =	dma.local [hbm:s3], $0xF7A  }
0x26: {  	[smem:$0x3F93] =	sst s1;
	(tag) =	ssettag s2;
	_ =	strace s9  }
0x27: {  	s1 =	sld [smem:$0x3FA3]  }
0x28: {  	s2 =	sld [smem:$0x3FA4]  }
0x29: {  	s4 =	sld [smem:$0x3FA6]  }
0x2a: {  	p0 =	seq.s32 s5, $0x0;
	s5 =	sld [smem:$0x3FA7]  }
0x2b: {  	s6 =	sld [smem:$0x3FA8]  }
0x2c: {  	s7 =	sld [smem:$0x3FA9]  }
0x2d: {  	s3 =	simm.s32 $0x108;
	s8 =	sld [smem:$0x3FAA]  }
0x2e: {  	s3 =	simm.s32 @!p0 $0x1082;
	s9 =	sld [smem:$0x3FAB]  }
0x2f: {  	lr =	sadd.s32 s0, s3;
	s0 =	sld [smem:$0x3FA2]  }
0x30: {  	s3 =	sld [smem:$0x3FA5]  }
0x31: {  	[smem:$0x3FAE] =	sst s10  }
0x32: {  	s10 =	sld [smem:$0x3FAC];
	_ =	sdelay $0x3  }
0x33: {  	p0 =	seq.s32 s10, $0x1;
	s10 =	sld [smem:$0x3FAE];
	_ =	sdelay $0x3  }
0x34: {  	[smem:$0x3FAE] =	sst s10  }
0x35: {  	s10 =	sld [smem:$0x3FAD];
	_ =	sdelay $0x3  }
0x36: {  	p1 =	seq.s32 s10, $0x1;
	s10 =	sld [smem:$0x3FAE];
	_ =	sdelay $0x3  }
0x37: {  	[smem:$0x3FAE] =	sst s10  }
0x38: {  	s10 =	sld [smem:$0x3FAF]  }
0x39: {  	_ = 	snop;
	(pc) =	sbr.ind lr, $3  }
0x3a: {  	_ = 	snop  }
0x3b: {  	_ = 	snop  }
0x3c: {  	p2 =	seq.s32 s10, $0x1;
	s10 =	sld [smem:$0x3FAE]  }
0x3d: {  	_ =	shalt  }
0x3e: {  	_ =	shalt  }
0x3f: {  	_ =	shalt  }
0x40: {  	_ =	shalt  }
0x41: {  	_ =	shalt  }
0x42: {  	_ =	shalt  }
0x43: {  	_ =	shalt  }
0x44: {  	_ =	shalt  }
0x45: {  	_ =	shalt  }
0x46: {  	_ =	shalt  }
0x47: {  	_ =	shalt  }
0x48: {  	_ =	shalt  }
0x49: {  	_ =	shalt  }
0x4a: {  	_ =	shalt  }
0x4b: {  	_ =	shalt  }
0x4c: {  	_ =	shalt  }
0x4d: {  	_ =	shalt  }
0x4e: {  	_ =	shalt  }
0x4f: {  	_ =	shalt  }
0x50: {  	_ =	shalt  }
0x51: {  	_ =	shalt  }
0x52: {  	_ =	shalt  }
0x53: {  	_ =	shalt  }
0x54: {  	_ =	shalt  }
0x55: {  	_ =	shalt  }
0x56: {  	_ =	shalt  }
0x57: {  	_ =	shalt  }
0x58: {  	_ =	shalt  }
0x59: {  	_ =	shalt  }
0x5a: {  	_ =	shalt  }
0x5b: {  	_ =	shalt  }
0x5c: {  	_ =	shalt  }
0x5d: {  	_ =	shalt  }
0x5e: {  	_ =	shalt  }
0x5f: {  	_ =	shalt  }
0x60: {  	_ =	shalt  }
0x61: {  	_ =	shalt  }
0x62: {  	_ =	shalt  }
0x63: {  	_ =	shalt  }
0x64: {  	_ =	shalt  }
0x65: {  	_ =	shalt  }
0x66: {  	_ =	shalt  }
0x67: {  	_ =	shalt  }
0x68: {  	_ =	shalt  }
0x69: {  	_ =	shalt  }
0x6a: {  	_ =	shalt  }
0x6b: {  	_ =	shalt  }
0x6c: {  	_ =	shalt  }
0x6d: {  	_ =	shalt  }
0x6e: {  	_ =	shalt  }
0x6f: {  	_ =	shalt  }
0x70: {  	_ =	shalt  }
0x71: {  	_ =	shalt  }
0x72: {  	_ =	shalt  }
0x73: {  	_ =	shalt  }
0x74: {  	_ =	shalt  }
0x75: {  	_ =	shalt  }
0x76: {  	_ =	shalt  }
0x77: {  	_ =	shalt  }
0x78: {  	_ =	shalt  }
0x79: {  	_ =	shalt  }
0x7a: {  	_ =	shalt  }
0x7b: {  	_ =	shalt  }
0x7c: {  	_ =	shalt  }
0x7d: {  	_ =	shalt  }
0x7e: {  	_ =	shalt  }
0x7f: {  	_ =	shalt  }
0x80: {  	_ =	shalt  }
0x81: {  	_ =	shalt  }
0x82: {  	_ =	shalt  }
0x83: {  	_ =	shalt  }
0x84: {  	_ =	shalt  }
0x85: {  	_ =	shalt  }
0x86: {  	_ =	shalt  }
0x87: {  	_ =	shalt  }
.Lfunc_end0:
.L_simem_size_0:
called_computation_lowered:
.L_overlay_start_0:
0x88: {  	s2 =	sld [smem:$0x3FD9]  }
0x89: {  	s3 =	sld [smem:$0x3FFE];
	_ =	sdelay $0x1  }
0x8a: {  	s1 =	srdreg.scid  }
0x8b: {  	s0 =	sand.u32 $0x1, s1  }
0x8c: {  	s16 =	sshll.u32 s0, $0xA;
	s2 =	sadd.s32 s3, s2  }
0x8d: {  	s2 =	sadd.s32 s2, s16  }
0x8e: {  	[smem:$0x3FBA] =	sst s2  }
0x8f: {  	_ = 	snop  }
0x90: {  	(tm) =	ssettm $0x1  }
0x91: {  	s17 =	sld [smem:$0x3FFB];
	_ =	sdelay $0x3  }
0x92: {  	_ =	strace s17  }
0x93: {  	s2 =	sld [smem:$0x3FFC];
	_ =	sdelay $0x3  }
0x94: {  	_ =	strace s2  }
0x95: {  	s2 =	sld [smem:$0x3FFD];
	_ =	sdelay $0x3  }
0x96: {  	_ =	strace s2  }
0x97: {  	_ =	strace $0x8FFFFFFF  }
0x98: {  	s18 =	sld [smem:$0x3FDB];
	_ =	sdelay $0x1  }
0x99: {  	s19 =	simm.s32 $_scs_section_size  }
0x9a: {  	s4 =	simm.s32 $_size__tile_overlayer_lowered;
	s5 =	simm.s32 $_tile_overlayer_lowered  }
0x9b: {  	s22 =	simm.s32 $0x1BFF;
	s21 =	sshll.u32 s5, $0x1;
	s2 =	sadd.s32 s19, s18  }
0x9c: {  	s6 =	simm.s32 $0x0;
	s20 =	sshll.u32 s4, $0x1;
	s4 =	sadd.s32 s21, s2  }
0x9d: {  	[timem:s6], [sflag:s22] =	dma.local [hbm:s4], s20  }
0x9e: {  	_ =	swait.ge [sflag:s22], s20  }
0x9f: {  	s3 =	ssub.s32 $0x0, s20;
	[sflag:s22] =	ssyncset.done $0x0  }
0xa0: {  	[sflag:s22] =	ssyncadd.s32 s3;
	_ =	sdelay $0x1  }
0xa1: {  	s23 =	simm.s32 $0x1B8B  }
0xa2: {  	_ =	swait.ge [sflag:s23], $0x1  }
0xa3: {  	[sflag:s23] =	ssyncset.done $0x0  }
0xa4: {  	s25 =	simm.s32 $0x1B8E;
	s24 =	sld [smem:$0x3FFE];
	[sflag:s23] =	ssyncadd.s32 $0xFFFFFFFF  }
0xa5: {  	s26 =	simm.s32 $execute0_lowered;
	[smem:$0x3FD2] =	sst s25  }
0xa6: {  	s4 =	sshll.u32 s26, $0x1;
	_ =	strace $0x80000046;
	[dreg:$0x1] =	wrdreg $0xFFFFFFFF  }
0xa7: {  	s28 =	simm.s32 $_size_execute0_lowered;
	s2 =	sadd.s32 s2, s4;
	[dreg:$0x0] =	wrdreg $0x0  }
0xa8: {  	s4 =	sshll.u32 s28, $0x1;
	[dreg:$0x2] =	wrdreg s2  }
0xa9: {  	[dreg:$0x3] =	wrdreg s4  }
0xaa: {  	[dreg:$0x4] =	wrdreg $0xC0  }
0xab: {  	_ =	task [dreg:s6], $0x5FFFF  }
0xac: {  	[dreg:$0x1] =	wrdreg $0xFFFFFFFF  }
0xad: {  	[dreg:$0x0] =	wrdreg $0x60  }
0xae: {  	[dreg:$0x2] =	wrdreg s24  }
0xaf: {  	[dreg:$0x3] =	wrdreg $0x0  }
0xb0: {  	[dreg:$0x4] =	wrdreg $0x50000  }
0xb1: {  	[dreg:$0x5] =	wrdreg $0xA0000  }
0xb2: {  	[dreg:$0x6] =	wrdreg $0xF0000  }
0xb3: {  	[dreg:$0x7] =	wrdreg $0x140000  }
0xb4: {  	[dreg:$0x8] =	wrdreg $0x9  }
0xb5: {  	_ =	task.clear_ibuf [dreg:s6], $0x9FFFF;
	_ =	strace $0x90000046  }
0xb6: {  	s29 =	simm.s32 $0x9;
	_ =	strace $0x80000048  }
0xb7: {  	_ =	swait.ge [sflag:s29], $0x1  }
0xb8: {  	[sflag:s29] =	ssyncadd.s32 $0xFFFFFFFF  }
0xb9: {  	_ =	strace $0x90000048  }
0xba: {  	_ =	sfence  }
0xbb: {  	s30 =	sld [smem:$0x0];
	_ =	sdelay $0x2  }
0xbc: {  	s31 =	sshll.u32 s1, $0xD;
	s1 =	sshrl.u32 s1, $0x2  }
0xbd: {  	s3 =	sand.u32 $0x4000, s31;
	s1 =	sadd.s32 s1, s30  }
0xbe: {  	s0 =	sor.u32 s3, s0;
	s1 =	sshll.u32 s1, $0x11  }
0xbf: {  	s0 =	sor.u32 s1, s0  }
0xc0: {  	s0 =	sadd.s32 $0x8F2B, s0  }
0xc1: {  	[sflag:s0] =	ssyncadd.remote.s32 $0x1  }
0xc2: {  	_ =	sfence.sel $0xFFFF  }
0xc3: {  	[dreg:$0x0] =	wrdreg $0xFFFFFFFF;
	(pc) =	sbr.abs _section_cstart, $3  }
0xc4: {  	[dreg:$0x1] =	wrdreg $0xFFFFFFFF  }
0xc5: {  	_ =	task.clear_ibuf [dreg:s6], $0x2FFFF;
	_ =	strace $0x9FFFFFFF  }
0xc6: {  	(tm) =	ssettm $0x7FFFFFFF  }
0xc7: {  	_ =	shalt  }
tec
execute0_lowered:
.L_overlay_start_1:
0x0: {  	(tag) =	ssettag $0x1  }
0x1: {  	s0 =	rddreg [dreg:$0x0]  }
0x2: {  	s17 =	rddreg [dreg:$0x1]  }
0x3: {  	s22 =	rddreg [dreg:$0x2]  }
0x4: {  	s24 =	rddreg [dreg:$0x3]  }
0x5: {  	s28 =	rddreg [dreg:$0x4]  }
0x6: {  	s8 =	rddreg [dreg:$0x5];
	s6 =	simm.s32 $0x0;
	s1 =	srdreg.scid  }
0x7: {  	s13 =	stileid.u32;
	[smem:$0x7FF] =	sst s6  }
0x8: {  	s1 =	sand.u32 $0x1, s1;
	s4 =	sadd.s32 $0xC1400, s0;
	s5 =	sadd.s32 $0xB7400, s0  }
0x9: {  	s16 =	sadd.s32 $0xAD400, s0;
	s18 =	sadd.s32 $0xA3400, s0;
	s20 =	smul.u32 $0x2800, s13  }
0xa: {  	s29 =	smul.u32 $0x5000, s13;
	_ =	strace $0x80000047;
	[dreg:$0x11] =	wrdreg s4  }
0xb: {  	s15 =	sadd.s32 $0xD5400, s0;
	s2 =	smul.u32 $0xA000, s1;
	[dreg:$0x12] =	wrdreg s5  }
0xc: {  	s3 =	sshll.u32 s1, $0x4;
	s14 =	smul.u32 $0x5000, s1;
	[dreg:$0x13] =	wrdreg s16  }
0xd: {  	[dreg:$0x14] =	wrdreg s18;
	s19 =	smul.u32 $0x28000, s1;
	s16 =	sadd.s32 $0xCB400, s0  }
0xe: {  	s1 =	ssub.s32 $0x2, s1;
	[dreg:$0xe] =	wrdreg s15;
	s3 =	sor.u32 s13, s3  }
0xf: {  	s21 =	sshrl.u32 s1, $0x1;
	[dreg:$0xf] =	wrdreg s16;
	s9 =	smul.u32 $0x2800, s3  }
0x10: {  	s1 =	ssub.s32 s1, s21;
	s3 =	sadd.s32 s20, s19;
	s20 =	sadd.s32 s29, s17  }
0x11: {  	s5 =	smul.u32 $0x280, s13;
	s1 =	smax.u32 s1, $0x1;
	[dreg:$0x18] =	wrdreg s20  }
0x12: {  	s25 =	sor.u32 $0x180, s3;
	s23 =	sshrl.u32 s9, $0x3;
	[dreg:$0x17] =	wrdreg s1  }
0x13: {  	s26 =	sshrl.u32 s25, $0x3;
	s25 =	sadd.s32 s29, s24;
	[dreg:$0xd] =	wrdreg s9  }
0x14: {  	s2 =	sadd.s32 s2, s0;
	s7 =	sadd.s32 s15, s23;
	[dreg:$0x1a] =	wrdreg s25  }
0x15: {  	s11 =	sor.u32 $0x100, s3;
	s4 =	sadd.s32 s16, s23;
	[dreg:$0x15] =	wrdreg s7  }
0x16: {  	s10 =	sshrl.u32 s11, $0x3;
	s1 =	sadd.s32 s26, s15;
	[dreg:$0x16] =	wrdreg s4  }
0x17: {  	s3 =	sor.u32 $0x80, s3;
	s11 =	sadd.s32 s10, s16;
	[dreg:$0x8] =	wrdreg s1  }
0x18: {  	s3 =	sshrl.u32 s3, $0x3;
	s12 =	sadd.s32 s10, s15;
	[dreg:$0x9] =	wrdreg s11  }
0x19: {  	s0 =	sadd.s32 s14, s0;
	s14 =	sadd.s32 s3, s16;
	[dreg:$0xa] =	wrdreg s12  }
0x1a: {  	s21 =	smul.u32 $0xA000, s13;
	s18 =	sadd.s32 s3, s15;
	[dreg:$0xb] =	wrdreg s14  }
0x1b: {  	s19 =	smul.u32 $0xA00, s13;
	s23 =	sadd.s32 s29, s22;
	[dreg:$0xc] =	wrdreg s18  }
0x1c: {  	s7 =	sadd.s32 s26, s16;
	[dreg:$0x19] =	wrdreg s23;
	s1 =	sshrl.u32 s21, $0x2  }
0x1d: {  	s26 =	sadd.s32 $0x80, s5;
	s4 =	sadd.s32 s29, s28;
	[dreg:$0x7] =	wrdreg s7  }
0x1e: {  	[dreg:$0x1b] =	wrdreg s4;
	s1 =	sadd.s32 s1, s8;
	s29 =	sshll.u32 s26, $0x5  }
0x1f: {  	s2 =	sadd.s32 s19, s2;
	[dreg:$0x1c] =	wrdreg s1;
	s7 =	sadd.s32 s29, s17  }
0x20: {  	s16 =	smul.u32 $0x500, s13;
	s10 =	sadd.s32 s29, s22;
	[dreg:$0x1d] =	wrdreg s7  }
0x21: {  	s14 =	sadd.s32 $0x100, s5;
	s11 =	sadd.s32 s29, s24;
	[dreg:$0x1e] =	wrdreg s10  }
0x22: {  	s15 =	sshll.u32 s14, $0x5;
	s1 =	sadd.s32 s29, s28;
	[dreg:$0x1f] =	wrdreg s11  }
0x23: {  	s0 =	sadd.s32 s16, s0;
	s16 =	sadd.s32 s15, s17;
	[smem:$0x7E5] =	sst s1  }
0x24: {  	s21 =	sadd.s32 $0x180, s5;
	s18 =	sadd.s32 s15, s22;
	[smem:$0x7E7] =	sst s16  }
0x25: {  	s3 =	sshll.u32 s14, $0x4;
	s19 =	sadd.s32 s15, s24;
	[smem:$0x7E8] =	sst s18  }
0x26: {  	s23 =	sshll.u32 s21, $0x5;
	s20 =	sadd.s32 s3, s8;
	[smem:$0x7E9] =	sst s19  }
0x27: {  	s12 =	sshll.u32 s26, $0x4;
	s26 =	sadd.s32 s23, s17;
	[smem:$0x7EB] =	sst s20  }
0x28: {  	s29 =	sadd.s32 s23, s22;
	[smem:$0x7EC] =	sst s26  }
0x29: {  	s3 =	sadd.s32 s23, s28;
	[smem:$0x7ED] =	sst s29  }
0x2a: {  	s1 =	sadd.s32 s12, s8;
	[smem:$0x7EF] =	sst s3  }
0x2b: {  	s30 =	simm.s32 $0x3;
	s7 =	sadd.s32 s23, s24;
	[smem:$0x7E6] =	sst s1  }
0x2c: {  	s31 =	simm.s32 $0x4;
	s0 =	sadd.s32 $0xDF400, s0;
	[smem:$0x7EE] =	sst s7  }
0x2d: {  	s25 =	sadd.s32 $0x200, s5;
	s23 =	sadd.s32 $0x125400, s2;
	[smem:$0x7F6] =	sst s0  }
0x2e: {  	s13 =	smul.u32 $0x14000, s13;
	s26 =	sadd.s32 $0xFD400, s2;
	[smem:$0x7F8] =	sst s23  }
0x2f: {  	s5 =	simm.s32 $0x18800;
	s29 =	sadd.s32 $0xE9400, s2;
	[smem:$0x7FA] =	sst s26  }
0x30: {  	s10 =	sshll.u32 s25, $0x5;
	s1 =	sadd.s32 s15, s28;
	[smem:$0x7FB] =	sst s29  }
0x31: {  	s16 =	sshrl.u32 s13, $0x2;
	s11 =	sadd.s32 s10, s17;
	[smem:$0x7EA] =	sst s1  }
0x32: {  	s3 =	simm.s32 $0x5;
	s12 =	sadd.s32 s10, s22;
	[smem:$0x7F1] =	sst s11  }
0x33: {  	s14 =	sadd.s32 s10, s24;
	s15 =	sshll.u32 s25, $0x4;
	[smem:$0x7F2] =	sst s12  }
0x34: {  	s18 =	sadd.s32 s16, s17;
	s19 =	sadd.s32 s16, s22;
	[smem:$0x7F3] =	sst s14  }
0x35: {  	s20 =	sadd.s32 s16, s24;
	s25 =	sadd.s32 $0x111400, s2;
	[dreg:$0x10] =	wrdreg s18  }
0x36: {  	s7 =	simm.s32 $0x19800;
	s2 =	simm.s32 $0x1EA00;
	[smem:$0x7F7] =	sst s19  }
0x37: {  	s23 =	simm.s32 $0x1;
	s1 =	sshll.u32 s21, $0x4;
	[smem:$0x7F9] =	sst s25  }
0x38: {  	s21 =	sadd.s32 s16, s28;
	s18 =	simm.s32 $0x6;
	[smem:$0x7FC] =	sst s20  }
0x39: {  	s19 =	simm.s32 $0x1EC00;
	s1 =	sadd.s32 s1, s8;
	[smem:$0x7FD] =	sst s21  }
0x3a: {  	s14 =	simm.s32 $0x1EA80;
	[smem:$0x7F0] =	sst s1;
	s1 =	sadd.s32 s10, s28  }
0x3b: {  	s16 =	simm.s32 $0x2;
	[smem:$0x7F4] =	sst s1;
	s1 =	sadd.s32 s15, s8  }
0x3c: {  	v0 =	vimm.f32 $0.0e+00;
	v1 =	vimm.f32 $1.000000000e+00;
	s15 =	simm.s32 $0x80;
	[smem:$0x7F5] =	sst s1;
	s1 =	simm.s32 $0x0  }
.LBB2_1:
0x3d: {  	s0 =	simm.s32 $0x0  }
0x3e: {  	[tilespmem:s0+$0x16810] =	vst v0  }
0x3f: {  	[tilespmem:s0+$0x17800] =	vst v0  }
0x40: {  	[tilespmem:s0+$0x17810] =	vst v0  }
0x41: {  	[tilespmem:s0+$0x18800] =	vst v0  }
0x42: {  	[tilespmem:s0+$0x18810] =	vst v0  }
0x43: {  	[tilespmem:s0+$0x19800] =	vst v0  }
0x44: {  	s8 =	smov.u32 s28;
	s28 =	smov.u32 s24;
	[tilespmem:s0+$0x19810] =	vst v0  }
0x45: {  	[smem:$0x7E4] =	sst s1;
	s4 =	simm.s32 $0x80;
	[tilespmem:s0+$0x16800] =	vst v0;
	s0 =	simm.s32 $0x1EC00  }
.LBB2_2:
0x46: {  	s1 =	sshra.s32 s4, $0x2;
	p0 =	sne.s32 s4, $0x3F80;
	[tilespmem:s0+$0x0] =	vst v0  }
0x47: {  	[tilespmem:s1+$0x16810] =	vst v0  }
0x48: {  	[tilespmem:s1+$0x17800] =	vst v0  }
0x49: {  	[tilespmem:s1+$0x17810] =	vst v0  }
.Ltmp0:
0x4a: {  	[tilespmem:s1+$0x18800] =	vst v0;
	(pc) =	sbr.rel @p0 .LBB2_2-.Ltmp0, $4  }
0x4b: {  	[tilespmem:s1+$0x18810] =	vst v0  }
0x4c: {  	[tilespmem:s1+$0x19800] =	vst v0  }
0x4d: {  	[tilespmem:s1+$0x19810] =	vst v0  }
0x4e: {  	s4 =	sadd.s32 $0x80, s4;
	s0 =	sadd.s32 $0x10, s0;
	[tilespmem:s1+$0x16800] =	vst v0  }
0x4f: {  	[tilespmem:s0+$0x0] =	vst v0;
	s20 =	rddreg [dreg:$0x18];
	s1 =	simm.s32 $0x16800  }
0x50: {  	[spmem:s20] =	stream.linear.scatter [tilespmem:s1], [sflag:$0x6], $0x1000, $0x38;
	[tilespmem:$0x1F400] =	vst v63  }
0x51: {  	_ =	swait.ge [sflag:s18], $0x1000  }
0x52: {  	[sflag:s18] =	ssyncset.done $0x0  }
0x53: {  	s20 =	simm.s32 $0x17800;
	s21 =	rddreg [dreg:$0x19];
	[sflag:s18] =	ssyncadd.s32 $0xFFFFF000  }
0x54: {  	[spmem:s21] =	stream.linear.scatter [tilespmem:s20], [sflag:$0x6], $0x1000, $0x38;
	[tilespmem:$0x1F400] =	vst v63  }
0x55: {  	_ =	swait.ge [sflag:s18], $0x1000  }
0x56: {  	[sflag:s18] =	ssyncset.done $0x0  }
0x57: {  	s24 =	rddreg [dreg:$0x1a];
	[sflag:s18] =	ssyncadd.s32 $0xFFFFF000  }
0x58: {  	[spmem:s24] =	stream.linear.scatter [tilespmem:s5], [sflag:$0x6], $0x1000, $0x38;
	[tilespmem:$0x1F400] =	vst v63  }
0x59: {  	_ =	swait.ge [sflag:s18], $0x1000  }
0x5a: {  	[sflag:s18] =	ssyncset.done $0x0  }
0x5b: {  	s25 =	rddreg [dreg:$0x1b];
	[sflag:s18] =	ssyncadd.s32 $0xFFFFF000  }
0x5c: {  	[spmem:s25] =	stream.linear.scatter [tilespmem:s7], [sflag:$0x6], $0x1000, $0x38;
	[tilespmem:$0x1F400] =	vst v63  }
0x5d: {  	_ =	swait.ge [sflag:s18], $0x1000  }
0x5e: {  	[sflag:s18] =	ssyncset.done $0x0  }
0x5f: {  	s26 =	rddreg [dreg:$0x1c];
	[sflag:s18] =	ssyncadd.s32 $0xFFFFF000  }
0x60: {  	[spmem:s26] =	stream.linear.scatter [tilespmem:s19], [sflag:$0x6], $0x800, $0x38;
	[tilespmem:$0x1F400] =	vst v63  }
0x61: {  	_ =	swait.ge [sflag:s18], $0x800  }
0x62: {  	[sflag:s18] =	ssyncset.done $0x0  }
0x63: {  	s4 =	rddreg [dreg:$0x1d];
	[sflag:s18] =	ssyncadd.s32 $0xFFFFF800  }
0x64: {  	[spmem:s4] =	stream.linear.scatter [tilespmem:s1], [sflag:$0x6], $0x1000, $0x38;
	[tilespmem:$0x1F400] =	vst v63  }
0x65: {  	_ =	swait.ge [sflag:s18], $0x1000  }
0x66: {  	[sflag:s18] =	ssyncset.done $0x0  }
0x67: {  	s9 =	rddreg [dreg:$0x1e];
	[sflag:s18] =	ssyncadd.s32 $0xFFFFF000  }
0x68: {  	[spmem:s9] =	stream.linear.scatter [tilespmem:s20], [sflag:$0x6], $0x1000, $0x38;
	[tilespmem:$0x1F400] =	vst v63  }
0x69: {  	_ =	swait.ge [sflag:s18], $0x1000  }
0x6a: {  	[sflag:s18] =	ssyncset.done $0x0  }
0x6b: {  	s10 =	rddreg [dreg:$0x1f];
	[sflag:s18] =	ssyncadd.s32 $0xFFFFF000  }
0x6c: {  	[spmem:s10] =	stream.linear.scatter [tilespmem:s5], [sflag:$0x6], $0x1000, $0x38;
	[tilespmem:$0x1F400] =	vst v63  }
0x6d: {  	_ =	swait.ge [sflag:s18], $0x1000  }
0x6e: {  	s11 =	sld [smem:$0x7E5]  }
0x6f: {  	[sflag:s18] =	ssyncset.done $0x0  }
0x70: {  	[sflag:s18] =	ssyncadd.s32 $0xFFFFF000  }
0x71: {  	[spmem:s11] =	stream.linear.scatter [tilespmem:s7], [sflag:$0x6], $0x1000, $0x38;
	[tilespmem:$0x1F400] =	vst v63  }
0x72: {  	_ =	swait.ge [sflag:s18], $0x1000  }
0x73: {  	s12 =	sld [smem:$0x7E6]  }
0x74: {  	[sflag:s18] =	ssyncset.done $0x0  }
0x75: {  	[sflag:s18] =	ssyncadd.s32 $0xFFFFF000  }
0x76: {  	[spmem:s12] =	stream.linear.scatter [tilespmem:s19], [sflag:$0x6], $0x800, $0x38;
	[tilespmem:$0x1F400] =	vst v63  }
0x77: {  	_ =	swait.ge [sflag:s18], $0x800  }
0x78: {  	s13 =	sld [smem:$0x7E7]  }
0x79: {  	[sflag:s18] =	ssyncset.done $0x0  }
0x7a: {  	[sflag:s18] =	ssyncadd.s32 $0xFFFFF800  }
0x7b: {  	[spmem:s13] =	stream.linear.scatter [tilespmem:s1], [sflag:$0x6], $0x1000, $0x38;
	[tilespmem:$0x1F400] =	vst v63  }
0x7c: {  	_ =	swait.ge [sflag:s18], $0x1000  }
0x7d: {  	s21 =	sld [smem:$0x7E8]  }
0x7e: {  	[sflag:s18] =	ssyncset.done $0x0  }
0x7f: {  	[sflag:s18] =	ssyncadd.s32 $0xFFFFF000  }
0x80: {  	[spmem:s21] =	stream.linear.scatter [tilespmem:s20], [sflag:$0x6], $0x1000, $0x38;
	[tilespmem:$0x1F400] =	vst v63  }
0x81: {  	_ =	swait.ge [sflag:s18], $0x1000  }
0x82: {  	s24 =	sld [smem:$0x7E9]  }
0x83: {  	[sflag:s18] =	ssyncset.done $0x0  }
0x84: {  	[sflag:s18] =	ssyncadd.s32 $0xFFFFF000  }
0x85: {  	[spmem:s24] =	stream.linear.scatter [tilespmem:s5], [sflag:$0x6], $0x1000, $0x38;
	[tilespmem:$0x1F400] =	vst v63  }
0x86: {  	_ =	swait.ge [sflag:s18], $0x1000  }
0x87: {  	s25 =	sld [smem:$0x7EA]  }
0x88: {  	[sflag:s18] =	ssyncset.done $0x0  }
0x89: {  	[sflag:s18] =	ssyncadd.s32 $0xFFFFF000  }
0x8a: {  	[spmem:s25] =	stream.linear.scatter [tilespmem:s7], [sflag:$0x6], $0x1000, $0x38;
	[tilespmem:$0x1F400] =	vst v63  }
0x8b: {  	_ =	swait.ge [sflag:s18], $0x1000  }
0x8c: {  	s26 =	sld [smem:$0x7EB]  }
0x8d: {  	[sflag:s18] =	ssyncset.done $0x0  }
0x8e: {  	[sflag:s18] =	ssyncadd.s32 $0xFFFFF000  }
0x8f: {  	[spmem:s26] =	stream.linear.scatter [tilespmem:s19], [sflag:$0x6], $0x800, $0x38;
	[tilespmem:$0x1F400] =	vst v63  }
0x90: {  	_ =	swait.ge [sflag:s18], $0x800  }
0x91: {  	s4 =	sld [smem:$0x7EC]  }
0x92: {  	[sflag:s18] =	ssyncset.done $0x0  }
0x93: {  	[sflag:s18] =	ssyncadd.s32 $0xFFFFF800  }
0x94: {  	[spmem:s4] =	stream.linear.scatter [tilespmem:s1], [sflag:$0x6], $0x1000, $0x38;
	[tilespmem:$0x1F400] =	vst v63  }
0x95: {  	_ =	swait.ge [sflag:s18], $0x1000  }
0x96: {  	s9 =	sld [smem:$0x7ED]  }
0x97: {  	[sflag:s18] =	ssyncset.done $0x0  }
0x98: {  	[sflag:s18] =	ssyncadd.s32 $0xFFFFF000  }
0x99: {  	[spmem:s9] =	stream.linear.scatter [tilespmem:s20], [sflag:$0x6], $0x1000, $0x38;
	[tilespmem:$0x1F400] =	vst v63  }
0x9a: {  	_ =	swait.ge [sflag:s18], $0x1000  }
0x9b: {  	s10 =	sld [smem:$0x7EE]  }
0x9c: {  	[sflag:s18] =	ssyncset.done $0x0  }
0x9d: {  	[sflag:s18] =	ssyncadd.s32 $0xFFFFF000  }
0x9e: {  	[spmem:s10] =	stream.linear.scatter [tilespmem:s5], [sflag:$0x6], $0x1000, $0x38;
	[tilespmem:$0x1F400] =	vst v63  }
0x9f: {  	_ =	swait.ge [sflag:s18], $0x1000  }
0xa0: {  	s11 =	sld [smem:$0x7EF]  }
0xa1: {  	[sflag:s18] =	ssyncset.done $0x0  }
0xa2: {  	[sflag:s18] =	ssyncadd.s32 $0xFFFFF000  }
0xa3: {  	[spmem:s11] =	stream.linear.scatter [tilespmem:s7], [sflag:$0x6], $0x1000, $0x38;
	[tilespmem:$0x1F400] =	vst v63  }
0xa4: {  	_ =	swait.ge [sflag:s18], $0x1000  }
0xa5: {  	s12 =	sld [smem:$0x7F0]  }
0xa6: {  	[sflag:s18] =	ssyncset.done $0x0  }
0xa7: {  	[sflag:s18] =	ssyncadd.s32 $0xFFFFF000  }
0xa8: {  	[spmem:s12] =	stream.linear.scatter [tilespmem:s19], [sflag:$0x6], $0x800, $0x38;
	[tilespmem:$0x1F400] =	vst v63  }
0xa9: {  	_ =	swait.ge [sflag:s18], $0x800  }
0xaa: {  	s13 =	sld [smem:$0x7F1]  }
0xab: {  	[sflag:s18] =	ssyncset.done $0x0  }
0xac: {  	[sflag:s18] =	ssyncadd.s32 $0xFFFFF800  }
0xad: {  	[spmem:s13] =	stream.linear.scatter [tilespmem:s1], [sflag:$0x6], $0x1000, $0x38;
	[tilespmem:$0x1F400] =	vst v63  }
0xae: {  	_ =	swait.ge [sflag:s18], $0x1000  }
0xaf: {  	s21 =	sld [smem:$0x7F2]  }
0xb0: {  	[sflag:s18] =	ssyncset.done $0x0  }
0xb1: {  	[sflag:s18] =	ssyncadd.s32 $0xFFFFF000  }
0xb2: {  	[spmem:s21] =	stream.linear.scatter [tilespmem:s20], [sflag:$0x6], $0x1000, $0x38;
	[tilespmem:$0x1F400] =	vst v63  }
0xb3: {  	_ =	swait.ge [sflag:s18], $0x1000  }
0xb4: {  	s24 =	sld [smem:$0x7F3]  }
0xb5: {  	[sflag:s18] =	ssyncset.done $0x0  }
0xb6: {  	[sflag:s18] =	ssyncadd.s32 $0xFFFFF000  }
0xb7: {  	[spmem:s24] =	stream.linear.scatter [tilespmem:s5], [sflag:$0x6], $0x1000, $0x38;
	[tilespmem:$0x1F400] =	vst v63  }
0xb8: {  	_ =	swait.ge [sflag:s18], $0x1000  }
0xb9: {  	s25 =	sld [smem:$0x7F4]  }
0xba: {  	[sflag:s18] =	ssyncset.done $0x0  }
0xbb: {  	[sflag:s18] =	ssyncadd.s32 $0xFFFFF000  }
0xbc: {  	[spmem:s25] =	stream.linear.scatter [tilespmem:s7], [sflag:$0x6], $0x1000, $0x38;
	[tilespmem:$0x1F400] =	vst v63  }
0xbd: {  	_ =	swait.ge [sflag:s18], $0x1000  }
0xbe: {  	s26 =	sld [smem:$0x7F5]  }
0xbf: {  	[sflag:s18] =	ssyncset.done $0x0  }
0xc0: {  	[sflag:s18] =	ssyncadd.s32 $0xFFFFF000  }
0xc1: {  	[spmem:s26] =	stream.linear.scatter [tilespmem:s19], [sflag:$0x6], $0x800, $0x38;
	[tilespmem:$0x1F400] =	vst v63  }
0xc2: {  	_ =	swait.ge [sflag:s18], $0x800  }
0xc3: {  	s9 =	rddreg [dreg:$0x11]  }
0xc4: {  	s0 =	simm.s32 $0x40;
	s29 =	rddreg [dreg:$0x12]  }
0xc5: {  	s1 =	simm.s32 $0x0;
	[sflag:s18] =	ssyncset.done $0x0;
	s12 =	rddreg [dreg:$0x13]  }
0xc6: {  	s7 =	simm.s32 $0x1E900;
	s21 =	rddreg [dreg:$0x14];
	[sflag:s18] =	ssyncadd.s32 $0xFFFFF800  }
.LBB2_4:
0xc7: {  	p0 =	sne.s32 s0, $0x1FC0;
	[tilespmem:s1+$0x1EC00] =	vst v1;
	s1 =	smov.u32 s0;
	s0 =	sadd.s32 $0x40, s0  }
.Ltmp1:
0xc8: {  	(pc) =	sbr.rel @p0 .LBB2_4-.Ltmp1, $2  }
0xc9: {  	_ =	sdelay $0x2  }
0xca: {  	s1 =	sshra.s32 s1, $0x2  }
0xcb: {  	[tilespmem:s1+$0x1EC00] =	vst v1  }
0xcc: {  	[bflag:$0x0] =	sbarrier.arrive $0xFFFF  }
0xcd: {  	s0 =	simm.s32 $0x0;
	s4 =	simm.s32 $0x1E800;
	s13 =	rddreg [dreg:$0x15]  }
0xce: {  	[tilespmem:s4], [sflag:$0x1] =	stream.linear.gather [hbm4b:s13+s0], $0x80, $0x38;
	[tilespmem:$0x1F400] =	vst v63  }
0xcf: {  	s24 =	rddreg [dreg:$0x16]  }
0xd0: {  	[tilespmem:s2], [sflag:$0x1] =	stream.linear.gather [hbm4b:s24+s0], $0x80, $0x38;
	[tilespmem:$0x1F400] =	vst v63  }
0xd1: {  	_ =	swait.ge [sflag:s23], $0x80  }
0xd2: {  	[sflag:s23] =	ssyncset.done $0x0  }
0xd3: {  	[sflag:s23] =	ssyncadd.s32 $0xFFFFFF80  }
0xd4: {  	_ =	swait.ge [sflag:s23], $0x80  }
0xd5: {  	p0 =	por $0x1, $0x1;
	[sflag:s23] =	ssyncset.done $0x0  }
0xd6: {  	s0 =	simm.s32 @!p0 $0x4;
	[sflag:s23] =	ssyncadd.s32 $0xFFFFFF80  }
0xd7: {  	_ =	swait.ge @!p0 [sflag:s0], $0x1000  }
0xd8: {  	[sflag:s0] =	ssyncset.done @!p0 $0x0  }
0xd9: {  	[sflag:s0] =	ssyncadd.s32 @!p0 $0xFFFFF000  }
0xda: {  	_ =	swait.ge @!p0 [sflag:s0], $0x1000  }
0xdb: {  	[sflag:s0] =	ssyncset.done @!p0 $0x0  }
0xdc: {  	[sflag:s0] =	ssyncadd.s32 @!p0 $0xFFFFF000  }
0xdd: {  	_ =	swait.ge @!p0 [sflag:s0], $0x1000  }
0xde: {  	[sflag:s0] =	ssyncset.done @!p0 $0x0  }
0xdf: {  	[sflag:s0] =	ssyncadd.s32 @!p0 $0xFFFFF000  }
0xe0: {  	_ =	swait.ge @!p0 [sflag:s0], $0x1000  }
0xe1: {  	[sflag:s0] =	ssyncset.done @!p0 $0x0  }
0xe2: {  	[sflag:s0] =	ssyncadd.s32 @!p0 $0xFFFFF000  }
0xe3: {  	_ =	swait.ge @!p0 [sflag:s0], $0x800  }
0xe4: {  	s13 =	simm.s32 $0x1E880;
	s25 =	rddreg [dreg:$0xc];
	[sflag:s0] =	ssyncset.done @!p0 $0x0  }
0xe5: {  	s26 =	rddreg [dreg:$0xb];
	[sflag:s0] =	ssyncadd.s32 @!p0 $0xFFFFF800;
	s5 =	sadd.s32 $0x0, s25  }
0xe6: {  	[tilespmem:s13], [sflag:$0x1] =	stream.linear.gather [hbm4b:s5+s6], $0x80, $0x38;
	[tilespmem:$0x1F400] =	vst v63  }
0xe7: {  	s10 =	sadd.s32 $0x0, s26  }
0xe8: {  	[tilespmem:s14], [sflag:$0x1] =	stream.linear.gather [hbm4b:s10+s6], $0x80, $0x38;
	[tilespmem:$0x1F400] =	vst v63  }
0xe9: {  	s11 =	simm.s32 $0x16800;
	s14 =	simm.s32 $0x1E800  }
0xea: {  	[tilespmem:s11], [sflag:$0x2] =	stream.indirect.gather [hbm4b:s9+s15], $0x20, s14, s15, $0xb8;
	[tilespmem:$0x1F400] =	vst v63  }
0xeb: {  	_ = 	snop  }
0xec: {  	[tilespmem:s20], [sflag:$0x2] =	stream.indirect.gather [hbm4b:s29+s15], $0x20, s14, s15, $0xb8;
	[tilespmem:$0x1F400] =	vst v63  }
0xed: {  	s10 =	simm.s32 $0x18800  }
0xee: {  	[tilespmem:s10], [sflag:$0x2] =	stream.indirect.gather [hbm4b:s12+s15], $0x20, s14, s15, $0xb8;
	[tilespmem:$0x1F400] =	vst v63  }
0xef: {  	s25 =	simm.s32 $0x19800  }
0xf0: {  	[tilespmem:s25], [sflag:$0x2] =	stream.indirect.gather [hbm4b:s21+s15], $0x20, s14, s15, $0xb8;
	[tilespmem:$0x1F400] =	vst v63  }
0xf1: {  	_ =	swait.ge [sflag:s16], $0x1000  }
0xf2: {  	[sflag:s16] =	ssyncset.done $0x0  }
0xf3: {  	[sflag:s16] =	ssyncadd.s32 $0xFFFFF000  }
0xf4: {  	_ =	swait.ge [sflag:s16], $0x1000  }
0xf5: {  	[sflag:s16] =	ssyncset.done $0x0  }
0xf6: {  	[sflag:s16] =	ssyncadd.s32 $0xFFFFF000  }
0xf7: {  	_ =	swait.ge [sflag:s16], $0x1000  }
0xf8: {  	[sflag:s16] =	ssyncset.done $0x0  }
0xf9: {  	[sflag:s16] =	ssyncadd.s32 $0xFFFFF000  }
0xfa: {  	_ =	swait.ge [sflag:s16], $0x1000  }
0xfb: {  	[sflag:s16] =	ssyncset.done $0x0  }
0xfc: {  	s24 =	simm.s32 $0x16800;
	[sflag:s16] =	ssyncadd.s32 $0xFFFFF000  }
0xfd: {  	[spmem:s17] =	stream.indirect.scatter.add.f32 [tilespmem:s24], [sflag:$0x4], $0x20, s2, s15, $0xb8;
	[tilespmem:$0x1F400] =	vst v63  }
0xfe: {  	_ = 	snop  }
0xff: {  	[spmem:s22] =	stream.indirect.scatter.add.f32 [tilespmem:s20], [sflag:$0x4], $0x20, s2, s15, $0xb8;
	[tilespmem:$0x1F400] =	vst v63  }
0x100: {  	s11 =	simm.s32 $0x18800  }
0x101: {  	[spmem:s28] =	stream.indirect.scatter.add.f32 [tilespmem:s11], [sflag:$0x4], $0x20, s2, s15, $0xb8;
	[tilespmem:$0x1F400] =	vst v63  }
0x102: {  	_ = 	snop  }
0x103: {  	[spmem:s8] =	stream.indirect.scatter.add.f32 [tilespmem:s25], [sflag:$0x4], $0x20, s2, s15, $0xb8;
	[tilespmem:$0x1F400] =	vst v63  }
0x104: {  	s5 =	smov.u32 s17;
	s17 =	rddreg [dreg:$0x5]  }
0x105: {  	[spmem:s17] =	stream.indirect.scatter.add.f32 [tilespmem:s19], [sflag:$0x4], $0x10, s2, s15, $0xb8;
	[tilespmem:$0x1F400] =	vst v63  }
0x106: {  	_ =	swait.ge [sflag:s23], $0x80  }
0x107: {  	[sflag:s23] =	ssyncset.done $0x0  }
0x108: {  	[sflag:s23] =	ssyncadd.s32 $0xFFFFFF80  }
0x109: {  	_ =	swait.ge [sflag:s23], $0x80  }
0x10a: {  	[sflag:s23] =	ssyncset.done $0x0  }
0x10b: {  	s0 =	simm.s32 @!p0 $0x5;
	[sflag:s23] =	ssyncadd.s32 $0xFFFFFF80  }
0x10c: {  	_ =	swait.ge @!p0 [sflag:s0], $0x1000  }
0x10d: {  	[sflag:s0] =	ssyncset.done @!p0 $0x0  }
0x10e: {  	[sflag:s0] =	ssyncadd.s32 @!p0 $0xFFFFF000  }
0x10f: {  	_ =	swait.ge @!p0 [sflag:s0], $0x1000  }
0x110: {  	[sflag:s0] =	ssyncset.done @!p0 $0x0  }
0x111: {  	[sflag:s0] =	ssyncadd.s32 @!p0 $0xFFFFF000  }
0x112: {  	_ =	swait.ge @!p0 [sflag:s0], $0x1000  }
0x113: {  	[sflag:s0] =	ssyncset.done @!p0 $0x0  }
0x114: {  	[sflag:s0] =	ssyncadd.s32 @!p0 $0xFFFFF000  }
0x115: {  	_ =	swait.ge @!p0 [sflag:s0], $0x1000  }
0x116: {  	[sflag:s0] =	ssyncset.done @!p0 $0x0  }
0x117: {  	[sflag:s0] =	ssyncadd.s32 @!p0 $0xFFFFF000  }
0x118: {  	s20 =	smov.u32 s28;
	s28 =	smov.u32 s8;
	_ =	swait.ge @!p0 [sflag:s0], $0x800  }
0x119: {  	s11 =	simm.s32 $0x0;
	s14 =	rddreg [dreg:$0xa];
	[sflag:s0] =	ssyncset.done @!p0 $0x0  }
0x11a: {  	s24 =	rddreg [dreg:$0x9];
	[sflag:s0] =	ssyncadd.s32 @!p0 $0xFFFFF800;
	s1 =	sadd.s32 $0x0, s14  }
0x11b: {  	[tilespmem:s7], [sflag:$0x1] =	stream.linear.gather [hbm4b:s1+s6], $0x80, $0x38;
	[tilespmem:$0x1F400] =	vst v63  }
0x11c: {  	s8 =	smov.u32 s9;
	s9 =	simm.s32 $0x1EB00;
	s7 =	sadd.s32 $0x0, s24  }
0x11d: {  	[tilespmem:s9], [sflag:$0x1] =	stream.linear.gather [hbm4b:s7+s11], $0x80, $0x38;
	[tilespmem:$0x1F400] =	vst v63  }
0x11e: {  	s10 =	smov.u32 s12;
	s12 =	simm.s32 $0x1A800  }
0x11f: {  	[tilespmem:s12], [sflag:$0x3] =	stream.indirect.gather [hbm4b:s8+s15], $0x20, s13, s15, $0xb8;
	[tilespmem:$0x1F400] =	vst v63  }
0x120: {  	s7 =	simm.s32 $0x1B800  }
0x121: {  	[tilespmem:s7], [sflag:$0x3] =	stream.indirect.gather [hbm4b:s29+s15], $0x20, s13, s15, $0xb8;
	[tilespmem:$0x1F400] =	vst v63  }
0x122: {  	s14 =	simm.s32 $0x1C800  }
0x123: {  	[tilespmem:s14], [sflag:$0x3] =	stream.indirect.gather [hbm4b:s10+s15], $0x20, s13, s15, $0xb8;
	[tilespmem:$0x1F400] =	vst v63  }
0x124: {  	s24 =	simm.s32 $0x1D800  }
0x125: {  	[tilespmem:s24], [sflag:$0x3] =	stream.indirect.gather [hbm4b:s21+s15], $0x20, s13, s15, $0xb8;
	[tilespmem:$0x1F400] =	vst v63  }
0x126: {  	_ =	swait.ge [sflag:s30], $0x1000  }
0x127: {  	[sflag:s30] =	ssyncset.done $0x0  }
0x128: {  	[sflag:s30] =	ssyncadd.s32 $0xFFFFF000  }
0x129: {  	_ =	swait.ge [sflag:s30], $0x1000  }
0x12a: {  	[sflag:s30] =	ssyncset.done $0x0  }
0x12b: {  	[sflag:s30] =	ssyncadd.s32 $0xFFFFF000  }
0x12c: {  	_ =	swait.ge [sflag:s30], $0x1000  }
0x12d: {  	[sflag:s30] =	ssyncset.done $0x0  }
0x12e: {  	[sflag:s30] =	ssyncadd.s32 $0xFFFFF000  }
0x12f: {  	_ =	swait.ge [sflag:s30], $0x1000  }
0x130: {  	[sflag:s30] =	ssyncset.done $0x0  }
0x131: {  	s26 =	simm.s32 $0x1EA80;
	[sflag:s30] =	ssyncadd.s32 $0xFFFFF000  }
0x132: {  	[spmem:s5] =	stream.indirect.scatter.add.f32 [tilespmem:s12], [sflag:$0x5], $0x20, s26, s15, $0xb8;
	[tilespmem:$0x1F400] =	vst v63  }
0x133: {  	_ = 	snop  }
0x134: {  	[spmem:s22] =	stream.indirect.scatter.add.f32 [tilespmem:s7], [sflag:$0x5], $0x20, s26, s15, $0xb8;
	[tilespmem:$0x1F400] =	vst v63  }
0x135: {  	_ = 	snop  }
0x136: {  	[spmem:s20] =	stream.indirect.scatter.add.f32 [tilespmem:s14], [sflag:$0x5], $0x20, s26, s15, $0xb8;
	[tilespmem:$0x1F400] =	vst v63  }
0x137: {  	_ = 	snop  }
0x138: {  	[spmem:s28] =	stream.indirect.scatter.add.f32 [tilespmem:s24], [sflag:$0x5], $0x20, s26, s15, $0xb8;
	[tilespmem:$0x1F400] =	vst v63  }
0x139: {  	_ = 	snop  }
0x13a: {  	[spmem:s17] =	stream.indirect.scatter.add.f32 [tilespmem:s19], [sflag:$0x5], $0x10, s26, s15, $0xb8;
	[tilespmem:$0x1F400] =	vst v63  }
0x13b: {  	_ =	swait.ge [sflag:s23], $0x80  }
0x13c: {  	[sflag:s23] =	ssyncset.done $0x0  }
0x13d: {  	[sflag:s23] =	ssyncadd.s32 $0xFFFFFF80  }
0x13e: {  	_ =	swait.ge [sflag:s23], $0x80  }
0x13f: {  	[sflag:s23] =	ssyncset.done $0x0  }
0x140: {  	[sflag:s23] =	ssyncadd.s32 $0xFFFFFF80  }
0x141: {  	_ =	swait.ge [sflag:s31], $0x1000  }
0x142: {  	[sflag:s31] =	ssyncset.done $0x0  }
0x143: {  	[sflag:s31] =	ssyncadd.s32 $0xFFFFF000  }
0x144: {  	_ =	swait.ge [sflag:s31], $0x1000  }
0x145: {  	[sflag:s31] =	ssyncset.done $0x0  }
0x146: {  	[sflag:s31] =	ssyncadd.s32 $0xFFFFF000  }
0x147: {  	_ =	swait.ge [sflag:s31], $0x1000  }
0x148: {  	[sflag:s31] =	ssyncset.done $0x0  }
0x149: {  	[sflag:s31] =	ssyncadd.s32 $0xFFFFF000  }
0x14a: {  	_ =	swait.ge [sflag:s31], $0x1000  }
0x14b: {  	[sflag:s31] =	ssyncset.done $0x0  }
0x14c: {  	[sflag:s31] =	ssyncadd.s32 $0xFFFFF000  }
0x14d: {  	_ =	swait.ge [sflag:s31], $0x800  }
0x14e: {  	s13 =	rddreg [dreg:$0x8]  }
0x14f: {  	[sflag:s31] =	ssyncset.done $0x0;
	s26 =	rddreg [dreg:$0x7]  }
0x150: {  	[sflag:s31] =	ssyncadd.s32 $0xFFFFF800;
	s0 =	sadd.s32 $0x0, s13;
	s13 =	simm.s32 $0x1E980  }
0x151: {  	[tilespmem:s13], [sflag:$0x1] =	stream.linear.gather [hbm4b:s0+s11], $0x80, $0x38;
	[tilespmem:$0x1F400] =	vst v63  }
0x152: {  	s26 =	sadd.s32 $0x0, s26;
	s31 =	simm.s32 $0x1EB80  }
0x153: {  	[tilespmem:s31], [sflag:$0x1] =	stream.linear.gather [hbm4b:s26+s11], $0x80, $0x38;
	[tilespmem:$0x1F400] =	vst v63  }
0x154: {  	s6 =	simm.s32 $0x1E900;
	s26 =	simm.s32 $0x16800  }
0x155: {  	[tilespmem:s26], [sflag:$0x2] =	stream.indirect.gather [hbm4b:s8+s15], $0x20, s6, s15, $0xb8;
	[tilespmem:$0x1F400] =	vst v63  }
0x156: {  	s4 =	simm.s32 $0x17800  }
0x157: {  	[tilespmem:s4], [sflag:$0x2] =	stream.indirect.gather [hbm4b:s29+s15], $0x20, s6, s15, $0xb8;
	[tilespmem:$0x1F400] =	vst v63  }
0x158: {  	s31 =	simm.s32 $0x18800  }
0x159: {  	[tilespmem:s31], [sflag:$0x2] =	stream.indirect.gather [hbm4b:s10+s15], $0x20, s6, s15, $0xb8;
	[tilespmem:$0x1F400] =	vst v63  }
0x15a: {  	_ = 	snop  }
0x15b: {  	[tilespmem:s25], [sflag:$0x2] =	stream.indirect.gather [hbm4b:s21+s15], $0x20, s6, s15, $0xb8;
	[tilespmem:$0x1F400] =	vst v63  }
0x15c: {  	_ =	swait.ge [sflag:s16], $0x1000  }
0x15d: {  	[sflag:s16] =	ssyncset.done $0x0  }
0x15e: {  	[sflag:s16] =	ssyncadd.s32 $0xFFFFF000  }
0x15f: {  	_ =	swait.ge [sflag:s16], $0x1000  }
0x160: {  	[sflag:s16] =	ssyncset.done $0x0  }
0x161: {  	[sflag:s16] =	ssyncadd.s32 $0xFFFFF000  }
0x162: {  	_ =	swait.ge [sflag:s16], $0x1000  }
0x163: {  	[sflag:s16] =	ssyncset.done $0x0  }
0x164: {  	[sflag:s16] =	ssyncadd.s32 $0xFFFFF000  }
0x165: {  	_ =	swait.ge [sflag:s16], $0x1000  }
0x166: {  	[sflag:s16] =	ssyncset.done $0x0  }
0x167: {  	[sflag:s16] =	ssyncadd.s32 $0xFFFFF000  }
0x168: {  	[spmem:s5] =	stream.indirect.scatter.add.f32 [tilespmem:s26], [sflag:$0x4], $0x20, s9, s15, $0xb8;
	[tilespmem:$0x1F400] =	vst v63  }
0x169: {  	_ = 	snop  }
0x16a: {  	[spmem:s22] =	stream.indirect.scatter.add.f32 [tilespmem:s4], [sflag:$0x4], $0x20, s9, s15, $0xb8;
	[tilespmem:$0x1F400] =	vst v63  }
0x16b: {  	_ = 	snop  }
0x16c: {  	[spmem:s20] =	stream.indirect.scatter.add.f32 [tilespmem:s31], [sflag:$0x4], $0x20, s9, s15, $0xb8;
	[tilespmem:$0x1F400] =	vst v63  }
0x16d: {  	_ = 	snop  }
0x16e: {  	[spmem:s28] =	stream.indirect.scatter.add.f32 [tilespmem:s25], [sflag:$0x4], $0x20, s9, s15, $0xb8;
	[tilespmem:$0x1F400] =	vst v63  }
0x16f: {  	_ = 	snop  }
0x170: {  	[spmem:s17] =	stream.indirect.scatter.add.f32 [tilespmem:s19], [sflag:$0x4], $0x10, s9, s15, $0xb8;
	[tilespmem:$0x1F400] =	vst v63  }
0x171: {  	_ =	swait.ge [sflag:s23], $0x80  }
0x172: {  	[sflag:s23] =	ssyncset.done $0x0  }
0x173: {  	[sflag:s23] =	ssyncadd.s32 $0xFFFFFF80  }
0x174: {  	_ =	swait.ge [sflag:s23], $0x80  }
0x175: {  	[sflag:s23] =	ssyncset.done $0x0  }
0x176: {  	[sflag:s23] =	ssyncadd.s32 $0xFFFFFF80  }
0x177: {  	_ =	swait.ge [sflag:s3], $0x1000  }
0x178: {  	[sflag:s3] =	ssyncset.done $0x0  }
0x179: {  	[sflag:s3] =	ssyncadd.s32 $0xFFFFF000  }
0x17a: {  	_ =	swait.ge [sflag:s3], $0x1000  }
0x17b: {  	[sflag:s3] =	ssyncset.done $0x0  }
0x17c: {  	[sflag:s3] =	ssyncadd.s32 $0xFFFFF000  }
0x17d: {  	_ =	swait.ge [sflag:s3], $0x1000  }
0x17e: {  	[sflag:s3] =	ssyncset.done $0x0  }
0x17f: {  	[sflag:s3] =	ssyncadd.s32 $0xFFFFF000  }
0x180: {  	_ =	swait.ge [sflag:s3], $0x1000  }
0x181: {  	[sflag:s3] =	ssyncset.done $0x0  }
0x182: {  	[sflag:s3] =	ssyncadd.s32 $0xFFFFF000  }
0x183: {  	p0 =	por $0x0, $0x0;
	s0 =	simm.s32 $0x200;
	_ =	swait.ge [sflag:s3], $0x800  }
0x184: {  	s0 =	simm.s32 @p0 $0x0;
	s9 =	rddreg [dreg:$0xd]  }
0x185: {  	s6 =	simm.s32 $0x0;
	s26 =	simm.s32 $0x1E800;
	s0 =	sadd.s32 s9, s0  }
0x186: {  	[sflag:s3] =	ssyncset.done $0x0;
	s11 =	rddreg [dreg:$0xe];
	s0 =	sshrl.u32 s0, $0x3  }
0x187: {  	s31 =	rddreg [dreg:$0xf];
	[sflag:s3] =	ssyncadd.s32 $0xFFFFF800;
	s25 =	sadd.s32 s11, s0  }
0x188: {  	[tilespmem:s26], [sflag:$0x1] =	stream.linear.gather [hbm4b:s25+s6], $0x80, $0x38;
	[tilespmem:$0x1F400] =	vst v63  }
0x189: {  	s0 =	sadd.s32 s31, s0  }
0x18a: {  	[tilespmem:s2], [sflag:$0x1] =	stream.linear.gather [hbm4b:s0+s6], $0x80, $0x38;
	[tilespmem:$0x1F400] =	vst v63  }
0x18b: {  	_ = 	snop  }
0x18c: {  	[tilespmem:s12], [sflag:$0x3] =	stream.indirect.gather [hbm4b:s8+s15], $0x20, s13, s15, $0xb8;
	[tilespmem:$0x1F400] =	vst v63  }
0x18d: {  	_ = 	snop  }
0x18e: {  	[tilespmem:s7], [sflag:$0x3] =	stream.indirect.gather [hbm4b:s29+s15], $0x20, s13, s15, $0xb8;
	[tilespmem:$0x1F400] =	vst v63  }
0x18f: {  	_ = 	snop  }
0x190: {  	[tilespmem:s14], [sflag:$0x3] =	stream.indirect.gather [hbm4b:s10+s15], $0x20, s13, s15, $0xb8;
	[tilespmem:$0x1F400] =	vst v63  }
0x191: {  	_ = 	snop  }
0x192: {  	[tilespmem:s24], [sflag:$0x3] =	stream.indirect.gather [hbm4b:s21+s15], $0x20, s13, s15, $0xb8;
	[tilespmem:$0x1F400] =	vst v63  }
0x193: {  	_ =	swait.ge [sflag:s30], $0x1000  }
0x194: {  	[sflag:s30] =	ssyncset.done $0x0  }
0x195: {  	[sflag:s30] =	ssyncadd.s32 $0xFFFFF000  }
0x196: {  	_ =	swait.ge [sflag:s30], $0x1000  }
0x197: {  	[sflag:s30] =	ssyncset.done $0x0  }
0x198: {  	[sflag:s30] =	ssyncadd.s32 $0xFFFFF000  }
0x199: {  	_ =	swait.ge [sflag:s30], $0x1000  }
0x19a: {  	[sflag:s30] =	ssyncset.done $0x0  }
0x19b: {  	[sflag:s30] =	ssyncadd.s32 $0xFFFFF000  }
0x19c: {  	_ =	swait.ge [sflag:s30], $0x1000  }
0x19d: {  	[sflag:s30] =	ssyncset.done $0x0  }
0x19e: {  	s0 =	simm.s32 $0x1EB80;
	[sflag:s30] =	ssyncadd.s32 $0xFFFFF000  }
0x19f: {  	[spmem:s5] =	stream.indirect.scatter.add.f32 [tilespmem:s12], [sflag:$0x5], $0x20, s0, s15, $0xb8;
	[tilespmem:$0x1F400] =	vst v63  }
0x1a0: {  	_ = 	snop  }
0x1a1: {  	[spmem:s22] =	stream.indirect.scatter.add.f32 [tilespmem:s7], [sflag:$0x5], $0x20, s0, s15, $0xb8;
	[tilespmem:$0x1F400] =	vst v63  }
0x1a2: {  	s4 =	simm.s32 $0x40  }
0x1a3: {  	[spmem:s20] =	stream.indirect.scatter.add.f32 [tilespmem:s14], [sflag:$0x5], $0x20, s0, s15, $0xb8;
	[tilespmem:$0x1F400] =	vst v63  }
0x1a4: {  	s3 =	simm.s32 $0x4;
	s2 =	simm.s32 $0x5;
	s5 =	simm.s32 $0x400  }
0x1a5: {  	[spmem:s28] =	stream.indirect.scatter.add.f32 [tilespmem:s24], [sflag:$0x5], $0x20, s0, s15, $0xb8;
	[tilespmem:$0x1F400] =	vst v63  }
.LBB2_6:
0x1a6: {  	[spmem:s17] =	stream.indirect.scatter.add.f32 [tilespmem:s19], [sflag:$0x5], $0x10, s0, s15, $0xb8;
	[tilespmem:$0x1F400] =	vst v63  }
0x1a7: {  	_ =	swait.ge [sflag:s23], $0x80  }
0x1a8: {  	[sflag:s23] =	ssyncset.done $0x0  }
0x1a9: {  	[sflag:s23] =	ssyncadd.s32 $0xFFFFFF80  }
0x1aa: {  	s13 =	smov.u32 s4;
	_ =	swait.ge [sflag:s23], $0x80  }
0x1ab: {  	p1 =	seq.s32 s13, $0x0;
	[sflag:s23] =	ssyncset.done $0x0  }
0x1ac: {  	s0 =	simm.s32 @!p1 $0x4;
	[sflag:s23] =	ssyncadd.s32 $0xFFFFFF80  }
0x1ad: {  	_ =	swait.ge @!p1 [sflag:s0], $0x1000  }
0x1ae: {  	[sflag:s0] =	ssyncset.done @!p1 $0x0  }
0x1af: {  	[sflag:s0] =	ssyncadd.s32 @!p1 $0xFFFFF000  }
0x1b0: {  	_ =	swait.ge @!p1 [sflag:s0], $0x1000  }
0x1b1: {  	[sflag:s0] =	ssyncset.done @!p1 $0x0  }
0x1b2: {  	[sflag:s0] =	ssyncadd.s32 @!p1 $0xFFFFF000  }
0x1b3: {  	_ =	swait.ge @!p1 [sflag:s0], $0x1000  }
0x1b4: {  	[sflag:s0] =	ssyncset.done @!p1 $0x0  }
0x1b5: {  	[sflag:s0] =	ssyncadd.s32 @!p1 $0xFFFFF000  }
0x1b6: {  	_ =	swait.ge @!p1 [sflag:s0], $0x1000  }
0x1b7: {  	[sflag:s0] =	ssyncset.done @!p1 $0x0  }
0x1b8: {  	[sflag:s0] =	ssyncadd.s32 @!p1 $0xFFFFF000  }
0x1b9: {  	_ =	swait.ge @!p1 [sflag:s0], $0x800  }
0x1ba: {  	s20 =	simm.s32 $0x1E880;
	s1 =	rddreg [dreg:$0xc];
	[sflag:s0] =	ssyncset.done @!p1 $0x0  }
0x1bb: {  	s14 =	rddreg [dreg:$0xb];
	[sflag:s0] =	ssyncadd.s32 @!p1 $0xFFFFF800;
	s24 =	sadd.s32 s13, s1  }
0x1bc: {  	[tilespmem:s20], [sflag:$0x1] =	stream.linear.gather [hbm4b:s24+s6], $0x80, $0x38;
	[tilespmem:$0x1F400] =	vst v63  }
0x1bd: {  	s26 =	simm.s32 $0x1EA80;
	s25 =	sadd.s32 s13, s14  }
0x1be: {  	[tilespmem:s26], [sflag:$0x1] =	stream.linear.gather [hbm4b:s25+s6], $0x80, $0x38;
	[tilespmem:$0x1F400] =	vst v63  }
0x1bf: {  	s17 =	simm.s32 $0x16800;
	s28 =	simm.s32 $0x1E800;
	s9 =	rddreg [dreg:$0x11]  }
0x1c0: {  	[tilespmem:s17], [sflag:$0x2] =	stream.indirect.gather [hbm4b:s9+s15], $0x20, s28, s15, $0xb8;
	[tilespmem:$0x1F400] =	vst v63  }
0x1c1: {  	s29 =	simm.s32 $0x17800;
	s10 =	rddreg [dreg:$0x12]  }
0x1c2: {  	[tilespmem:s29], [sflag:$0x2] =	stream.indirect.gather [hbm4b:s10+s15], $0x20, s28, s15, $0xb8;
	[tilespmem:$0x1F400] =	vst v63  }
0x1c3: {  	s7 =	simm.s32 $0x18800;
	s12 =	rddreg [dreg:$0x13]  }
0x1c4: {  	[tilespmem:s7], [sflag:$0x2] =	stream.indirect.gather [hbm4b:s12+s15], $0x20, s28, s15, $0xb8;
	[tilespmem:$0x1F400] =	vst v63  }
0x1c5: {  	s21 =	simm.s32 $0x19800;
	s25 =	rddreg [dreg:$0x14]  }
0x1c6: {  	[tilespmem:s21], [sflag:$0x2] =	stream.indirect.gather [hbm4b:s25+s15], $0x20, s28, s15, $0xb8;
	[tilespmem:$0x1F400] =	vst v63  }
0x1c7: {  	_ =	swait.ge [sflag:s16], $0x1000  }
0x1c8: {  	[sflag:s16] =	ssyncset.done $0x0  }
0x1c9: {  	[sflag:s16] =	ssyncadd.s32 $0xFFFFF000  }
0x1ca: {  	_ =	swait.ge [sflag:s16], $0x1000  }
0x1cb: {  	[sflag:s16] =	ssyncset.done $0x0  }
0x1cc: {  	[sflag:s16] =	ssyncadd.s32 $0xFFFFF000  }
0x1cd: {  	_ =	swait.ge [sflag:s16], $0x1000  }
0x1ce: {  	[sflag:s16] =	ssyncset.done $0x0  }
0x1cf: {  	[sflag:s16] =	ssyncadd.s32 $0xFFFFF000  }
0x1d0: {  	_ =	swait.ge [sflag:s16], $0x1000  }
0x1d1: {  	[sflag:s16] =	ssyncset.done $0x0  }
0x1d2: {  	[sflag:s16] =	ssyncadd.s32 $0xFFFFF000  }
0x1d3: {  	s7 =	simm.s32 $0x1EA00;
	s22 =	rddreg [dreg:$0x1]  }
0x1d4: {  	[spmem:s22] =	stream.indirect.scatter.add.f32 [tilespmem:s17], [sflag:$0x4], $0x20, s7, s15, $0xb8;
	[tilespmem:$0x1F400] =	vst v63  }
0x1d5: {  	s31 =	simm.s32 $0x17800;
	s29 =	rddreg [dreg:$0x2]  }
0x1d6: {  	[spmem:s29] =	stream.indirect.scatter.add.f32 [tilespmem:s31], [sflag:$0x4], $0x20, s7, s15, $0xb8;
	[tilespmem:$0x1F400] =	vst v63  }
0x1d7: {  	s8 =	simm.s32 $0x18800;
	s28 =	rddreg [dreg:$0x3]  }
0x1d8: {  	[spmem:s28] =	stream.indirect.scatter.add.f32 [tilespmem:s8], [sflag:$0x4], $0x20, s7, s15, $0xb8;
	[tilespmem:$0x1F400] =	vst v63  }
0x1d9: {  	s8 =	rddreg [dreg:$0x4]  }
0x1da: {  	[spmem:s8] =	stream.indirect.scatter.add.f32 [tilespmem:s21], [sflag:$0x4], $0x20, s7, s15, $0xb8;
	[tilespmem:$0x1F400] =	vst v63  }
0x1db: {  	s14 =	simm.s32 $0x1EC00;
	s11 =	rddreg [dreg:$0x5]  }
0x1dc: {  	[spmem:s11] =	stream.indirect.scatter.add.f32 [tilespmem:s14], [sflag:$0x4], $0x10, s7, s15, $0xb8;
	[tilespmem:$0x1F400] =	vst v63  }
0x1dd: {  	_ =	swait.ge [sflag:s23], $0x80  }
0x1de: {  	[sflag:s23] =	ssyncset.done $0x0  }
0x1df: {  	[sflag:s23] =	ssyncadd.s32 $0xFFFFFF80  }
0x1e0: {  	_ =	swait.ge [sflag:s23], $0x80  }
0x1e1: {  	[sflag:s23] =	ssyncset.done $0x0  }
0x1e2: {  	s0 =	simm.s32 @!p1 $0x5;
	[sflag:s23] =	ssyncadd.s32 $0xFFFFFF80  }
0x1e3: {  	_ =	swait.ge @!p1 [sflag:s0], $0x1000  }
0x1e4: {  	[sflag:s0] =	ssyncset.done @!p1 $0x0  }
0x1e5: {  	[sflag:s0] =	ssyncadd.s32 @!p1 $0xFFFFF000  }
0x1e6: {  	_ =	swait.ge @!p1 [sflag:s0], $0x1000  }
0x1e7: {  	[sflag:s0] =	ssyncset.done @!p1 $0x0  }
0x1e8: {  	[sflag:s0] =	ssyncadd.s32 @!p1 $0xFFFFF000  }
0x1e9: {  	_ =	swait.ge @!p1 [sflag:s0], $0x1000  }
0x1ea: {  	[sflag:s0] =	ssyncset.done @!p1 $0x0  }
0x1eb: {  	[sflag:s0] =	ssyncadd.s32 @!p1 $0xFFFFF000  }
0x1ec: {  	_ =	swait.ge @!p1 [sflag:s0], $0x1000  }
0x1ed: {  	[sflag:s0] =	ssyncset.done @!p1 $0x0  }
0x1ee: {  	[sflag:s0] =	ssyncadd.s32 @!p1 $0xFFFFF000  }
0x1ef: {  	_ =	swait.ge @!p1 [sflag:s0], $0x800  }
0x1f0: {  	s19 =	rddreg [dreg:$0xa]  }
0x1f1: {  	s6 =	simm.s32 $0x1E900;
	[sflag:s0] =	ssyncset.done @!p1 $0x0;
	s24 =	rddreg [dreg:$0x9]  }
0x1f2: {  	[sflag:s0] =	ssyncadd.s32 @!p1 $0xFFFFF800;
	s31 =	sadd.s32 s13, s19;
	s19 =	simm.s32 $0x0  }
0x1f3: {  	[tilespmem:s6], [sflag:$0x1] =	stream.linear.gather [hbm4b:s31+s19], $0x80, $0x38;
	[tilespmem:$0x1F400] =	vst v63  }
0x1f4: {  	s14 =	simm.s32 $0x1EB00;
	s1 =	sadd.s32 s13, s24  }
0x1f5: {  	[tilespmem:s14], [sflag:$0x1] =	stream.linear.gather [hbm4b:s1+s19], $0x80, $0x38;
	[tilespmem:$0x1F400] =	vst v63  }
0x1f6: {  	s31 =	simm.s32 $0x1A800  }
0x1f7: {  	[tilespmem:s31], [sflag:$0x3] =	stream.indirect.gather [hbm4b:s9+s15], $0x20, s20, s15, $0xb8;
	[tilespmem:$0x1F400] =	vst v63  }
0x1f8: {  	s24 =	simm.s32 $0x1B800  }
0x1f9: {  	[tilespmem:s24], [sflag:$0x3] =	stream.indirect.gather [hbm4b:s10+s15], $0x20, s20, s15, $0xb8;
	[tilespmem:$0x1F400] =	vst v63  }
0x1fa: {  	s11 =	simm.s32 $0x1C800  }
0x1fb: {  	[tilespmem:s11], [sflag:$0x3] =	stream.indirect.gather [hbm4b:s12+s15], $0x20, s20, s15, $0xb8;
	[tilespmem:$0x1F400] =	vst v63  }
0x1fc: {  	s11 =	simm.s32 $0x1D800  }
0x1fd: {  	[tilespmem:s11], [sflag:$0x3] =	stream.indirect.gather [hbm4b:s25+s15], $0x20, s20, s15, $0xb8;
	[tilespmem:$0x1F400] =	vst v63  }
0x1fe: {  	_ =	swait.ge [sflag:s30], $0x1000  }
0x1ff: {  	[sflag:s30] =	ssyncset.done $0x0  }
0x200: {  	[sflag:s30] =	ssyncadd.s32 $0xFFFFF000  }
0x201: {  	_ =	swait.ge [sflag:s30], $0x1000  }
0x202: {  	[sflag:s30] =	ssyncset.done $0x0  }
0x203: {  	[sflag:s30] =	ssyncadd.s32 $0xFFFFF000  }
0x204: {  	_ =	swait.ge [sflag:s30], $0x1000  }
0x205: {  	[sflag:s30] =	ssyncset.done $0x0  }
0x206: {  	[sflag:s30] =	ssyncadd.s32 $0xFFFFF000  }
0x207: {  	_ =	swait.ge [sflag:s30], $0x1000  }
0x208: {  	[sflag:s30] =	ssyncset.done $0x0  }
0x209: {  	[sflag:s30] =	ssyncadd.s32 $0xFFFFF000  }
0x20a: {  	[spmem:s22] =	stream.indirect.scatter.add.f32 [tilespmem:s31], [sflag:$0x5], $0x20, s26, s15, $0xb8;
	[tilespmem:$0x1F400] =	vst v63  }
0x20b: {  	_ = 	snop  }
0x20c: {  	[spmem:s29] =	stream.indirect.scatter.add.f32 [tilespmem:s24], [sflag:$0x5], $0x20, s26, s15, $0xb8;
	[tilespmem:$0x1F400] =	vst v63  }
0x20d: {  	s1 =	simm.s32 $0x1C800  }
0x20e: {  	[spmem:s28] =	stream.indirect.scatter.add.f32 [tilespmem:s1], [sflag:$0x5], $0x20, s26, s15, $0xb8;
	[tilespmem:$0x1F400] =	vst v63  }
0x20f: {  	_ = 	snop  }
0x210: {  	[spmem:s8] =	stream.indirect.scatter.add.f32 [tilespmem:s11], [sflag:$0x5], $0x20, s26, s15, $0xb8;
	[tilespmem:$0x1F400] =	vst v63  }
0x211: {  	s20 =	simm.s32 $0x1EC00;
	s1 =	rddreg [dreg:$0x5]  }
0x212: {  	[spmem:s1] =	stream.indirect.scatter.add.f32 [tilespmem:s20], [sflag:$0x5], $0x10, s26, s15, $0xb8;
	[tilespmem:$0x1F400] =	vst v63  }
0x213: {  	_ =	swait.ge [sflag:s23], $0x80  }
0x214: {  	[sflag:s23] =	ssyncset.done $0x0  }
0x215: {  	[sflag:s23] =	ssyncadd.s32 $0xFFFFFF80  }
0x216: {  	_ =	swait.ge [sflag:s23], $0x80  }
0x217: {  	[sflag:s23] =	ssyncset.done $0x0  }
0x218: {  	[sflag:s23] =	ssyncadd.s32 $0xFFFFFF80  }
0x219: {  	_ =	swait.ge [sflag:s3], $0x1000  }
0x21a: {  	[sflag:s3] =	ssyncset.done $0x0  }
0x21b: {  	[sflag:s3] =	ssyncadd.s32 $0xFFFFF000  }
0x21c: {  	_ =	swait.ge [sflag:s3], $0x1000  }
0x21d: {  	[sflag:s3] =	ssyncset.done $0x0  }
0x21e: {  	[sflag:s3] =	ssyncadd.s32 $0xFFFFF000  }
0x21f: {  	_ =	swait.ge [sflag:s3], $0x1000  }
0x220: {  	[sflag:s3] =	ssyncset.done $0x0  }
0x221: {  	[sflag:s3] =	ssyncadd.s32 $0xFFFFF000  }
0x222: {  	_ =	swait.ge [sflag:s3], $0x1000  }
0x223: {  	[sflag:s3] =	ssyncset.done $0x0  }
0x224: {  	[sflag:s3] =	ssyncadd.s32 $0xFFFFF000  }
0x225: {  	_ =	swait.ge [sflag:s3], $0x800  }
0x226: {  	s20 =	rddreg [dreg:$0x8]  }
0x227: {  	[sflag:s3] =	ssyncset.done $0x0;
	s26 =	rddreg [dreg:$0x7]  }
0x228: {  	[sflag:s3] =	ssyncadd.s32 $0xFFFFF800;
	s0 =	sadd.s32 s13, s20;
	s20 =	simm.s32 $0x1E980  }
0x229: {  	[tilespmem:s20], [sflag:$0x1] =	stream.linear.gather [hbm4b:s0+s19], $0x80, $0x38;
	[tilespmem:$0x1F400] =	vst v63  }
0x22a: {  	s1 =	sadd.s32 s13, s26;
	s26 =	simm.s32 $0x1EB80  }
0x22b: {  	[tilespmem:s26], [sflag:$0x1] =	stream.linear.gather [hbm4b:s1+s19], $0x80, $0x38;
	[tilespmem:$0x1F400] =	vst v63  }
0x22c: {  	_ = 	snop  }
0x22d: {  	[tilespmem:s17], [sflag:$0x2] =	stream.indirect.gather [hbm4b:s9+s15], $0x20, s6, s15, $0xb8;
	[tilespmem:$0x1F400] =	vst v63  }
0x22e: {  	s19 =	simm.s32 $0x17800  }
0x22f: {  	[tilespmem:s19], [sflag:$0x2] =	stream.indirect.gather [hbm4b:s10+s15], $0x20, s6, s15, $0xb8;
	[tilespmem:$0x1F400] =	vst v63  }
0x230: {  	s26 =	simm.s32 $0x18800  }
0x231: {  	[tilespmem:s26], [sflag:$0x2] =	stream.indirect.gather [hbm4b:s12+s15], $0x20, s6, s15, $0xb8;
	[tilespmem:$0x1F400] =	vst v63  }
0x232: {  	_ = 	snop  }
0x233: {  	[tilespmem:s21], [sflag:$0x2] =	stream.indirect.gather [hbm4b:s25+s15], $0x20, s6, s15, $0xb8;
	[tilespmem:$0x1F400] =	vst v63  }
0x234: {  	_ =	swait.ge [sflag:s16], $0x1000  }
0x235: {  	[sflag:s16] =	ssyncset.done $0x0  }
0x236: {  	[sflag:s16] =	ssyncadd.s32 $0xFFFFF000  }
0x237: {  	_ =	swait.ge [sflag:s16], $0x1000  }
0x238: {  	[sflag:s16] =	ssyncset.done $0x0  }
0x239: {  	[sflag:s16] =	ssyncadd.s32 $0xFFFFF000  }
0x23a: {  	_ =	swait.ge [sflag:s16], $0x1000  }
0x23b: {  	[sflag:s16] =	ssyncset.done $0x0  }
0x23c: {  	[sflag:s16] =	ssyncadd.s32 $0xFFFFF000  }
0x23d: {  	_ =	swait.ge [sflag:s16], $0x1000  }
0x23e: {  	[sflag:s16] =	ssyncset.done $0x0  }
0x23f: {  	[sflag:s16] =	ssyncadd.s32 $0xFFFFF000  }
0x240: {  	[spmem:s22] =	stream.indirect.scatter.add.f32 [tilespmem:s17], [sflag:$0x4], $0x20, s14, s15, $0xb8;
	[tilespmem:$0x1F400] =	vst v63  }
0x241: {  	_ = 	snop  }
0x242: {  	[spmem:s29] =	stream.indirect.scatter.add.f32 [tilespmem:s19], [sflag:$0x4], $0x20, s14, s15, $0xb8;
	[tilespmem:$0x1F400] =	vst v63  }
0x243: {  	_ = 	snop  }
0x244: {  	[spmem:s28] =	stream.indirect.scatter.add.f32 [tilespmem:s26], [sflag:$0x4], $0x20, s14, s15, $0xb8;
	[tilespmem:$0x1F400] =	vst v63  }
0x245: {  	_ = 	snop  }
0x246: {  	[spmem:s8] =	stream.indirect.scatter.add.f32 [tilespmem:s21], [sflag:$0x4], $0x20, s14, s15, $0xb8;
	[tilespmem:$0x1F400] =	vst v63  }
0x247: {  	s17 =	rddreg [dreg:$0x5];
	s19 =	simm.s32 $0x1EC00  }
0x248: {  	[spmem:s17] =	stream.indirect.scatter.add.f32 [tilespmem:s19], [sflag:$0x4], $0x10, s14, s15, $0xb8;
	[tilespmem:$0x1F400] =	vst v63  }
0x249: {  	_ =	swait.ge [sflag:s23], $0x80  }
0x24a: {  	[sflag:s23] =	ssyncset.done $0x0  }
0x24b: {  	[sflag:s23] =	ssyncadd.s32 $0xFFFFFF80  }
0x24c: {  	_ =	swait.ge [sflag:s23], $0x80  }
0x24d: {  	[sflag:s23] =	ssyncset.done $0x0  }
0x24e: {  	[sflag:s23] =	ssyncadd.s32 $0xFFFFFF80  }
0x24f: {  	_ =	swait.ge [sflag:s2], $0x1000  }
0x250: {  	[sflag:s2] =	ssyncset.done $0x0  }
0x251: {  	[sflag:s2] =	ssyncadd.s32 $0xFFFFF000  }
0x252: {  	_ =	swait.ge [sflag:s2], $0x1000  }
0x253: {  	[sflag:s2] =	ssyncset.done $0x0  }
0x254: {  	[sflag:s2] =	ssyncadd.s32 $0xFFFFF000  }
0x255: {  	_ =	swait.ge [sflag:s2], $0x1000  }
0x256: {  	[sflag:s2] =	ssyncset.done $0x0  }
0x257: {  	[sflag:s2] =	ssyncadd.s32 $0xFFFFF000  }
0x258: {  	_ =	swait.ge [sflag:s2], $0x1000  }
0x259: {  	[sflag:s2] =	ssyncset.done $0x0  }
0x25a: {  	[sflag:s2] =	ssyncadd.s32 $0xFFFFF000  }
0x25b: {  	p1 =	seq.s32 s13, $0x4C0;
	s0 =	smov.u32 s5;
	_ =	swait.ge [sflag:s2], $0x800  }
0x25c: {  	s0 =	simm.s32 @p1 $0x0;
	s26 =	rddreg [dreg:$0xd]  }
0x25d: {  	s6 =	simm.s32 $0x0;
	s14 =	simm.s32 $0x1E800;
	s0 =	sadd.s32 s26, s0  }
0x25e: {  	[sflag:s2] =	ssyncset.done $0x0;
	s13 =	rddreg [dreg:$0xe];
	s0 =	sshrl.u32 s0, $0x3  }
0x25f: {  	s21 =	rddreg [dreg:$0xf];
	[sflag:s2] =	ssyncadd.s32 $0xFFFFF800;
	s1 =	sadd.s32 s13, s0  }
0x260: {  	[tilespmem:s14], [sflag:$0x1] =	stream.linear.gather [hbm4b:s1+s6], $0x80, $0x38;
	[tilespmem:$0x1F400] =	vst v63  }
0x261: {  	s0 =	sadd.s32 s21, s0  }
0x262: {  	[tilespmem:s7], [sflag:$0x1] =	stream.linear.gather [hbm4b:s0+s6], $0x80, $0x38;
	[tilespmem:$0x1F400] =	vst v63  }
0x263: {  	_ = 	snop  }
0x264: {  	[tilespmem:s31], [sflag:$0x3] =	stream.indirect.gather [hbm4b:s9+s15], $0x20, s20, s15, $0xb8;
	[tilespmem:$0x1F400] =	vst v63  }
0x265: {  	_ = 	snop  }
0x266: {  	[tilespmem:s24], [sflag:$0x3] =	stream.indirect.gather [hbm4b:s10+s15], $0x20, s20, s15, $0xb8;
	[tilespmem:$0x1F400] =	vst v63  }
0x267: {  	s26 =	simm.s32 $0x1C800  }
0x268: {  	[tilespmem:s26], [sflag:$0x3] =	stream.indirect.gather [hbm4b:s12+s15], $0x20, s20, s15, $0xb8;
	[tilespmem:$0x1F400] =	vst v63  }
0x269: {  	_ = 	snop  }
0x26a: {  	[tilespmem:s11], [sflag:$0x3] =	stream.indirect.gather [hbm4b:s25+s15], $0x20, s20, s15, $0xb8;
	[tilespmem:$0x1F400] =	vst v63  }
0x26b: {  	_ =	swait.ge [sflag:s30], $0x1000  }
0x26c: {  	[sflag:s30] =	ssyncset.done $0x0  }
0x26d: {  	[sflag:s30] =	ssyncadd.s32 $0xFFFFF000  }
0x26e: {  	_ =	swait.ge [sflag:s30], $0x1000  }
0x26f: {  	[sflag:s30] =	ssyncset.done $0x0  }
0x270: {  	[sflag:s30] =	ssyncadd.s32 $0xFFFFF000  }
0x271: {  	_ =	swait.ge [sflag:s30], $0x1000  }
0x272: {  	[sflag:s30] =	ssyncset.done $0x0  }
0x273: {  	[sflag:s30] =	ssyncadd.s32 $0xFFFFF000  }
0x274: {  	_ =	swait.ge [sflag:s30], $0x1000  }
0x275: {  	[sflag:s30] =	ssyncset.done $0x0  }
0x276: {  	s4 =	sadd.s32 $0x40, s4;
	s0 =	simm.s32 $0x1EB80;
	[sflag:s30] =	ssyncadd.s32 $0xFFFFF000  }
0x277: {  	[spmem:s22] =	stream.indirect.scatter.add.f32 [tilespmem:s31], [sflag:$0x5], $0x20, s0, s15, $0xb8;
	[tilespmem:$0x1F400] =	vst v63  }
0x278: {  	p0 =	sne.s32 s4, $0x500  }
0x279: {  	[spmem:s29] =	stream.indirect.scatter.add.f32 [tilespmem:s24], [sflag:$0x5], $0x20, s0, s15, $0xb8;
	[tilespmem:$0x1F400] =	vst v63  }
.Ltmp2:
0x27a: {  	_ = 	snop;
	(pc) =	sbr.rel @p0 .LBB2_6-.Ltmp2, $4  }
0x27b: {  	_ = 	snop  }
0x27c: {  	[spmem:s28] =	stream.indirect.scatter.add.f32 [tilespmem:s26], [sflag:$0x5], $0x20, s0, s15, $0xb8;
	[tilespmem:$0x1F400] =	vst v63  }
0x27d: {  	s5 =	sadd.s32 $0x200, s5  }
0x27e: {  	[spmem:s8] =	stream.indirect.scatter.add.f32 [tilespmem:s11], [sflag:$0x5], $0x20, s0, s15, $0xb8;
	[tilespmem:$0x1F400] =	vst v63  }
0x27f: {  	[spmem:s17] =	stream.indirect.scatter.add.f32 [tilespmem:s19], [sflag:$0x5], $0x10, s0, s15, $0xb8;
	[tilespmem:$0x1F400] =	vst v63  }
0x280: {  	_ =	swait.ge [sflag:s3], $0x1000  }
0x281: {  	[sflag:s3] =	ssyncset.done $0x0  }
0x282: {  	[sflag:s3] =	ssyncadd.s32 $0xFFFFF000  }
0x283: {  	_ =	swait.ge [sflag:s3], $0x1000  }
0x284: {  	[sflag:s3] =	ssyncset.done $0x0  }
0x285: {  	[sflag:s3] =	ssyncadd.s32 $0xFFFFF000  }
0x286: {  	_ =	swait.ge [sflag:s3], $0x1000  }
0x287: {  	[sflag:s3] =	ssyncset.done $0x0  }
0x288: {  	[sflag:s3] =	ssyncadd.s32 $0xFFFFF000  }
0x289: {  	_ =	swait.ge [sflag:s3], $0x1000  }
0x28a: {  	[sflag:s3] =	ssyncset.done $0x0  }
0x28b: {  	[sflag:s3] =	ssyncadd.s32 $0xFFFFF000  }
0x28c: {  	_ =	swait.ge [sflag:s3], $0x800  }
0x28d: {  	[sflag:s3] =	ssyncset.done $0x0  }
0x28e: {  	[sflag:s3] =	ssyncadd.s32 $0xFFFFF800  }
0x28f: {  	_ =	swait.ge [sflag:s2], $0x1000  }
0x290: {  	[sflag:s2] =	ssyncset.done $0x0  }
0x291: {  	[sflag:s2] =	ssyncadd.s32 $0xFFFFF000  }
0x292: {  	_ =	swait.ge [sflag:s2], $0x1000  }
0x293: {  	[sflag:s2] =	ssyncset.done $0x0  }
0x294: {  	[sflag:s2] =	ssyncadd.s32 $0xFFFFF000  }
0x295: {  	_ =	swait.ge [sflag:s2], $0x1000  }
0x296: {  	[sflag:s2] =	ssyncset.done $0x0  }
0x297: {  	[sflag:s2] =	ssyncadd.s32 $0xFFFFF000  }
0x298: {  	_ =	swait.ge [sflag:s2], $0x1000  }
0x299: {  	[sflag:s2] =	ssyncset.done $0x0  }
0x29a: {  	[sflag:s2] =	ssyncadd.s32 $0xFFFFF000  }
0x29b: {  	_ =	swait.ge [sflag:s2], $0x800  }
0x29c: {  	[sflag:s2] =	ssyncset.done $0x0  }
0x29d: {  	[sflag:s2] =	ssyncadd.s32 $0xFFFFF800  }
0x29e: {  	_ =	swait.ge [sflag:s23], $0x80  }
0x29f: {  	[sflag:s23] =	ssyncset.done $0x0  }
0x2a0: {  	[sflag:s23] =	ssyncadd.s32 $0xFFFFFF80  }
0x2a1: {  	_ =	swait.ge [sflag:s23], $0x80  }
0x2a2: {  	[sflag:s23] =	ssyncset.done $0x0  }
0x2a3: {  	[sflag:s23] =	ssyncadd.s32 $0xFFFFFF80  }
0x2a4: {  	[bflag:$0x0] =	sbarrier.arrive $0xFFFF  }
0x2a5: {  	s9 =	rddreg [dreg:$0x10]  }
0x2a6: {  	s1 =	simm.s32 $0x16800;
	s0 =	sadd.s32 $0x0, s9  }
0x2a7: {  	[tilespmem:s1], [sflag:$0x6] =	stream.linear.gather [spmem:s0], $0x1000, $0x38;
	[tilespmem:$0x1F400] =	vst v63  }
0x2a8: {  	_ =	swait.ge [sflag:s18], $0x1000  }
0x2a9: {  	s14 =	sld [smem:$0x7FB]  }
0x2aa: {  	[sflag:s18] =	ssyncset.done $0x0  }
0x2ab: {  	[sflag:s18] =	ssyncadd.s32 $0xFFFFF000  }
0x2ac: {  	[hbm4b:s14+s6] =	stream.linear.scatter [tilespmem:s1], [sflag:$0x6], $0x1000, $0x38;
	[tilespmem:$0x1F400] =	vst v63  }
0x2ad: {  	_ =	swait.ge [sflag:s18], $0x1000  }
0x2ae: {  	s19 =	sld [smem:$0x7F7];
	_ =	sdelay $0x1  }
0x2af: {  	[sflag:s18] =	ssyncset.done $0x0  }
0x2b0: {  	s11 =	simm.s32 $0x17800;
	[sflag:s18] =	ssyncadd.s32 $0xFFFFF000;
	s10 =	sadd.s32 $0x0, s19  }
0x2b1: {  	[tilespmem:s11], [sflag:$0x6] =	stream.linear.gather [spmem:s10], $0x1000, $0x38;
	[tilespmem:$0x1F400] =	vst v63  }
0x2b2: {  	_ =	swait.ge [sflag:s18], $0x1000  }
0x2b3: {  	s13 =	sld [smem:$0x7FA]  }
0x2b4: {  	[sflag:s18] =	ssyncset.done $0x0  }
0x2b5: {  	[sflag:s18] =	ssyncadd.s32 $0xFFFFF000  }
0x2b6: {  	[hbm4b:s13+s6] =	stream.linear.scatter [tilespmem:s11], [sflag:$0x6], $0x1000, $0x38;
	[tilespmem:$0x1F400] =	vst v63  }
0x2b7: {  	_ =	swait.ge [sflag:s18], $0x1000  }
0x2b8: {  	s20 =	sld [smem:$0x7FC];
	_ =	sdelay $0x1  }
0x2b9: {  	[sflag:s18] =	ssyncset.done $0x0  }
0x2ba: {  	s25 =	simm.s32 $0x18800;
	[sflag:s18] =	ssyncadd.s32 $0xFFFFF000;
	s12 =	sadd.s32 $0x0, s20  }
0x2bb: {  	[tilespmem:s25], [sflag:$0x6] =	stream.linear.gather [spmem:s12], $0x1000, $0x38;
	[tilespmem:$0x1F400] =	vst v63  }
0x2bc: {  	_ =	swait.ge [sflag:s18], $0x1000  }
0x2bd: {  	s4 =	sld [smem:$0x7F9]  }
0x2be: {  	[sflag:s18] =	ssyncset.done $0x0  }
0x2bf: {  	[sflag:s18] =	ssyncadd.s32 $0xFFFFF000  }
0x2c0: {  	[hbm4b:s4+s6] =	stream.linear.scatter [tilespmem:s25], [sflag:$0x6], $0x1000, $0x38;
	[tilespmem:$0x1F400] =	vst v63  }
0x2c1: {  	_ =	swait.ge [sflag:s18], $0x1000  }
0x2c2: {  	s21 =	sld [smem:$0x7FD];
	_ =	sdelay $0x1  }
0x2c3: {  	[sflag:s18] =	ssyncset.done $0x0  }
0x2c4: {  	s11 =	simm.s32 $0x19800;
	[sflag:s18] =	ssyncadd.s32 $0xFFFFF000;
	s17 =	sadd.s32 $0x0, s21  }
0x2c5: {  	[tilespmem:s11], [sflag:$0x6] =	stream.linear.gather [spmem:s17], $0x1000, $0x38;
	[tilespmem:$0x1F400] =	vst v63  }
0x2c6: {  	_ =	swait.ge [sflag:s18], $0x1000  }
0x2c7: {  	s5 =	sld [smem:$0x7F8]  }
0x2c8: {  	[sflag:s18] =	ssyncset.done $0x0  }
0x2c9: {  	[sflag:s18] =	ssyncadd.s32 $0xFFFFF000  }
0x2ca: {  	[hbm4b:s5+s6] =	stream.linear.scatter [tilespmem:s11], [sflag:$0x6], $0x1000, $0x38;
	[tilespmem:$0x1F400] =	vst v63  }
0x2cb: {  	_ =	swait.ge [sflag:s18], $0x1000  }
0x2cc: {  	[sflag:s18] =	ssyncset.done $0x0  }
0x2cd: {  	s2 =	simm.s32 $0x1EC00;
	s22 =	rddreg [dreg:$0x1c];
	[sflag:s18] =	ssyncadd.s32 $0xFFFFF000  }
0x2ce: {  	[tilespmem:s2], [sflag:$0x6] =	stream.linear.gather [spmem:s22], $0x800, $0x38;
	[tilespmem:$0x1F400] =	vst v63  }
0x2cf: {  	s8 =	simm.s32 $0x17800;
	s7 =	simm.s32 $0x16800;
	_ =	swait.ge [sflag:s18], $0x800  }
0x2d0: {  	s24 =	simm.s32 $0x1000;
	s31 =	simm.s32 $0x4;
	s26 =	sld [smem:$0x7F6]  }
0x2d1: {  	s3 =	simm.s32 $0x5;
	s0 =	simm.s32 $0x8000;
	[sflag:s18] =	ssyncset.done $0x0  }
0x2d2: {  	s29 =	sadd.s32 $0x200, s14;
	s28 =	sadd.s32 $0x200, s13;
	[sflag:s18] =	ssyncadd.s32 $0xFFFFF800  }
0x2d3: {  	[hbm4b:s26+s6] =	stream.linear.scatter [tilespmem:s2], [sflag:$0x6], $0x800, $0x38;
	[tilespmem:$0x1F400] =	vst v63  }
0x2d4: {  	s14 =	sadd.s32 $0x200, s4;
	s13 =	sadd.s32 $0x200, s5;
	_ =	swait.ge [sflag:s18], $0x800  }
0x2d5: {  	s5 =	sadd.s32 $0x800, s22;
	s4 =	sadd.s32 $0x100, s26;
	[sflag:s18] =	ssyncset.done $0x0  }
.LBB2_8:
0x2d6: {  	s1 =	rddreg [dreg:$0x10]  }
0x2d7: {  	[sflag:s18] =	ssyncadd.s32 $0xFFFFF800;
	s17 =	sadd.s32 s24, s1  }
0x2d8: {  	[tilespmem:s7], [sflag:$0x6] =	stream.linear.gather [spmem:s17], $0x1000, $0x38;
	[tilespmem:$0x1F400] =	vst v63  }
0x2d9: {  	s17 =	rddreg [dreg:$0x10];
	_ =	swait.ge [sflag:s18], $0x1000  }
0x2da: {  	[sflag:s18] =	ssyncset.done $0x0  }
0x2db: {  	[sflag:s18] =	ssyncadd.s32 $0xFFFFF000  }
0x2dc: {  	[hbm4b:s29+s6] =	stream.linear.scatter [tilespmem:s7], [sflag:$0x6], $0x1000, $0x38;
	[tilespmem:$0x1F400] =	vst v63  }
0x2dd: {  	_ =	swait.ge [sflag:s18], $0x1000  }
0x2de: {  	[sflag:s18] =	ssyncset.done $0x0  }
0x2df: {  	s10 =	sadd.s32 s24, s19;
	[sflag:s18] =	ssyncadd.s32 $0xFFFFF000  }
0x2e0: {  	[tilespmem:s8], [sflag:$0x6] =	stream.linear.gather [spmem:s10], $0x1000, $0x38;
	[tilespmem:$0x1F400] =	vst v63  }
0x2e1: {  	_ =	swait.ge [sflag:s18], $0x1000  }
0x2e2: {  	[sflag:s18] =	ssyncset.done $0x0  }
0x2e3: {  	[sflag:s18] =	ssyncadd.s32 $0xFFFFF000  }
0x2e4: {  	[hbm4b:s28+s6] =	stream.linear.scatter [tilespmem:s8], [sflag:$0x6], $0x1000, $0x38;
	[tilespmem:$0x1F400] =	vst v63  }
0x2e5: {  	_ =	swait.ge [sflag:s18], $0x1000  }
0x2e6: {  	[sflag:s18] =	ssyncset.done $0x0  }
0x2e7: {  	s12 =	sadd.s32 s24, s20;
	[sflag:s18] =	ssyncadd.s32 $0xFFFFF000  }
0x2e8: {  	[tilespmem:s25], [sflag:$0x6] =	stream.linear.gather [spmem:s12], $0x1000, $0x38;
	[tilespmem:$0x1F400] =	vst v63  }
0x2e9: {  	_ =	swait.ge [sflag:s18], $0x1000  }
0x2ea: {  	[sflag:s18] =	ssyncset.done $0x0  }
0x2eb: {  	[sflag:s18] =	ssyncadd.s32 $0xFFFFF000  }
0x2ec: {  	[hbm4b:s14+s6] =	stream.linear.scatter [tilespmem:s25], [sflag:$0x6], $0x1000, $0x38;
	[tilespmem:$0x1F400] =	vst v63  }
0x2ed: {  	_ =	swait.ge [sflag:s18], $0x1000  }
0x2ee: {  	[sflag:s18] =	ssyncset.done $0x0  }
0x2ef: {  	s26 =	sadd.s32 s24, s21;
	[sflag:s18] =	ssyncadd.s32 $0xFFFFF000  }
0x2f0: {  	[tilespmem:s11], [sflag:$0x6] =	stream.linear.gather [spmem:s26], $0x1000, $0x38;
	[tilespmem:$0x1F400] =	vst v63  }
0x2f1: {  	_ =	swait.ge [sflag:s18], $0x1000  }
0x2f2: {  	[sflag:s18] =	ssyncset.done $0x0  }
0x2f3: {  	[sflag:s18] =	ssyncadd.s32 $0xFFFFF000  }
0x2f4: {  	[hbm4b:s13+s6] =	stream.linear.scatter [tilespmem:s11], [sflag:$0x6], $0x1000, $0x38;
	[tilespmem:$0x1F400] =	vst v63  }
0x2f5: {  	_ =	swait.ge [sflag:s18], $0x1000  }
0x2f6: {  	[sflag:s18] =	ssyncset.done $0x0  }
0x2f7: {  	s22 =	smov.u32 s0;
	s9 =	sadd.s32 $0x4000, s0;
	[sflag:s18] =	ssyncadd.s32 $0xFFFFF000  }
0x2f8: {  	[tilespmem:s2], [sflag:$0x6] =	stream.linear.gather [spmem:s5], $0x800, $0x38;
	[tilespmem:$0x1F400] =	vst v63  }
0x2f9: {  	p0 =	sne.s32 s0, $0x10000;
	s24 =	sshra.s32 s22, $0x2;
	_ =	swait.ge [sflag:s18], $0x800  }
.Ltmp3:
0x2fa: {  	s0 =	smov.u32 s9;
	[sflag:s18] =	ssyncset.done $0x0;
	(pc) =	sbr.rel @p0 .LBB2_8-.Ltmp3, $4  }
0x2fb: {  	s29 =	sadd.s32 $0x200, s29;
	s28 =	sadd.s32 $0x200, s28;
	[sflag:s18] =	ssyncadd.s32 $0xFFFFF800  }
0x2fc: {  	[hbm4b:s4+s6] =	stream.linear.scatter [tilespmem:s2], [sflag:$0x6], $0x800, $0x38;
	[tilespmem:$0x1F400] =	vst v63  }
0x2fd: {  	s14 =	sadd.s32 $0x200, s14;
	s13 =	sadd.s32 $0x200, s13;
	_ =	swait.ge [sflag:s18], $0x800  }
0x2fe: {  	s5 =	sadd.s32 $0x800, s5;
	s4 =	sadd.s32 $0x100, s4;
	[sflag:s18] =	ssyncset.done $0x0  }
0x2ff: {  	s0 =	sadd.s32 s24, s17;
	[sflag:s18] =	ssyncadd.s32 $0xFFFFF800  }
0x300: {  	[tilespmem:s7], [sflag:$0x6] =	stream.linear.gather [spmem:s0], $0x1000, $0x38;
	[tilespmem:$0x1F400] =	vst v63  }
0x301: {  	_ =	swait.ge [sflag:s18], $0x1000  }
0x302: {  	[sflag:s18] =	ssyncset.done $0x0  }
0x303: {  	[sflag:s18] =	ssyncadd.s32 $0xFFFFF000  }
0x304: {  	[hbm4b:s29+s6] =	stream.linear.scatter [tilespmem:s7], [sflag:$0x6], $0x1000, $0x38;
	[tilespmem:$0x1F400] =	vst v63  }
0x305: {  	_ =	swait.ge [sflag:s18], $0x1000  }
0x306: {  	[sflag:s18] =	ssyncset.done $0x0  }
0x307: {  	s19 =	sadd.s32 s24, s19;
	[sflag:s18] =	ssyncadd.s32 $0xFFFFF000  }
0x308: {  	[tilespmem:s8], [sflag:$0x6] =	stream.linear.gather [spmem:s19], $0x1000, $0x38;
	[tilespmem:$0x1F400] =	vst v63  }
0x309: {  	_ =	swait.ge [sflag:s18], $0x1000  }
0x30a: {  	[sflag:s18] =	ssyncset.done $0x0  }
0x30b: {  	[sflag:s18] =	ssyncadd.s32 $0xFFFFF000  }
0x30c: {  	[hbm4b:s28+s6] =	stream.linear.scatter [tilespmem:s8], [sflag:$0x6], $0x1000, $0x38;
	[tilespmem:$0x1F400] =	vst v63  }
0x30d: {  	_ =	swait.ge [sflag:s18], $0x1000  }
0x30e: {  	[sflag:s18] =	ssyncset.done $0x0  }
0x30f: {  	s22 =	sadd.s32 s24, s20;
	[sflag:s18] =	ssyncadd.s32 $0xFFFFF000  }
0x310: {  	[tilespmem:s25], [sflag:$0x6] =	stream.linear.gather [spmem:s22], $0x1000, $0x38;
	[tilespmem:$0x1F400] =	vst v63  }
0x311: {  	_ =	swait.ge [sflag:s18], $0x1000  }
0x312: {  	[sflag:s18] =	ssyncset.done $0x0  }
0x313: {  	[sflag:s18] =	ssyncadd.s32 $0xFFFFF000  }
0x314: {  	[hbm4b:s14+s6] =	stream.linear.scatter [tilespmem:s25], [sflag:$0x6], $0x1000, $0x38;
	[tilespmem:$0x1F400] =	vst v63  }
0x315: {  	_ =	swait.ge [sflag:s18], $0x1000  }
0x316: {  	[sflag:s18] =	ssyncset.done $0x0  }
0x317: {  	s26 =	sadd.s32 s24, s21;
	[sflag:s18] =	ssyncadd.s32 $0xFFFFF000  }
0x318: {  	[tilespmem:s11], [sflag:$0x6] =	stream.linear.gather [spmem:s26], $0x1000, $0x38;
	[tilespmem:$0x1F400] =	vst v63  }
0x319: {  	_ =	swait.ge [sflag:s18], $0x1000  }
0x31a: {  	[sflag:s18] =	ssyncset.done $0x0  }
0x31b: {  	[sflag:s18] =	ssyncadd.s32 $0xFFFFF000  }
0x31c: {  	[hbm4b:s13+s6] =	stream.linear.scatter [tilespmem:s11], [sflag:$0x6], $0x1000, $0x38;
	[tilespmem:$0x1F400] =	vst v63  }
0x31d: {  	_ =	swait.ge [sflag:s18], $0x1000  }
0x31e: {  	[sflag:s18] =	ssyncset.done $0x0  }
0x31f: {  	[sflag:s18] =	ssyncadd.s32 $0xFFFFF000  }
0x320: {  	[tilespmem:s2], [sflag:$0x6] =	stream.linear.gather [spmem:s5], $0x800, $0x38;
	[tilespmem:$0x1F400] =	vst v63  }
0x321: {  	_ =	swait.ge [sflag:s18], $0x800  }
0x322: {  	[sflag:s18] =	ssyncset.done $0x0  }
0x323: {  	[sflag:s18] =	ssyncadd.s32 $0xFFFFF800  }
0x324: {  	[hbm4b:s4+s6] =	stream.linear.scatter [tilespmem:s2], [sflag:$0x6], $0x800, $0x38;
	[tilespmem:$0x1F400] =	vst v63  }
0x325: {  	_ =	swait.ge [sflag:s18], $0x800  }
0x326: {  	s1 =	sld [smem:$0x7E4];
	_ =	sdelay $0x2  }
0x327: {  	s29 =	rddreg [dreg:$0x17];
	s1 =	sadd.s32 $0x1, s1  }
0x328: {  	[sflag:s18] =	ssyncset.done $0x0;
	p0 =	sne.s32 s1, s29  }
.Ltmp4:
0x329: {  	[sflag:s18] =	ssyncadd.s32 $0xFFFFF800;
	(pc) =	sbr.rel @p0 .LBB2_1-.Ltmp4, $4  }
0x32a: {  	s17 =	rddreg [dreg:$0x1]  }
0x32b: {  	s7 =	simm.s32 $0x19800;
	s22 =	rddreg [dreg:$0x2]  }
0x32c: {  	s19 =	simm.s32 $0x1EC00;
	s14 =	simm.s32 $0x1EA80;
	s24 =	rddreg [dreg:$0x3]  }
0x32d: {  	s5 =	simm.s32 $0x18800;
	s2 =	simm.s32 $0x1EA00;
	s28 =	rddreg [dreg:$0x4]  }
0x32e: {  	_ =	sfence.sel $0x180000  }
0x32f: {  	[bflag:$0x0] =	sbarrier.arrive $0xFFFF  }
0x330: {  	_ =	strace $0x90000047  }
0x331: {  	s0 =	stileid.u32;
	[bflag:$0x2] =	sbarrier.arrive $0xFFFF  }
0x332: {  	p0 =	sne.s32 s0, $0x0;
	s0 =	rddreg [dreg:$0x6]  }
0x333: {  	s0 =	sadd.s32 @!p0 $0x100000, s0  }
0x334: {  	[sflag:s0] =	ssyncadd.tile.s32 @!p0 $0x1;
	_ =	shalt  }
.Lfunc_end2:
_tile_overlayer_lowered:
.L_overlay_start_2:
0x335: {  	(tag) =	ssettag $0x2  }
0x336: {  	s0 =	rddreg [dreg:$0x0];
	s2 =	stileid.u32  }
0x337: {  	s1 =	rddreg [dreg:$0x1];
	p0 =	sne.s32 s2, $0x0  }
0x338: {  	s3 =	rddreg [dreg:$0x2];
	[bflag:$0x3] =	sbarrier.arrive $0xFFFF;
	s2 =	simm.s32 @!p0 $0x1C06  }
0x339: {  	[timem:s3], [sflag:s2] =	dma.local @!p0 [hbm:s0], s1  }
0x33a: {  	s0 =	simm.s32 @!p0 $0x6  }
0x33b: {  	_ =	swait.ge @!p0 [sflag:s0], s1  }
0x33c: {  	s1 =	ssub.s32 @!p0 $0x0, s1;
	[sflag:s0] =	ssyncset.done @!p0 $0x0  }
0x33d: {  	[sflag:s0] =	ssyncadd.s32 @!p0 s1  }
0x33e: {  	[bflag:$0x3] =	sbarrier.arrive $0xFFFF  }
0x33f: {  	_ =	shalt  }

</sc_bundles>
